<compile_context>
chip_gen: v7x
topology: tpu7x:2x2x1
jax: 0.10.2.dev20260603
libtpu: 0.0.44.dev20260713+nightly
codegen_flags: <defaults>
</compile_context>

<pallas_src>
import jax
import jax.numpy as jnp
from jax import lax
from jax.experimental import pallas as pl
from jax.experimental.pallas import tpu as pltpu
from jax.experimental.pallas import tpu_sc as plsc

VOCAB = 40000
HIDDEN = 312
DPAD = 384
MAX_POS = 2048
B, L = 32, 2048
TOKENS = B * L
EPS = 1e-12

NC, NS = 2, 16
NW = NC * NS
TPW = TOKENS // NW
C = 64
NCHUNK = TPW // C
NPAIR = NCHUNK // 2
NVREG = DPAD // 16
NCOMBO = 64
CPAD = 320
NCV = CPAD // 16


def _rsqrt(x):
    i = lax.bitcast_convert_type(x, jnp.int32)
    i = jnp.int32(0x5F3759DF) - lax.shift_right_logical(i, 1)
    y = lax.bitcast_convert_type(i, jnp.float32)
    for _ in range(3):
        y = y * (1.5 - 0.5 * x * y * y)
    return y


def _allreduce_sum(v, perms):
    for idx in perms:
        v = v + v.at[idx].get(mode="promise_in_bounds")
    return v


def _body(ids, pos, tok, task, w_word, w_pos, w_tok, w_task, g, b, out,
          iw0, ip0, it0, ik0, iw1, ip1, it1, ik1,
          bw0, bp0, bw1, bp1,
          tk_v, combo, g2, b2, cb_v,
          gsem0, gsem1, wsem0, wsem1):
    wid = lax.axis_index("s") * NC + lax.axis_index("c")
    base = wid * TPW
    pltpu.sync_copy(g, g2)
    pltpu.sync_copy(b, b2)
    pltpu.sync_copy(w_tok, tk_v)
    pltpu.sync_copy(w_task, bp0.at[pl.ds(0, 16)])
    lane = lax.iota(jnp.int32, 16)
    perms = [lane ^ m for m in (1, 2, 4, 8)]

    okv = jnp.ones((16,), jnp.bool_)
    for k in range(NCV - 1):
        sl = pl.ds(16 * k, 16)
        okv = okv & (g2[sl] == 1.0) & (b2[sl] == 0.0)
    tl = pl.ds(HIDDEN - 16, 16)
    okv = okv & ((g2[tl] == 1.0) & (b2[tl] == 0.0) | (lane < 8))
    oki = jnp.where(okv, jnp.int32(1), jnp.int32(0))
    for idx in perms:
        oki = oki & oki.at[idx].get(mode="promise_in_bounds")
    trivial_affine = oki[0] == 1

    def combo_body(j, carry):
        t = lax.shift_right_logical(j, 4)
        k2 = lax.bitwise_and(j, 15)
        for k in range(NCV):
            sl = pl.ds(16 * k, 16)
            combo[pl.ds(j * CPAD + 16 * k, 16)] = tk_v[t, sl] + bp0[k2, sl]
        return carry

    lax.fori_loop(0, NCOMBO, combo_body, 0, unroll=False)

    iws = ((iw0, ip0, it0, ik0), (iw1, ip1, it1, ik1))
    bufs = ((bw0, bp0), (bw1, bp1))
    gsems = (gsem0, gsem1)
    wsems = (wsem0, wsem1)
    tables = (w_word, w_pos)
    streams = (ids, pos, tok, task)

    def issue_gathers(c, s):
        row0 = base + c * C
        for st, ib in zip(streams, iws[s]):
            pltpu.sync_copy(st.at[pl.ds(row0, C)], ib)
        for tb, ib, bf in zip(tables, iws[s], bufs[s]):
            pltpu.async_copy(tb.at[ib], bf, gsems[s])

    def wait_gathers(s):
        for tb, ib, bf in zip(tables, iws[s], bufs[s]):
            pltpu.make_async_copy(tb.at[ib], bf, gsems[s]).wait()

    def issue_write(c, s):
        row0 = base + c * C
        pltpu.async_copy(bufs[s][0], out.at[pl.ds(row0, C)], wsems[s])

    def wait_write(s):
        pltpu.make_async_copy(bufs[s][0], out.at[pl.ds(base, C)],
                              wsems[s]).wait()

    def compute_chunk(s):
        bw, bp = bufs[s]
        it_r, ik_r = iws[s][2], iws[s][3]
        for q in range(C // 16):
            sl = pl.ds(16 * q, 16)
            cb_v[sl] = (it_r[sl] * 16 + ik_r[sl]) * CPAD

        @plsc.parallel_loop(0, C, 1, unroll=4)
        def row_body(r):
            rsp = lax.broadcast(r, (16,))
            cbase = plsc.load_gather(cb_v, [rsp]) + lane
            vs = []
            sv = [jnp.zeros((16,), jnp.float32) for _ in range(2)]
            sq = [jnp.zeros((16,), jnp.float32) for _ in range(2)]
            for k in range(NCV):
                sl = pl.ds(16 * k, 16)
                v = bw[r, sl] + bp[r, sl]
                v = v + plsc.load_gather(combo, [cbase + 16 * k])
                vs.append(v)
                sv[k % 2] = sv[k % 2] + v
                sq[k % 2] = sq[k % 2] + v * v
            ssum = _allreduce_sum(sv[0] + sv[1], perms)
            qsum = _allreduce_sum(sq[0] + sq[1], perms)
            mean = ssum * (1.0 / HIDDEN)
            var = jnp.maximum(qsum * (1.0 / HIDDEN) - mean * mean, 0.0)
            rs = _rsqrt(var + EPS)
            @pl.when(trivial_affine)
            def _():
                for k in range(NCV):
                    sl = pl.ds(16 * k, 16)
                    bw[r, sl] = (vs[k] - mean) * rs

            @pl.when(jnp.logical_not(trivial_affine))
            def _():
                for k in range(NCV):
                    sl = pl.ds(16 * k, 16)
                    bw[r, sl] = (vs[k] - mean) * rs * g2[sl] + b2[sl]

    issue_gathers(0, 0)

    def pair_body(i, carry):
        e = 2 * i

        @pl.when(i > 0)
        def _():
            wait_write(1)

        issue_gathers(e + 1, 1)
        wait_gathers(0)
        compute_chunk(0)
        issue_write(e, 0)
        wait_write(0)

        @pl.when(i < NPAIR - 1)
        def _():
            issue_gathers(e + 2, 0)

        wait_gathers(1)
        compute_chunk(1)
        issue_write(e + 1, 1)
        return carry

    lax.fori_loop(0, NPAIR, pair_body, 0, unroll=False)
    wait_write(1)


_scratch = (
    [pltpu.VMEM((C,), jnp.int32)] * 8
    + [pltpu.VMEM((C, DPAD), jnp.float32)] * 4
    + [pltpu.VMEM((4, DPAD), jnp.float32),
       pltpu.VMEM((NCOMBO * CPAD,), jnp.float32),
       pltpu.VMEM((DPAD,), jnp.float32),
       pltpu.VMEM((DPAD,), jnp.float32),
       pltpu.VMEM((C,), jnp.int32)]
    + [pltpu.SemaphoreType.DMA] * 4
)

_emb_kernel = pl.kernel(
    _body,
    out_type=jax.ShapeDtypeStruct((TOKENS, DPAD), jnp.float32),
    mesh=plsc.VectorSubcoreMesh(core_axis_name="c", subcore_axis_name="s"),
    compiler_params=pltpu.CompilerParams(use_tc_tiling_on_sc=True,
                                         needs_layout_passes=False),
    scratch_types=list(_scratch),
)


def _pad(w):
    return jnp.pad(w, ((0, 0), (0, DPAD - HIDDEN)))


def kernel(input_ids, position_ids, token_type_ids, task_type_ids,
           W_word, W_pos, W_tok, W_task, gamma, beta):
    ids = input_ids.reshape(TOKENS).astype(jnp.int32)
    pos = position_ids.reshape(TOKENS).astype(jnp.int32)
    tok = token_type_ids.reshape(TOKENS).astype(jnp.int32)
    task = task_type_ids.reshape(TOKENS).astype(jnp.int32)
    gp = jnp.pad(gamma, (0, DPAD - HIDDEN))
    bp_ = jnp.pad(beta, (0, DPAD - HIDDEN))
    out = _emb_kernel(ids, pos, tok, task, _pad(W_word), _pad(W_pos),
                      _pad(W_tok), _pad(W_task), gp, bp_)
    return out[:, :HIDDEN].reshape(B, L, HIDDEN)

# --- scband reference (transcript-rebuilt; emitter-appended) ---
"""Pipeline reference for scband-embedding-repack-70875550318681 (READ-ONLY COPY).

The authoritative reference and input builder live on the scoring server;
editing this copy changes nothing except your own understanding.
"""

import jax, jax.numpy as jnp
import numpy as np

VOCAB = 40000
HIDDEN = 312
MAX_POS = 2048
TYPE_VOCAB = 4
TASK_VOCAB = 16
B, L = 32, 2048
EPS = 1e-12


def setup_inputs(seed: int = 0) -> dict:
    key = jax.random.key(seed)
    ks = jax.random.split(key, 10)
    input_ids = jax.random.randint(ks[0], (B, L), 0, VOCAB, dtype=jnp.int64 if jax.config.jax_enable_x64 else jnp.int32)
    position_ids = jax.random.randint(ks[1], (B, L), 0, MAX_POS, dtype=input_ids.dtype)
    token_type_ids = jax.random.randint(ks[2], (B, L), 0, TYPE_VOCAB, dtype=input_ids.dtype)
    task_type_ids = jax.random.randint(ks[3], (B, L), 0, TASK_VOCAB, dtype=input_ids.dtype)
    W_word = jax.random.normal(ks[4], (VOCAB, HIDDEN), dtype=jnp.float32) * 0.02
    W_pos = jax.random.normal(ks[5], (MAX_POS, HIDDEN), dtype=jnp.float32) * 0.02
    W_tok = jax.random.normal(ks[6], (TYPE_VOCAB, HIDDEN), dtype=jnp.float32) * 0.02
    W_task = jax.random.normal(ks[7], (TASK_VOCAB, HIDDEN), dtype=jnp.float32) * 0.02
    gamma = jnp.ones((HIDDEN,), dtype=jnp.float32)
    beta = jnp.zeros((HIDDEN,), dtype=jnp.float32)
    return {
        "input_ids": input_ids,
        "position_ids": position_ids,
        "token_type_ids": token_type_ids,
        "task_type_ids": task_type_ids,
        "W_word": W_word,
        "W_pos": W_pos,
        "W_tok": W_tok,
        "W_task": W_task,
        "gamma": gamma,
        "beta": beta,
    }


def _layer_norm(x, gamma, beta, eps=EPS):
    mean = jnp.mean(x, axis=-1, keepdims=True)
    var = jnp.mean(jnp.square(x - mean), axis=-1, keepdims=True)
    xhat = (x - mean) / jnp.sqrt(var + eps)
    return xhat * gamma + beta


def reference(input_ids, position_ids, token_type_ids, task_type_ids, W_word, W_pos, W_tok, W_task, gamma, beta):
    inputs_embeddings = jnp.take(W_word, input_ids, axis=0)
    token_type_embeddings = jnp.take(W_tok, token_type_ids, axis=0)
    position_embeddings = jnp.take(W_pos, position_ids, axis=0)
    task_type_embeddings = jnp.take(W_task, task_type_ids, axis=0)
    embeddings = inputs_embeddings + token_type_embeddings + position_embeddings + task_type_embeddings
    embeddings = _layer_norm(embeddings, gamma, beta)
    return embeddings

if __name__ == "__main__":
    import jax
    _d = setup_inputs()
    print(jax.jit(kernel)(*tuple(_d.values())))

</pallas_src>

<mosaic_0001>
#map = affine_map<(d0, d1) -> (0)>
#map1 = affine_map<(d0, d1) -> (0, 0)>
module attributes {stable_mosaic.version = 14 : i64} {
  func.func @_body(%arg0: i32, %arg1: i32, %arg2: memref<65536xi32, #tpu.memory_space<hbm>>, %arg3: memref<65536xi32, #tpu.memory_space<hbm>>, %arg4: memref<65536xi32, #tpu.memory_space<hbm>>, %arg5: memref<65536xi32, #tpu.memory_space<hbm>>, %arg6: memref<40000x384xf32, #tpu.memory_space<hbm>>, %arg7: memref<2048x384xf32, #tpu.memory_space<hbm>>, %arg8: memref<4x384xf32, #tpu.memory_space<hbm>>, %arg9: memref<16x384xf32, #tpu.memory_space<hbm>>, %arg10: memref<384xf32, #tpu.memory_space<hbm>>, %arg11: memref<384xf32, #tpu.memory_space<hbm>>, %arg12: memref<65536x384xf32, #tpu.memory_space<hbm>>, %arg13: memref<64xi32, #tpu.memory_space<vmem>>, %arg14: memref<64xi32, #tpu.memory_space<vmem>>, %arg15: memref<64xi32, #tpu.memory_space<vmem>>, %arg16: memref<64xi32, #tpu.memory_space<vmem>>, %arg17: memref<64xi32, #tpu.memory_space<vmem>>, %arg18: memref<64xi32, #tpu.memory_space<vmem>>, %arg19: memref<64xi32, #tpu.memory_space<vmem>>, %arg20: memref<64xi32, #tpu.memory_space<vmem>>, %arg21: memref<64x384xf32, #tpu.memory_space<vmem>>, %arg22: memref<64x384xf32, #tpu.memory_space<vmem>>, %arg23: memref<64x384xf32, #tpu.memory_space<vmem>>, %arg24: memref<64x384xf32, #tpu.memory_space<vmem>>, %arg25: memref<4x384xf32, #tpu.memory_space<vmem>>, %arg26: memref<20480xf32, #tpu.memory_space<vmem>>, %arg27: memref<384xf32, #tpu.memory_space<vmem>>, %arg28: memref<384xf32, #tpu.memory_space<vmem>>, %arg29: memref<64xi32, #tpu.memory_space<vmem>>, %arg30: memref<!tpu.dma_semaphore, #tpu.memory_space<semaphore_mem>>, %arg31: memref<!tpu.dma_semaphore, #tpu.memory_space<semaphore_mem>>, %arg32: memref<!tpu.dma_semaphore, #tpu.memory_space<semaphore_mem>>, %arg33: memref<!tpu.dma_semaphore, #tpu.memory_space<semaphore_mem>>) attributes {dimension_semantics = [#tpu.dimension_semantics<core_parallel>, #tpu.dimension_semantics<subcore_parallel>], iteration_bounds = array<i64: 2, 16>, scalar_prefetch = 0 : i64, scratch_operands = 21 : i64, tpu.core_type = #tpu.core_type<sc_vector_subcore>, window_params = [{transform_indices = #map}, {transform_indices = #map}, {transform_indices = #map}, {transform_indices = #map}, {transform_indices = #map1}, {transform_indices = #map1}, {transform_indices = #map1}, {transform_indices = #map1}, {transform_indices = #map}, {transform_indices = #map}, {transform_indices = #map1}]} {
    %mul3A = arith.constant 2 : i32
    %mul3A_0 = arith.muli %arg1, %mul3A : i32
    %add3A = arith.addi %mul3A_0, %arg0 : i32
    %mul3A_1 = arith.constant 2048 : i32
    %mul3A_2 = arith.muli %add3A, %mul3A_1 : i32
    "tpu.region"() ({
      %run_scoped3A = tpu.sem_alloc : memref<!tpu.dma_semaphore, #tpu.memory_space<semaphore_mem>>
      tpu.enqueue_dma source(%arg10 : memref<384xf32, #tpu.memory_space<hbm>>) target(%arg27 : memref<384xf32, #tpu.memory_space<vmem>>) target_semaphore(%run_scoped3A : memref<!tpu.dma_semaphore, #tpu.memory_space<semaphore_mem>>)
      tpu.wait_dma2 semaphore(%run_scoped3A : memref<!tpu.dma_semaphore, #tpu.memory_space<semaphore_mem>>) src(%arg10 : memref<384xf32, #tpu.memory_space<hbm>>) dst(%arg27 : memref<384xf32, #tpu.memory_space<vmem>>)
      tpu.yield
    }) : () -> ()
    "tpu.region"() ({
      %run_scoped3A = tpu.sem_alloc : memref<!tpu.dma_semaphore, #tpu.memory_space<semaphore_mem>>
      tpu.enqueue_dma source(%arg11 : memref<384xf32, #tpu.memory_space<hbm>>) target(%arg28 : memref<384xf32, #tpu.memory_space<vmem>>) target_semaphore(%run_scoped3A : memref<!tpu.dma_semaphore, #tpu.memory_space<semaphore_mem>>)
      tpu.wait_dma2 semaphore(%run_scoped3A : memref<!tpu.dma_semaphore, #tpu.memory_space<semaphore_mem>>) src(%arg11 : memref<384xf32, #tpu.memory_space<hbm>>) dst(%arg28 : memref<384xf32, #tpu.memory_space<vmem>>)
      tpu.yield
    }) : () -> ()
    "tpu.region"() ({
      %run_scoped3A = tpu.sem_alloc : memref<!tpu.dma_semaphore, #tpu.memory_space<semaphore_mem>>
      tpu.enqueue_dma source(%arg8 : memref<4x384xf32, #tpu.memory_space<hbm>>) target(%arg25 : memref<4x384xf32, #tpu.memory_space<vmem>>) target_semaphore(%run_scoped3A : memref<!tpu.dma_semaphore, #tpu.memory_space<semaphore_mem>>)
      tpu.wait_dma2 semaphore(%run_scoped3A : memref<!tpu.dma_semaphore, #tpu.memory_space<semaphore_mem>>) src(%arg8 : memref<4x384xf32, #tpu.memory_space<hbm>>) dst(%arg25 : memref<4x384xf32, #tpu.memory_space<vmem>>)
      tpu.yield
    }) : () -> ()
    "tpu.region"() ({
      %run_scoped3A = tpu.sem_alloc : memref<!tpu.dma_semaphore, #tpu.memory_space<semaphore_mem>>
      %dma_start3A_323 = arith.constant 0 : i32
      %dma_start3A_324 = arith.constant 0 : i32
      %dma_start3A_325 = tpu.memref_slice %arg22[%dma_start3A_323, %dma_start3A_324] : memref<64x384xf32, #tpu.memory_space<vmem>> -> memref<16x384xf32, #tpu.memory_space<vmem>>
      %dma_start3A_326 = arith.constant 0 : i32
      %dma_start3A_327 = arith.constant 0 : i32
      %dma_start3A_328 = tpu.memref_slice %arg22[%dma_start3A_326, %dma_start3A_327] : memref<64x384xf32, #tpu.memory_space<vmem>> -> memref<16x384xf32, #tpu.memory_space<vmem>>
      tpu.enqueue_dma source(%arg9 : memref<16x384xf32, #tpu.memory_space<hbm>>) target(%dma_start3A_328 : memref<16x384xf32, #tpu.memory_space<vmem>>) target_semaphore(%run_scoped3A : memref<!tpu.dma_semaphore, #tpu.memory_space<semaphore_mem>>)
      %dma_wait3A_329 = arith.constant 0 : i32
      %dma_wait3A_330 = arith.constant 0 : i32
      %dma_wait3A_331 = tpu.memref_slice %arg22[%dma_wait3A_329, %dma_wait3A_330] : memref<64x384xf32, #tpu.memory_space<vmem>> -> memref<16x384xf32, #tpu.memory_space<vmem>>
      %dma_wait3A_332 = arith.constant 0 : i32
      %dma_wait3A_333 = arith.constant 0 : i32
      %dma_wait3A_334 = tpu.memref_slice %arg22[%dma_wait3A_332, %dma_wait3A_333] : memref<64x384xf32, #tpu.memory_space<vmem>> -> memref<16x384xf32, #tpu.memory_space<vmem>>
      tpu.wait_dma2 semaphore(%run_scoped3A : memref<!tpu.dma_semaphore, #tpu.memory_space<semaphore_mem>>) src(%arg9 : memref<16x384xf32, #tpu.memory_space<hbm>>) dst(%dma_wait3A_334 : memref<16x384xf32, #tpu.memory_space<vmem>>)
      tpu.yield
    }) : () -> ()
    %iota3A = tpu.iota {dimensions = array<i32: 0>} : vector<16xi32>
    %xor3A = arith.constant 1 : i32
    %xor3A_3 = vector.broadcast %xor3A : i32 to vector<16xi32>
    %xor3A_4 = arith.xori %iota3A, %xor3A_3 : vector<16xi32>
    %xor3A_5 = arith.constant 2 : i32
    %xor3A_6 = vector.broadcast %xor3A_5 : i32 to vector<16xi32>
    %xor3A_7 = arith.xori %iota3A, %xor3A_6 : vector<16xi32>
    %xor3A_8 = arith.constant 4 : i32
    %xor3A_9 = vector.broadcast %xor3A_8 : i32 to vector<16xi32>
    %xor3A_10 = arith.xori %iota3A, %xor3A_9 : vector<16xi32>
    %xor3A_11 = arith.constant 8 : i32
    %xor3A_12 = vector.broadcast %xor3A_11 : i32 to vector<16xi32>
    %xor3A_13 = arith.xori %iota3A, %xor3A_12 : vector<16xi32>
    %broadcast_in_dim3A = arith.constant true
    %broadcast_in_dim3A_14 = vector.broadcast %broadcast_in_dim3A : i1 to vector<16xi1>
    %get3A = arith.constant 0 : index
    %get3A_15 = tpu.vector_load %arg27[%get3A] {strides = array<i32>} : memref<384xf32, #tpu.memory_space<vmem>>, vector<16xf32>,
    %eq3A = arith.constant 1.000000e+00 : f32
    %eq3A_16 = vector.broadcast %eq3A : f32 to vector<16xf32>
    %eq3A_17 = arith.cmpf oeq, %get3A_15, %eq3A_16 : vector<16xf32>
    %and3A = arith.andi %broadcast_in_dim3A_14, %eq3A_17 : vector<16xi1>
    %get3A_18 = arith.constant 0 : index
    %get3A_19 = tpu.vector_load %arg28[%get3A_18] {strides = array<i32>} : memref<384xf32, #tpu.memory_space<vmem>>, vector<16xf32>,
    %eq3A_20 = arith.constant 0.000000e+00 : f32
    %eq3A_21 = vector.broadcast %eq3A_20 : f32 to vector<16xf32>
    %eq3A_22 = arith.cmpf oeq, %get3A_19, %eq3A_21 : vector<16xf32>
    %and3A_23 = arith.andi %and3A, %eq3A_22 : vector<16xi1>
    %get3A_24 = arith.constant 16 : index
    %get3A_25 = tpu.vector_load %arg27[%get3A_24] {strides = array<i32>} : memref<384xf32, #tpu.memory_space<vmem>>, vector<16xf32>,
    %eq3A_26 = arith.constant 1.000000e+00 : f32
    %eq3A_27 = vector.broadcast %eq3A_26 : f32 to vector<16xf32>
    %eq3A_28 = arith.cmpf oeq, %get3A_25, %eq3A_27 : vector<16xf32>
    %and3A_29 = arith.andi %and3A_23, %eq3A_28 : vector<16xi1>
    %get3A_30 = arith.constant 16 : index
    %get3A_31 = tpu.vector_load %arg28[%get3A_30] {strides = array<i32>} : memref<384xf32, #tpu.memory_space<vmem>>, vector<16xf32>,
    %eq3A_32 = arith.constant 0.000000e+00 : f32
    %eq3A_33 = vector.broadcast %eq3A_32 : f32 to vector<16xf32>
    %eq3A_34 = arith.cmpf oeq, %get3A_31, %eq3A_33 : vector<16xf32>
    %and3A_35 = arith.andi %and3A_29, %eq3A_34 : vector<16xi1>
    %get3A_36 = arith.constant 32 : index
    %get3A_37 = tpu.vector_load %arg27[%get3A_36] {strides = array<i32>} : memref<384xf32, #tpu.memory_space<vmem>>, vector<16xf32>,
    %eq3A_38 = arith.constant 1.000000e+00 : f32
    %eq3A_39 = vector.broadcast %eq3A_38 : f32 to vector<16xf32>
    %eq3A_40 = arith.cmpf oeq, %get3A_37, %eq3A_39 : vector<16xf32>
    %and3A_41 = arith.andi %and3A_35, %eq3A_40 : vector<16xi1>
    %get3A_42 = arith.constant 32 : index
    %get3A_43 = tpu.vector_load %arg28[%get3A_42] {strides = array<i32>} : memref<384xf32, #tpu.memory_space<vmem>>, vector<16xf32>,
    %eq3A_44 = arith.constant 0.000000e+00 : f32
    %eq3A_45 = vector.broadcast %eq3A_44 : f32 to vector<16xf32>
    %eq3A_46 = arith.cmpf oeq, %get3A_43, %eq3A_45 : vector<16xf32>
    %and3A_47 = arith.andi %and3A_41, %eq3A_46 : vector<16xi1>
    %get3A_48 = arith.constant 48 : index
    %get3A_49 = tpu.vector_load %arg27[%get3A_48] {strides = array<i32>} : memref<384xf32, #tpu.memory_space<vmem>>, vector<16xf32>,
    %eq3A_50 = arith.constant 1.000000e+00 : f32
    %eq3A_51 = vector.broadcast %eq3A_50 : f32 to vector<16xf32>
    %eq3A_52 = arith.cmpf oeq, %get3A_49, %eq3A_51 : vector<16xf32>
    %and3A_53 = arith.andi %and3A_47, %eq3A_52 : vector<16xi1>
    %get3A_54 = arith.constant 48 : index
    %get3A_55 = tpu.vector_load %arg28[%get3A_54] {strides = array<i32>} : memref<384xf32, #tpu.memory_space<vmem>>, vector<16xf32>,
    %eq3A_56 = arith.constant 0.000000e+00 : f32
    %eq3A_57 = vector.broadcast %eq3A_56 : f32 to vector<16xf32>
    %eq3A_58 = arith.cmpf oeq, %get3A_55, %eq3A_57 : vector<16xf32>
    %and3A_59 = arith.andi %and3A_53, %eq3A_58 : vector<16xi1>
    %get3A_60 = arith.constant 64 : index
    %get3A_61 = tpu.vector_load %arg27[%get3A_60] {strides = array<i32>} : memref<384xf32, #tpu.memory_space<vmem>>, vector<16xf32>,
    %eq3A_62 = arith.constant 1.000000e+00 : f32
    %eq3A_63 = vector.broadcast %eq3A_62 : f32 to vector<16xf32>
    %eq3A_64 = arith.cmpf oeq, %get3A_61, %eq3A_63 : vector<16xf32>
    %and3A_65 = arith.andi %and3A_59, %eq3A_64 : vector<16xi1>
    %get3A_66 = arith.constant 64 : index
    %get3A_67 = tpu.vector_load %arg28[%get3A_66] {strides = array<i32>} : memref<384xf32, #tpu.memory_space<vmem>>, vector<16xf32>,
    %eq3A_68 = arith.constant 0.000000e+00 : f32
    %eq3A_69 = vector.broadcast %eq3A_68 : f32 to vector<16xf32>
    %eq3A_70 = arith.cmpf oeq, %get3A_67, %eq3A_69 : vector<16xf32>
    %and3A_71 = arith.andi %and3A_65, %eq3A_70 : vector<16xi1>
    %get3A_72 = arith.constant 80 : index
    %get3A_73 = tpu.vector_load %arg27[%get3A_72] {strides = array<i32>} : memref<384xf32, #tpu.memory_space<vmem>>, vector<16xf32>,
    %eq3A_74 = arith.constant 1.000000e+00 : f32
    %eq3A_75 = vector.broadcast %eq3A_74 : f32 to vector<16xf32>
    %eq3A_76 = arith.cmpf oeq, %get3A_73, %eq3A_75 : vector<16xf32>
    %and3A_77 = arith.andi %and3A_71, %eq3A_76 : vector<16xi1>
    %get3A_78 = arith.constant 80 : index
    %get3A_79 = tpu.vector_load %arg28[%get3A_78] {strides = array<i32>} : memref<384xf32, #tpu.memory_space<vmem>>, vector<16xf32>,
    %eq3A_80 = arith.constant 0.000000e+00 : f32
    %eq3A_81 = vector.broadcast %eq3A_80 : f32 to vector<16xf32>
    %eq3A_82 = arith.cmpf oeq, %get3A_79, %eq3A_81 : vector<16xf32>
    %and3A_83 = arith.andi %and3A_77, %eq3A_82 : vector<16xi1>
    %get3A_84 = arith.constant 96 : index
    %get3A_85 = tpu.vector_load %arg27[%get3A_84] {strides = array<i32>} : memref<384xf32, #tpu.memory_space<vmem>>, vector<16xf32>,
    %eq3A_86 = arith.constant 1.000000e+00 : f32
    %eq3A_87 = vector.broadcast %eq3A_86 : f32 to vector<16xf32>
    %eq3A_88 = arith.cmpf oeq, %get3A_85, %eq3A_87 : vector<16xf32>
    %and3A_89 = arith.andi %and3A_83, %eq3A_88 : vector<16xi1>
    %get3A_90 = arith.constant 96 : index
    %get3A_91 = tpu.vector_load %arg28[%get3A_90] {strides = array<i32>} : memref<384xf32, #tpu.memory_space<vmem>>, vector<16xf32>,
    %eq3A_92 = arith.constant 0.000000e+00 : f32
    %eq3A_93 = vector.broadcast %eq3A_92 : f32 to vector<16xf32>
    %eq3A_94 = arith.cmpf oeq, %get3A_91, %eq3A_93 : vector<16xf32>
    %and3A_95 = arith.andi %and3A_89, %eq3A_94 : vector<16xi1>
    %get3A_96 = arith.constant 112 : index
    %get3A_97 = tpu.vector_load %arg27[%get3A_96] {strides = array<i32>} : memref<384xf32, #tpu.memory_space<vmem>>, vector<16xf32>,
    %eq3A_98 = arith.constant 1.000000e+00 : f32
    %eq3A_99 = vector.broadcast %eq3A_98 : f32 to vector<16xf32>
    %eq3A_100 = arith.cmpf oeq, %get3A_97, %eq3A_99 : vector<16xf32>
    %and3A_101 = arith.andi %and3A_95, %eq3A_100 : vector<16xi1>
    %get3A_102 = arith.constant 112 : index
    %get3A_103 = tpu.vector_load %arg28[%get3A_102] {strides = array<i32>} : memref<384xf32, #tpu.memory_space<vmem>>, vector<16xf32>,
    %eq3A_104 = arith.constant 0.000000e+00 : f32
    %eq3A_105 = vector.broadcast %eq3A_104 : f32 to vector<16xf32>
    %eq3A_106 = arith.cmpf oeq, %get3A_103, %eq3A_105 : vector<16xf32>
    %and3A_107 = arith.andi %and3A_101, %eq3A_106 : vector<16xi1>
    %get3A_108 = arith.constant 128 : index
    %get3A_109 = tpu.vector_load %arg27[%get3A_108] {strides = array<i32>} : memref<384xf32, #tpu.memory_space<vmem>>, vector<16xf32>,
    %eq3A_110 = arith.constant 1.000000e+00 : f32
    %eq3A_111 = vector.broadcast %eq3A_110 : f32 to vector<16xf32>
    %eq3A_112 = arith.cmpf oeq, %get3A_109, %eq3A_111 : vector<16xf32>
    %and3A_113 = arith.andi %and3A_107, %eq3A_112 : vector<16xi1>
    %get3A_114 = arith.constant 128 : index
    %get3A_115 = tpu.vector_load %arg28[%get3A_114] {strides = array<i32>} : memref<384xf32, #tpu.memory_space<vmem>>, vector<16xf32>,
    %eq3A_116 = arith.constant 0.000000e+00 : f32
    %eq3A_117 = vector.broadcast %eq3A_116 : f32 to vector<16xf32>
    %eq3A_118 = arith.cmpf oeq, %get3A_115, %eq3A_117 : vector<16xf32>
    %and3A_119 = arith.andi %and3A_113, %eq3A_118 : vector<16xi1>
    %get3A_120 = arith.constant 144 : index
    %get3A_121 = tpu.vector_load %arg27[%get3A_120] {strides = array<i32>} : memref<384xf32, #tpu.memory_space<vmem>>, vector<16xf32>,
    %eq3A_122 = arith.constant 1.000000e+00 : f32
    %eq3A_123 = vector.broadcast %eq3A_122 : f32 to vector<16xf32>
    %eq3A_124 = arith.cmpf oeq, %get3A_121, %eq3A_123 : vector<16xf32>
    %and3A_125 = arith.andi %and3A_119, %eq3A_124 : vector<16xi1>
    %get3A_126 = arith.constant 144 : index
    %get3A_127 = tpu.vector_load %arg28[%get3A_126] {strides = array<i32>} : memref<384xf32, #tpu.memory_space<vmem>>, vector<16xf32>,
    %eq3A_128 = arith.constant 0.000000e+00 : f32
    %eq3A_129 = vector.broadcast %eq3A_128 : f32 to vector<16xf32>
    %eq3A_130 = arith.cmpf oeq, %get3A_127, %eq3A_129 : vector<16xf32>
    %and3A_131 = arith.andi %and3A_125, %eq3A_130 : vector<16xi1>
    %get3A_132 = arith.constant 160 : index
    %get3A_133 = tpu.vector_load %arg27[%get3A_132] {strides = array<i32>} : memref<384xf32, #tpu.memory_space<vmem>>, vector<16xf32>,
    %eq3A_134 = arith.constant 1.000000e+00 : f32
    %eq3A_135 = vector.broadcast %eq3A_134 : f32 to vector<16xf32>
    %eq3A_136 = arith.cmpf oeq, %get3A_133, %eq3A_135 : vector<16xf32>
    %and3A_137 = arith.andi %and3A_131, %eq3A_136 : vector<16xi1>
    %get3A_138 = arith.constant 160 : index
    %get3A_139 = tpu.vector_load %arg28[%get3A_138] {strides = array<i32>} : memref<384xf32, #tpu.memory_space<vmem>>, vector<16xf32>,
    %eq3A_140 = arith.constant 0.000000e+00 : f32
    %eq3A_141 = vector.broadcast %eq3A_140 : f32 to vector<16xf32>
    %eq3A_142 = arith.cmpf oeq, %get3A_139, %eq3A_141 : vector<16xf32>
    %and3A_143 = arith.andi %and3A_137, %eq3A_142 : vector<16xi1>
    %get3A_144 = arith.constant 176 : index
    %get3A_145 = tpu.vector_load %arg27[%get3A_144] {strides = array<i32>} : memref<384xf32, #tpu.memory_space<vmem>>, vector<16xf32>,
    %eq3A_146 = arith.constant 1.000000e+00 : f32
    %eq3A_147 = vector.broadcast %eq3A_146 : f32 to vector<16xf32>
    %eq3A_148 = arith.cmpf oeq, %get3A_145, %eq3A_147 : vector<16xf32>
    %and3A_149 = arith.andi %and3A_143, %eq3A_148 : vector<16xi1>
    %get3A_150 = arith.constant 176 : index
    %get3A_151 = tpu.vector_load %arg28[%get3A_150] {strides = array<i32>} : memref<384xf32, #tpu.memory_space<vmem>>, vector<16xf32>,
    %eq3A_152 = arith.constant 0.000000e+00 : f32
    %eq3A_153 = vector.broadcast %eq3A_152 : f32 to vector<16xf32>
    %eq3A_154 = arith.cmpf oeq, %get3A_151, %eq3A_153 : vector<16xf32>
    %and3A_155 = arith.andi %and3A_149, %eq3A_154 : vector<16xi1>
    %get3A_156 = arith.constant 192 : index
    %get3A_157 = tpu.vector_load %arg27[%get3A_156] {strides = array<i32>} : memref<384xf32, #tpu.memory_space<vmem>>, vector<16xf32>,
    %eq3A_158 = arith.constant 1.000000e+00 : f32
    %eq3A_159 = vector.broadcast %eq3A_158 : f32 to vector<16xf32>
    %eq3A_160 = arith.cmpf oeq, %get3A_157, %eq3A_159 : vector<16xf32>
    %and3A_161 = arith.andi %and3A_155, %eq3A_160 : vector<16xi1>
    %get3A_162 = arith.constant 192 : index
    %get3A_163 = tpu.vector_load %arg28[%get3A_162] {strides = array<i32>} : memref<384xf32, #tpu.memory_space<vmem>>, vector<16xf32>,
    %eq3A_164 = arith.constant 0.000000e+00 : f32
    %eq3A_165 = vector.broadcast %eq3A_164 : f32 to vector<16xf32>
    %eq3A_166 = arith.cmpf oeq, %get3A_163, %eq3A_165 : vector<16xf32>
    %and3A_167 = arith.andi %and3A_161, %eq3A_166 : vector<16xi1>
    %get3A_168 = arith.constant 208 : index
    %get3A_169 = tpu.vector_load %arg27[%get3A_168] {strides = array<i32>} : memref<384xf32, #tpu.memory_space<vmem>>, vector<16xf32>,
    %eq3A_170 = arith.constant 1.000000e+00 : f32
    %eq3A_171 = vector.broadcast %eq3A_170 : f32 to vector<16xf32>
    %eq3A_172 = arith.cmpf oeq, %get3A_169, %eq3A_171 : vector<16xf32>
    %and3A_173 = arith.andi %and3A_167, %eq3A_172 : vector<16xi1>
    %get3A_174 = arith.constant 208 : index
    %get3A_175 = tpu.vector_load %arg28[%get3A_174] {strides = array<i32>} : memref<384xf32, #tpu.memory_space<vmem>>, vector<16xf32>,
    %eq3A_176 = arith.constant 0.000000e+00 : f32
    %eq3A_177 = vector.broadcast %eq3A_176 : f32 to vector<16xf32>
    %eq3A_178 = arith.cmpf oeq, %get3A_175, %eq3A_177 : vector<16xf32>
    %and3A_179 = arith.andi %and3A_173, %eq3A_178 : vector<16xi1>
    %get3A_180 = arith.constant 224 : index
    %get3A_181 = tpu.vector_load %arg27[%get3A_180] {strides = array<i32>} : memref<384xf32, #tpu.memory_space<vmem>>, vector<16xf32>,
    %eq3A_182 = arith.constant 1.000000e+00 : f32
    %eq3A_183 = vector.broadcast %eq3A_182 : f32 to vector<16xf32>
    %eq3A_184 = arith.cmpf oeq, %get3A_181, %eq3A_183 : vector<16xf32>
    %and3A_185 = arith.andi %and3A_179, %eq3A_184 : vector<16xi1>
    %get3A_186 = arith.constant 224 : index
    %get3A_187 = tpu.vector_load %arg28[%get3A_186] {strides = array<i32>} : memref<384xf32, #tpu.memory_space<vmem>>, vector<16xf32>,
    %eq3A_188 = arith.constant 0.000000e+00 : f32
    %eq3A_189 = vector.broadcast %eq3A_188 : f32 to vector<16xf32>
    %eq3A_190 = arith.cmpf oeq, %get3A_187, %eq3A_189 : vector<16xf32>
    %and3A_191 = arith.andi %and3A_185, %eq3A_190 : vector<16xi1>
    %get3A_192 = arith.constant 240 : index
    %get3A_193 = tpu.vector_load %arg27[%get3A_192] {strides = array<i32>} : memref<384xf32, #tpu.memory_space<vmem>>, vector<16xf32>,
    %eq3A_194 = arith.constant 1.000000e+00 : f32
    %eq3A_195 = vector.broadcast %eq3A_194 : f32 to vector<16xf32>
    %eq3A_196 = arith.cmpf oeq, %get3A_193, %eq3A_195 : vector<16xf32>
    %and3A_197 = arith.andi %and3A_191, %eq3A_196 : vector<16xi1>
    %get3A_198 = arith.constant 240 : index
    %get3A_199 = tpu.vector_load %arg28[%get3A_198] {strides = array<i32>} : memref<384xf32, #tpu.memory_space<vmem>>, vector<16xf32>,
    %eq3A_200 = arith.constant 0.000000e+00 : f32
    %eq3A_201 = vector.broadcast %eq3A_200 : f32 to vector<16xf32>
    %eq3A_202 = arith.cmpf oeq, %get3A_199, %eq3A_201 : vector<16xf32>
    %and3A_203 = arith.andi %and3A_197, %eq3A_202 : vector<16xi1>
    %get3A_204 = arith.constant 256 : index
    %get3A_205 = tpu.vector_load %arg27[%get3A_204] {strides = array<i32>} : memref<384xf32, #tpu.memory_space<vmem>>, vector<16xf32>,
    %eq3A_206 = arith.constant 1.000000e+00 : f32
    %eq3A_207 = vector.broadcast %eq3A_206 : f32 to vector<16xf32>
    %eq3A_208 = arith.cmpf oeq, %get3A_205, %eq3A_207 : vector<16xf32>
    %and3A_209 = arith.andi %and3A_203, %eq3A_208 : vector<16xi1>
    %get3A_210 = arith.constant 256 : index
    %get3A_211 = tpu.vector_load %arg28[%get3A_210] {strides = array<i32>} : memref<384xf32, #tpu.memory_space<vmem>>, vector<16xf32>,
    %eq3A_212 = arith.constant 0.000000e+00 : f32
    %eq3A_213 = vector.broadcast %eq3A_212 : f32 to vector<16xf32>
    %eq3A_214 = arith.cmpf oeq, %get3A_211, %eq3A_213 : vector<16xf32>
    %and3A_215 = arith.andi %and3A_209, %eq3A_214 : vector<16xi1>
    %get3A_216 = arith.constant 272 : index
    %get3A_217 = tpu.vector_load %arg27[%get3A_216] {strides = array<i32>} : memref<384xf32, #tpu.memory_space<vmem>>, vector<16xf32>,
    %eq3A_218 = arith.constant 1.000000e+00 : f32
    %eq3A_219 = vector.broadcast %eq3A_218 : f32 to vector<16xf32>
    %eq3A_220 = arith.cmpf oeq, %get3A_217, %eq3A_219 : vector<16xf32>
    %and3A_221 = arith.andi %and3A_215, %eq3A_220 : vector<16xi1>
    %get3A_222 = arith.constant 272 : index
    %get3A_223 = tpu.vector_load %arg28[%get3A_222] {strides = array<i32>} : memref<384xf32, #tpu.memory_space<vmem>>, vector<16xf32>,
    %eq3A_224 = arith.constant 0.000000e+00 : f32
    %eq3A_225 = vector.broadcast %eq3A_224 : f32 to vector<16xf32>
    %eq3A_226 = arith.cmpf oeq, %get3A_223, %eq3A_225 : vector<16xf32>
    %and3A_227 = arith.andi %and3A_221, %eq3A_226 : vector<16xi1>
    %get3A_228 = arith.constant 288 : index
    %get3A_229 = tpu.vector_load %arg27[%get3A_228] {strides = array<i32>} : memref<384xf32, #tpu.memory_space<vmem>>, vector<16xf32>,
    %eq3A_230 = arith.constant 1.000000e+00 : f32
    %eq3A_231 = vector.broadcast %eq3A_230 : f32 to vector<16xf32>
    %eq3A_232 = arith.cmpf oeq, %get3A_229, %eq3A_231 : vector<16xf32>
    %and3A_233 = arith.andi %and3A_227, %eq3A_232 : vector<16xi1>
    %get3A_234 = arith.constant 288 : index
    %get3A_235 = tpu.vector_load %arg28[%get3A_234] {strides = array<i32>} : memref<384xf32, #tpu.memory_space<vmem>>, vector<16xf32>,
    %eq3A_236 = arith.constant 0.000000e+00 : f32
    %eq3A_237 = vector.broadcast %eq3A_236 : f32 to vector<16xf32>
    %eq3A_238 = arith.cmpf oeq, %get3A_235, %eq3A_237 : vector<16xf32>
    %and3A_239 = arith.andi %and3A_233, %eq3A_238 : vector<16xi1>
    %get3A_240 = arith.constant 296 : index
    %get3A_241 = tpu.vector_load %arg27[%get3A_240] {strides = array<i32>} : memref<384xf32, #tpu.memory_space<vmem>>, vector<16xf32>,
    %eq3A_242 = arith.constant 1.000000e+00 : f32
    %eq3A_243 = vector.broadcast %eq3A_242 : f32 to vector<16xf32>
    %eq3A_244 = arith.cmpf oeq, %get3A_241, %eq3A_243 : vector<16xf32>
    %get3A_245 = arith.constant 296 : index
    %get3A_246 = tpu.vector_load %arg28[%get3A_245] {strides = array<i32>} : memref<384xf32, #tpu.memory_space<vmem>>, vector<16xf32>,
    %eq3A_247 = arith.constant 0.000000e+00 : f32
    %eq3A_248 = vector.broadcast %eq3A_247 : f32 to vector<16xf32>
    %eq3A_249 = arith.cmpf oeq, %get3A_246, %eq3A_248 : vector<16xf32>
    %and3A_250 = arith.andi %eq3A_244, %eq3A_249 : vector<16xi1>
    %lt3A = arith.constant 8 : i32
    %lt3A_251 = vector.broadcast %lt3A : i32 to vector<16xi32>
    %lt3A_252 = arith.cmpi slt, %iota3A, %lt3A_251 : vector<16xi32>
    %or3A = arith.ori %and3A_250, %lt3A_252 : vector<16xi1>
    %and3A_253 = arith.andi %and3A_239, %or3A : vector<16xi1>
    %jit3A = arith.constant 1 : i32
    %jit3A_254 = arith.constant 0 : i32
    %broadcast_in_dim3A_255 = vector.broadcast %jit3A : i32 to vector<16xi32>
    %broadcast_in_dim3A_256 = vector.broadcast %jit3A_254 : i32 to vector<16xi32>
    %select_n3A = arith.select %and3A_253, %broadcast_in_dim3A_255, %broadcast_in_dim3A_256 : vector<16xi1>, vector<16xi32>
    %lt3A_257 = arith.constant 0 : i32
    %lt3A_258 = vector.broadcast %lt3A_257 : i32 to vector<16xi32>
    %lt3A_259 = arith.cmpi slt, %xor3A_4, %lt3A_258 : vector<16xi32>
    %add3A_260 = arith.constant 16 : i32
    %add3A_261 = vector.broadcast %add3A_260 : i32 to vector<16xi32>
    %add3A_262 = arith.addi %xor3A_4, %add3A_261 : vector<16xi32>
    %select_n3A_263 = arith.select %lt3A_259, %add3A_262, %xor3A_4 : vector<16xi1>, vector<16xi32>
    %broadcast_in_dim3A_264 = vector.shape_cast %select_n3A_263 : vector<16xi32> to vector<16x1xi32>
    %gather3A = vector.shape_cast %broadcast_in_dim3A_264 : vector<16x1xi32> to vector<16xi32>
    %gather3A_265 = tpu.dynamic_gather %select_n3A[%gather3A] in [0] : vector<16xi32>, vector<16xi32> -> vector<16xi32>
    %and3A_266 = arith.andi %select_n3A, %gather3A_265 : vector<16xi32>
    %lt3A_267 = arith.constant 0 : i32
    %lt3A_268 = vector.broadcast %lt3A_267 : i32 to vector<16xi32>
    %lt3A_269 = arith.cmpi slt, %xor3A_7, %lt3A_268 : vector<16xi32>
    %add3A_270 = arith.constant 16 : i32
    %add3A_271 = vector.broadcast %add3A_270 : i32 to vector<16xi32>
    %add3A_272 = arith.addi %xor3A_7, %add3A_271 : vector<16xi32>
    %select_n3A_273 = arith.select %lt3A_269, %add3A_272, %xor3A_7 : vector<16xi1>, vector<16xi32>
    %broadcast_in_dim3A_274 = vector.shape_cast %select_n3A_273 : vector<16xi32> to vector<16x1xi32>
    %gather3A_275 = vector.shape_cast %broadcast_in_dim3A_274 : vector<16x1xi32> to vector<16xi32>
    %gather3A_276 = tpu.dynamic_gather %and3A_266[%gather3A_275] in [0] : vector<16xi32>, vector<16xi32> -> vector<16xi32>
    %and3A_277 = arith.andi %and3A_266, %gather3A_276 : vector<16xi32>
    %lt3A_278 = arith.constant 0 : i32
    %lt3A_279 = vector.broadcast %lt3A_278 : i32 to vector<16xi32>
    %lt3A_280 = arith.cmpi slt, %xor3A_10, %lt3A_279 : vector<16xi32>
    %add3A_281 = arith.constant 16 : i32
    %add3A_282 = vector.broadcast %add3A_281 : i32 to vector<16xi32>
    %add3A_283 = arith.addi %xor3A_10, %add3A_282 : vector<16xi32>
    %select_n3A_284 = arith.select %lt3A_280, %add3A_283, %xor3A_10 : vector<16xi1>, vector<16xi32>
    %broadcast_in_dim3A_285 = vector.shape_cast %select_n3A_284 : vector<16xi32> to vector<16x1xi32>
    %gather3A_286 = vector.shape_cast %broadcast_in_dim3A_285 : vector<16x1xi32> to vector<16xi32>
    %gather3A_287 = tpu.dynamic_gather %and3A_277[%gather3A_286] in [0] : vector<16xi32>, vector<16xi32> -> vector<16xi32>
    %and3A_288 = arith.andi %and3A_277, %gather3A_287 : vector<16xi32>
    %lt3A_289 = arith.constant 0 : i32
    %lt3A_290 = vector.broadcast %lt3A_289 : i32 to vector<16xi32>
    %lt3A_291 = arith.cmpi slt, %xor3A_13, %lt3A_290 : vector<16xi32>
    %add3A_292 = arith.constant 16 : i32
    %add3A_293 = vector.broadcast %add3A_292 : i32 to vector<16xi32>
    %add3A_294 = arith.addi %xor3A_13, %add3A_293 : vector<16xi32>
    %select_n3A_295 = arith.select %lt3A_291, %add3A_294, %xor3A_13 : vector<16xi1>, vector<16xi32>
    %broadcast_in_dim3A_296 = vector.shape_cast %select_n3A_295 : vector<16xi32> to vector<16x1xi32>
    %gather3A_297 = vector.shape_cast %broadcast_in_dim3A_296 : vector<16x1xi32> to vector<16xi32>
    %gather3A_298 = tpu.dynamic_gather %and3A_288[%gather3A_297] in [0] : vector<16xi32>, vector<16xi32> -> vector<16xi32>
    %and3A_299 = arith.andi %and3A_288, %gather3A_298 : vector<16xi32>
    %slice3A = vector.extract_strided_slice %and3A_299 {offsets = [0], sizes = [1], strides = [1]} : vector<16xi32> to vector<1xi32>
    %squeeze3A = vector.extract %slice3A[0] : i32 from vector<1xi32>
    %eq3A_300 = arith.constant 1 : i32
    %eq3A_301 = arith.cmpi eq, %squeeze3A, %eq3A_300 : i32
    %scan3A = arith.constant 0 : i32
    %scan3A_302 = arith.constant 0 : i32
    %scan3A_303 = arith.constant 64 : i32
    %scan3A_304 = arith.addi %scan3A_302, %scan3A_303 : i32
    %scan3A_305 = arith.constant 1 : i32
    scf.for %scan3A_323 = %scan3A_302 to %scan3A_304 step %scan3A_305  : i32 {
      %shift_right_logical3A = arith.constant 4 : i32
      %shift_right_logical3A_324 = arith.shrui %scan3A_323, %shift_right_logical3A : i32
      %and3A_325 = arith.constant 15 : i32
      %and3A_326 = arith.andi %scan3A_323, %and3A_325 : i32
      %get3A_327 = arith.index_cast %shift_right_logical3A_324 : i32 to index
      %get3A_328 = arith.constant 0 : index
      %get3A_329 = tpu.vector_load %arg25[%get3A_327, %get3A_328] {strides = array<i32>} : memref<4x384xf32, #tpu.memory_space<vmem>>, vector<16xf32>,
      %get3A_330 = arith.index_cast %and3A_326 : i32 to index
      %get3A_331 = arith.constant 0 : index
      %get3A_332 = tpu.vector_load %arg22[%get3A_330, %get3A_331] {strides = array<i32>} : memref<64x384xf32, #tpu.memory_space<vmem>>, vector<16xf32>,
      %add3A_333 = arith.addf %get3A_329, %get3A_332 : vector<16xf32>
      %mul3A_334 = arith.constant 320 : i32
      %mul3A_335 = arith.muli %scan3A_323, %mul3A_334 : i32
      %add3A_336 = arith.constant 0 : i32
      %add3A_337 = arith.addi %mul3A_335, %add3A_336 : i32
      %swap3A = arith.index_cast %add3A_337 : i32 to index
      %swap3A_338 = tpu.vector_load %arg26[%swap3A] {strides = array<i32>} : memref<20480xf32, #tpu.memory_space<vmem>>, vector<16xf32>,
      tpu.vector_store %arg26[%swap3A], %add3A_333 {strides = array<i32>} : memref<20480xf32, #tpu.memory_space<vmem>>, vector<16xf32>,
      %get3A_339 = arith.index_cast %shift_right_logical3A_324 : i32 to index
      %get3A_340 = arith.constant 16 : index
      %get3A_341 = tpu.vector_load %arg25[%get3A_339, %get3A_340] {strides = array<i32>} : memref<4x384xf32, #tpu.memory_space<vmem>>, vector<16xf32>,
      %get3A_342 = arith.index_cast %and3A_326 : i32 to index
      %get3A_343 = arith.constant 16 : index
      %get3A_344 = tpu.vector_load %arg22[%get3A_342, %get3A_343] {strides = array<i32>} : memref<64x384xf32, #tpu.memory_space<vmem>>, vector<16xf32>,
      %add3A_345 = arith.addf %get3A_341, %get3A_344 : vector<16xf32>
      %mul3A_346 = arith.constant 320 : i32
      %mul3A_347 = arith.muli %scan3A_323, %mul3A_346 : i32
      %add3A_348 = arith.constant 16 : i32
      %add3A_349 = arith.addi %mul3A_347, %add3A_348 : i32
      %swap3A_350 = arith.index_cast %add3A_349 : i32 to index
      %swap3A_351 = tpu.vector_load %arg26[%swap3A_350] {strides = array<i32>} : memref<20480xf32, #tpu.memory_space<vmem>>, vector<16xf32>,
      tpu.vector_store %arg26[%swap3A_350], %add3A_345 {strides = array<i32>} : memref<20480xf32, #tpu.memory_space<vmem>>, vector<16xf32>,
      %get3A_352 = arith.index_cast %shift_right_logical3A_324 : i32 to index
      %get3A_353 = arith.constant 32 : index
      %get3A_354 = tpu.vector_load %arg25[%get3A_352, %get3A_353] {strides = array<i32>} : memref<4x384xf32, #tpu.memory_space<vmem>>, vector<16xf32>,
      %get3A_355 = arith.index_cast %and3A_326 : i32 to index
      %get3A_356 = arith.constant 32 : index
      %get3A_357 = tpu.vector_load %arg22[%get3A_355, %get3A_356] {strides = array<i32>} : memref<64x384xf32, #tpu.memory_space<vmem>>, vector<16xf32>,
      %add3A_358 = arith.addf %get3A_354, %get3A_357 : vector<16xf32>
      %mul3A_359 = arith.constant 320 : i32
      %mul3A_360 = arith.muli %scan3A_323, %mul3A_359 : i32
      %add3A_361 = arith.constant 32 : i32
      %add3A_362 = arith.addi %mul3A_360, %add3A_361 : i32
      %swap3A_363 = arith.index_cast %add3A_362 : i32 to index
      %swap3A_364 = tpu.vector_load %arg26[%swap3A_363] {strides = array<i32>} : memref<20480xf32, #tpu.memory_space<vmem>>, vector<16xf32>,
      tpu.vector_store %arg26[%swap3A_363], %add3A_358 {strides = array<i32>} : memref<20480xf32, #tpu.memory_space<vmem>>, vector<16xf32>,
      %get3A_365 = arith.index_cast %shift_right_logical3A_324 : i32 to index
      %get3A_366 = arith.constant 48 : index
      %get3A_367 = tpu.vector_load %arg25[%get3A_365, %get3A_366] {strides = array<i32>} : memref<4x384xf32, #tpu.memory_space<vmem>>, vector<16xf32>,
      %get3A_368 = arith.index_cast %and3A_326 : i32 to index
      %get3A_369 = arith.constant 48 : index
      %get3A_370 = tpu.vector_load %arg22[%get3A_368, %get3A_369] {strides = array<i32>} : memref<64x384xf32, #tpu.memory_space<vmem>>, vector<16xf32>,
      %add3A_371 = arith.addf %get3A_367, %get3A_370 : vector<16xf32>
      %mul3A_372 = arith.constant 320 : i32
      %mul3A_373 = arith.muli %scan3A_323, %mul3A_372 : i32
      %add3A_374 = arith.constant 48 : i32
      %add3A_375 = arith.addi %mul3A_373, %add3A_374 : i32
      %swap3A_376 = arith.index_cast %add3A_375 : i32 to index
      %swap3A_377 = tpu.vector_load %arg26[%swap3A_376] {strides = array<i32>} : memref<20480xf32, #tpu.memory_space<vmem>>, vector<16xf32>,
      tpu.vector_store %arg26[%swap3A_376], %add3A_371 {strides = array<i32>} : memref<20480xf32, #tpu.memory_space<vmem>>, vector<16xf32>,
      %get3A_378 = arith.index_cast %shift_right_logical3A_324 : i32 to index
      %get3A_379 = arith.constant 64 : index
      %get3A_380 = tpu.vector_load %arg25[%get3A_378, %get3A_379] {strides = array<i32>} : memref<4x384xf32, #tpu.memory_space<vmem>>, vector<16xf32>,
      %get3A_381 = arith.index_cast %and3A_326 : i32 to index
      %get3A_382 = arith.constant 64 : index
      %get3A_383 = tpu.vector_load %arg22[%get3A_381, %get3A_382] {strides = array<i32>} : memref<64x384xf32, #tpu.memory_space<vmem>>, vector<16xf32>,
      %add3A_384 = arith.addf %get3A_380, %get3A_383 : vector<16xf32>
      %mul3A_385 = arith.constant 320 : i32
      %mul3A_386 = arith.muli %scan3A_323, %mul3A_385 : i32
      %add3A_387 = arith.constant 64 : i32
      %add3A_388 = arith.addi %mul3A_386, %add3A_387 : i32
      %swap3A_389 = arith.index_cast %add3A_388 : i32 to index
      %swap3A_390 = tpu.vector_load %arg26[%swap3A_389] {strides = array<i32>} : memref<20480xf32, #tpu.memory_space<vmem>>, vector<16xf32>,
      tpu.vector_store %arg26[%swap3A_389], %add3A_384 {strides = array<i32>} : memref<20480xf32, #tpu.memory_space<vmem>>, vector<16xf32>,
      %get3A_391 = arith.index_cast %shift_right_logical3A_324 : i32 to index
      %get3A_392 = arith.constant 80 : index
      %get3A_393 = tpu.vector_load %arg25[%get3A_391, %get3A_392] {strides = array<i32>} : memref<4x384xf32, #tpu.memory_space<vmem>>, vector<16xf32>,
      %get3A_394 = arith.index_cast %and3A_326 : i32 to index
      %get3A_395 = arith.constant 80 : index
      %get3A_396 = tpu.vector_load %arg22[%get3A_394, %get3A_395] {strides = array<i32>} : memref<64x384xf32, #tpu.memory_space<vmem>>, vector<16xf32>,
      %add3A_397 = arith.addf %get3A_393, %get3A_396 : vector<16xf32>
      %mul3A_398 = arith.constant 320 : i32
      %mul3A_399 = arith.muli %scan3A_323, %mul3A_398 : i32
      %add3A_400 = arith.constant 80 : i32
      %add3A_401 = arith.addi %mul3A_399, %add3A_400 : i32
      %swap3A_402 = arith.index_cast %add3A_401 : i32 to index
      %swap3A_403 = tpu.vector_load %arg26[%swap3A_402] {strides = array<i32>} : memref<20480xf32, #tpu.memory_space<vmem>>, vector<16xf32>,
      tpu.vector_store %arg26[%swap3A_402], %add3A_397 {strides = array<i32>} : memref<20480xf32, #tpu.memory_space<vmem>>, vector<16xf32>,
      %get3A_404 = arith.index_cast %shift_right_logical3A_324 : i32 to index
      %get3A_405 = arith.constant 96 : index
      %get3A_406 = tpu.vector_load %arg25[%get3A_404, %get3A_405] {strides = array<i32>} : memref<4x384xf32, #tpu.memory_space<vmem>>, vector<16xf32>,
      %get3A_407 = arith.index_cast %and3A_326 : i32 to index
      %get3A_408 = arith.constant 96 : index
      %get3A_409 = tpu.vector_load %arg22[%get3A_407, %get3A_408] {strides = array<i32>} : memref<64x384xf32, #tpu.memory_space<vmem>>, vector<16xf32>,
      %add3A_410 = arith.addf %get3A_406, %get3A_409 : vector<16xf32>
      %mul3A_411 = arith.constant 320 : i32
      %mul3A_412 = arith.muli %scan3A_323, %mul3A_411 : i32
      %add3A_413 = arith.constant 96 : i32
      %add3A_414 = arith.addi %mul3A_412, %add3A_413 : i32
      %swap3A_415 = arith.index_cast %add3A_414 : i32 to index
      %swap3A_416 = tpu.vector_load %arg26[%swap3A_415] {strides = array<i32>} : memref<20480xf32, #tpu.memory_space<vmem>>, vector<16xf32>,
      tpu.vector_store %arg26[%swap3A_415], %add3A_410 {strides = array<i32>} : memref<20480xf32, #tpu.memory_space<vmem>>, vector<16xf32>,
      %get3A_417 = arith.index_cast %shift_right_logical3A_324 : i32 to index
      %get3A_418 = arith.constant 112 : index
      %get3A_419 = tpu.vector_load %arg25[%get3A_417, %get3A_418] {strides = array<i32>} : memref<4x384xf32, #tpu.memory_space<vmem>>, vector<16xf32>,
      %get3A_420 = arith.index_cast %and3A_326 : i32 to index
      %get3A_421 = arith.constant 112 : index
      %get3A_422 = tpu.vector_load %arg22[%get3A_420, %get3A_421] {strides = array<i32>} : memref<64x384xf32, #tpu.memory_space<vmem>>, vector<16xf32>,
      %add3A_423 = arith.addf %get3A_419, %get3A_422 : vector<16xf32>
      %mul3A_424 = arith.constant 320 : i32
      %mul3A_425 = arith.muli %scan3A_323, %mul3A_424 : i32
      %add3A_426 = arith.constant 112 : i32
      %add3A_427 = arith.addi %mul3A_425, %add3A_426 : i32
      %swap3A_428 = arith.index_cast %add3A_427 : i32 to index
      %swap3A_429 = tpu.vector_load %arg26[%swap3A_428] {strides = array<i32>} : memref<20480xf32, #tpu.memory_space<vmem>>, vector<16xf32>,
      tpu.vector_store %arg26[%swap3A_428], %add3A_423 {strides = array<i32>} : memref<20480xf32, #tpu.memory_space<vmem>>, vector<16xf32>,
      %get3A_430 = arith.index_cast %shift_right_logical3A_324 : i32 to index
      %get3A_431 = arith.constant 128 : index
      %get3A_432 = tpu.vector_load %arg25[%get3A_430, %get3A_431] {strides = array<i32>} : memref<4x384xf32, #tpu.memory_space<vmem>>, vector<16xf32>,
      %get3A_433 = arith.index_cast %and3A_326 : i32 to index
      %get3A_434 = arith.constant 128 : index
      %get3A_435 = tpu.vector_load %arg22[%get3A_433, %get3A_434] {strides = array<i32>} : memref<64x384xf32, #tpu.memory_space<vmem>>, vector<16xf32>,
      %add3A_436 = arith.addf %get3A_432, %get3A_435 : vector<16xf32>
      %mul3A_437 = arith.constant 320 : i32
      %mul3A_438 = arith.muli %scan3A_323, %mul3A_437 : i32
      %add3A_439 = arith.constant 128 : i32
      %add3A_440 = arith.addi %mul3A_438, %add3A_439 : i32
      %swap3A_441 = arith.index_cast %add3A_440 : i32 to index
      %swap3A_442 = tpu.vector_load %arg26[%swap3A_441] {strides = array<i32>} : memref<20480xf32, #tpu.memory_space<vmem>>, vector<16xf32>,
      tpu.vector_store %arg26[%swap3A_441], %add3A_436 {strides = array<i32>} : memref<20480xf32, #tpu.memory_space<vmem>>, vector<16xf32>,
      %get3A_443 = arith.index_cast %shift_right_logical3A_324 : i32 to index
      %get3A_444 = arith.constant 144 : index
      %get3A_445 = tpu.vector_load %arg25[%get3A_443, %get3A_444] {strides = array<i32>} : memref<4x384xf32, #tpu.memory_space<vmem>>, vector<16xf32>,
      %get3A_446 = arith.index_cast %and3A_326 : i32 to index
      %get3A_447 = arith.constant 144 : index
      %get3A_448 = tpu.vector_load %arg22[%get3A_446, %get3A_447] {strides = array<i32>} : memref<64x384xf32, #tpu.memory_space<vmem>>, vector<16xf32>,
      %add3A_449 = arith.addf %get3A_445, %get3A_448 : vector<16xf32>
      %mul3A_450 = arith.constant 320 : i32
      %mul3A_451 = arith.muli %scan3A_323, %mul3A_450 : i32
      %add3A_452 = arith.constant 144 : i32
      %add3A_453 = arith.addi %mul3A_451, %add3A_452 : i32
      %swap3A_454 = arith.index_cast %add3A_453 : i32 to index
      %swap3A_455 = tpu.vector_load %arg26[%swap3A_454] {strides = array<i32>} : memref<20480xf32, #tpu.memory_space<vmem>>, vector<16xf32>,
      tpu.vector_store %arg26[%swap3A_454], %add3A_449 {strides = array<i32>} : memref<20480xf32, #tpu.memory_space<vmem>>, vector<16xf32>,
      %get3A_456 = arith.index_cast %shift_right_logical3A_324 : i32 to index
      %get3A_457 = arith.constant 160 : index
      %get3A_458 = tpu.vector_load %arg25[%get3A_456, %get3A_457] {strides = array<i32>} : memref<4x384xf32, #tpu.memory_space<vmem>>, vector<16xf32>,
      %get3A_459 = arith.index_cast %and3A_326 : i32 to index
      %get3A_460 = arith.constant 160 : index
      %get3A_461 = tpu.vector_load %arg22[%get3A_459, %get3A_460] {strides = array<i32>} : memref<64x384xf32, #tpu.memory_space<vmem>>, vector<16xf32>,
      %add3A_462 = arith.addf %get3A_458, %get3A_461 : vector<16xf32>
      %mul3A_463 = arith.constant 320 : i32
      %mul3A_464 = arith.muli %scan3A_323, %mul3A_463 : i32
      %add3A_465 = arith.constant 160 : i32
      %add3A_466 = arith.addi %mul3A_464, %add3A_465 : i32
      %swap3A_467 = arith.index_cast %add3A_466 : i32 to index
      %swap3A_468 = tpu.vector_load %arg26[%swap3A_467] {strides = array<i32>} : memref<20480xf32, #tpu.memory_space<vmem>>, vector<16xf32>,
      tpu.vector_store %arg26[%swap3A_467], %add3A_462 {strides = array<i32>} : memref<20480xf32, #tpu.memory_space<vmem>>, vector<16xf32>,
      %get3A_469 = arith.index_cast %shift_right_logical3A_324 : i32 to index
      %get3A_470 = arith.constant 176 : index
      %get3A_471 = tpu.vector_load %arg25[%get3A_469, %get3A_470] {strides = array<i32>} : memref<4x384xf32, #tpu.memory_space<vmem>>, vector<16xf32>,
      %get3A_472 = arith.index_cast %and3A_326 : i32 to index
      %get3A_473 = arith.constant 176 : index
      %get3A_474 = tpu.vector_load %arg22[%get3A_472, %get3A_473] {strides = array<i32>} : memref<64x384xf32, #tpu.memory_space<vmem>>, vector<16xf32>,
      %add3A_475 = arith.addf %get3A_471, %get3A_474 : vector<16xf32>
      %mul3A_476 = arith.constant 320 : i32
      %mul3A_477 = arith.muli %scan3A_323, %mul3A_476 : i32
      %add3A_478 = arith.constant 176 : i32
      %add3A_479 = arith.addi %mul3A_477, %add3A_478 : i32
      %swap3A_480 = arith.index_cast %add3A_479 : i32 to index
      %swap3A_481 = tpu.vector_load %arg26[%swap3A_480] {strides = array<i32>} : memref<20480xf32, #tpu.memory_space<vmem>>, vector<16xf32>,
      tpu.vector_store %arg26[%swap3A_480], %add3A_475 {strides = array<i32>} : memref<20480xf32, #tpu.memory_space<vmem>>, vector<16xf32>,
      %get3A_482 = arith.index_cast %shift_right_logical3A_324 : i32 to index
      %get3A_483 = arith.constant 192 : index
      %get3A_484 = tpu.vector_load %arg25[%get3A_482, %get3A_483] {strides = array<i32>} : memref<4x384xf32, #tpu.memory_space<vmem>>, vector<16xf32>,
      %get3A_485 = arith.index_cast %and3A_326 : i32 to index
      %get3A_486 = arith.constant 192 : index
      %get3A_487 = tpu.vector_load %arg22[%get3A_485, %get3A_486] {strides = array<i32>} : memref<64x384xf32, #tpu.memory_space<vmem>>, vector<16xf32>,
      %add3A_488 = arith.addf %get3A_484, %get3A_487 : vector<16xf32>
      %mul3A_489 = arith.constant 320 : i32
      %mul3A_490 = arith.muli %scan3A_323, %mul3A_489 : i32
      %add3A_491 = arith.constant 192 : i32
      %add3A_492 = arith.addi %mul3A_490, %add3A_491 : i32
      %swap3A_493 = arith.index_cast %add3A_492 : i32 to index
      %swap3A_494 = tpu.vector_load %arg26[%swap3A_493] {strides = array<i32>} : memref<20480xf32, #tpu.memory_space<vmem>>, vector<16xf32>,
      tpu.vector_store %arg26[%swap3A_493], %add3A_488 {strides = array<i32>} : memref<20480xf32, #tpu.memory_space<vmem>>, vector<16xf32>,
      %get3A_495 = arith.index_cast %shift_right_logical3A_324 : i32 to index
      %get3A_496 = arith.constant 208 : index
      %get3A_497 = tpu.vector_load %arg25[%get3A_495, %get3A_496] {strides = array<i32>} : memref<4x384xf32, #tpu.memory_space<vmem>>, vector<16xf32>,
      %get3A_498 = arith.index_cast %and3A_326 : i32 to index
      %get3A_499 = arith.constant 208 : index
      %get3A_500 = tpu.vector_load %arg22[%get3A_498, %get3A_499] {strides = array<i32>} : memref<64x384xf32, #tpu.memory_space<vmem>>, vector<16xf32>,
      %add3A_501 = arith.addf %get3A_497, %get3A_500 : vector<16xf32>
      %mul3A_502 = arith.constant 320 : i32
      %mul3A_503 = arith.muli %scan3A_323, %mul3A_502 : i32
      %add3A_504 = arith.constant 208 : i32
      %add3A_505 = arith.addi %mul3A_503, %add3A_504 : i32
      %swap3A_506 = arith.index_cast %add3A_505 : i32 to index
      %swap3A_507 = tpu.vector_load %arg26[%swap3A_506] {strides = array<i32>} : memref<20480xf32, #tpu.memory_space<vmem>>, vector<16xf32>,
      tpu.vector_store %arg26[%swap3A_506], %add3A_501 {strides = array<i32>} : memref<20480xf32, #tpu.memory_space<vmem>>, vector<16xf32>,
      %get3A_508 = arith.index_cast %shift_right_logical3A_324 : i32 to index
      %get3A_509 = arith.constant 224 : index
      %get3A_510 = tpu.vector_load %arg25[%get3A_508, %get3A_509] {strides = array<i32>} : memref<4x384xf32, #tpu.memory_space<vmem>>, vector<16xf32>,
      %get3A_511 = arith.index_cast %and3A_326 : i32 to index
      %get3A_512 = arith.constant 224 : index
      %get3A_513 = tpu.vector_load %arg22[%get3A_511, %get3A_512] {strides = array<i32>} : memref<64x384xf32, #tpu.memory_space<vmem>>, vector<16xf32>,
      %add3A_514 = arith.addf %get3A_510, %get3A_513 : vector<16xf32>
      %mul3A_515 = arith.constant 320 : i32
      %mul3A_516 = arith.muli %scan3A_323, %mul3A_515 : i32
      %add3A_517 = arith.constant 224 : i32
      %add3A_518 = arith.addi %mul3A_516, %add3A_517 : i32
      %swap3A_519 = arith.index_cast %add3A_518 : i32 to index
      %swap3A_520 = tpu.vector_load %arg26[%swap3A_519] {strides = array<i32>} : memref<20480xf32, #tpu.memory_space<vmem>>, vector<16xf32>,
      tpu.vector_store %arg26[%swap3A_519], %add3A_514 {strides = array<i32>} : memref<20480xf32, #tpu.memory_space<vmem>>, vector<16xf32>,
      %get3A_521 = arith.index_cast %shift_right_logical3A_324 : i32 to index
      %get3A_522 = arith.constant 240 : index
      %get3A_523 = tpu.vector_load %arg25[%get3A_521, %get3A_522] {strides = array<i32>} : memref<4x384xf32, #tpu.memory_space<vmem>>, vector<16xf32>,
      %get3A_524 = arith.index_cast %and3A_326 : i32 to index
      %get3A_525 = arith.constant 240 : index
      %get3A_526 = tpu.vector_load %arg22[%get3A_524, %get3A_525] {strides = array<i32>} : memref<64x384xf32, #tpu.memory_space<vmem>>, vector<16xf32>,
      %add3A_527 = arith.addf %get3A_523, %get3A_526 : vector<16xf32>
      %mul3A_528 = arith.constant 320 : i32
      %mul3A_529 = arith.muli %scan3A_323, %mul3A_528 : i32
      %add3A_530 = arith.constant 240 : i32
      %add3A_531 = arith.addi %mul3A_529, %add3A_530 : i32
      %swap3A_532 = arith.index_cast %add3A_531 : i32 to index
      %swap3A_533 = tpu.vector_load %arg26[%swap3A_532] {strides = array<i32>} : memref<20480xf32, #tpu.memory_space<vmem>>, vector<16xf32>,
      tpu.vector_store %arg26[%swap3A_532], %add3A_527 {strides = array<i32>} : memref<20480xf32, #tpu.memory_space<vmem>>, vector<16xf32>,
      %get3A_534 = arith.index_cast %shift_right_logical3A_324 : i32 to index
      %get3A_535 = arith.constant 256 : index
      %get3A_536 = tpu.vector_load %arg25[%get3A_534, %get3A_535] {strides = array<i32>} : memref<4x384xf32, #tpu.memory_space<vmem>>, vector<16xf32>,
      %get3A_537 = arith.index_cast %and3A_326 : i32 to index
      %get3A_538 = arith.constant 256 : index
      %get3A_539 = tpu.vector_load %arg22[%get3A_537, %get3A_538] {strides = array<i32>} : memref<64x384xf32, #tpu.memory_space<vmem>>, vector<16xf32>,
      %add3A_540 = arith.addf %get3A_536, %get3A_539 : vector<16xf32>
      %mul3A_541 = arith.constant 320 : i32
      %mul3A_542 = arith.muli %scan3A_323, %mul3A_541 : i32
      %add3A_543 = arith.constant 256 : i32
      %add3A_544 = arith.addi %mul3A_542, %add3A_543 : i32
      %swap3A_545 = arith.index_cast %add3A_544 : i32 to index
      %swap3A_546 = tpu.vector_load %arg26[%swap3A_545] {strides = array<i32>} : memref<20480xf32, #tpu.memory_space<vmem>>, vector<16xf32>,
      tpu.vector_store %arg26[%swap3A_545], %add3A_540 {strides = array<i32>} : memref<20480xf32, #tpu.memory_space<vmem>>, vector<16xf32>,
      %get3A_547 = arith.index_cast %shift_right_logical3A_324 : i32 to index
      %get3A_548 = arith.constant 272 : index
      %get3A_549 = tpu.vector_load %arg25[%get3A_547, %get3A_548] {strides = array<i32>} : memref<4x384xf32, #tpu.memory_space<vmem>>, vector<16xf32>,
      %get3A_550 = arith.index_cast %and3A_326 : i32 to index
      %get3A_551 = arith.constant 272 : index
      %get3A_552 = tpu.vector_load %arg22[%get3A_550, %get3A_551] {strides = array<i32>} : memref<64x384xf32, #tpu.memory_space<vmem>>, vector<16xf32>,
      %add3A_553 = arith.addf %get3A_549, %get3A_552 : vector<16xf32>
      %mul3A_554 = arith.constant 320 : i32
      %mul3A_555 = arith.muli %scan3A_323, %mul3A_554 : i32
      %add3A_556 = arith.constant 272 : i32
      %add3A_557 = arith.addi %mul3A_555, %add3A_556 : i32
      %swap3A_558 = arith.index_cast %add3A_557 : i32 to index
      %swap3A_559 = tpu.vector_load %arg26[%swap3A_558] {strides = array<i32>} : memref<20480xf32, #tpu.memory_space<vmem>>, vector<16xf32>,
      tpu.vector_store %arg26[%swap3A_558], %add3A_553 {strides = array<i32>} : memref<20480xf32, #tpu.memory_space<vmem>>, vector<16xf32>,
      %get3A_560 = arith.index_cast %shift_right_logical3A_324 : i32 to index
      %get3A_561 = arith.constant 288 : index
      %get3A_562 = tpu.vector_load %arg25[%get3A_560, %get3A_561] {strides = array<i32>} : memref<4x384xf32, #tpu.memory_space<vmem>>, vector<16xf32>,
      %get3A_563 = arith.index_cast %and3A_326 : i32 to index
      %get3A_564 = arith.constant 288 : index
      %get3A_565 = tpu.vector_load %arg22[%get3A_563, %get3A_564] {strides = array<i32>} : memref<64x384xf32, #tpu.memory_space<vmem>>, vector<16xf32>,
      %add3A_566 = arith.addf %get3A_562, %get3A_565 : vector<16xf32>
      %mul3A_567 = arith.constant 320 : i32
      %mul3A_568 = arith.muli %scan3A_323, %mul3A_567 : i32
      %add3A_569 = arith.constant 288 : i32
      %add3A_570 = arith.addi %mul3A_568, %add3A_569 : i32
      %swap3A_571 = arith.index_cast %add3A_570 : i32 to index
      %swap3A_572 = tpu.vector_load %arg26[%swap3A_571] {strides = array<i32>} : memref<20480xf32, #tpu.memory_space<vmem>>, vector<16xf32>,
      tpu.vector_store %arg26[%swap3A_571], %add3A_566 {strides = array<i32>} : memref<20480xf32, #tpu.memory_space<vmem>>, vector<16xf32>,
      %get3A_573 = arith.index_cast %shift_right_logical3A_324 : i32 to index
      %get3A_574 = arith.constant 304 : index
      %get3A_575 = tpu.vector_load %arg25[%get3A_573, %get3A_574] {strides = array<i32>} : memref<4x384xf32, #tpu.memory_space<vmem>>, vector<16xf32>,
      %get3A_576 = arith.index_cast %and3A_326 : i32 to index
      %get3A_577 = arith.constant 304 : index
      %get3A_578 = tpu.vector_load %arg22[%get3A_576, %get3A_577] {strides = array<i32>} : memref<64x384xf32, #tpu.memory_space<vmem>>, vector<16xf32>,
      %add3A_579 = arith.addf %get3A_575, %get3A_578 : vector<16xf32>
      %mul3A_580 = arith.constant 320 : i32
      %mul3A_581 = arith.muli %scan3A_323, %mul3A_580 : i32
      %add3A_582 = arith.constant 304 : i32
      %add3A_583 = arith.addi %mul3A_581, %add3A_582 : i32
      %swap3A_584 = arith.index_cast %add3A_583 : i32 to index
      %swap3A_585 = tpu.vector_load %arg26[%swap3A_584] {strides = array<i32>} : memref<20480xf32, #tpu.memory_space<vmem>>, vector<16xf32>,
      tpu.vector_store %arg26[%swap3A_584], %add3A_579 {strides = array<i32>} : memref<20480xf32, #tpu.memory_space<vmem>>, vector<16xf32>,
    }
    %scan3A_306 = arith.constant 64 : i32
    %add3A_307 = arith.constant 0 : i32
    %add3A_308 = arith.addi %mul3A_2, %add3A_307 : i32
    "tpu.region"() ({
      %run_scoped3A = tpu.sem_alloc : memref<!tpu.dma_semaphore, #tpu.memory_space<semaphore_mem>>
      %dma_start3A_323 = tpu.memref_slice %arg2[%add3A_308] : memref<65536xi32, #tpu.memory_space<hbm>> -> memref<64xi32, #tpu.memory_space<hbm>>
      %dma_start3A_324 = tpu.memref_slice %arg2[%add3A_308] : memref<65536xi32, #tpu.memory_space<hbm>> -> memref<64xi32, #tpu.memory_space<hbm>>
      tpu.enqueue_dma source(%dma_start3A_324 : memref<64xi32, #tpu.memory_space<hbm>>) target(%arg13 : memref<64xi32, #tpu.memory_space<vmem>>) target_semaphore(%run_scoped3A : memref<!tpu.dma_semaphore, #tpu.memory_space<semaphore_mem>>)
      %dma_wait3A_325 = tpu.memref_slice %arg2[%add3A_308] : memref<65536xi32, #tpu.memory_space<hbm>> -> memref<64xi32, #tpu.memory_space<hbm>>
      %dma_wait3A_326 = tpu.memref_slice %arg2[%add3A_308] : memref<65536xi32, #tpu.memory_space<hbm>> -> memref<64xi32, #tpu.memory_space<hbm>>
      tpu.wait_dma2 semaphore(%run_scoped3A : memref<!tpu.dma_semaphore, #tpu.memory_space<semaphore_mem>>) src(%dma_wait3A_326 : memref<64xi32, #tpu.memory_space<hbm>>) dst(%arg13 : memref<64xi32, #tpu.memory_space<vmem>>)
      tpu.yield
    }) : () -> ()
    "tpu.region"() ({
      %run_scoped3A = tpu.sem_alloc : memref<!tpu.dma_semaphore, #tpu.memory_space<semaphore_mem>>
      %dma_start3A_323 = tpu.memref_slice %arg3[%add3A_308] : memref<65536xi32, #tpu.memory_space<hbm>> -> memref<64xi32, #tpu.memory_space<hbm>>
      %dma_start3A_324 = tpu.memref_slice %arg3[%add3A_308] : memref<65536xi32, #tpu.memory_space<hbm>> -> memref<64xi32, #tpu.memory_space<hbm>>
      tpu.enqueue_dma source(%dma_start3A_324 : memref<64xi32, #tpu.memory_space<hbm>>) target(%arg14 : memref<64xi32, #tpu.memory_space<vmem>>) target_semaphore(%run_scoped3A : memref<!tpu.dma_semaphore, #tpu.memory_space<semaphore_mem>>)
      %dma_wait3A_325 = tpu.memref_slice %arg3[%add3A_308] : memref<65536xi32, #tpu.memory_space<hbm>> -> memref<64xi32, #tpu.memory_space<hbm>>
      %dma_wait3A_326 = tpu.memref_slice %arg3[%add3A_308] : memref<65536xi32, #tpu.memory_space<hbm>> -> memref<64xi32, #tpu.memory_space<hbm>>
      tpu.wait_dma2 semaphore(%run_scoped3A : memref<!tpu.dma_semaphore, #tpu.memory_space<semaphore_mem>>) src(%dma_wait3A_326 : memref<64xi32, #tpu.memory_space<hbm>>) dst(%arg14 : memref<64xi32, #tpu.memory_space<vmem>>)
      tpu.yield
    }) : () -> ()
    "tpu.region"() ({
      %run_scoped3A = tpu.sem_alloc : memref<!tpu.dma_semaphore, #tpu.memory_space<semaphore_mem>>
      %dma_start3A_323 = tpu.memref_slice %arg4[%add3A_308] : memref<65536xi32, #tpu.memory_space<hbm>> -> memref<64xi32, #tpu.memory_space<hbm>>
      %dma_start3A_324 = tpu.memref_slice %arg4[%add3A_308] : memref<65536xi32, #tpu.memory_space<hbm>> -> memref<64xi32, #tpu.memory_space<hbm>>
      tpu.enqueue_dma source(%dma_start3A_324 : memref<64xi32, #tpu.memory_space<hbm>>) target(%arg15 : memref<64xi32, #tpu.memory_space<vmem>>) target_semaphore(%run_scoped3A : memref<!tpu.dma_semaphore, #tpu.memory_space<semaphore_mem>>)
      %dma_wait3A_325 = tpu.memref_slice %arg4[%add3A_308] : memref<65536xi32, #tpu.memory_space<hbm>> -> memref<64xi32, #tpu.memory_space<hbm>>
      %dma_wait3A_326 = tpu.memref_slice %arg4[%add3A_308] : memref<65536xi32, #tpu.memory_space<hbm>> -> memref<64xi32, #tpu.memory_space<hbm>>
      tpu.wait_dma2 semaphore(%run_scoped3A : memref<!tpu.dma_semaphore, #tpu.memory_space<semaphore_mem>>) src(%dma_wait3A_326 : memref<64xi32, #tpu.memory_space<hbm>>) dst(%arg15 : memref<64xi32, #tpu.memory_space<vmem>>)
      tpu.yield
    }) : () -> ()
    "tpu.region"() ({
      %run_scoped3A = tpu.sem_alloc : memref<!tpu.dma_semaphore, #tpu.memory_space<semaphore_mem>>
      %dma_start3A_323 = tpu.memref_slice %arg5[%add3A_308] : memref<65536xi32, #tpu.memory_space<hbm>> -> memref<64xi32, #tpu.memory_space<hbm>>
      %dma_start3A_324 = tpu.memref_slice %arg5[%add3A_308] : memref<65536xi32, #tpu.memory_space<hbm>> -> memref<64xi32, #tpu.memory_space<hbm>>
      tpu.enqueue_dma source(%dma_start3A_324 : memref<64xi32, #tpu.memory_space<hbm>>) target(%arg16 : memref<64xi32, #tpu.memory_space<vmem>>) target_semaphore(%run_scoped3A : memref<!tpu.dma_semaphore, #tpu.memory_space<semaphore_mem>>)
      %dma_wait3A_325 = tpu.memref_slice %arg5[%add3A_308] : memref<65536xi32, #tpu.memory_space<hbm>> -> memref<64xi32, #tpu.memory_space<hbm>>
      %dma_wait3A_326 = tpu.memref_slice %arg5[%add3A_308] : memref<65536xi32, #tpu.memory_space<hbm>> -> memref<64xi32, #tpu.memory_space<hbm>>
      tpu.wait_dma2 semaphore(%run_scoped3A : memref<!tpu.dma_semaphore, #tpu.memory_space<semaphore_mem>>) src(%dma_wait3A_326 : memref<64xi32, #tpu.memory_space<hbm>>) dst(%arg16 : memref<64xi32, #tpu.memory_space<vmem>>)
      tpu.yield
    }) : () -> ()
    %dma_start3A = arith.constant 0 : i32
    %dma_start3A_309 = arith.constant 0 : i32
    %dma_start3A_310 = tpu.memref_slice %arg6[%dma_start3A, %dma_start3A_309] : memref<40000x384xf32, #tpu.memory_space<hbm>> -> memref<40000x384xf32, #tpu.memory_space<hbm>>
    tpu.enqueue_indirect_dma source(%dma_start3A_310 : memref<40000x384xf32, #tpu.memory_space<hbm>>) target(%arg21 : memref<64x384xf32, #tpu.memory_space<vmem>>) offsets(%arg13 : memref<64xi32, #tpu.memory_space<vmem>>) semaphore(%arg30 : memref<!tpu.dma_semaphore, #tpu.memory_space<semaphore_mem>>)
    %dma_start3A_311 = arith.constant 0 : i32
    %dma_start3A_312 = arith.constant 0 : i32
    %dma_start3A_313 = tpu.memref_slice %arg7[%dma_start3A_311, %dma_start3A_312] : memref<2048x384xf32, #tpu.memory_space<hbm>> -> memref<2048x384xf32, #tpu.memory_space<hbm>>
    tpu.enqueue_indirect_dma source(%dma_start3A_313 : memref<2048x384xf32, #tpu.memory_space<hbm>>) target(%arg22 : memref<64x384xf32, #tpu.memory_space<vmem>>) offsets(%arg14 : memref<64xi32, #tpu.memory_space<vmem>>) semaphore(%arg30 : memref<!tpu.dma_semaphore, #tpu.memory_space<semaphore_mem>>)
    %scan3A_314 = arith.constant 0 : i32
    %scan3A_315 = arith.constant 0 : i32
    %scan3A_316 = arith.constant 16 : i32
    %scan3A_317 = arith.addi %scan3A_315, %scan3A_316 : i32
    %scan3A_318 = arith.constant 1 : i32
    scf.for %scan3A_323 = %scan3A_315 to %scan3A_317 step %scan3A_318  : i32 {
      %mul3A_324 = arith.constant 2 : i32
      %mul3A_325 = arith.muli %mul3A_324, %scan3A_323 : i32
      %gt3A = arith.constant 0 : i32
      %gt3A_326 = arith.cmpi sgt, %scan3A_323, %gt3A : i32
      %convert_element_type3A = arith.extui %gt3A_326 : i1 to i32
      %cond3A = arith.constant 0 : i32
      %cond3A_327 = arith.cmpi ne, %convert_element_type3A, %cond3A : i32
      scf.if %cond3A_327 {
        %dma_wait3A_484 = arith.constant 0 : i32
        %dma_wait3A_485 = tpu.memref_slice %arg12[%mul3A_2, %dma_wait3A_484] : memref<65536x384xf32, #tpu.memory_space<hbm>> -> memref<64x384xf32, #tpu.memory_space<hbm>>
        %dma_wait3A_486 = arith.constant 0 : i32
        %dma_wait3A_487 = tpu.memref_slice %arg12[%mul3A_2, %dma_wait3A_486] : memref<65536x384xf32, #tpu.memory_space<hbm>> -> memref<64x384xf32, #tpu.memory_space<hbm>>
        tpu.wait_dma2 semaphore(%arg33 : memref<!tpu.dma_semaphore, #tpu.memory_space<semaphore_mem>>) src(%arg23 : memref<64x384xf32, #tpu.memory_space<vmem>>) dst(%dma_wait3A_487 : memref<64x384xf32, #tpu.memory_space<hbm>>)
      } else {
      }
      %add3A_328 = arith.constant 1 : i32
      %add3A_329 = arith.addi %mul3A_325, %add3A_328 : i32
      %mul3A_330 = arith.constant 64 : i32
      %mul3A_331 = arith.muli %add3A_329, %mul3A_330 : i32
      %add3A_332 = arith.addi %mul3A_2, %mul3A_331 : i32
      "tpu.region"() ({
        %run_scoped3A = tpu.sem_alloc : memref<!tpu.dma_semaphore, #tpu.memory_space<semaphore_mem>>
        %dma_start3A_484 = tpu.memref_slice %arg2[%add3A_332] : memref<65536xi32, #tpu.memory_space<hbm>> -> memref<64xi32, #tpu.memory_space<hbm>>
        %dma_start3A_485 = tpu.memref_slice %arg2[%add3A_332] : memref<65536xi32, #tpu.memory_space<hbm>> -> memref<64xi32, #tpu.memory_space<hbm>>
        tpu.enqueue_dma source(%dma_start3A_485 : memref<64xi32, #tpu.memory_space<hbm>>) target(%arg17 : memref<64xi32, #tpu.memory_space<vmem>>) target_semaphore(%run_scoped3A : memref<!tpu.dma_semaphore, #tpu.memory_space<semaphore_mem>>)
        %dma_wait3A_486 = tpu.memref_slice %arg2[%add3A_332] : memref<65536xi32, #tpu.memory_space<hbm>> -> memref<64xi32, #tpu.memory_space<hbm>>
        %dma_wait3A_487 = tpu.memref_slice %arg2[%add3A_332] : memref<65536xi32, #tpu.memory_space<hbm>> -> memref<64xi32, #tpu.memory_space<hbm>>
        tpu.wait_dma2 semaphore(%run_scoped3A : memref<!tpu.dma_semaphore, #tpu.memory_space<semaphore_mem>>) src(%dma_wait3A_487 : memref<64xi32, #tpu.memory_space<hbm>>) dst(%arg17 : memref<64xi32, #tpu.memory_space<vmem>>)
        tpu.yield
      }) : () -> ()
      "tpu.region"() ({
        %run_scoped3A = tpu.sem_alloc : memref<!tpu.dma_semaphore, #tpu.memory_space<semaphore_mem>>
        %dma_start3A_484 = tpu.memref_slice %arg3[%add3A_332] : memref<65536xi32, #tpu.memory_space<hbm>> -> memref<64xi32, #tpu.memory_space<hbm>>
        %dma_start3A_485 = tpu.memref_slice %arg3[%add3A_332] : memref<65536xi32, #tpu.memory_space<hbm>> -> memref<64xi32, #tpu.memory_space<hbm>>
        tpu.enqueue_dma source(%dma_start3A_485 : memref<64xi32, #tpu.memory_space<hbm>>) target(%arg18 : memref<64xi32, #tpu.memory_space<vmem>>) target_semaphore(%run_scoped3A : memref<!tpu.dma_semaphore, #tpu.memory_space<semaphore_mem>>)
        %dma_wait3A_486 = tpu.memref_slice %arg3[%add3A_332] : memref<65536xi32, #tpu.memory_space<hbm>> -> memref<64xi32, #tpu.memory_space<hbm>>
        %dma_wait3A_487 = tpu.memref_slice %arg3[%add3A_332] : memref<65536xi32, #tpu.memory_space<hbm>> -> memref<64xi32, #tpu.memory_space<hbm>>
        tpu.wait_dma2 semaphore(%run_scoped3A : memref<!tpu.dma_semaphore, #tpu.memory_space<semaphore_mem>>) src(%dma_wait3A_487 : memref<64xi32, #tpu.memory_space<hbm>>) dst(%arg18 : memref<64xi32, #tpu.memory_space<vmem>>)
        tpu.yield
      }) : () -> ()
      "tpu.region"() ({
        %run_scoped3A = tpu.sem_alloc : memref<!tpu.dma_semaphore, #tpu.memory_space<semaphore_mem>>
        %dma_start3A_484 = tpu.memref_slice %arg4[%add3A_332] : memref<65536xi32, #tpu.memory_space<hbm>> -> memref<64xi32, #tpu.memory_space<hbm>>
        %dma_start3A_485 = tpu.memref_slice %arg4[%add3A_332] : memref<65536xi32, #tpu.memory_space<hbm>> -> memref<64xi32, #tpu.memory_space<hbm>>
        tpu.enqueue_dma source(%dma_start3A_485 : memref<64xi32, #tpu.memory_space<hbm>>) target(%arg19 : memref<64xi32, #tpu.memory_space<vmem>>) target_semaphore(%run_scoped3A : memref<!tpu.dma_semaphore, #tpu.memory_space<semaphore_mem>>)
        %dma_wait3A_486 = tpu.memref_slice %arg4[%add3A_332] : memref<65536xi32, #tpu.memory_space<hbm>> -> memref<64xi32, #tpu.memory_space<hbm>>
        %dma_wait3A_487 = tpu.memref_slice %arg4[%add3A_332] : memref<65536xi32, #tpu.memory_space<hbm>> -> memref<64xi32, #tpu.memory_space<hbm>>
        tpu.wait_dma2 semaphore(%run_scoped3A : memref<!tpu.dma_semaphore, #tpu.memory_space<semaphore_mem>>) src(%dma_wait3A_487 : memref<64xi32, #tpu.memory_space<hbm>>) dst(%arg19 : memref<64xi32, #tpu.memory_space<vmem>>)
        tpu.yield
      }) : () -> ()
      "tpu.region"() ({
        %run_scoped3A = tpu.sem_alloc : memref<!tpu.dma_semaphore, #tpu.memory_space<semaphore_mem>>
        %dma_start3A_484 = tpu.memref_slice %arg5[%add3A_332] : memref<65536xi32, #tpu.memory_space<hbm>> -> memref<64xi32, #tpu.memory_space<hbm>>
        %dma_start3A_485 = tpu.memref_slice %arg5[%add3A_332] : memref<65536xi32, #tpu.memory_space<hbm>> -> memref<64xi32, #tpu.memory_space<hbm>>
        tpu.enqueue_dma source(%dma_start3A_485 : memref<64xi32, #tpu.memory_space<hbm>>) target(%arg20 : memref<64xi32, #tpu.memory_space<vmem>>) target_semaphore(%run_scoped3A : memref<!tpu.dma_semaphore, #tpu.memory_space<semaphore_mem>>)
        %dma_wait3A_486 = tpu.memref_slice %arg5[%add3A_332] : memref<65536xi32, #tpu.memory_space<hbm>> -> memref<64xi32, #tpu.memory_space<hbm>>
        %dma_wait3A_487 = tpu.memref_slice %arg5[%add3A_332] : memref<65536xi32, #tpu.memory_space<hbm>> -> memref<64xi32, #tpu.memory_space<hbm>>
        tpu.wait_dma2 semaphore(%run_scoped3A : memref<!tpu.dma_semaphore, #tpu.memory_space<semaphore_mem>>) src(%dma_wait3A_487 : memref<64xi32, #tpu.memory_space<hbm>>) dst(%arg20 : memref<64xi32, #tpu.memory_space<vmem>>)
        tpu.yield
      }) : () -> ()
      %dma_start3A_333 = arith.constant 0 : i32
      %dma_start3A_334 = arith.constant 0 : i32
      %dma_start3A_335 = tpu.memref_slice %arg6[%dma_start3A_333, %dma_start3A_334] : memref<40000x384xf32, #tpu.memory_space<hbm>> -> memref<40000x384xf32, #tpu.memory_space<hbm>>
      tpu.enqueue_indirect_dma source(%dma_start3A_335 : memref<40000x384xf32, #tpu.memory_space<hbm>>) target(%arg23 : memref<64x384xf32, #tpu.memory_space<vmem>>) offsets(%arg17 : memref<64xi32, #tpu.memory_space<vmem>>) semaphore(%arg31 : memref<!tpu.dma_semaphore, #tpu.memory_space<semaphore_mem>>)
      %dma_start3A_336 = arith.constant 0 : i32
      %dma_start3A_337 = arith.constant 0 : i32
      %dma_start3A_338 = tpu.memref_slice %arg7[%dma_start3A_336, %dma_start3A_337] : memref<2048x384xf32, #tpu.memory_space<hbm>> -> memref<2048x384xf32, #tpu.memory_space<hbm>>
      tpu.enqueue_indirect_dma source(%dma_start3A_338 : memref<2048x384xf32, #tpu.memory_space<hbm>>) target(%arg24 : memref<64x384xf32, #tpu.memory_space<vmem>>) offsets(%arg18 : memref<64xi32, #tpu.memory_space<vmem>>) semaphore(%arg31 : memref<!tpu.dma_semaphore, #tpu.memory_space<semaphore_mem>>)
      %dma_wait3A_339 = arith.constant 0 : i32
      %dma_wait3A_340 = arith.constant 0 : i32
      %dma_wait3A_341 = tpu.memref_slice %arg6[%dma_wait3A_339, %dma_wait3A_340] : memref<40000x384xf32, #tpu.memory_space<hbm>> -> memref<40000x384xf32, #tpu.memory_space<hbm>>
      tpu.wait_indirect_dma semaphore(%arg30 : memref<!tpu.dma_semaphore, #tpu.memory_space<semaphore_mem>>) src(%dma_wait3A_341 : memref<40000x384xf32, #tpu.memory_space<hbm>>) dst(%arg21 : memref<64x384xf32, #tpu.memory_space<vmem>>)
      %dma_wait3A_342 = arith.constant 0 : i32
      %dma_wait3A_343 = arith.constant 0 : i32
      %dma_wait3A_344 = tpu.memref_slice %arg7[%dma_wait3A_342, %dma_wait3A_343] : memref<2048x384xf32, #tpu.memory_space<hbm>> -> memref<2048x384xf32, #tpu.memory_space<hbm>>
      tpu.wait_indirect_dma semaphore(%arg30 : memref<!tpu.dma_semaphore, #tpu.memory_space<semaphore_mem>>) src(%dma_wait3A_344 : memref<2048x384xf32, #tpu.memory_space<hbm>>) dst(%arg22 : memref<64x384xf32, #tpu.memory_space<vmem>>)
      %get3A_345 = arith.constant 0 : index
      %get3A_346 = tpu.vector_load %arg15[%get3A_345] {strides = array<i32>} : memref<64xi32, #tpu.memory_space<vmem>>, vector<16xi32>,
      %mul3A_347 = arith.constant 16 : i32
      %mul3A_348 = vector.broadcast %mul3A_347 : i32 to vector<16xi32>
      %mul3A_349 = arith.muli %get3A_346, %mul3A_348 : vector<16xi32>
      %get3A_350 = arith.constant 0 : index
      %get3A_351 = tpu.vector_load %arg16[%get3A_350] {strides = array<i32>} : memref<64xi32, #tpu.memory_space<vmem>>, vector<16xi32>,
      %add3A_352 = arith.addi %mul3A_349, %get3A_351 : vector<16xi32>
      %mul3A_353 = arith.constant 320 : i32
      %mul3A_354 = vector.broadcast %mul3A_353 : i32 to vector<16xi32>
      %mul3A_355 = arith.muli %add3A_352, %mul3A_354 : vector<16xi32>
      %swap3A = arith.constant 0 : index
      %swap3A_356 = tpu.vector_load %arg29[%swap3A] {strides = array<i32>} : memref<64xi32, #tpu.memory_space<vmem>>, vector<16xi32>,
      tpu.vector_store %arg29[%swap3A], %mul3A_355 {strides = array<i32>} : memref<64xi32, #tpu.memory_space<vmem>>, vector<16xi32>,
      %get3A_357 = arith.constant 16 : index
      %get3A_358 = tpu.vector_load %arg15[%get3A_357] {strides = array<i32>} : memref<64xi32, #tpu.memory_space<vmem>>, vector<16xi32>,
      %mul3A_359 = arith.constant 16 : i32
      %mul3A_360 = vector.broadcast %mul3A_359 : i32 to vector<16xi32>
      %mul3A_361 = arith.muli %get3A_358, %mul3A_360 : vector<16xi32>
      %get3A_362 = arith.constant 16 : index
      %get3A_363 = tpu.vector_load %arg16[%get3A_362] {strides = array<i32>} : memref<64xi32, #tpu.memory_space<vmem>>, vector<16xi32>,
      %add3A_364 = arith.addi %mul3A_361, %get3A_363 : vector<16xi32>
      %mul3A_365 = arith.constant 320 : i32
      %mul3A_366 = vector.broadcast %mul3A_365 : i32 to vector<16xi32>
      %mul3A_367 = arith.muli %add3A_364, %mul3A_366 : vector<16xi32>
      %swap3A_368 = arith.constant 16 : index
      %swap3A_369 = tpu.vector_load %arg29[%swap3A_368] {strides = array<i32>} : memref<64xi32, #tpu.memory_space<vmem>>, vector<16xi32>,
      tpu.vector_store %arg29[%swap3A_368], %mul3A_367 {strides = array<i32>} : memref<64xi32, #tpu.memory_space<vmem>>, vector<16xi32>,
      %get3A_370 = arith.constant 32 : index
      %get3A_371 = tpu.vector_load %arg15[%get3A_370] {strides = array<i32>} : memref<64xi32, #tpu.memory_space<vmem>>, vector<16xi32>,
      %mul3A_372 = arith.constant 16 : i32
      %mul3A_373 = vector.broadcast %mul3A_372 : i32 to vector<16xi32>
      %mul3A_374 = arith.muli %get3A_371, %mul3A_373 : vector<16xi32>
      %get3A_375 = arith.constant 32 : index
      %get3A_376 = tpu.vector_load %arg16[%get3A_375] {strides = array<i32>} : memref<64xi32, #tpu.memory_space<vmem>>, vector<16xi32>,
      %add3A_377 = arith.addi %mul3A_374, %get3A_376 : vector<16xi32>
      %mul3A_378 = arith.constant 320 : i32
      %mul3A_379 = vector.broadcast %mul3A_378 : i32 to vector<16xi32>
      %mul3A_380 = arith.muli %add3A_377, %mul3A_379 : vector<16xi32>
      %swap3A_381 = arith.constant 32 : index
      %swap3A_382 = tpu.vector_load %arg29[%swap3A_381] {strides = array<i32>} : memref<64xi32, #tpu.memory_space<vmem>>, vector<16xi32>,
      tpu.vector_store %arg29[%swap3A_381], %mul3A_380 {strides = array<i32>} : memref<64xi32, #tpu.memory_space<vmem>>, vector<16xi32>,
      %get3A_383 = arith.constant 48 : index
      %get3A_384 = tpu.vector_load %arg15[%get3A_383] {strides = array<i32>} : memref<64xi32, #tpu.memory_space<vmem>>, vector<16xi32>,
      %mul3A_385 = arith.constant 16 : i32
      %mul3A_386 = vector.broadcast %mul3A_385 : i32 to vector<16xi32>
      %mul3A_387 = arith.muli %get3A_384, %mul3A_386 : vector<16xi32>
      %get3A_388 = arith.constant 48 : index
      %get3A_389 = tpu.vector_load %arg16[%get3A_388] {strides = array<i32>} : memref<64xi32, #tpu.memory_space<vmem>>, vector<16xi32>,
      %add3A_390 = arith.addi %mul3A_387, %get3A_389 : vector<16xi32>
      %mul3A_391 = arith.constant 320 : i32
      %mul3A_392 = vector.broadcast %mul3A_391 : i32 to vector<16xi32>
      %mul3A_393 = arith.muli %add3A_390, %mul3A_392 : vector<16xi32>
      %swap3A_394 = arith.constant 48 : index
      %swap3A_395 = tpu.vector_load %arg29[%swap3A_394] {strides = array<i32>} : memref<64xi32, #tpu.memory_space<vmem>>, vector<16xi32>,
      tpu.vector_store %arg29[%swap3A_394], %mul3A_393 {strides = array<i32>} : memref<64xi32, #tpu.memory_space<vmem>>, vector<16xi32>,
      %parallel_loop3A = arith.constant 0 : i32
      %parallel_loop3A_396 = arith.constant 64 : i32
      %parallel_loop3A_397 = arith.constant 1 : i32
      scf.for %parallel_loop3A_484 = %parallel_loop3A to %parallel_loop3A_396 step %parallel_loop3A_397  : i32 {
        %parallel_loop3A_485 = vector.broadcast %parallel_loop3A_484 : i32 to vector<16xi32>
        %parallel_loop3A_486 = tpu.vector_load_idx %arg29[%parallel_loop3A_485] : memref<64xi32, #tpu.memory_space<vmem>>[vector<16xi32>], vector<16xi32>,
        %parallel_loop3A_487 = arith.addi %parallel_loop3A_486, %iota3A : vector<16xi32>
        %parallel_loop3A_488 = arith.constant 0.000000e+00 : f32
        %parallel_loop3A_489 = vector.broadcast %parallel_loop3A_488 : f32 to vector<16xf32>
        %parallel_loop3A_490 = arith.constant 0.000000e+00 : f32
        %parallel_loop3A_491 = vector.broadcast %parallel_loop3A_490 : f32 to vector<16xf32>
        %parallel_loop3A_492 = arith.constant 0.000000e+00 : f32
        %parallel_loop3A_493 = vector.broadcast %parallel_loop3A_492 : f32 to vector<16xf32>
        %parallel_loop3A_494 = arith.constant 0.000000e+00 : f32
        %parallel_loop3A_495 = vector.broadcast %parallel_loop3A_494 : f32 to vector<16xf32>
        %parallel_loop3A_496 = arith.index_cast %parallel_loop3A_484 : i32 to index
        %parallel_loop3A_497 = arith.constant 0 : index
        %parallel_loop3A_498 = tpu.vector_load %arg21[%parallel_loop3A_496, %parallel_loop3A_497] {strides = array<i32>} : memref<64x384xf32, #tpu.memory_space<vmem>>, vector<16xf32>,
        %parallel_loop3A_499 = arith.index_cast %parallel_loop3A_484 : i32 to index
        %parallel_loop3A_500 = arith.constant 0 : index
        %parallel_loop3A_501 = tpu.vector_load %arg22[%parallel_loop3A_499, %parallel_loop3A_500] {strides = array<i32>} : memref<64x384xf32, #tpu.memory_space<vmem>>, vector<16xf32>,
        %parallel_loop3A_502 = arith.addf %parallel_loop3A_498, %parallel_loop3A_501 : vector<16xf32>
        %parallel_loop3A_503 = arith.constant 0 : i32
        %parallel_loop3A_504 = vector.broadcast %parallel_loop3A_503 : i32 to vector<16xi32>
        %parallel_loop3A_505 = arith.addi %parallel_loop3A_487, %parallel_loop3A_504 : vector<16xi32>
        %parallel_loop3A_506 = tpu.vector_load_idx %arg26[%parallel_loop3A_505] : memref<20480xf32, #tpu.memory_space<vmem>>[vector<16xi32>], vector<16xf32>,
        %parallel_loop3A_507 = arith.addf %parallel_loop3A_502, %parallel_loop3A_506 : vector<16xf32>
        %parallel_loop3A_508 = arith.addf %parallel_loop3A_489, %parallel_loop3A_507 : vector<16xf32>
        %parallel_loop3A_509 = arith.mulf %parallel_loop3A_507, %parallel_loop3A_507 : vector<16xf32>
        %parallel_loop3A_510 = arith.addf %parallel_loop3A_493, %parallel_loop3A_509 : vector<16xf32>
        %parallel_loop3A_511 = arith.index_cast %parallel_loop3A_484 : i32 to index
        %parallel_loop3A_512 = arith.constant 16 : index
        %parallel_loop3A_513 = tpu.vector_load %arg21[%parallel_loop3A_511, %parallel_loop3A_512] {strides = array<i32>} : memref<64x384xf32, #tpu.memory_space<vmem>>, vector<16xf32>,
        %parallel_loop3A_514 = arith.index_cast %parallel_loop3A_484 : i32 to index
        %parallel_loop3A_515 = arith.constant 16 : index
        %parallel_loop3A_516 = tpu.vector_load %arg22[%parallel_loop3A_514, %parallel_loop3A_515] {strides = array<i32>} : memref<64x384xf32, #tpu.memory_space<vmem>>, vector<16xf32>,
        %parallel_loop3A_517 = arith.addf %parallel_loop3A_513, %parallel_loop3A_516 : vector<16xf32>
        %parallel_loop3A_518 = arith.constant 16 : i32
        %parallel_loop3A_519 = vector.broadcast %parallel_loop3A_518 : i32 to vector<16xi32>
        %parallel_loop3A_520 = arith.addi %parallel_loop3A_487, %parallel_loop3A_519 : vector<16xi32>
        %parallel_loop3A_521 = tpu.vector_load_idx %arg26[%parallel_loop3A_520] : memref<20480xf32, #tpu.memory_space<vmem>>[vector<16xi32>], vector<16xf32>,
        %parallel_loop3A_522 = arith.addf %parallel_loop3A_517, %parallel_loop3A_521 : vector<16xf32>
        %parallel_loop3A_523 = arith.addf %parallel_loop3A_491, %parallel_loop3A_522 : vector<16xf32>
        %parallel_loop3A_524 = arith.mulf %parallel_loop3A_522, %parallel_loop3A_522 : vector<16xf32>
        %parallel_loop3A_525 = arith.addf %parallel_loop3A_495, %parallel_loop3A_524 : vector<16xf32>
        %parallel_loop3A_526 = arith.index_cast %parallel_loop3A_484 : i32 to index
        %parallel_loop3A_527 = arith.constant 32 : index
        %parallel_loop3A_528 = tpu.vector_load %arg21[%parallel_loop3A_526, %parallel_loop3A_527] {strides = array<i32>} : memref<64x384xf32, #tpu.memory_space<vmem>>, vector<16xf32>,
        %parallel_loop3A_529 = arith.index_cast %parallel_loop3A_484 : i32 to index
        %parallel_loop3A_530 = arith.constant 32 : index
        %parallel_loop3A_531 = tpu.vector_load %arg22[%parallel_loop3A_529, %parallel_loop3A_530] {strides = array<i32>} : memref<64x384xf32, #tpu.memory_space<vmem>>, vector<16xf32>,
        %parallel_loop3A_532 = arith.addf %parallel_loop3A_528, %parallel_loop3A_531 : vector<16xf32>
        %parallel_loop3A_533 = arith.constant 32 : i32
        %parallel_loop3A_534 = vector.broadcast %parallel_loop3A_533 : i32 to vector<16xi32>
        %parallel_loop3A_535 = arith.addi %parallel_loop3A_487, %parallel_loop3A_534 : vector<16xi32>
        %parallel_loop3A_536 = tpu.vector_load_idx %arg26[%parallel_loop3A_535] : memref<20480xf32, #tpu.memory_space<vmem>>[vector<16xi32>], vector<16xf32>,
        %parallel_loop3A_537 = arith.addf %parallel_loop3A_532, %parallel_loop3A_536 : vector<16xf32>
        %parallel_loop3A_538 = arith.addf %parallel_loop3A_508, %parallel_loop3A_537 : vector<16xf32>
        %parallel_loop3A_539 = arith.mulf %parallel_loop3A_537, %parallel_loop3A_537 : vector<16xf32>
        %parallel_loop3A_540 = arith.addf %parallel_loop3A_510, %parallel_loop3A_539 : vector<16xf32>
        %parallel_loop3A_541 = arith.index_cast %parallel_loop3A_484 : i32 to index
        %parallel_loop3A_542 = arith.constant 48 : index
        %parallel_loop3A_543 = tpu.vector_load %arg21[%parallel_loop3A_541, %parallel_loop3A_542] {strides = array<i32>} : memref<64x384xf32, #tpu.memory_space<vmem>>, vector<16xf32>,
        %parallel_loop3A_544 = arith.index_cast %parallel_loop3A_484 : i32 to index
        %parallel_loop3A_545 = arith.constant 48 : index
        %parallel_loop3A_546 = tpu.vector_load %arg22[%parallel_loop3A_544, %parallel_loop3A_545] {strides = array<i32>} : memref<64x384xf32, #tpu.memory_space<vmem>>, vector<16xf32>,
        %parallel_loop3A_547 = arith.addf %parallel_loop3A_543, %parallel_loop3A_546 : vector<16xf32>
        %parallel_loop3A_548 = arith.constant 48 : i32
        %parallel_loop3A_549 = vector.broadcast %parallel_loop3A_548 : i32 to vector<16xi32>
        %parallel_loop3A_550 = arith.addi %parallel_loop3A_487, %parallel_loop3A_549 : vector<16xi32>
        %parallel_loop3A_551 = tpu.vector_load_idx %arg26[%parallel_loop3A_550] : memref<20480xf32, #tpu.memory_space<vmem>>[vector<16xi32>], vector<16xf32>,
        %parallel_loop3A_552 = arith.addf %parallel_loop3A_547, %parallel_loop3A_551 : vector<16xf32>
        %parallel_loop3A_553 = arith.addf %parallel_loop3A_523, %parallel_loop3A_552 : vector<16xf32>
        %parallel_loop3A_554 = arith.mulf %parallel_loop3A_552, %parallel_loop3A_552 : vector<16xf32>
        %parallel_loop3A_555 = arith.addf %parallel_loop3A_525, %parallel_loop3A_554 : vector<16xf32>
        %parallel_loop3A_556 = arith.index_cast %parallel_loop3A_484 : i32 to index
        %parallel_loop3A_557 = arith.constant 64 : index
        %parallel_loop3A_558 = tpu.vector_load %arg21[%parallel_loop3A_556, %parallel_loop3A_557] {strides = array<i32>} : memref<64x384xf32, #tpu.memory_space<vmem>>, vector<16xf32>,
        %parallel_loop3A_559 = arith.index_cast %parallel_loop3A_484 : i32 to index
        %parallel_loop3A_560 = arith.constant 64 : index
        %parallel_loop3A_561 = tpu.vector_load %arg22[%parallel_loop3A_559, %parallel_loop3A_560] {strides = array<i32>} : memref<64x384xf32, #tpu.memory_space<vmem>>, vector<16xf32>,
        %parallel_loop3A_562 = arith.addf %parallel_loop3A_558, %parallel_loop3A_561 : vector<16xf32>
        %parallel_loop3A_563 = arith.constant 64 : i32
        %parallel_loop3A_564 = vector.broadcast %parallel_loop3A_563 : i32 to vector<16xi32>
        %parallel_loop3A_565 = arith.addi %parallel_loop3A_487, %parallel_loop3A_564 : vector<16xi32>
        %parallel_loop3A_566 = tpu.vector_load_idx %arg26[%parallel_loop3A_565] : memref<20480xf32, #tpu.memory_space<vmem>>[vector<16xi32>], vector<16xf32>,
        %parallel_loop3A_567 = arith.addf %parallel_loop3A_562, %parallel_loop3A_566 : vector<16xf32>
        %parallel_loop3A_568 = arith.addf %parallel_loop3A_538, %parallel_loop3A_567 : vector<16xf32>
        %parallel_loop3A_569 = arith.mulf %parallel_loop3A_567, %parallel_loop3A_567 : vector<16xf32>
        %parallel_loop3A_570 = arith.addf %parallel_loop3A_540, %parallel_loop3A_569 : vector<16xf32>
        %parallel_loop3A_571 = arith.index_cast %parallel_loop3A_484 : i32 to index
        %parallel_loop3A_572 = arith.constant 80 : index
        %parallel_loop3A_573 = tpu.vector_load %arg21[%parallel_loop3A_571, %parallel_loop3A_572] {strides = array<i32>} : memref<64x384xf32, #tpu.memory_space<vmem>>, vector<16xf32>,
        %parallel_loop3A_574 = arith.index_cast %parallel_loop3A_484 : i32 to index
        %parallel_loop3A_575 = arith.constant 80 : index
        %parallel_loop3A_576 = tpu.vector_load %arg22[%parallel_loop3A_574, %parallel_loop3A_575] {strides = array<i32>} : memref<64x384xf32, #tpu.memory_space<vmem>>, vector<16xf32>,
        %parallel_loop3A_577 = arith.addf %parallel_loop3A_573, %parallel_loop3A_576 : vector<16xf32>
        %parallel_loop3A_578 = arith.constant 80 : i32
        %parallel_loop3A_579 = vector.broadcast %parallel_loop3A_578 : i32 to vector<16xi32>
        %parallel_loop3A_580 = arith.addi %parallel_loop3A_487, %parallel_loop3A_579 : vector<16xi32>
        %parallel_loop3A_581 = tpu.vector_load_idx %arg26[%parallel_loop3A_580] : memref<20480xf32, #tpu.memory_space<vmem>>[vector<16xi32>], vector<16xf32>,
        %parallel_loop3A_582 = arith.addf %parallel_loop3A_577, %parallel_loop3A_581 : vector<16xf32>
        %parallel_loop3A_583 = arith.addf %parallel_loop3A_553, %parallel_loop3A_582 : vector<16xf32>
        %parallel_loop3A_584 = arith.mulf %parallel_loop3A_582, %parallel_loop3A_582 : vector<16xf32>
        %parallel_loop3A_585 = arith.addf %parallel_loop3A_555, %parallel_loop3A_584 : vector<16xf32>
        %parallel_loop3A_586 = arith.index_cast %parallel_loop3A_484 : i32 to index
        %parallel_loop3A_587 = arith.constant 96 : index
        %parallel_loop3A_588 = tpu.vector_load %arg21[%parallel_loop3A_586, %parallel_loop3A_587] {strides = array<i32>} : memref<64x384xf32, #tpu.memory_space<vmem>>, vector<16xf32>,
        %parallel_loop3A_589 = arith.index_cast %parallel_loop3A_484 : i32 to index
        %parallel_loop3A_590 = arith.constant 96 : index
        %parallel_loop3A_591 = tpu.vector_load %arg22[%parallel_loop3A_589, %parallel_loop3A_590] {strides = array<i32>} : memref<64x384xf32, #tpu.memory_space<vmem>>, vector<16xf32>,
        %parallel_loop3A_592 = arith.addf %parallel_loop3A_588, %parallel_loop3A_591 : vector<16xf32>
        %parallel_loop3A_593 = arith.constant 96 : i32
        %parallel_loop3A_594 = vector.broadcast %parallel_loop3A_593 : i32 to vector<16xi32>
        %parallel_loop3A_595 = arith.addi %parallel_loop3A_487, %parallel_loop3A_594 : vector<16xi32>
        %parallel_loop3A_596 = tpu.vector_load_idx %arg26[%parallel_loop3A_595] : memref<20480xf32, #tpu.memory_space<vmem>>[vector<16xi32>], vector<16xf32>,
        %parallel_loop3A_597 = arith.addf %parallel_loop3A_592, %parallel_loop3A_596 : vector<16xf32>
        %parallel_loop3A_598 = arith.addf %parallel_loop3A_568, %parallel_loop3A_597 : vector<16xf32>
        %parallel_loop3A_599 = arith.mulf %parallel_loop3A_597, %parallel_loop3A_597 : vector<16xf32>
        %parallel_loop3A_600 = arith.addf %parallel_loop3A_570, %parallel_loop3A_599 : vector<16xf32>
        %parallel_loop3A_601 = arith.index_cast %parallel_loop3A_484 : i32 to index
        %parallel_loop3A_602 = arith.constant 112 : index
        %parallel_loop3A_603 = tpu.vector_load %arg21[%parallel_loop3A_601, %parallel_loop3A_602] {strides = array<i32>} : memref<64x384xf32, #tpu.memory_space<vmem>>, vector<16xf32>,
        %parallel_loop3A_604 = arith.index_cast %parallel_loop3A_484 : i32 to index
        %parallel_loop3A_605 = arith.constant 112 : index
        %parallel_loop3A_606 = tpu.vector_load %arg22[%parallel_loop3A_604, %parallel_loop3A_605] {strides = array<i32>} : memref<64x384xf32, #tpu.memory_space<vmem>>, vector<16xf32>,
        %parallel_loop3A_607 = arith.addf %parallel_loop3A_603, %parallel_loop3A_606 : vector<16xf32>
        %parallel_loop3A_608 = arith.constant 112 : i32
        %parallel_loop3A_609 = vector.broadcast %parallel_loop3A_608 : i32 to vector<16xi32>
        %parallel_loop3A_610 = arith.addi %parallel_loop3A_487, %parallel_loop3A_609 : vector<16xi32>
        %parallel_loop3A_611 = tpu.vector_load_idx %arg26[%parallel_loop3A_610] : memref<20480xf32, #tpu.memory_space<vmem>>[vector<16xi32>], vector<16xf32>,
        %parallel_loop3A_612 = arith.addf %parallel_loop3A_607, %parallel_loop3A_611 : vector<16xf32>
        %parallel_loop3A_613 = arith.addf %parallel_loop3A_583, %parallel_loop3A_612 : vector<16xf32>
        %parallel_loop3A_614 = arith.mulf %parallel_loop3A_612, %parallel_loop3A_612 : vector<16xf32>
        %parallel_loop3A_615 = arith.addf %parallel_loop3A_585, %parallel_loop3A_614 : vector<16xf32>
        %parallel_loop3A_616 = arith.index_cast %parallel_loop3A_484 : i32 to index
        %parallel_loop3A_617 = arith.constant 128 : index
        %parallel_loop3A_618 = tpu.vector_load %arg21[%parallel_loop3A_616, %parallel_loop3A_617] {strides = array<i32>} : memref<64x384xf32, #tpu.memory_space<vmem>>, vector<16xf32>,
        %parallel_loop3A_619 = arith.index_cast %parallel_loop3A_484 : i32 to index
        %parallel_loop3A_620 = arith.constant 128 : index
        %parallel_loop3A_621 = tpu.vector_load %arg22[%parallel_loop3A_619, %parallel_loop3A_620] {strides = array<i32>} : memref<64x384xf32, #tpu.memory_space<vmem>>, vector<16xf32>,
        %parallel_loop3A_622 = arith.addf %parallel_loop3A_618, %parallel_loop3A_621 : vector<16xf32>
        %parallel_loop3A_623 = arith.constant 128 : i32
        %parallel_loop3A_624 = vector.broadcast %parallel_loop3A_623 : i32 to vector<16xi32>
        %parallel_loop3A_625 = arith.addi %parallel_loop3A_487, %parallel_loop3A_624 : vector<16xi32>
        %parallel_loop3A_626 = tpu.vector_load_idx %arg26[%parallel_loop3A_625] : memref<20480xf32, #tpu.memory_space<vmem>>[vector<16xi32>], vector<16xf32>,
        %parallel_loop3A_627 = arith.addf %parallel_loop3A_622, %parallel_loop3A_626 : vector<16xf32>
        %parallel_loop3A_628 = arith.addf %parallel_loop3A_598, %parallel_loop3A_627 : vector<16xf32>
        %parallel_loop3A_629 = arith.mulf %parallel_loop3A_627, %parallel_loop3A_627 : vector<16xf32>
        %parallel_loop3A_630 = arith.addf %parallel_loop3A_600, %parallel_loop3A_629 : vector<16xf32>
        %parallel_loop3A_631 = arith.index_cast %parallel_loop3A_484 : i32 to index
        %parallel_loop3A_632 = arith.constant 144 : index
        %parallel_loop3A_633 = tpu.vector_load %arg21[%parallel_loop3A_631, %parallel_loop3A_632] {strides = array<i32>} : memref<64x384xf32, #tpu.memory_space<vmem>>, vector<16xf32>,
        %parallel_loop3A_634 = arith.index_cast %parallel_loop3A_484 : i32 to index
        %parallel_loop3A_635 = arith.constant 144 : index
        %parallel_loop3A_636 = tpu.vector_load %arg22[%parallel_loop3A_634, %parallel_loop3A_635] {strides = array<i32>} : memref<64x384xf32, #tpu.memory_space<vmem>>, vector<16xf32>,
        %parallel_loop3A_637 = arith.addf %parallel_loop3A_633, %parallel_loop3A_636 : vector<16xf32>
        %parallel_loop3A_638 = arith.constant 144 : i32
        %parallel_loop3A_639 = vector.broadcast %parallel_loop3A_638 : i32 to vector<16xi32>
        %parallel_loop3A_640 = arith.addi %parallel_loop3A_487, %parallel_loop3A_639 : vector<16xi32>
        %parallel_loop3A_641 = tpu.vector_load_idx %arg26[%parallel_loop3A_640] : memref<20480xf32, #tpu.memory_space<vmem>>[vector<16xi32>], vector<16xf32>,
        %parallel_loop3A_642 = arith.addf %parallel_loop3A_637, %parallel_loop3A_641 : vector<16xf32>
        %parallel_loop3A_643 = arith.addf %parallel_loop3A_613, %parallel_loop3A_642 : vector<16xf32>
        %parallel_loop3A_644 = arith.mulf %parallel_loop3A_642, %parallel_loop3A_642 : vector<16xf32>
        %parallel_loop3A_645 = arith.addf %parallel_loop3A_615, %parallel_loop3A_644 : vector<16xf32>
        %parallel_loop3A_646 = arith.index_cast %parallel_loop3A_484 : i32 to index
        %parallel_loop3A_647 = arith.constant 160 : index
        %parallel_loop3A_648 = tpu.vector_load %arg21[%parallel_loop3A_646, %parallel_loop3A_647] {strides = array<i32>} : memref<64x384xf32, #tpu.memory_space<vmem>>, vector<16xf32>,
        %parallel_loop3A_649 = arith.index_cast %parallel_loop3A_484 : i32 to index
        %parallel_loop3A_650 = arith.constant 160 : index
        %parallel_loop3A_651 = tpu.vector_load %arg22[%parallel_loop3A_649, %parallel_loop3A_650] {strides = array<i32>} : memref<64x384xf32, #tpu.memory_space<vmem>>, vector<16xf32>,
        %parallel_loop3A_652 = arith.addf %parallel_loop3A_648, %parallel_loop3A_651 : vector<16xf32>
        %parallel_loop3A_653 = arith.constant 160 : i32
        %parallel_loop3A_654 = vector.broadcast %parallel_loop3A_653 : i32 to vector<16xi32>
        %parallel_loop3A_655 = arith.addi %parallel_loop3A_487, %parallel_loop3A_654 : vector<16xi32>
        %parallel_loop3A_656 = tpu.vector_load_idx %arg26[%parallel_loop3A_655] : memref<20480xf32, #tpu.memory_space<vmem>>[vector<16xi32>], vector<16xf32>,
        %parallel_loop3A_657 = arith.addf %parallel_loop3A_652, %parallel_loop3A_656 : vector<16xf32>
        %parallel_loop3A_658 = arith.addf %parallel_loop3A_628, %parallel_loop3A_657 : vector<16xf32>
        %parallel_loop3A_659 = arith.mulf %parallel_loop3A_657, %parallel_loop3A_657 : vector<16xf32>
        %parallel_loop3A_660 = arith.addf %parallel_loop3A_630, %parallel_loop3A_659 : vector<16xf32>
        %parallel_loop3A_661 = arith.index_cast %parallel_loop3A_484 : i32 to index
        %parallel_loop3A_662 = arith.constant 176 : index
        %parallel_loop3A_663 = tpu.vector_load %arg21[%parallel_loop3A_661, %parallel_loop3A_662] {strides = array<i32>} : memref<64x384xf32, #tpu.memory_space<vmem>>, vector<16xf32>,
        %parallel_loop3A_664 = arith.index_cast %parallel_loop3A_484 : i32 to index
        %parallel_loop3A_665 = arith.constant 176 : index
        %parallel_loop3A_666 = tpu.vector_load %arg22[%parallel_loop3A_664, %parallel_loop3A_665] {strides = array<i32>} : memref<64x384xf32, #tpu.memory_space<vmem>>, vector<16xf32>,
        %parallel_loop3A_667 = arith.addf %parallel_loop3A_663, %parallel_loop3A_666 : vector<16xf32>
        %parallel_loop3A_668 = arith.constant 176 : i32
        %parallel_loop3A_669 = vector.broadcast %parallel_loop3A_668 : i32 to vector<16xi32>
        %parallel_loop3A_670 = arith.addi %parallel_loop3A_487, %parallel_loop3A_669 : vector<16xi32>
        %parallel_loop3A_671 = tpu.vector_load_idx %arg26[%parallel_loop3A_670] : memref<20480xf32, #tpu.memory_space<vmem>>[vector<16xi32>], vector<16xf32>,
        %parallel_loop3A_672 = arith.addf %parallel_loop3A_667, %parallel_loop3A_671 : vector<16xf32>
        %parallel_loop3A_673 = arith.addf %parallel_loop3A_643, %parallel_loop3A_672 : vector<16xf32>
        %parallel_loop3A_674 = arith.mulf %parallel_loop3A_672, %parallel_loop3A_672 : vector<16xf32>
        %parallel_loop3A_675 = arith.addf %parallel_loop3A_645, %parallel_loop3A_674 : vector<16xf32>
        %parallel_loop3A_676 = arith.index_cast %parallel_loop3A_484 : i32 to index
        %parallel_loop3A_677 = arith.constant 192 : index
        %parallel_loop3A_678 = tpu.vector_load %arg21[%parallel_loop3A_676, %parallel_loop3A_677] {strides = array<i32>} : memref<64x384xf32, #tpu.memory_space<vmem>>, vector<16xf32>,
        %parallel_loop3A_679 = arith.index_cast %parallel_loop3A_484 : i32 to index
        %parallel_loop3A_680 = arith.constant 192 : index
        %parallel_loop3A_681 = tpu.vector_load %arg22[%parallel_loop3A_679, %parallel_loop3A_680] {strides = array<i32>} : memref<64x384xf32, #tpu.memory_space<vmem>>, vector<16xf32>,
        %parallel_loop3A_682 = arith.addf %parallel_loop3A_678, %parallel_loop3A_681 : vector<16xf32>
        %parallel_loop3A_683 = arith.constant 192 : i32
        %parallel_loop3A_684 = vector.broadcast %parallel_loop3A_683 : i32 to vector<16xi32>
        %parallel_loop3A_685 = arith.addi %parallel_loop3A_487, %parallel_loop3A_684 : vector<16xi32>
        %parallel_loop3A_686 = tpu.vector_load_idx %arg26[%parallel_loop3A_685] : memref<20480xf32, #tpu.memory_space<vmem>>[vector<16xi32>], vector<16xf32>,
        %parallel_loop3A_687 = arith.addf %parallel_loop3A_682, %parallel_loop3A_686 : vector<16xf32>
        %parallel_loop3A_688 = arith.addf %parallel_loop3A_658, %parallel_loop3A_687 : vector<16xf32>
        %parallel_loop3A_689 = arith.mulf %parallel_loop3A_687, %parallel_loop3A_687 : vector<16xf32>
        %parallel_loop3A_690 = arith.addf %parallel_loop3A_660, %parallel_loop3A_689 : vector<16xf32>
        %parallel_loop3A_691 = arith.index_cast %parallel_loop3A_484 : i32 to index
        %parallel_loop3A_692 = arith.constant 208 : index
        %parallel_loop3A_693 = tpu.vector_load %arg21[%parallel_loop3A_691, %parallel_loop3A_692] {strides = array<i32>} : memref<64x384xf32, #tpu.memory_space<vmem>>, vector<16xf32>,
        %parallel_loop3A_694 = arith.index_cast %parallel_loop3A_484 : i32 to index
        %parallel_loop3A_695 = arith.constant 208 : index
        %parallel_loop3A_696 = tpu.vector_load %arg22[%parallel_loop3A_694, %parallel_loop3A_695] {strides = array<i32>} : memref<64x384xf32, #tpu.memory_space<vmem>>, vector<16xf32>,
        %parallel_loop3A_697 = arith.addf %parallel_loop3A_693, %parallel_loop3A_696 : vector<16xf32>
        %parallel_loop3A_698 = arith.constant 208 : i32
        %parallel_loop3A_699 = vector.broadcast %parallel_loop3A_698 : i32 to vector<16xi32>
        %parallel_loop3A_700 = arith.addi %parallel_loop3A_487, %parallel_loop3A_699 : vector<16xi32>
        %parallel_loop3A_701 = tpu.vector_load_idx %arg26[%parallel_loop3A_700] : memref<20480xf32, #tpu.memory_space<vmem>>[vector<16xi32>], vector<16xf32>,
        %parallel_loop3A_702 = arith.addf %parallel_loop3A_697, %parallel_loop3A_701 : vector<16xf32>
        %parallel_loop3A_703 = arith.addf %parallel_loop3A_673, %parallel_loop3A_702 : vector<16xf32>
        %parallel_loop3A_704 = arith.mulf %parallel_loop3A_702, %parallel_loop3A_702 : vector<16xf32>
        %parallel_loop3A_705 = arith.addf %parallel_loop3A_675, %parallel_loop3A_704 : vector<16xf32>
        %parallel_loop3A_706 = arith.index_cast %parallel_loop3A_484 : i32 to index
        %parallel_loop3A_707 = arith.constant 224 : index
        %parallel_loop3A_708 = tpu.vector_load %arg21[%parallel_loop3A_706, %parallel_loop3A_707] {strides = array<i32>} : memref<64x384xf32, #tpu.memory_space<vmem>>, vector<16xf32>,
        %parallel_loop3A_709 = arith.index_cast %parallel_loop3A_484 : i32 to index
        %parallel_loop3A_710 = arith.constant 224 : index
        %parallel_loop3A_711 = tpu.vector_load %arg22[%parallel_loop3A_709, %parallel_loop3A_710] {strides = array<i32>} : memref<64x384xf32, #tpu.memory_space<vmem>>, vector<16xf32>,
        %parallel_loop3A_712 = arith.addf %parallel_loop3A_708, %parallel_loop3A_711 : vector<16xf32>
        %parallel_loop3A_713 = arith.constant 224 : i32
        %parallel_loop3A_714 = vector.broadcast %parallel_loop3A_713 : i32 to vector<16xi32>
        %parallel_loop3A_715 = arith.addi %parallel_loop3A_487, %parallel_loop3A_714 : vector<16xi32>
        %parallel_loop3A_716 = tpu.vector_load_idx %arg26[%parallel_loop3A_715] : memref<20480xf32, #tpu.memory_space<vmem>>[vector<16xi32>], vector<16xf32>,
        %parallel_loop3A_717 = arith.addf %parallel_loop3A_712, %parallel_loop3A_716 : vector<16xf32>
        %parallel_loop3A_718 = arith.addf %parallel_loop3A_688, %parallel_loop3A_717 : vector<16xf32>
        %parallel_loop3A_719 = arith.mulf %parallel_loop3A_717, %parallel_loop3A_717 : vector<16xf32>
        %parallel_loop3A_720 = arith.addf %parallel_loop3A_690, %parallel_loop3A_719 : vector<16xf32>
        %parallel_loop3A_721 = arith.index_cast %parallel_loop3A_484 : i32 to index
        %parallel_loop3A_722 = arith.constant 240 : index
        %parallel_loop3A_723 = tpu.vector_load %arg21[%parallel_loop3A_721, %parallel_loop3A_722] {strides = array<i32>} : memref<64x384xf32, #tpu.memory_space<vmem>>, vector<16xf32>,
        %parallel_loop3A_724 = arith.index_cast %parallel_loop3A_484 : i32 to index
        %parallel_loop3A_725 = arith.constant 240 : index
        %parallel_loop3A_726 = tpu.vector_load %arg22[%parallel_loop3A_724, %parallel_loop3A_725] {strides = array<i32>} : memref<64x384xf32, #tpu.memory_space<vmem>>, vector<16xf32>,
        %parallel_loop3A_727 = arith.addf %parallel_loop3A_723, %parallel_loop3A_726 : vector<16xf32>
        %parallel_loop3A_728 = arith.constant 240 : i32
        %parallel_loop3A_729 = vector.broadcast %parallel_loop3A_728 : i32 to vector<16xi32>
        %parallel_loop3A_730 = arith.addi %parallel_loop3A_487, %parallel_loop3A_729 : vector<16xi32>
        %parallel_loop3A_731 = tpu.vector_load_idx %arg26[%parallel_loop3A_730] : memref<20480xf32, #tpu.memory_space<vmem>>[vector<16xi32>], vector<16xf32>,
        %parallel_loop3A_732 = arith.addf %parallel_loop3A_727, %parallel_loop3A_731 : vector<16xf32>
        %parallel_loop3A_733 = arith.addf %parallel_loop3A_703, %parallel_loop3A_732 : vector<16xf32>
        %parallel_loop3A_734 = arith.mulf %parallel_loop3A_732, %parallel_loop3A_732 : vector<16xf32>
        %parallel_loop3A_735 = arith.addf %parallel_loop3A_705, %parallel_loop3A_734 : vector<16xf32>
        %parallel_loop3A_736 = arith.index_cast %parallel_loop3A_484 : i32 to index
        %parallel_loop3A_737 = arith.constant 256 : index
        %parallel_loop3A_738 = tpu.vector_load %arg21[%parallel_loop3A_736, %parallel_loop3A_737] {strides = array<i32>} : memref<64x384xf32, #tpu.memory_space<vmem>>, vector<16xf32>,
        %parallel_loop3A_739 = arith.index_cast %parallel_loop3A_484 : i32 to index
        %parallel_loop3A_740 = arith.constant 256 : index
        %parallel_loop3A_741 = tpu.vector_load %arg22[%parallel_loop3A_739, %parallel_loop3A_740] {strides = array<i32>} : memref<64x384xf32, #tpu.memory_space<vmem>>, vector<16xf32>,
        %parallel_loop3A_742 = arith.addf %parallel_loop3A_738, %parallel_loop3A_741 : vector<16xf32>
        %parallel_loop3A_743 = arith.constant 256 : i32
        %parallel_loop3A_744 = vector.broadcast %parallel_loop3A_743 : i32 to vector<16xi32>
        %parallel_loop3A_745 = arith.addi %parallel_loop3A_487, %parallel_loop3A_744 : vector<16xi32>
        %parallel_loop3A_746 = tpu.vector_load_idx %arg26[%parallel_loop3A_745] : memref<20480xf32, #tpu.memory_space<vmem>>[vector<16xi32>], vector<16xf32>,
        %parallel_loop3A_747 = arith.addf %parallel_loop3A_742, %parallel_loop3A_746 : vector<16xf32>
        %parallel_loop3A_748 = arith.addf %parallel_loop3A_718, %parallel_loop3A_747 : vector<16xf32>
        %parallel_loop3A_749 = arith.mulf %parallel_loop3A_747, %parallel_loop3A_747 : vector<16xf32>
        %parallel_loop3A_750 = arith.addf %parallel_loop3A_720, %parallel_loop3A_749 : vector<16xf32>
        %parallel_loop3A_751 = arith.index_cast %parallel_loop3A_484 : i32 to index
        %parallel_loop3A_752 = arith.constant 272 : index
        %parallel_loop3A_753 = tpu.vector_load %arg21[%parallel_loop3A_751, %parallel_loop3A_752] {strides = array<i32>} : memref<64x384xf32, #tpu.memory_space<vmem>>, vector<16xf32>,
        %parallel_loop3A_754 = arith.index_cast %parallel_loop3A_484 : i32 to index
        %parallel_loop3A_755 = arith.constant 272 : index
        %parallel_loop3A_756 = tpu.vector_load %arg22[%parallel_loop3A_754, %parallel_loop3A_755] {strides = array<i32>} : memref<64x384xf32, #tpu.memory_space<vmem>>, vector<16xf32>,
        %parallel_loop3A_757 = arith.addf %parallel_loop3A_753, %parallel_loop3A_756 : vector<16xf32>
        %parallel_loop3A_758 = arith.constant 272 : i32
        %parallel_loop3A_759 = vector.broadcast %parallel_loop3A_758 : i32 to vector<16xi32>
        %parallel_loop3A_760 = arith.addi %parallel_loop3A_487, %parallel_loop3A_759 : vector<16xi32>
        %parallel_loop3A_761 = tpu.vector_load_idx %arg26[%parallel_loop3A_760] : memref<20480xf32, #tpu.memory_space<vmem>>[vector<16xi32>], vector<16xf32>,
        %parallel_loop3A_762 = arith.addf %parallel_loop3A_757, %parallel_loop3A_761 : vector<16xf32>
        %parallel_loop3A_763 = arith.addf %parallel_loop3A_733, %parallel_loop3A_762 : vector<16xf32>
        %parallel_loop3A_764 = arith.mulf %parallel_loop3A_762, %parallel_loop3A_762 : vector<16xf32>
        %parallel_loop3A_765 = arith.addf %parallel_loop3A_735, %parallel_loop3A_764 : vector<16xf32>
        %parallel_loop3A_766 = arith.index_cast %parallel_loop3A_484 : i32 to index
        %parallel_loop3A_767 = arith.constant 288 : index
        %parallel_loop3A_768 = tpu.vector_load %arg21[%parallel_loop3A_766, %parallel_loop3A_767] {strides = array<i32>} : memref<64x384xf32, #tpu.memory_space<vmem>>, vector<16xf32>,
        %parallel_loop3A_769 = arith.index_cast %parallel_loop3A_484 : i32 to index
        %parallel_loop3A_770 = arith.constant 288 : index
        %parallel_loop3A_771 = tpu.vector_load %arg22[%parallel_loop3A_769, %parallel_loop3A_770] {strides = array<i32>} : memref<64x384xf32, #tpu.memory_space<vmem>>, vector<16xf32>,
        %parallel_loop3A_772 = arith.addf %parallel_loop3A_768, %parallel_loop3A_771 : vector<16xf32>
        %parallel_loop3A_773 = arith.constant 288 : i32
        %parallel_loop3A_774 = vector.broadcast %parallel_loop3A_773 : i32 to vector<16xi32>
        %parallel_loop3A_775 = arith.addi %parallel_loop3A_487, %parallel_loop3A_774 : vector<16xi32>
        %parallel_loop3A_776 = tpu.vector_load_idx %arg26[%parallel_loop3A_775] : memref<20480xf32, #tpu.memory_space<vmem>>[vector<16xi32>], vector<16xf32>,
        %parallel_loop3A_777 = arith.addf %parallel_loop3A_772, %parallel_loop3A_776 : vector<16xf32>
        %parallel_loop3A_778 = arith.addf %parallel_loop3A_748, %parallel_loop3A_777 : vector<16xf32>
        %parallel_loop3A_779 = arith.mulf %parallel_loop3A_777, %parallel_loop3A_777 : vector<16xf32>
        %parallel_loop3A_780 = arith.addf %parallel_loop3A_750, %parallel_loop3A_779 : vector<16xf32>
        %parallel_loop3A_781 = arith.index_cast %parallel_loop3A_484 : i32 to index
        %parallel_loop3A_782 = arith.constant 304 : index
        %parallel_loop3A_783 = tpu.vector_load %arg21[%parallel_loop3A_781, %parallel_loop3A_782] {strides = array<i32>} : memref<64x384xf32, #tpu.memory_space<vmem>>, vector<16xf32>,
        %parallel_loop3A_784 = arith.index_cast %parallel_loop3A_484 : i32 to index
        %parallel_loop3A_785 = arith.constant 304 : index
        %parallel_loop3A_786 = tpu.vector_load %arg22[%parallel_loop3A_784, %parallel_loop3A_785] {strides = array<i32>} : memref<64x384xf32, #tpu.memory_space<vmem>>, vector<16xf32>,
        %parallel_loop3A_787 = arith.addf %parallel_loop3A_783, %parallel_loop3A_786 : vector<16xf32>
        %parallel_loop3A_788 = arith.constant 304 : i32
        %parallel_loop3A_789 = vector.broadcast %parallel_loop3A_788 : i32 to vector<16xi32>
        %parallel_loop3A_790 = arith.addi %parallel_loop3A_487, %parallel_loop3A_789 : vector<16xi32>
        %parallel_loop3A_791 = tpu.vector_load_idx %arg26[%parallel_loop3A_790] : memref<20480xf32, #tpu.memory_space<vmem>>[vector<16xi32>], vector<16xf32>,
        %parallel_loop3A_792 = arith.addf %parallel_loop3A_787, %parallel_loop3A_791 : vector<16xf32>
        %parallel_loop3A_793 = arith.addf %parallel_loop3A_763, %parallel_loop3A_792 : vector<16xf32>
        %parallel_loop3A_794 = arith.mulf %parallel_loop3A_792, %parallel_loop3A_792 : vector<16xf32>
        %parallel_loop3A_795 = arith.addf %parallel_loop3A_765, %parallel_loop3A_794 : vector<16xf32>
        %parallel_loop3A_796 = arith.addf %parallel_loop3A_778, %parallel_loop3A_793 : vector<16xf32>
        %parallel_loop3A_797 = arith.constant 0 : i32
        %parallel_loop3A_798 = vector.broadcast %parallel_loop3A_797 : i32 to vector<16xi32>
        %parallel_loop3A_799 = arith.cmpi slt, %xor3A_4, %parallel_loop3A_798 : vector<16xi32>
        %parallel_loop3A_800 = arith.constant 16 : i32
        %parallel_loop3A_801 = vector.broadcast %parallel_loop3A_800 : i32 to vector<16xi32>
        %parallel_loop3A_802 = arith.addi %xor3A_4, %parallel_loop3A_801 : vector<16xi32>
        %parallel_loop3A_803 = arith.select %parallel_loop3A_799, %parallel_loop3A_802, %xor3A_4 : vector<16xi1>, vector<16xi32>
        %parallel_loop3A_804 = vector.shape_cast %parallel_loop3A_803 : vector<16xi32> to vector<16x1xi32>
        %parallel_loop3A_805 = vector.shape_cast %parallel_loop3A_804 : vector<16x1xi32> to vector<16xi32>
        %parallel_loop3A_806 = tpu.dynamic_gather %parallel_loop3A_796[%parallel_loop3A_805] in [0] : vector<16xf32>, vector<16xi32> -> vector<16xf32>
        %parallel_loop3A_807 = arith.addf %parallel_loop3A_796, %parallel_loop3A_806 : vector<16xf32>
        %parallel_loop3A_808 = arith.constant 0 : i32
        %parallel_loop3A_809 = vector.broadcast %parallel_loop3A_808 : i32 to vector<16xi32>
        %parallel_loop3A_810 = arith.cmpi slt, %xor3A_7, %parallel_loop3A_809 : vector<16xi32>
        %parallel_loop3A_811 = arith.constant 16 : i32
        %parallel_loop3A_812 = vector.broadcast %parallel_loop3A_811 : i32 to vector<16xi32>
        %parallel_loop3A_813 = arith.addi %xor3A_7, %parallel_loop3A_812 : vector<16xi32>
        %parallel_loop3A_814 = arith.select %parallel_loop3A_810, %parallel_loop3A_813, %xor3A_7 : vector<16xi1>, vector<16xi32>
        %parallel_loop3A_815 = vector.shape_cast %parallel_loop3A_814 : vector<16xi32> to vector<16x1xi32>
        %parallel_loop3A_816 = vector.shape_cast %parallel_loop3A_815 : vector<16x1xi32> to vector<16xi32>
        %parallel_loop3A_817 = tpu.dynamic_gather %parallel_loop3A_807[%parallel_loop3A_816] in [0] : vector<16xf32>, vector<16xi32> -> vector<16xf32>
        %parallel_loop3A_818 = arith.addf %parallel_loop3A_807, %parallel_loop3A_817 : vector<16xf32>
        %parallel_loop3A_819 = arith.constant 0 : i32
        %parallel_loop3A_820 = vector.broadcast %parallel_loop3A_819 : i32 to vector<16xi32>
        %parallel_loop3A_821 = arith.cmpi slt, %xor3A_10, %parallel_loop3A_820 : vector<16xi32>
        %parallel_loop3A_822 = arith.constant 16 : i32
        %parallel_loop3A_823 = vector.broadcast %parallel_loop3A_822 : i32 to vector<16xi32>
        %parallel_loop3A_824 = arith.addi %xor3A_10, %parallel_loop3A_823 : vector<16xi32>
        %parallel_loop3A_825 = arith.select %parallel_loop3A_821, %parallel_loop3A_824, %xor3A_10 : vector<16xi1>, vector<16xi32>
        %parallel_loop3A_826 = vector.shape_cast %parallel_loop3A_825 : vector<16xi32> to vector<16x1xi32>
        %parallel_loop3A_827 = vector.shape_cast %parallel_loop3A_826 : vector<16x1xi32> to vector<16xi32>
        %parallel_loop3A_828 = tpu.dynamic_gather %parallel_loop3A_818[%parallel_loop3A_827] in [0] : vector<16xf32>, vector<16xi32> -> vector<16xf32>
        %parallel_loop3A_829 = arith.addf %parallel_loop3A_818, %parallel_loop3A_828 : vector<16xf32>
        %parallel_loop3A_830 = arith.constant 0 : i32
        %parallel_loop3A_831 = vector.broadcast %parallel_loop3A_830 : i32 to vector<16xi32>
        %parallel_loop3A_832 = arith.cmpi slt, %xor3A_13, %parallel_loop3A_831 : vector<16xi32>
        %parallel_loop3A_833 = arith.constant 16 : i32
        %parallel_loop3A_834 = vector.broadcast %parallel_loop3A_833 : i32 to vector<16xi32>
        %parallel_loop3A_835 = arith.addi %xor3A_13, %parallel_loop3A_834 : vector<16xi32>
        %parallel_loop3A_836 = arith.select %parallel_loop3A_832, %parallel_loop3A_835, %xor3A_13 : vector<16xi1>, vector<16xi32>
        %parallel_loop3A_837 = vector.shape_cast %parallel_loop3A_836 : vector<16xi32> to vector<16x1xi32>
        %parallel_loop3A_838 = vector.shape_cast %parallel_loop3A_837 : vector<16x1xi32> to vector<16xi32>
        %parallel_loop3A_839 = tpu.dynamic_gather %parallel_loop3A_829[%parallel_loop3A_838] in [0] : vector<16xf32>, vector<16xi32> -> vector<16xf32>
        %parallel_loop3A_840 = arith.addf %parallel_loop3A_829, %parallel_loop3A_839 : vector<16xf32>
        %parallel_loop3A_841 = arith.addf %parallel_loop3A_780, %parallel_loop3A_795 : vector<16xf32>
        %parallel_loop3A_842 = arith.constant 0 : i32
        %parallel_loop3A_843 = vector.broadcast %parallel_loop3A_842 : i32 to vector<16xi32>
        %parallel_loop3A_844 = arith.cmpi slt, %xor3A_4, %parallel_loop3A_843 : vector<16xi32>
        %parallel_loop3A_845 = arith.constant 16 : i32
        %parallel_loop3A_846 = vector.broadcast %parallel_loop3A_845 : i32 to vector<16xi32>
        %parallel_loop3A_847 = arith.addi %xor3A_4, %parallel_loop3A_846 : vector<16xi32>
        %parallel_loop3A_848 = arith.select %parallel_loop3A_844, %parallel_loop3A_847, %xor3A_4 : vector<16xi1>, vector<16xi32>
        %parallel_loop3A_849 = vector.shape_cast %parallel_loop3A_848 : vector<16xi32> to vector<16x1xi32>
        %parallel_loop3A_850 = vector.shape_cast %parallel_loop3A_849 : vector<16x1xi32> to vector<16xi32>
        %parallel_loop3A_851 = tpu.dynamic_gather %parallel_loop3A_841[%parallel_loop3A_850] in [0] : vector<16xf32>, vector<16xi32> -> vector<16xf32>
        %parallel_loop3A_852 = arith.addf %parallel_loop3A_841, %parallel_loop3A_851 : vector<16xf32>
        %parallel_loop3A_853 = arith.constant 0 : i32
        %parallel_loop3A_854 = vector.broadcast %parallel_loop3A_853 : i32 to vector<16xi32>
        %parallel_loop3A_855 = arith.cmpi slt, %xor3A_7, %parallel_loop3A_854 : vector<16xi32>
        %parallel_loop3A_856 = arith.constant 16 : i32
        %parallel_loop3A_857 = vector.broadcast %parallel_loop3A_856 : i32 to vector<16xi32>
        %parallel_loop3A_858 = arith.addi %xor3A_7, %parallel_loop3A_857 : vector<16xi32>
        %parallel_loop3A_859 = arith.select %parallel_loop3A_855, %parallel_loop3A_858, %xor3A_7 : vector<16xi1>, vector<16xi32>
        %parallel_loop3A_860 = vector.shape_cast %parallel_loop3A_859 : vector<16xi32> to vector<16x1xi32>
        %parallel_loop3A_861 = vector.shape_cast %parallel_loop3A_860 : vector<16x1xi32> to vector<16xi32>
        %parallel_loop3A_862 = tpu.dynamic_gather %parallel_loop3A_852[%parallel_loop3A_861] in [0] : vector<16xf32>, vector<16xi32> -> vector<16xf32>
        %parallel_loop3A_863 = arith.addf %parallel_loop3A_852, %parallel_loop3A_862 : vector<16xf32>
        %parallel_loop3A_864 = arith.constant 0 : i32
        %parallel_loop3A_865 = vector.broadcast %parallel_loop3A_864 : i32 to vector<16xi32>
        %parallel_loop3A_866 = arith.cmpi slt, %xor3A_10, %parallel_loop3A_865 : vector<16xi32>
        %parallel_loop3A_867 = arith.constant 16 : i32
        %parallel_loop3A_868 = vector.broadcast %parallel_loop3A_867 : i32 to vector<16xi32>
        %parallel_loop3A_869 = arith.addi %xor3A_10, %parallel_loop3A_868 : vector<16xi32>
        %parallel_loop3A_870 = arith.select %parallel_loop3A_866, %parallel_loop3A_869, %xor3A_10 : vector<16xi1>, vector<16xi32>
        %parallel_loop3A_871 = vector.shape_cast %parallel_loop3A_870 : vector<16xi32> to vector<16x1xi32>
        %parallel_loop3A_872 = vector.shape_cast %parallel_loop3A_871 : vector<16x1xi32> to vector<16xi32>
        %parallel_loop3A_873 = tpu.dynamic_gather %parallel_loop3A_863[%parallel_loop3A_872] in [0] : vector<16xf32>, vector<16xi32> -> vector<16xf32>
        %parallel_loop3A_874 = arith.addf %parallel_loop3A_863, %parallel_loop3A_873 : vector<16xf32>
        %parallel_loop3A_875 = arith.constant 0 : i32
        %parallel_loop3A_876 = vector.broadcast %parallel_loop3A_875 : i32 to vector<16xi32>
        %parallel_loop3A_877 = arith.cmpi slt, %xor3A_13, %parallel_loop3A_876 : vector<16xi32>
        %parallel_loop3A_878 = arith.constant 16 : i32
        %parallel_loop3A_879 = vector.broadcast %parallel_loop3A_878 : i32 to vector<16xi32>
        %parallel_loop3A_880 = arith.addi %xor3A_13, %parallel_loop3A_879 : vector<16xi32>
        %parallel_loop3A_881 = arith.select %parallel_loop3A_877, %parallel_loop3A_880, %xor3A_13 : vector<16xi1>, vector<16xi32>
        %parallel_loop3A_882 = vector.shape_cast %parallel_loop3A_881 : vector<16xi32> to vector<16x1xi32>
        %parallel_loop3A_883 = vector.shape_cast %parallel_loop3A_882 : vector<16x1xi32> to vector<16xi32>
        %parallel_loop3A_884 = tpu.dynamic_gather %parallel_loop3A_874[%parallel_loop3A_883] in [0] : vector<16xf32>, vector<16xi32> -> vector<16xf32>
        %parallel_loop3A_885 = arith.addf %parallel_loop3A_874, %parallel_loop3A_884 : vector<16xf32>
        %parallel_loop3A_886 = arith.constant 0.00320512825 : f32
        %parallel_loop3A_887 = vector.broadcast %parallel_loop3A_886 : f32 to vector<16xf32>
        %parallel_loop3A_888 = arith.mulf %parallel_loop3A_840, %parallel_loop3A_887 : vector<16xf32>
        %parallel_loop3A_889 = arith.constant 0.00320512825 : f32
        %parallel_loop3A_890 = vector.broadcast %parallel_loop3A_889 : f32 to vector<16xf32>
        %parallel_loop3A_891 = arith.mulf %parallel_loop3A_885, %parallel_loop3A_890 : vector<16xf32>
        %parallel_loop3A_892 = arith.mulf %parallel_loop3A_888, %parallel_loop3A_888 : vector<16xf32>
        %parallel_loop3A_893 = arith.subf %parallel_loop3A_891, %parallel_loop3A_892 : vector<16xf32>
        %parallel_loop3A_894 = arith.constant 0.000000e+00 : f32
        %parallel_loop3A_895 = vector.broadcast %parallel_loop3A_894 : f32 to vector<16xf32>
        %parallel_loop3A_896 = arith.maximumf %parallel_loop3A_893, %parallel_loop3A_895 : vector<16xf32>
        %parallel_loop3A_897 = arith.constant 9.99999996E-13 : f32
        %parallel_loop3A_898 = vector.broadcast %parallel_loop3A_897 : f32 to vector<16xf32>
        %parallel_loop3A_899 = arith.addf %parallel_loop3A_896, %parallel_loop3A_898 : vector<16xf32>
        %parallel_loop3A_900 = tpu.bitcast %parallel_loop3A_899 : vector<16xf32> -> vector<16xi32>
        %parallel_loop3A_901 = arith.constant 1 : i32
        %parallel_loop3A_902 = vector.broadcast %parallel_loop3A_901 : i32 to vector<16xi32>
        %parallel_loop3A_903 = arith.shrui %parallel_loop3A_900, %parallel_loop3A_902 : vector<16xi32>
        %parallel_loop3A_904 = arith.constant 1597463007 : i32
        %parallel_loop3A_905 = vector.broadcast %parallel_loop3A_904 : i32 to vector<16xi32>
        %parallel_loop3A_906 = arith.subi %parallel_loop3A_905, %parallel_loop3A_903 : vector<16xi32>
        %parallel_loop3A_907 = tpu.bitcast %parallel_loop3A_906 : vector<16xi32> -> vector<16xf32>
        %parallel_loop3A_908 = arith.constant 5.000000e-01 : f32
        %parallel_loop3A_909 = vector.broadcast %parallel_loop3A_908 : f32 to vector<16xf32>
        %parallel_loop3A_910 = arith.mulf %parallel_loop3A_909, %parallel_loop3A_899 : vector<16xf32>
        %parallel_loop3A_911 = arith.mulf %parallel_loop3A_910, %parallel_loop3A_907 : vector<16xf32>
        %parallel_loop3A_912 = arith.mulf %parallel_loop3A_911, %parallel_loop3A_907 : vector<16xf32>
        %parallel_loop3A_913 = arith.constant 1.500000e+00 : f32
        %parallel_loop3A_914 = vector.broadcast %parallel_loop3A_913 : f32 to vector<16xf32>
        %parallel_loop3A_915 = arith.subf %parallel_loop3A_914, %parallel_loop3A_912 : vector<16xf32>
        %parallel_loop3A_916 = arith.mulf %parallel_loop3A_907, %parallel_loop3A_915 : vector<16xf32>
        %parallel_loop3A_917 = arith.constant 5.000000e-01 : f32
        %parallel_loop3A_918 = vector.broadcast %parallel_loop3A_917 : f32 to vector<16xf32>
        %parallel_loop3A_919 = arith.mulf %parallel_loop3A_918, %parallel_loop3A_899 : vector<16xf32>
        %parallel_loop3A_920 = arith.mulf %parallel_loop3A_919, %parallel_loop3A_916 : vector<16xf32>
        %parallel_loop3A_921 = arith.mulf %parallel_loop3A_920, %parallel_loop3A_916 : vector<16xf32>
        %parallel_loop3A_922 = arith.constant 1.500000e+00 : f32
        %parallel_loop3A_923 = vector.broadcast %parallel_loop3A_922 : f32 to vector<16xf32>
        %parallel_loop3A_924 = arith.subf %parallel_loop3A_923, %parallel_loop3A_921 : vector<16xf32>
        %parallel_loop3A_925 = arith.mulf %parallel_loop3A_916, %parallel_loop3A_924 : vector<16xf32>
        %parallel_loop3A_926 = arith.constant 5.000000e-01 : f32
        %parallel_loop3A_927 = vector.broadcast %parallel_loop3A_926 : f32 to vector<16xf32>
        %parallel_loop3A_928 = arith.mulf %parallel_loop3A_927, %parallel_loop3A_899 : vector<16xf32>
        %parallel_loop3A_929 = arith.mulf %parallel_loop3A_928, %parallel_loop3A_925 : vector<16xf32>
        %parallel_loop3A_930 = arith.mulf %parallel_loop3A_929, %parallel_loop3A_925 : vector<16xf32>
        %parallel_loop3A_931 = arith.constant 1.500000e+00 : f32
        %parallel_loop3A_932 = vector.broadcast %parallel_loop3A_931 : f32 to vector<16xf32>
        %parallel_loop3A_933 = arith.subf %parallel_loop3A_932, %parallel_loop3A_930 : vector<16xf32>
        %parallel_loop3A_934 = arith.mulf %parallel_loop3A_925, %parallel_loop3A_933 : vector<16xf32>
        %parallel_loop3A_935 = arith.extui %eq3A_301 : i1 to i32
        %parallel_loop3A_936 = arith.constant 0 : i32
        %parallel_loop3A_937 = arith.cmpi ne, %parallel_loop3A_935, %parallel_loop3A_936 : i32
        scf.if %parallel_loop3A_937 {
          %parallel_loop3A_943 = arith.subf %parallel_loop3A_507, %parallel_loop3A_888 : vector<16xf32>
          %parallel_loop3A_944 = arith.mulf %parallel_loop3A_943, %parallel_loop3A_934 : vector<16xf32>
          %parallel_loop3A_945 = arith.index_cast %parallel_loop3A_484 : i32 to index
          %parallel_loop3A_946 = arith.constant 0 : index
          %parallel_loop3A_947 = tpu.vector_load %arg21[%parallel_loop3A_945, %parallel_loop3A_946] {strides = array<i32>} : memref<64x384xf32, #tpu.memory_space<vmem>>, vector<16xf32>,
          tpu.vector_store %arg21[%parallel_loop3A_945, %parallel_loop3A_946], %parallel_loop3A_944 {strides = array<i32>} : memref<64x384xf32, #tpu.memory_space<vmem>>, vector<16xf32>,
          %parallel_loop3A_948 = arith.subf %parallel_loop3A_522, %parallel_loop3A_888 : vector<16xf32>
          %parallel_loop3A_949 = arith.mulf %parallel_loop3A_948, %parallel_loop3A_934 : vector<16xf32>
          %parallel_loop3A_950 = arith.index_cast %parallel_loop3A_484 : i32 to index
          %parallel_loop3A_951 = arith.constant 16 : index
          %parallel_loop3A_952 = tpu.vector_load %arg21[%parallel_loop3A_950, %parallel_loop3A_951] {strides = array<i32>} : memref<64x384xf32, #tpu.memory_space<vmem>>, vector<16xf32>,
          tpu.vector_store %arg21[%parallel_loop3A_950, %parallel_loop3A_951], %parallel_loop3A_949 {strides = array<i32>} : memref<64x384xf32, #tpu.memory_space<vmem>>, vector<16xf32>,
          %parallel_loop3A_953 = arith.subf %parallel_loop3A_537, %parallel_loop3A_888 : vector<16xf32>
          %parallel_loop3A_954 = arith.mulf %parallel_loop3A_953, %parallel_loop3A_934 : vector<16xf32>
          %parallel_loop3A_955 = arith.index_cast %parallel_loop3A_484 : i32 to index
          %parallel_loop3A_956 = arith.constant 32 : index
          %parallel_loop3A_957 = tpu.vector_load %arg21[%parallel_loop3A_955, %parallel_loop3A_956] {strides = array<i32>} : memref<64x384xf32, #tpu.memory_space<vmem>>, vector<16xf32>,
          tpu.vector_store %arg21[%parallel_loop3A_955, %parallel_loop3A_956], %parallel_loop3A_954 {strides = array<i32>} : memref<64x384xf32, #tpu.memory_space<vmem>>, vector<16xf32>,
          %parallel_loop3A_958 = arith.subf %parallel_loop3A_552, %parallel_loop3A_888 : vector<16xf32>
          %parallel_loop3A_959 = arith.mulf %parallel_loop3A_958, %parallel_loop3A_934 : vector<16xf32>
          %parallel_loop3A_960 = arith.index_cast %parallel_loop3A_484 : i32 to index
          %parallel_loop3A_961 = arith.constant 48 : index
          %parallel_loop3A_962 = tpu.vector_load %arg21[%parallel_loop3A_960, %parallel_loop3A_961] {strides = array<i32>} : memref<64x384xf32, #tpu.memory_space<vmem>>, vector<16xf32>,
          tpu.vector_store %arg21[%parallel_loop3A_960, %parallel_loop3A_961], %parallel_loop3A_959 {strides = array<i32>} : memref<64x384xf32, #tpu.memory_space<vmem>>, vector<16xf32>,
          %parallel_loop3A_963 = arith.subf %parallel_loop3A_567, %parallel_loop3A_888 : vector<16xf32>
          %parallel_loop3A_964 = arith.mulf %parallel_loop3A_963, %parallel_loop3A_934 : vector<16xf32>
          %parallel_loop3A_965 = arith.index_cast %parallel_loop3A_484 : i32 to index
          %parallel_loop3A_966 = arith.constant 64 : index
          %parallel_loop3A_967 = tpu.vector_load %arg21[%parallel_loop3A_965, %parallel_loop3A_966] {strides = array<i32>} : memref<64x384xf32, #tpu.memory_space<vmem>>, vector<16xf32>,
          tpu.vector_store %arg21[%parallel_loop3A_965, %parallel_loop3A_966], %parallel_loop3A_964 {strides = array<i32>} : memref<64x384xf32, #tpu.memory_space<vmem>>, vector<16xf32>,
          %parallel_loop3A_968 = arith.subf %parallel_loop3A_582, %parallel_loop3A_888 : vector<16xf32>
          %parallel_loop3A_969 = arith.mulf %parallel_loop3A_968, %parallel_loop3A_934 : vector<16xf32>
          %parallel_loop3A_970 = arith.index_cast %parallel_loop3A_484 : i32 to index
          %parallel_loop3A_971 = arith.constant 80 : index
          %parallel_loop3A_972 = tpu.vector_load %arg21[%parallel_loop3A_970, %parallel_loop3A_971] {strides = array<i32>} : memref<64x384xf32, #tpu.memory_space<vmem>>, vector<16xf32>,
          tpu.vector_store %arg21[%parallel_loop3A_970, %parallel_loop3A_971], %parallel_loop3A_969 {strides = array<i32>} : memref<64x384xf32, #tpu.memory_space<vmem>>, vector<16xf32>,
          %parallel_loop3A_973 = arith.subf %parallel_loop3A_597, %parallel_loop3A_888 : vector<16xf32>
          %parallel_loop3A_974 = arith.mulf %parallel_loop3A_973, %parallel_loop3A_934 : vector<16xf32>
          %parallel_loop3A_975 = arith.index_cast %parallel_loop3A_484 : i32 to index
          %parallel_loop3A_976 = arith.constant 96 : index
          %parallel_loop3A_977 = tpu.vector_load %arg21[%parallel_loop3A_975, %parallel_loop3A_976] {strides = array<i32>} : memref<64x384xf32, #tpu.memory_space<vmem>>, vector<16xf32>,
          tpu.vector_store %arg21[%parallel_loop3A_975, %parallel_loop3A_976], %parallel_loop3A_974 {strides = array<i32>} : memref<64x384xf32, #tpu.memory_space<vmem>>, vector<16xf32>,
          %parallel_loop3A_978 = arith.subf %parallel_loop3A_612, %parallel_loop3A_888 : vector<16xf32>
          %parallel_loop3A_979 = arith.mulf %parallel_loop3A_978, %parallel_loop3A_934 : vector<16xf32>
          %parallel_loop3A_980 = arith.index_cast %parallel_loop3A_484 : i32 to index
          %parallel_loop3A_981 = arith.constant 112 : index
          %parallel_loop3A_982 = tpu.vector_load %arg21[%parallel_loop3A_980, %parallel_loop3A_981] {strides = array<i32>} : memref<64x384xf32, #tpu.memory_space<vmem>>, vector<16xf32>,
          tpu.vector_store %arg21[%parallel_loop3A_980, %parallel_loop3A_981], %parallel_loop3A_979 {strides = array<i32>} : memref<64x384xf32, #tpu.memory_space<vmem>>, vector<16xf32>,
          %parallel_loop3A_983 = arith.subf %parallel_loop3A_627, %parallel_loop3A_888 : vector<16xf32>
          %parallel_loop3A_984 = arith.mulf %parallel_loop3A_983, %parallel_loop3A_934 : vector<16xf32>
          %parallel_loop3A_985 = arith.index_cast %parallel_loop3A_484 : i32 to index
          %parallel_loop3A_986 = arith.constant 128 : index
          %parallel_loop3A_987 = tpu.vector_load %arg21[%parallel_loop3A_985, %parallel_loop3A_986] {strides = array<i32>} : memref<64x384xf32, #tpu.memory_space<vmem>>, vector<16xf32>,
          tpu.vector_store %arg21[%parallel_loop3A_985, %parallel_loop3A_986], %parallel_loop3A_984 {strides = array<i32>} : memref<64x384xf32, #tpu.memory_space<vmem>>, vector<16xf32>,
          %parallel_loop3A_988 = arith.subf %parallel_loop3A_642, %parallel_loop3A_888 : vector<16xf32>
          %parallel_loop3A_989 = arith.mulf %parallel_loop3A_988, %parallel_loop3A_934 : vector<16xf32>
          %parallel_loop3A_990 = arith.index_cast %parallel_loop3A_484 : i32 to index
          %parallel_loop3A_991 = arith.constant 144 : index
          %parallel_loop3A_992 = tpu.vector_load %arg21[%parallel_loop3A_990, %parallel_loop3A_991] {strides = array<i32>} : memref<64x384xf32, #tpu.memory_space<vmem>>, vector<16xf32>,
          tpu.vector_store %arg21[%parallel_loop3A_990, %parallel_loop3A_991], %parallel_loop3A_989 {strides = array<i32>} : memref<64x384xf32, #tpu.memory_space<vmem>>, vector<16xf32>,
          %parallel_loop3A_993 = arith.subf %parallel_loop3A_657, %parallel_loop3A_888 : vector<16xf32>
          %parallel_loop3A_994 = arith.mulf %parallel_loop3A_993, %parallel_loop3A_934 : vector<16xf32>
          %parallel_loop3A_995 = arith.index_cast %parallel_loop3A_484 : i32 to index
          %parallel_loop3A_996 = arith.constant 160 : index
          %parallel_loop3A_997 = tpu.vector_load %arg21[%parallel_loop3A_995, %parallel_loop3A_996] {strides = array<i32>} : memref<64x384xf32, #tpu.memory_space<vmem>>, vector<16xf32>,
          tpu.vector_store %arg21[%parallel_loop3A_995, %parallel_loop3A_996], %parallel_loop3A_994 {strides = array<i32>} : memref<64x384xf32, #tpu.memory_space<vmem>>, vector<16xf32>,
          %parallel_loop3A_998 = arith.subf %parallel_loop3A_672, %parallel_loop3A_888 : vector<16xf32>
          %parallel_loop3A_999 = arith.mulf %parallel_loop3A_998, %parallel_loop3A_934 : vector<16xf32>
          %parallel_loop3A_1000 = arith.index_cast %parallel_loop3A_484 : i32 to index
          %parallel_loop3A_1001 = arith.constant 176 : index
          %parallel_loop3A_1002 = tpu.vector_load %arg21[%parallel_loop3A_1000, %parallel_loop3A_1001] {strides = array<i32>} : memref<64x384xf32, #tpu.memory_space<vmem>>, vector<16xf32>,
          tpu.vector_store %arg21[%parallel_loop3A_1000, %parallel_loop3A_1001], %parallel_loop3A_999 {strides = array<i32>} : memref<64x384xf32, #tpu.memory_space<vmem>>, vector<16xf32>,
          %parallel_loop3A_1003 = arith.subf %parallel_loop3A_687, %parallel_loop3A_888 : vector<16xf32>
          %parallel_loop3A_1004 = arith.mulf %parallel_loop3A_1003, %parallel_loop3A_934 : vector<16xf32>
          %parallel_loop3A_1005 = arith.index_cast %parallel_loop3A_484 : i32 to index
          %parallel_loop3A_1006 = arith.constant 192 : index
          %parallel_loop3A_1007 = tpu.vector_load %arg21[%parallel_loop3A_1005, %parallel_loop3A_1006] {strides = array<i32>} : memref<64x384xf32, #tpu.memory_space<vmem>>, vector<16xf32>,
          tpu.vector_store %arg21[%parallel_loop3A_1005, %parallel_loop3A_1006], %parallel_loop3A_1004 {strides = array<i32>} : memref<64x384xf32, #tpu.memory_space<vmem>>, vector<16xf32>,
          %parallel_loop3A_1008 = arith.subf %parallel_loop3A_702, %parallel_loop3A_888 : vector<16xf32>
          %parallel_loop3A_1009 = arith.mulf %parallel_loop3A_1008, %parallel_loop3A_934 : vector<16xf32>
          %parallel_loop3A_1010 = arith.index_cast %parallel_loop3A_484 : i32 to index
          %parallel_loop3A_1011 = arith.constant 208 : index
          %parallel_loop3A_1012 = tpu.vector_load %arg21[%parallel_loop3A_1010, %parallel_loop3A_1011] {strides = array<i32>} : memref<64x384xf32, #tpu.memory_space<vmem>>, vector<16xf32>,
          tpu.vector_store %arg21[%parallel_loop3A_1010, %parallel_loop3A_1011], %parallel_loop3A_1009 {strides = array<i32>} : memref<64x384xf32, #tpu.memory_space<vmem>>, vector<16xf32>,
          %parallel_loop3A_1013 = arith.subf %parallel_loop3A_717, %parallel_loop3A_888 : vector<16xf32>
          %parallel_loop3A_1014 = arith.mulf %parallel_loop3A_1013, %parallel_loop3A_934 : vector<16xf32>
          %parallel_loop3A_1015 = arith.index_cast %parallel_loop3A_484 : i32 to index
          %parallel_loop3A_1016 = arith.constant 224 : index
          %parallel_loop3A_1017 = tpu.vector_load %arg21[%parallel_loop3A_1015, %parallel_loop3A_1016] {strides = array<i32>} : memref<64x384xf32, #tpu.memory_space<vmem>>, vector<16xf32>,
          tpu.vector_store %arg21[%parallel_loop3A_1015, %parallel_loop3A_1016], %parallel_loop3A_1014 {strides = array<i32>} : memref<64x384xf32, #tpu.memory_space<vmem>>, vector<16xf32>,
          %parallel_loop3A_1018 = arith.subf %parallel_loop3A_732, %parallel_loop3A_888 : vector<16xf32>
          %parallel_loop3A_1019 = arith.mulf %parallel_loop3A_1018, %parallel_loop3A_934 : vector<16xf32>
          %parallel_loop3A_1020 = arith.index_cast %parallel_loop3A_484 : i32 to index
          %parallel_loop3A_1021 = arith.constant 240 : index
          %parallel_loop3A_1022 = tpu.vector_load %arg21[%parallel_loop3A_1020, %parallel_loop3A_1021] {strides = array<i32>} : memref<64x384xf32, #tpu.memory_space<vmem>>, vector<16xf32>,
          tpu.vector_store %arg21[%parallel_loop3A_1020, %parallel_loop3A_1021], %parallel_loop3A_1019 {strides = array<i32>} : memref<64x384xf32, #tpu.memory_space<vmem>>, vector<16xf32>,
          %parallel_loop3A_1023 = arith.subf %parallel_loop3A_747, %parallel_loop3A_888 : vector<16xf32>
          %parallel_loop3A_1024 = arith.mulf %parallel_loop3A_1023, %parallel_loop3A_934 : vector<16xf32>
          %parallel_loop3A_1025 = arith.index_cast %parallel_loop3A_484 : i32 to index
          %parallel_loop3A_1026 = arith.constant 256 : index
          %parallel_loop3A_1027 = tpu.vector_load %arg21[%parallel_loop3A_1025, %parallel_loop3A_1026] {strides = array<i32>} : memref<64x384xf32, #tpu.memory_space<vmem>>, vector<16xf32>,
          tpu.vector_store %arg21[%parallel_loop3A_1025, %parallel_loop3A_1026], %parallel_loop3A_1024 {strides = array<i32>} : memref<64x384xf32, #tpu.memory_space<vmem>>, vector<16xf32>,
          %parallel_loop3A_1028 = arith.subf %parallel_loop3A_762, %parallel_loop3A_888 : vector<16xf32>
          %parallel_loop3A_1029 = arith.mulf %parallel_loop3A_1028, %parallel_loop3A_934 : vector<16xf32>
          %parallel_loop3A_1030 = arith.index_cast %parallel_loop3A_484 : i32 to index
          %parallel_loop3A_1031 = arith.constant 272 : index
          %parallel_loop3A_1032 = tpu.vector_load %arg21[%parallel_loop3A_1030, %parallel_loop3A_1031] {strides = array<i32>} : memref<64x384xf32, #tpu.memory_space<vmem>>, vector<16xf32>,
          tpu.vector_store %arg21[%parallel_loop3A_1030, %parallel_loop3A_1031], %parallel_loop3A_1029 {strides = array<i32>} : memref<64x384xf32, #tpu.memory_space<vmem>>, vector<16xf32>,
          %parallel_loop3A_1033 = arith.subf %parallel_loop3A_777, %parallel_loop3A_888 : vector<16xf32>
          %parallel_loop3A_1034 = arith.mulf %parallel_loop3A_1033, %parallel_loop3A_934 : vector<16xf32>
          %parallel_loop3A_1035 = arith.index_cast %parallel_loop3A_484 : i32 to index
          %parallel_loop3A_1036 = arith.constant 288 : index
          %parallel_loop3A_1037 = tpu.vector_load %arg21[%parallel_loop3A_1035, %parallel_loop3A_1036] {strides = array<i32>} : memref<64x384xf32, #tpu.memory_space<vmem>>, vector<16xf32>,
          tpu.vector_store %arg21[%parallel_loop3A_1035, %parallel_loop3A_1036], %parallel_loop3A_1034 {strides = array<i32>} : memref<64x384xf32, #tpu.memory_space<vmem>>, vector<16xf32>,
          %parallel_loop3A_1038 = arith.subf %parallel_loop3A_792, %parallel_loop3A_888 : vector<16xf32>
          %parallel_loop3A_1039 = arith.mulf %parallel_loop3A_1038, %parallel_loop3A_934 : vector<16xf32>
          %parallel_loop3A_1040 = arith.index_cast %parallel_loop3A_484 : i32 to index
          %parallel_loop3A_1041 = arith.constant 304 : index
          %parallel_loop3A_1042 = tpu.vector_load %arg21[%parallel_loop3A_1040, %parallel_loop3A_1041] {strides = array<i32>} : memref<64x384xf32, #tpu.memory_space<vmem>>, vector<16xf32>,
          tpu.vector_store %arg21[%parallel_loop3A_1040, %parallel_loop3A_1041], %parallel_loop3A_1039 {strides = array<i32>} : memref<64x384xf32, #tpu.memory_space<vmem>>, vector<16xf32>,
        } else {
        }
        %parallel_loop3A_938 = arith.constant true
        %parallel_loop3A_939 = arith.xori %eq3A_301, %parallel_loop3A_938 : i1
        %parallel_loop3A_940 = arith.extui %parallel_loop3A_939 : i1 to i32
        %parallel_loop3A_941 = arith.constant 0 : i32
        %parallel_loop3A_942 = arith.cmpi ne, %parallel_loop3A_940, %parallel_loop3A_941 : i32
        scf.if %parallel_loop3A_942 {
          %parallel_loop3A_943 = arith.subf %parallel_loop3A_507, %parallel_loop3A_888 : vector<16xf32>
          %parallel_loop3A_944 = arith.mulf %parallel_loop3A_943, %parallel_loop3A_934 : vector<16xf32>
          %parallel_loop3A_945 = arith.constant 0 : index
          %parallel_loop3A_946 = tpu.vector_load %arg27[%parallel_loop3A_945] {strides = array<i32>} : memref<384xf32, #tpu.memory_space<vmem>>, vector<16xf32>,
          %parallel_loop3A_947 = arith.mulf %parallel_loop3A_944, %parallel_loop3A_946 : vector<16xf32>
          %parallel_loop3A_948 = arith.constant 0 : index
          %parallel_loop3A_949 = tpu.vector_load %arg28[%parallel_loop3A_948] {strides = array<i32>} : memref<384xf32, #tpu.memory_space<vmem>>, vector<16xf32>,
          %parallel_loop3A_950 = arith.addf %parallel_loop3A_947, %parallel_loop3A_949 : vector<16xf32>
          %parallel_loop3A_951 = arith.index_cast %parallel_loop3A_484 : i32 to index
          %parallel_loop3A_952 = arith.constant 0 : index
          %parallel_loop3A_953 = tpu.vector_load %arg21[%parallel_loop3A_951, %parallel_loop3A_952] {strides = array<i32>} : memref<64x384xf32, #tpu.memory_space<vmem>>, vector<16xf32>,
          tpu.vector_store %arg21[%parallel_loop3A_951, %parallel_loop3A_952], %parallel_loop3A_950 {strides = array<i32>} : memref<64x384xf32, #tpu.memory_space<vmem>>, vector<16xf32>,
          %parallel_loop3A_954 = arith.subf %parallel_loop3A_522, %parallel_loop3A_888 : vector<16xf32>
          %parallel_loop3A_955 = arith.mulf %parallel_loop3A_954, %parallel_loop3A_934 : vector<16xf32>
          %parallel_loop3A_956 = arith.constant 16 : index
          %parallel_loop3A_957 = tpu.vector_load %arg27[%parallel_loop3A_956] {strides = array<i32>} : memref<384xf32, #tpu.memory_space<vmem>>, vector<16xf32>,
          %parallel_loop3A_958 = arith.mulf %parallel_loop3A_955, %parallel_loop3A_957 : vector<16xf32>
          %parallel_loop3A_959 = arith.constant 16 : index
          %parallel_loop3A_960 = tpu.vector_load %arg28[%parallel_loop3A_959] {strides = array<i32>} : memref<384xf32, #tpu.memory_space<vmem>>, vector<16xf32>,
          %parallel_loop3A_961 = arith.addf %parallel_loop3A_958, %parallel_loop3A_960 : vector<16xf32>
          %parallel_loop3A_962 = arith.index_cast %parallel_loop3A_484 : i32 to index
          %parallel_loop3A_963 = arith.constant 16 : index
          %parallel_loop3A_964 = tpu.vector_load %arg21[%parallel_loop3A_962, %parallel_loop3A_963] {strides = array<i32>} : memref<64x384xf32, #tpu.memory_space<vmem>>, vector<16xf32>,
          tpu.vector_store %arg21[%parallel_loop3A_962, %parallel_loop3A_963], %parallel_loop3A_961 {strides = array<i32>} : memref<64x384xf32, #tpu.memory_space<vmem>>, vector<16xf32>,
          %parallel_loop3A_965 = arith.subf %parallel_loop3A_537, %parallel_loop3A_888 : vector<16xf32>
          %parallel_loop3A_966 = arith.mulf %parallel_loop3A_965, %parallel_loop3A_934 : vector<16xf32>
          %parallel_loop3A_967 = arith.constant 32 : index
          %parallel_loop3A_968 = tpu.vector_load %arg27[%parallel_loop3A_967] {strides = array<i32>} : memref<384xf32, #tpu.memory_space<vmem>>, vector<16xf32>,
          %parallel_loop3A_969 = arith.mulf %parallel_loop3A_966, %parallel_loop3A_968 : vector<16xf32>
          %parallel_loop3A_970 = arith.constant 32 : index
          %parallel_loop3A_971 = tpu.vector_load %arg28[%parallel_loop3A_970] {strides = array<i32>} : memref<384xf32, #tpu.memory_space<vmem>>, vector<16xf32>,
          %parallel_loop3A_972 = arith.addf %parallel_loop3A_969, %parallel_loop3A_971 : vector<16xf32>
          %parallel_loop3A_973 = arith.index_cast %parallel_loop3A_484 : i32 to index
          %parallel_loop3A_974 = arith.constant 32 : index
          %parallel_loop3A_975 = tpu.vector_load %arg21[%parallel_loop3A_973, %parallel_loop3A_974] {strides = array<i32>} : memref<64x384xf32, #tpu.memory_space<vmem>>, vector<16xf32>,
          tpu.vector_store %arg21[%parallel_loop3A_973, %parallel_loop3A_974], %parallel_loop3A_972 {strides = array<i32>} : memref<64x384xf32, #tpu.memory_space<vmem>>, vector<16xf32>,
          %parallel_loop3A_976 = arith.subf %parallel_loop3A_552, %parallel_loop3A_888 : vector<16xf32>
          %parallel_loop3A_977 = arith.mulf %parallel_loop3A_976, %parallel_loop3A_934 : vector<16xf32>
          %parallel_loop3A_978 = arith.constant 48 : index
          %parallel_loop3A_979 = tpu.vector_load %arg27[%parallel_loop3A_978] {strides = array<i32>} : memref<384xf32, #tpu.memory_space<vmem>>, vector<16xf32>,
          %parallel_loop3A_980 = arith.mulf %parallel_loop3A_977, %parallel_loop3A_979 : vector<16xf32>
          %parallel_loop3A_981 = arith.constant 48 : index
          %parallel_loop3A_982 = tpu.vector_load %arg28[%parallel_loop3A_981] {strides = array<i32>} : memref<384xf32, #tpu.memory_space<vmem>>, vector<16xf32>,
          %parallel_loop3A_983 = arith.addf %parallel_loop3A_980, %parallel_loop3A_982 : vector<16xf32>
          %parallel_loop3A_984 = arith.index_cast %parallel_loop3A_484 : i32 to index
          %parallel_loop3A_985 = arith.constant 48 : index
          %parallel_loop3A_986 = tpu.vector_load %arg21[%parallel_loop3A_984, %parallel_loop3A_985] {strides = array<i32>} : memref<64x384xf32, #tpu.memory_space<vmem>>, vector<16xf32>,
          tpu.vector_store %arg21[%parallel_loop3A_984, %parallel_loop3A_985], %parallel_loop3A_983 {strides = array<i32>} : memref<64x384xf32, #tpu.memory_space<vmem>>, vector<16xf32>,
          %parallel_loop3A_987 = arith.subf %parallel_loop3A_567, %parallel_loop3A_888 : vector<16xf32>
          %parallel_loop3A_988 = arith.mulf %parallel_loop3A_987, %parallel_loop3A_934 : vector<16xf32>
          %parallel_loop3A_989 = arith.constant 64 : index
          %parallel_loop3A_990 = tpu.vector_load %arg27[%parallel_loop3A_989] {strides = array<i32>} : memref<384xf32, #tpu.memory_space<vmem>>, vector<16xf32>,
          %parallel_loop3A_991 = arith.mulf %parallel_loop3A_988, %parallel_loop3A_990 : vector<16xf32>
          %parallel_loop3A_992 = arith.constant 64 : index
          %parallel_loop3A_993 = tpu.vector_load %arg28[%parallel_loop3A_992] {strides = array<i32>} : memref<384xf32, #tpu.memory_space<vmem>>, vector<16xf32>,
          %parallel_loop3A_994 = arith.addf %parallel_loop3A_991, %parallel_loop3A_993 : vector<16xf32>
          %parallel_loop3A_995 = arith.index_cast %parallel_loop3A_484 : i32 to index
          %parallel_loop3A_996 = arith.constant 64 : index
          %parallel_loop3A_997 = tpu.vector_load %arg21[%parallel_loop3A_995, %parallel_loop3A_996] {strides = array<i32>} : memref<64x384xf32, #tpu.memory_space<vmem>>, vector<16xf32>,
          tpu.vector_store %arg21[%parallel_loop3A_995, %parallel_loop3A_996], %parallel_loop3A_994 {strides = array<i32>} : memref<64x384xf32, #tpu.memory_space<vmem>>, vector<16xf32>,
          %parallel_loop3A_998 = arith.subf %parallel_loop3A_582, %parallel_loop3A_888 : vector<16xf32>
          %parallel_loop3A_999 = arith.mulf %parallel_loop3A_998, %parallel_loop3A_934 : vector<16xf32>
          %parallel_loop3A_1000 = arith.constant 80 : index
          %parallel_loop3A_1001 = tpu.vector_load %arg27[%parallel_loop3A_1000] {strides = array<i32>} : memref<384xf32, #tpu.memory_space<vmem>>, vector<16xf32>,
          %parallel_loop3A_1002 = arith.mulf %parallel_loop3A_999, %parallel_loop3A_1001 : vector<16xf32>
          %parallel_loop3A_1003 = arith.constant 80 : index
          %parallel_loop3A_1004 = tpu.vector_load %arg28[%parallel_loop3A_1003] {strides = array<i32>} : memref<384xf32, #tpu.memory_space<vmem>>, vector<16xf32>,
          %parallel_loop3A_1005 = arith.addf %parallel_loop3A_1002, %parallel_loop3A_1004 : vector<16xf32>
          %parallel_loop3A_1006 = arith.index_cast %parallel_loop3A_484 : i32 to index
          %parallel_loop3A_1007 = arith.constant 80 : index
          %parallel_loop3A_1008 = tpu.vector_load %arg21[%parallel_loop3A_1006, %parallel_loop3A_1007] {strides = array<i32>} : memref<64x384xf32, #tpu.memory_space<vmem>>, vector<16xf32>,
          tpu.vector_store %arg21[%parallel_loop3A_1006, %parallel_loop3A_1007], %parallel_loop3A_1005 {strides = array<i32>} : memref<64x384xf32, #tpu.memory_space<vmem>>, vector<16xf32>,
          %parallel_loop3A_1009 = arith.subf %parallel_loop3A_597, %parallel_loop3A_888 : vector<16xf32>
          %parallel_loop3A_1010 = arith.mulf %parallel_loop3A_1009, %parallel_loop3A_934 : vector<16xf32>
          %parallel_loop3A_1011 = arith.constant 96 : index
          %parallel_loop3A_1012 = tpu.vector_load %arg27[%parallel_loop3A_1011] {strides = array<i32>} : memref<384xf32, #tpu.memory_space<vmem>>, vector<16xf32>,
          %parallel_loop3A_1013 = arith.mulf %parallel_loop3A_1010, %parallel_loop3A_1012 : vector<16xf32>
          %parallel_loop3A_1014 = arith.constant 96 : index
          %parallel_loop3A_1015 = tpu.vector_load %arg28[%parallel_loop3A_1014] {strides = array<i32>} : memref<384xf32, #tpu.memory_space<vmem>>, vector<16xf32>,
          %parallel_loop3A_1016 = arith.addf %parallel_loop3A_1013, %parallel_loop3A_1015 : vector<16xf32>
          %parallel_loop3A_1017 = arith.index_cast %parallel_loop3A_484 : i32 to index
          %parallel_loop3A_1018 = arith.constant 96 : index
          %parallel_loop3A_1019 = tpu.vector_load %arg21[%parallel_loop3A_1017, %parallel_loop3A_1018] {strides = array<i32>} : memref<64x384xf32, #tpu.memory_space<vmem>>, vector<16xf32>,
          tpu.vector_store %arg21[%parallel_loop3A_1017, %parallel_loop3A_1018], %parallel_loop3A_1016 {strides = array<i32>} : memref<64x384xf32, #tpu.memory_space<vmem>>, vector<16xf32>,
          %parallel_loop3A_1020 = arith.subf %parallel_loop3A_612, %parallel_loop3A_888 : vector<16xf32>
          %parallel_loop3A_1021 = arith.mulf %parallel_loop3A_1020, %parallel_loop3A_934 : vector<16xf32>
          %parallel_loop3A_1022 = arith.constant 112 : index
          %parallel_loop3A_1023 = tpu.vector_load %arg27[%parallel_loop3A_1022] {strides = array<i32>} : memref<384xf32, #tpu.memory_space<vmem>>, vector<16xf32>,
          %parallel_loop3A_1024 = arith.mulf %parallel_loop3A_1021, %parallel_loop3A_1023 : vector<16xf32>
          %parallel_loop3A_1025 = arith.constant 112 : index
          %parallel_loop3A_1026 = tpu.vector_load %arg28[%parallel_loop3A_1025] {strides = array<i32>} : memref<384xf32, #tpu.memory_space<vmem>>, vector<16xf32>,
          %parallel_loop3A_1027 = arith.addf %parallel_loop3A_1024, %parallel_loop3A_1026 : vector<16xf32>
          %parallel_loop3A_1028 = arith.index_cast %parallel_loop3A_484 : i32 to index
          %parallel_loop3A_1029 = arith.constant 112 : index
          %parallel_loop3A_1030 = tpu.vector_load %arg21[%parallel_loop3A_1028, %parallel_loop3A_1029] {strides = array<i32>} : memref<64x384xf32, #tpu.memory_space<vmem>>, vector<16xf32>,
          tpu.vector_store %arg21[%parallel_loop3A_1028, %parallel_loop3A_1029], %parallel_loop3A_1027 {strides = array<i32>} : memref<64x384xf32, #tpu.memory_space<vmem>>, vector<16xf32>,
          %parallel_loop3A_1031 = arith.subf %parallel_loop3A_627, %parallel_loop3A_888 : vector<16xf32>
          %parallel_loop3A_1032 = arith.mulf %parallel_loop3A_1031, %parallel_loop3A_934 : vector<16xf32>
          %parallel_loop3A_1033 = arith.constant 128 : index
          %parallel_loop3A_1034 = tpu.vector_load %arg27[%parallel_loop3A_1033] {strides = array<i32>} : memref<384xf32, #tpu.memory_space<vmem>>, vector<16xf32>,
          %parallel_loop3A_1035 = arith.mulf %parallel_loop3A_1032, %parallel_loop3A_1034 : vector<16xf32>
          %parallel_loop3A_1036 = arith.constant 128 : index
          %parallel_loop3A_1037 = tpu.vector_load %arg28[%parallel_loop3A_1036] {strides = array<i32>} : memref<384xf32, #tpu.memory_space<vmem>>, vector<16xf32>,
          %parallel_loop3A_1038 = arith.addf %parallel_loop3A_1035, %parallel_loop3A_1037 : vector<16xf32>
          %parallel_loop3A_1039 = arith.index_cast %parallel_loop3A_484 : i32 to index
          %parallel_loop3A_1040 = arith.constant 128 : index
          %parallel_loop3A_1041 = tpu.vector_load %arg21[%parallel_loop3A_1039, %parallel_loop3A_1040] {strides = array<i32>} : memref<64x384xf32, #tpu.memory_space<vmem>>, vector<16xf32>,
          tpu.vector_store %arg21[%parallel_loop3A_1039, %parallel_loop3A_1040], %parallel_loop3A_1038 {strides = array<i32>} : memref<64x384xf32, #tpu.memory_space<vmem>>, vector<16xf32>,
          %parallel_loop3A_1042 = arith.subf %parallel_loop3A_642, %parallel_loop3A_888 : vector<16xf32>
          %parallel_loop3A_1043 = arith.mulf %parallel_loop3A_1042, %parallel_loop3A_934 : vector<16xf32>
          %parallel_loop3A_1044 = arith.constant 144 : index
          %parallel_loop3A_1045 = tpu.vector_load %arg27[%parallel_loop3A_1044] {strides = array<i32>} : memref<384xf32, #tpu.memory_space<vmem>>, vector<16xf32>,
          %parallel_loop3A_1046 = arith.mulf %parallel_loop3A_1043, %parallel_loop3A_1045 : vector<16xf32>
          %parallel_loop3A_1047 = arith.constant 144 : index
          %parallel_loop3A_1048 = tpu.vector_load %arg28[%parallel_loop3A_1047] {strides = array<i32>} : memref<384xf32, #tpu.memory_space<vmem>>, vector<16xf32>,
          %parallel_loop3A_1049 = arith.addf %parallel_loop3A_1046, %parallel_loop3A_1048 : vector<16xf32>
          %parallel_loop3A_1050 = arith.index_cast %parallel_loop3A_484 : i32 to index
          %parallel_loop3A_1051 = arith.constant 144 : index
          %parallel_loop3A_1052 = tpu.vector_load %arg21[%parallel_loop3A_1050, %parallel_loop3A_1051] {strides = array<i32>} : memref<64x384xf32, #tpu.memory_space<vmem>>, vector<16xf32>,
          tpu.vector_store %arg21[%parallel_loop3A_1050, %parallel_loop3A_1051], %parallel_loop3A_1049 {strides = array<i32>} : memref<64x384xf32, #tpu.memory_space<vmem>>, vector<16xf32>,
          %parallel_loop3A_1053 = arith.subf %parallel_loop3A_657, %parallel_loop3A_888 : vector<16xf32>
          %parallel_loop3A_1054 = arith.mulf %parallel_loop3A_1053, %parallel_loop3A_934 : vector<16xf32>
          %parallel_loop3A_1055 = arith.constant 160 : index
          %parallel_loop3A_1056 = tpu.vector_load %arg27[%parallel_loop3A_1055] {strides = array<i32>} : memref<384xf32, #tpu.memory_space<vmem>>, vector<16xf32>,
          %parallel_loop3A_1057 = arith.mulf %parallel_loop3A_1054, %parallel_loop3A_1056 : vector<16xf32>
          %parallel_loop3A_1058 = arith.constant 160 : index
          %parallel_loop3A_1059 = tpu.vector_load %arg28[%parallel_loop3A_1058] {strides = array<i32>} : memref<384xf32, #tpu.memory_space<vmem>>, vector<16xf32>,
          %parallel_loop3A_1060 = arith.addf %parallel_loop3A_1057, %parallel_loop3A_1059 : vector<16xf32>
          %parallel_loop3A_1061 = arith.index_cast %parallel_loop3A_484 : i32 to index
          %parallel_loop3A_1062 = arith.constant 160 : index
          %parallel_loop3A_1063 = tpu.vector_load %arg21[%parallel_loop3A_1061, %parallel_loop3A_1062] {strides = array<i32>} : memref<64x384xf32, #tpu.memory_space<vmem>>, vector<16xf32>,
          tpu.vector_store %arg21[%parallel_loop3A_1061, %parallel_loop3A_1062], %parallel_loop3A_1060 {strides = array<i32>} : memref<64x384xf32, #tpu.memory_space<vmem>>, vector<16xf32>,
          %parallel_loop3A_1064 = arith.subf %parallel_loop3A_672, %parallel_loop3A_888 : vector<16xf32>
          %parallel_loop3A_1065 = arith.mulf %parallel_loop3A_1064, %parallel_loop3A_934 : vector<16xf32>
          %parallel_loop3A_1066 = arith.constant 176 : index
          %parallel_loop3A_1067 = tpu.vector_load %arg27[%parallel_loop3A_1066] {strides = array<i32>} : memref<384xf32, #tpu.memory_space<vmem>>, vector<16xf32>,
          %parallel_loop3A_1068 = arith.mulf %parallel_loop3A_1065, %parallel_loop3A_1067 : vector<16xf32>
          %parallel_loop3A_1069 = arith.constant 176 : index
          %parallel_loop3A_1070 = tpu.vector_load %arg28[%parallel_loop3A_1069] {strides = array<i32>} : memref<384xf32, #tpu.memory_space<vmem>>, vector<16xf32>,
          %parallel_loop3A_1071 = arith.addf %parallel_loop3A_1068, %parallel_loop3A_1070 : vector<16xf32>
          %parallel_loop3A_1072 = arith.index_cast %parallel_loop3A_484 : i32 to index
          %parallel_loop3A_1073 = arith.constant 176 : index
          %parallel_loop3A_1074 = tpu.vector_load %arg21[%parallel_loop3A_1072, %parallel_loop3A_1073] {strides = array<i32>} : memref<64x384xf32, #tpu.memory_space<vmem>>, vector<16xf32>,
          tpu.vector_store %arg21[%parallel_loop3A_1072, %parallel_loop3A_1073], %parallel_loop3A_1071 {strides = array<i32>} : memref<64x384xf32, #tpu.memory_space<vmem>>, vector<16xf32>,
          %parallel_loop3A_1075 = arith.subf %parallel_loop3A_687, %parallel_loop3A_888 : vector<16xf32>
          %parallel_loop3A_1076 = arith.mulf %parallel_loop3A_1075, %parallel_loop3A_934 : vector<16xf32>
          %parallel_loop3A_1077 = arith.constant 192 : index
          %parallel_loop3A_1078 = tpu.vector_load %arg27[%parallel_loop3A_1077] {strides = array<i32>} : memref<384xf32, #tpu.memory_space<vmem>>, vector<16xf32>,
          %parallel_loop3A_1079 = arith.mulf %parallel_loop3A_1076, %parallel_loop3A_1078 : vector<16xf32>
          %parallel_loop3A_1080 = arith.constant 192 : index
          %parallel_loop3A_1081 = tpu.vector_load %arg28[%parallel_loop3A_1080] {strides = array<i32>} : memref<384xf32, #tpu.memory_space<vmem>>, vector<16xf32>,
          %parallel_loop3A_1082 = arith.addf %parallel_loop3A_1079, %parallel_loop3A_1081 : vector<16xf32>
          %parallel_loop3A_1083 = arith.index_cast %parallel_loop3A_484 : i32 to index
          %parallel_loop3A_1084 = arith.constant 192 : index
          %parallel_loop3A_1085 = tpu.vector_load %arg21[%parallel_loop3A_1083, %parallel_loop3A_1084] {strides = array<i32>} : memref<64x384xf32, #tpu.memory_space<vmem>>, vector<16xf32>,
          tpu.vector_store %arg21[%parallel_loop3A_1083, %parallel_loop3A_1084], %parallel_loop3A_1082 {strides = array<i32>} : memref<64x384xf32, #tpu.memory_space<vmem>>, vector<16xf32>,
          %parallel_loop3A_1086 = arith.subf %parallel_loop3A_702, %parallel_loop3A_888 : vector<16xf32>
          %parallel_loop3A_1087 = arith.mulf %parallel_loop3A_1086, %parallel_loop3A_934 : vector<16xf32>
          %parallel_loop3A_1088 = arith.constant 208 : index
          %parallel_loop3A_1089 = tpu.vector_load %arg27[%parallel_loop3A_1088] {strides = array<i32>} : memref<384xf32, #tpu.memory_space<vmem>>, vector<16xf32>,
          %parallel_loop3A_1090 = arith.mulf %parallel_loop3A_1087, %parallel_loop3A_1089 : vector<16xf32>
          %parallel_loop3A_1091 = arith.constant 208 : index
          %parallel_loop3A_1092 = tpu.vector_load %arg28[%parallel_loop3A_1091] {strides = array<i32>} : memref<384xf32, #tpu.memory_space<vmem>>, vector<16xf32>,
          %parallel_loop3A_1093 = arith.addf %parallel_loop3A_1090, %parallel_loop3A_1092 : vector<16xf32>
          %parallel_loop3A_1094 = arith.index_cast %parallel_loop3A_484 : i32 to index
          %parallel_loop3A_1095 = arith.constant 208 : index
          %parallel_loop3A_1096 = tpu.vector_load %arg21[%parallel_loop3A_1094, %parallel_loop3A_1095] {strides = array<i32>} : memref<64x384xf32, #tpu.memory_space<vmem>>, vector<16xf32>,
          tpu.vector_store %arg21[%parallel_loop3A_1094, %parallel_loop3A_1095], %parallel_loop3A_1093 {strides = array<i32>} : memref<64x384xf32, #tpu.memory_space<vmem>>, vector<16xf32>,
          %parallel_loop3A_1097 = arith.subf %parallel_loop3A_717, %parallel_loop3A_888 : vector<16xf32>
          %parallel_loop3A_1098 = arith.mulf %parallel_loop3A_1097, %parallel_loop3A_934 : vector<16xf32>
          %parallel_loop3A_1099 = arith.constant 224 : index
          %parallel_loop3A_1100 = tpu.vector_load %arg27[%parallel_loop3A_1099] {strides = array<i32>} : memref<384xf32, #tpu.memory_space<vmem>>, vector<16xf32>,
          %parallel_loop3A_1101 = arith.mulf %parallel_loop3A_1098, %parallel_loop3A_1100 : vector<16xf32>
          %parallel_loop3A_1102 = arith.constant 224 : index
          %parallel_loop3A_1103 = tpu.vector_load %arg28[%parallel_loop3A_1102] {strides = array<i32>} : memref<384xf32, #tpu.memory_space<vmem>>, vector<16xf32>,
          %parallel_loop3A_1104 = arith.addf %parallel_loop3A_1101, %parallel_loop3A_1103 : vector<16xf32>
          %parallel_loop3A_1105 = arith.index_cast %parallel_loop3A_484 : i32 to index
          %parallel_loop3A_1106 = arith.constant 224 : index
          %parallel_loop3A_1107 = tpu.vector_load %arg21[%parallel_loop3A_1105, %parallel_loop3A_1106] {strides = array<i32>} : memref<64x384xf32, #tpu.memory_space<vmem>>, vector<16xf32>,
          tpu.vector_store %arg21[%parallel_loop3A_1105, %parallel_loop3A_1106], %parallel_loop3A_1104 {strides = array<i32>} : memref<64x384xf32, #tpu.memory_space<vmem>>, vector<16xf32>,
          %parallel_loop3A_1108 = arith.subf %parallel_loop3A_732, %parallel_loop3A_888 : vector<16xf32>
          %parallel_loop3A_1109 = arith.mulf %parallel_loop3A_1108, %parallel_loop3A_934 : vector<16xf32>
          %parallel_loop3A_1110 = arith.constant 240 : index
          %parallel_loop3A_1111 = tpu.vector_load %arg27[%parallel_loop3A_1110] {strides = array<i32>} : memref<384xf32, #tpu.memory_space<vmem>>, vector<16xf32>,
          %parallel_loop3A_1112 = arith.mulf %parallel_loop3A_1109, %parallel_loop3A_1111 : vector<16xf32>
          %parallel_loop3A_1113 = arith.constant 240 : index
          %parallel_loop3A_1114 = tpu.vector_load %arg28[%parallel_loop3A_1113] {strides = array<i32>} : memref<384xf32, #tpu.memory_space<vmem>>, vector<16xf32>,
          %parallel_loop3A_1115 = arith.addf %parallel_loop3A_1112, %parallel_loop3A_1114 : vector<16xf32>
          %parallel_loop3A_1116 = arith.index_cast %parallel_loop3A_484 : i32 to index
          %parallel_loop3A_1117 = arith.constant 240 : index
          %parallel_loop3A_1118 = tpu.vector_load %arg21[%parallel_loop3A_1116, %parallel_loop3A_1117] {strides = array<i32>} : memref<64x384xf32, #tpu.memory_space<vmem>>, vector<16xf32>,
          tpu.vector_store %arg21[%parallel_loop3A_1116, %parallel_loop3A_1117], %parallel_loop3A_1115 {strides = array<i32>} : memref<64x384xf32, #tpu.memory_space<vmem>>, vector<16xf32>,
          %parallel_loop3A_1119 = arith.subf %parallel_loop3A_747, %parallel_loop3A_888 : vector<16xf32>
          %parallel_loop3A_1120 = arith.mulf %parallel_loop3A_1119, %parallel_loop3A_934 : vector<16xf32>
          %parallel_loop3A_1121 = arith.constant 256 : index
          %parallel_loop3A_1122 = tpu.vector_load %arg27[%parallel_loop3A_1121] {strides = array<i32>} : memref<384xf32, #tpu.memory_space<vmem>>, vector<16xf32>,
          %parallel_loop3A_1123 = arith.mulf %parallel_loop3A_1120, %parallel_loop3A_1122 : vector<16xf32>
          %parallel_loop3A_1124 = arith.constant 256 : index
          %parallel_loop3A_1125 = tpu.vector_load %arg28[%parallel_loop3A_1124] {strides = array<i32>} : memref<384xf32, #tpu.memory_space<vmem>>, vector<16xf32>,
          %parallel_loop3A_1126 = arith.addf %parallel_loop3A_1123, %parallel_loop3A_1125 : vector<16xf32>
          %parallel_loop3A_1127 = arith.index_cast %parallel_loop3A_484 : i32 to index
          %parallel_loop3A_1128 = arith.constant 256 : index
          %parallel_loop3A_1129 = tpu.vector_load %arg21[%parallel_loop3A_1127, %parallel_loop3A_1128] {strides = array<i32>} : memref<64x384xf32, #tpu.memory_space<vmem>>, vector<16xf32>,
          tpu.vector_store %arg21[%parallel_loop3A_1127, %parallel_loop3A_1128], %parallel_loop3A_1126 {strides = array<i32>} : memref<64x384xf32, #tpu.memory_space<vmem>>, vector<16xf32>,
          %parallel_loop3A_1130 = arith.subf %parallel_loop3A_762, %parallel_loop3A_888 : vector<16xf32>
          %parallel_loop3A_1131 = arith.mulf %parallel_loop3A_1130, %parallel_loop3A_934 : vector<16xf32>
          %parallel_loop3A_1132 = arith.constant 272 : index
          %parallel_loop3A_1133 = tpu.vector_load %arg27[%parallel_loop3A_1132] {strides = array<i32>} : memref<384xf32, #tpu.memory_space<vmem>>, vector<16xf32>,
          %parallel_loop3A_1134 = arith.mulf %parallel_loop3A_1131, %parallel_loop3A_1133 : vector<16xf32>
          %parallel_loop3A_1135 = arith.constant 272 : index
          %parallel_loop3A_1136 = tpu.vector_load %arg28[%parallel_loop3A_1135] {strides = array<i32>} : memref<384xf32, #tpu.memory_space<vmem>>, vector<16xf32>,
          %parallel_loop3A_1137 = arith.addf %parallel_loop3A_1134, %parallel_loop3A_1136 : vector<16xf32>
          %parallel_loop3A_1138 = arith.index_cast %parallel_loop3A_484 : i32 to index
          %parallel_loop3A_1139 = arith.constant 272 : index
          %parallel_loop3A_1140 = tpu.vector_load %arg21[%parallel_loop3A_1138, %parallel_loop3A_1139] {strides = array<i32>} : memref<64x384xf32, #tpu.memory_space<vmem>>, vector<16xf32>,
          tpu.vector_store %arg21[%parallel_loop3A_1138, %parallel_loop3A_1139], %parallel_loop3A_1137 {strides = array<i32>} : memref<64x384xf32, #tpu.memory_space<vmem>>, vector<16xf32>,
          %parallel_loop3A_1141 = arith.subf %parallel_loop3A_777, %parallel_loop3A_888 : vector<16xf32>
          %parallel_loop3A_1142 = arith.mulf %parallel_loop3A_1141, %parallel_loop3A_934 : vector<16xf32>
          %parallel_loop3A_1143 = arith.constant 288 : index
          %parallel_loop3A_1144 = tpu.vector_load %arg27[%parallel_loop3A_1143] {strides = array<i32>} : memref<384xf32, #tpu.memory_space<vmem>>, vector<16xf32>,
          %parallel_loop3A_1145 = arith.mulf %parallel_loop3A_1142, %parallel_loop3A_1144 : vector<16xf32>
          %parallel_loop3A_1146 = arith.constant 288 : index
          %parallel_loop3A_1147 = tpu.vector_load %arg28[%parallel_loop3A_1146] {strides = array<i32>} : memref<384xf32, #tpu.memory_space<vmem>>, vector<16xf32>,
          %parallel_loop3A_1148 = arith.addf %parallel_loop3A_1145, %parallel_loop3A_1147 : vector<16xf32>
          %parallel_loop3A_1149 = arith.index_cast %parallel_loop3A_484 : i32 to index
          %parallel_loop3A_1150 = arith.constant 288 : index
          %parallel_loop3A_1151 = tpu.vector_load %arg21[%parallel_loop3A_1149, %parallel_loop3A_1150] {strides = array<i32>} : memref<64x384xf32, #tpu.memory_space<vmem>>, vector<16xf32>,
          tpu.vector_store %arg21[%parallel_loop3A_1149, %parallel_loop3A_1150], %parallel_loop3A_1148 {strides = array<i32>} : memref<64x384xf32, #tpu.memory_space<vmem>>, vector<16xf32>,
          %parallel_loop3A_1152 = arith.subf %parallel_loop3A_792, %parallel_loop3A_888 : vector<16xf32>
          %parallel_loop3A_1153 = arith.mulf %parallel_loop3A_1152, %parallel_loop3A_934 : vector<16xf32>
          %parallel_loop3A_1154 = arith.constant 304 : index
          %parallel_loop3A_1155 = tpu.vector_load %arg27[%parallel_loop3A_1154] {strides = array<i32>} : memref<384xf32, #tpu.memory_space<vmem>>, vector<16xf32>,
          %parallel_loop3A_1156 = arith.mulf %parallel_loop3A_1153, %parallel_loop3A_1155 : vector<16xf32>
          %parallel_loop3A_1157 = arith.constant 304 : index
          %parallel_loop3A_1158 = tpu.vector_load %arg28[%parallel_loop3A_1157] {strides = array<i32>} : memref<384xf32, #tpu.memory_space<vmem>>, vector<16xf32>,
          %parallel_loop3A_1159 = arith.addf %parallel_loop3A_1156, %parallel_loop3A_1158 : vector<16xf32>
          %parallel_loop3A_1160 = arith.index_cast %parallel_loop3A_484 : i32 to index
          %parallel_loop3A_1161 = arith.constant 304 : index
          %parallel_loop3A_1162 = tpu.vector_load %arg21[%parallel_loop3A_1160, %parallel_loop3A_1161] {strides = array<i32>} : memref<64x384xf32, #tpu.memory_space<vmem>>, vector<16xf32>,
          tpu.vector_store %arg21[%parallel_loop3A_1160, %parallel_loop3A_1161], %parallel_loop3A_1159 {strides = array<i32>} : memref<64x384xf32, #tpu.memory_space<vmem>>, vector<16xf32>,
        } else {
        }
      } {sc.loop_unroll_factor = 4 : i64, sc.parallel_access}
      %mul3A_398 = arith.constant 64 : i32
      %mul3A_399 = arith.muli %mul3A_325, %mul3A_398 : i32
      %add3A_400 = arith.addi %mul3A_2, %mul3A_399 : i32
      %dma_start3A_401 = arith.constant 0 : i32
      %dma_start3A_402 = tpu.memref_slice %arg12[%add3A_400, %dma_start3A_401] : memref<65536x384xf32, #tpu.memory_space<hbm>> -> memref<64x384xf32, #tpu.memory_space<hbm>>
      %dma_start3A_403 = arith.constant 0 : i32
      %dma_start3A_404 = tpu.memref_slice %arg12[%add3A_400, %dma_start3A_403] : memref<65536x384xf32, #tpu.memory_space<hbm>> -> memref<64x384xf32, #tpu.memory_space<hbm>>
      tpu.enqueue_dma source(%arg21 : memref<64x384xf32, #tpu.memory_space<vmem>>) target(%dma_start3A_404 : memref<64x384xf32, #tpu.memory_space<hbm>>) target_semaphore(%arg32 : memref<!tpu.dma_semaphore, #tpu.memory_space<semaphore_mem>>)
      %dma_wait3A_405 = arith.constant 0 : i32
      %dma_wait3A_406 = tpu.memref_slice %arg12[%mul3A_2, %dma_wait3A_405] : memref<65536x384xf32, #tpu.memory_space<hbm>> -> memref<64x384xf32, #tpu.memory_space<hbm>>
      %dma_wait3A_407 = arith.constant 0 : i32
      %dma_wait3A_408 = tpu.memref_slice %arg12[%mul3A_2, %dma_wait3A_407] : memref<65536x384xf32, #tpu.memory_space<hbm>> -> memref<64x384xf32, #tpu.memory_space<hbm>>
      tpu.wait_dma2 semaphore(%arg32 : memref<!tpu.dma_semaphore, #tpu.memory_space<semaphore_mem>>) src(%arg21 : memref<64x384xf32, #tpu.memory_space<vmem>>) dst(%dma_wait3A_408 : memref<64x384xf32, #tpu.memory_space<hbm>>)
      %lt3A_409 = arith.constant 15 : i32
      %lt3A_410 = arith.cmpi slt, %scan3A_323, %lt3A_409 : i32
      %convert_element_type3A_411 = arith.extui %lt3A_410 : i1 to i32
      %cond3A_412 = arith.constant 0 : i32
      %cond3A_413 = arith.cmpi ne, %convert_element_type3A_411, %cond3A_412 : i32
      scf.if %cond3A_413 {
        %add3A_484 = arith.constant 2 : i32
        %add3A_485 = arith.addi %mul3A_325, %add3A_484 : i32
        %mul3A_486 = arith.constant 64 : i32
        %mul3A_487 = arith.muli %add3A_485, %mul3A_486 : i32
        %add3A_488 = arith.addi %mul3A_2, %mul3A_487 : i32
        "tpu.region"() ({
          %run_scoped3A = tpu.sem_alloc : memref<!tpu.dma_semaphore, #tpu.memory_space<semaphore_mem>>
          %dma_start3A_495 = tpu.memref_slice %arg2[%add3A_488] : memref<65536xi32, #tpu.memory_space<hbm>> -> memref<64xi32, #tpu.memory_space<hbm>>
          %dma_start3A_496 = tpu.memref_slice %arg2[%add3A_488] : memref<65536xi32, #tpu.memory_space<hbm>> -> memref<64xi32, #tpu.memory_space<hbm>>
          tpu.enqueue_dma source(%dma_start3A_496 : memref<64xi32, #tpu.memory_space<hbm>>) target(%arg13 : memref<64xi32, #tpu.memory_space<vmem>>) target_semaphore(%run_scoped3A : memref<!tpu.dma_semaphore, #tpu.memory_space<semaphore_mem>>)
          %dma_wait3A_497 = tpu.memref_slice %arg2[%add3A_488] : memref<65536xi32, #tpu.memory_space<hbm>> -> memref<64xi32, #tpu.memory_space<hbm>>
          %dma_wait3A_498 = tpu.memref_slice %arg2[%add3A_488] : memref<65536xi32, #tpu.memory_space<hbm>> -> memref<64xi32, #tpu.memory_space<hbm>>
          tpu.wait_dma2 semaphore(%run_scoped3A : memref<!tpu.dma_semaphore, #tpu.memory_space<semaphore_mem>>) src(%dma_wait3A_498 : memref<64xi32, #tpu.memory_space<hbm>>) dst(%arg13 : memref<64xi32, #tpu.memory_space<vmem>>)
          tpu.yield
        }) : () -> ()
        "tpu.region"() ({
          %run_scoped3A = tpu.sem_alloc : memref<!tpu.dma_semaphore, #tpu.memory_space<semaphore_mem>>
          %dma_start3A_495 = tpu.memref_slice %arg3[%add3A_488] : memref<65536xi32, #tpu.memory_space<hbm>> -> memref<64xi32, #tpu.memory_space<hbm>>
          %dma_start3A_496 = tpu.memref_slice %arg3[%add3A_488] : memref<65536xi32, #tpu.memory_space<hbm>> -> memref<64xi32, #tpu.memory_space<hbm>>
          tpu.enqueue_dma source(%dma_start3A_496 : memref<64xi32, #tpu.memory_space<hbm>>) target(%arg14 : memref<64xi32, #tpu.memory_space<vmem>>) target_semaphore(%run_scoped3A : memref<!tpu.dma_semaphore, #tpu.memory_space<semaphore_mem>>)
          %dma_wait3A_497 = tpu.memref_slice %arg3[%add3A_488] : memref<65536xi32, #tpu.memory_space<hbm>> -> memref<64xi32, #tpu.memory_space<hbm>>
          %dma_wait3A_498 = tpu.memref_slice %arg3[%add3A_488] : memref<65536xi32, #tpu.memory_space<hbm>> -> memref<64xi32, #tpu.memory_space<hbm>>
          tpu.wait_dma2 semaphore(%run_scoped3A : memref<!tpu.dma_semaphore, #tpu.memory_space<semaphore_mem>>) src(%dma_wait3A_498 : memref<64xi32, #tpu.memory_space<hbm>>) dst(%arg14 : memref<64xi32, #tpu.memory_space<vmem>>)
          tpu.yield
        }) : () -> ()
        "tpu.region"() ({
          %run_scoped3A = tpu.sem_alloc : memref<!tpu.dma_semaphore, #tpu.memory_space<semaphore_mem>>
          %dma_start3A_495 = tpu.memref_slice %arg4[%add3A_488] : memref<65536xi32, #tpu.memory_space<hbm>> -> memref<64xi32, #tpu.memory_space<hbm>>
          %dma_start3A_496 = tpu.memref_slice %arg4[%add3A_488] : memref<65536xi32, #tpu.memory_space<hbm>> -> memref<64xi32, #tpu.memory_space<hbm>>
          tpu.enqueue_dma source(%dma_start3A_496 : memref<64xi32, #tpu.memory_space<hbm>>) target(%arg15 : memref<64xi32, #tpu.memory_space<vmem>>) target_semaphore(%run_scoped3A : memref<!tpu.dma_semaphore, #tpu.memory_space<semaphore_mem>>)
          %dma_wait3A_497 = tpu.memref_slice %arg4[%add3A_488] : memref<65536xi32, #tpu.memory_space<hbm>> -> memref<64xi32, #tpu.memory_space<hbm>>
          %dma_wait3A_498 = tpu.memref_slice %arg4[%add3A_488] : memref<65536xi32, #tpu.memory_space<hbm>> -> memref<64xi32, #tpu.memory_space<hbm>>
          tpu.wait_dma2 semaphore(%run_scoped3A : memref<!tpu.dma_semaphore, #tpu.memory_space<semaphore_mem>>) src(%dma_wait3A_498 : memref<64xi32, #tpu.memory_space<hbm>>) dst(%arg15 : memref<64xi32, #tpu.memory_space<vmem>>)
          tpu.yield
        }) : () -> ()
        "tpu.region"() ({
          %run_scoped3A = tpu.sem_alloc : memref<!tpu.dma_semaphore, #tpu.memory_space<semaphore_mem>>
          %dma_start3A_495 = tpu.memref_slice %arg5[%add3A_488] : memref<65536xi32, #tpu.memory_space<hbm>> -> memref<64xi32, #tpu.memory_space<hbm>>
          %dma_start3A_496 = tpu.memref_slice %arg5[%add3A_488] : memref<65536xi32, #tpu.memory_space<hbm>> -> memref<64xi32, #tpu.memory_space<hbm>>
          tpu.enqueue_dma source(%dma_start3A_496 : memref<64xi32, #tpu.memory_space<hbm>>) target(%arg16 : memref<64xi32, #tpu.memory_space<vmem>>) target_semaphore(%run_scoped3A : memref<!tpu.dma_semaphore, #tpu.memory_space<semaphore_mem>>)
          %dma_wait3A_497 = tpu.memref_slice %arg5[%add3A_488] : memref<65536xi32, #tpu.memory_space<hbm>> -> memref<64xi32, #tpu.memory_space<hbm>>
          %dma_wait3A_498 = tpu.memref_slice %arg5[%add3A_488] : memref<65536xi32, #tpu.memory_space<hbm>> -> memref<64xi32, #tpu.memory_space<hbm>>
          tpu.wait_dma2 semaphore(%run_scoped3A : memref<!tpu.dma_semaphore, #tpu.memory_space<semaphore_mem>>) src(%dma_wait3A_498 : memref<64xi32, #tpu.memory_space<hbm>>) dst(%arg16 : memref<64xi32, #tpu.memory_space<vmem>>)
          tpu.yield
        }) : () -> ()
        %dma_start3A_489 = arith.constant 0 : i32
        %dma_start3A_490 = arith.constant 0 : i32
        %dma_start3A_491 = tpu.memref_slice %arg6[%dma_start3A_489, %dma_start3A_490] : memref<40000x384xf32, #tpu.memory_space<hbm>> -> memref<40000x384xf32, #tpu.memory_space<hbm>>
        tpu.enqueue_indirect_dma source(%dma_start3A_491 : memref<40000x384xf32, #tpu.memory_space<hbm>>) target(%arg21 : memref<64x384xf32, #tpu.memory_space<vmem>>) offsets(%arg13 : memref<64xi32, #tpu.memory_space<vmem>>) semaphore(%arg30 : memref<!tpu.dma_semaphore, #tpu.memory_space<semaphore_mem>>)
        %dma_start3A_492 = arith.constant 0 : i32
        %dma_start3A_493 = arith.constant 0 : i32
        %dma_start3A_494 = tpu.memref_slice %arg7[%dma_start3A_492, %dma_start3A_493] : memref<2048x384xf32, #tpu.memory_space<hbm>> -> memref<2048x384xf32, #tpu.memory_space<hbm>>
        tpu.enqueue_indirect_dma source(%dma_start3A_494 : memref<2048x384xf32, #tpu.memory_space<hbm>>) target(%arg22 : memref<64x384xf32, #tpu.memory_space<vmem>>) offsets(%arg14 : memref<64xi32, #tpu.memory_space<vmem>>) semaphore(%arg30 : memref<!tpu.dma_semaphore, #tpu.memory_space<semaphore_mem>>)
      } else {
      }
      %dma_wait3A_414 = arith.constant 0 : i32
      %dma_wait3A_415 = arith.constant 0 : i32
      %dma_wait3A_416 = tpu.memref_slice %arg6[%dma_wait3A_414, %dma_wait3A_415] : memref<40000x384xf32, #tpu.memory_space<hbm>> -> memref<40000x384xf32, #tpu.memory_space<hbm>>
      tpu.wait_indirect_dma semaphore(%arg31 : memref<!tpu.dma_semaphore, #tpu.memory_space<semaphore_mem>>) src(%dma_wait3A_416 : memref<40000x384xf32, #tpu.memory_space<hbm>>) dst(%arg23 : memref<64x384xf32, #tpu.memory_space<vmem>>)
      %dma_wait3A_417 = arith.constant 0 : i32
      %dma_wait3A_418 = arith.constant 0 : i32
      %dma_wait3A_419 = tpu.memref_slice %arg7[%dma_wait3A_417, %dma_wait3A_418] : memref<2048x384xf32, #tpu.memory_space<hbm>> -> memref<2048x384xf32, #tpu.memory_space<hbm>>
      tpu.wait_indirect_dma semaphore(%arg31 : memref<!tpu.dma_semaphore, #tpu.memory_space<semaphore_mem>>) src(%dma_wait3A_419 : memref<2048x384xf32, #tpu.memory_space<hbm>>) dst(%arg24 : memref<64x384xf32, #tpu.memory_space<vmem>>)
      %get3A_420 = arith.constant 0 : index
      %get3A_421 = tpu.vector_load %arg19[%get3A_420] {strides = array<i32>} : memref<64xi32, #tpu.memory_space<vmem>>, vector<16xi32>,
      %mul3A_422 = arith.constant 16 : i32
      %mul3A_423 = vector.broadcast %mul3A_422 : i32 to vector<16xi32>
      %mul3A_424 = arith.muli %get3A_421, %mul3A_423 : vector<16xi32>
      %get3A_425 = arith.constant 0 : index
      %get3A_426 = tpu.vector_load %arg20[%get3A_425] {strides = array<i32>} : memref<64xi32, #tpu.memory_space<vmem>>, vector<16xi32>,
      %add3A_427 = arith.addi %mul3A_424, %get3A_426 : vector<16xi32>
      %mul3A_428 = arith.constant 320 : i32
      %mul3A_429 = vector.broadcast %mul3A_428 : i32 to vector<16xi32>
      %mul3A_430 = arith.muli %add3A_427, %mul3A_429 : vector<16xi32>
      %swap3A_431 = arith.constant 0 : index
      %swap3A_432 = tpu.vector_load %arg29[%swap3A_431] {strides = array<i32>} : memref<64xi32, #tpu.memory_space<vmem>>, vector<16xi32>,
      tpu.vector_store %arg29[%swap3A_431], %mul3A_430 {strides = array<i32>} : memref<64xi32, #tpu.memory_space<vmem>>, vector<16xi32>,
      %get3A_433 = arith.constant 16 : index
      %get3A_434 = tpu.vector_load %arg19[%get3A_433] {strides = array<i32>} : memref<64xi32, #tpu.memory_space<vmem>>, vector<16xi32>,
      %mul3A_435 = arith.constant 16 : i32
      %mul3A_436 = vector.broadcast %mul3A_435 : i32 to vector<16xi32>
      %mul3A_437 = arith.muli %get3A_434, %mul3A_436 : vector<16xi32>
      %get3A_438 = arith.constant 16 : index
      %get3A_439 = tpu.vector_load %arg20[%get3A_438] {strides = array<i32>} : memref<64xi32, #tpu.memory_space<vmem>>, vector<16xi32>,
      %add3A_440 = arith.addi %mul3A_437, %get3A_439 : vector<16xi32>
      %mul3A_441 = arith.constant 320 : i32
      %mul3A_442 = vector.broadcast %mul3A_441 : i32 to vector<16xi32>
      %mul3A_443 = arith.muli %add3A_440, %mul3A_442 : vector<16xi32>
      %swap3A_444 = arith.constant 16 : index
      %swap3A_445 = tpu.vector_load %arg29[%swap3A_444] {strides = array<i32>} : memref<64xi32, #tpu.memory_space<vmem>>, vector<16xi32>,
      tpu.vector_store %arg29[%swap3A_444], %mul3A_443 {strides = array<i32>} : memref<64xi32, #tpu.memory_space<vmem>>, vector<16xi32>,
      %get3A_446 = arith.constant 32 : index
      %get3A_447 = tpu.vector_load %arg19[%get3A_446] {strides = array<i32>} : memref<64xi32, #tpu.memory_space<vmem>>, vector<16xi32>,
      %mul3A_448 = arith.constant 16 : i32
      %mul3A_449 = vector.broadcast %mul3A_448 : i32 to vector<16xi32>
      %mul3A_450 = arith.muli %get3A_447, %mul3A_449 : vector<16xi32>
      %get3A_451 = arith.constant 32 : index
      %get3A_452 = tpu.vector_load %arg20[%get3A_451] {strides = array<i32>} : memref<64xi32, #tpu.memory_space<vmem>>, vector<16xi32>,
      %add3A_453 = arith.addi %mul3A_450, %get3A_452 : vector<16xi32>
      %mul3A_454 = arith.constant 320 : i32
      %mul3A_455 = vector.broadcast %mul3A_454 : i32 to vector<16xi32>
      %mul3A_456 = arith.muli %add3A_453, %mul3A_455 : vector<16xi32>
      %swap3A_457 = arith.constant 32 : index
      %swap3A_458 = tpu.vector_load %arg29[%swap3A_457] {strides = array<i32>} : memref<64xi32, #tpu.memory_space<vmem>>, vector<16xi32>,
      tpu.vector_store %arg29[%swap3A_457], %mul3A_456 {strides = array<i32>} : memref<64xi32, #tpu.memory_space<vmem>>, vector<16xi32>,
      %get3A_459 = arith.constant 48 : index
      %get3A_460 = tpu.vector_load %arg19[%get3A_459] {strides = array<i32>} : memref<64xi32, #tpu.memory_space<vmem>>, vector<16xi32>,
      %mul3A_461 = arith.constant 16 : i32
      %mul3A_462 = vector.broadcast %mul3A_461 : i32 to vector<16xi32>
      %mul3A_463 = arith.muli %get3A_460, %mul3A_462 : vector<16xi32>
      %get3A_464 = arith.constant 48 : index
      %get3A_465 = tpu.vector_load %arg20[%get3A_464] {strides = array<i32>} : memref<64xi32, #tpu.memory_space<vmem>>, vector<16xi32>,
      %add3A_466 = arith.addi %mul3A_463, %get3A_465 : vector<16xi32>
      %mul3A_467 = arith.constant 320 : i32
      %mul3A_468 = vector.broadcast %mul3A_467 : i32 to vector<16xi32>
      %mul3A_469 = arith.muli %add3A_466, %mul3A_468 : vector<16xi32>
      %swap3A_470 = arith.constant 48 : index
      %swap3A_471 = tpu.vector_load %arg29[%swap3A_470] {strides = array<i32>} : memref<64xi32, #tpu.memory_space<vmem>>, vector<16xi32>,
      tpu.vector_store %arg29[%swap3A_470], %mul3A_469 {strides = array<i32>} : memref<64xi32, #tpu.memory_space<vmem>>, vector<16xi32>,
      %parallel_loop3A_472 = arith.constant 0 : i32
      %parallel_loop3A_473 = arith.constant 64 : i32
      %parallel_loop3A_474 = arith.constant 1 : i32
      scf.for %parallel_loop3A_484 = %parallel_loop3A_472 to %parallel_loop3A_473 step %parallel_loop3A_474  : i32 {
        %parallel_loop3A_485 = vector.broadcast %parallel_loop3A_484 : i32 to vector<16xi32>
        %parallel_loop3A_486 = tpu.vector_load_idx %arg29[%parallel_loop3A_485] : memref<64xi32, #tpu.memory_space<vmem>>[vector<16xi32>], vector<16xi32>,
        %parallel_loop3A_487 = arith.addi %parallel_loop3A_486, %iota3A : vector<16xi32>
        %parallel_loop3A_488 = arith.constant 0.000000e+00 : f32
        %parallel_loop3A_489 = vector.broadcast %parallel_loop3A_488 : f32 to vector<16xf32>
        %parallel_loop3A_490 = arith.constant 0.000000e+00 : f32
        %parallel_loop3A_491 = vector.broadcast %parallel_loop3A_490 : f32 to vector<16xf32>
        %parallel_loop3A_492 = arith.constant 0.000000e+00 : f32
        %parallel_loop3A_493 = vector.broadcast %parallel_loop3A_492 : f32 to vector<16xf32>
        %parallel_loop3A_494 = arith.constant 0.000000e+00 : f32
        %parallel_loop3A_495 = vector.broadcast %parallel_loop3A_494 : f32 to vector<16xf32>
        %parallel_loop3A_496 = arith.index_cast %parallel_loop3A_484 : i32 to index
        %parallel_loop3A_497 = arith.constant 0 : index
        %parallel_loop3A_498 = tpu.vector_load %arg23[%parallel_loop3A_496, %parallel_loop3A_497] {strides = array<i32>} : memref<64x384xf32, #tpu.memory_space<vmem>>, vector<16xf32>,
        %parallel_loop3A_499 = arith.index_cast %parallel_loop3A_484 : i32 to index
        %parallel_loop3A_500 = arith.constant 0 : index
        %parallel_loop3A_501 = tpu.vector_load %arg24[%parallel_loop3A_499, %parallel_loop3A_500] {strides = array<i32>} : memref<64x384xf32, #tpu.memory_space<vmem>>, vector<16xf32>,
        %parallel_loop3A_502 = arith.addf %parallel_loop3A_498, %parallel_loop3A_501 : vector<16xf32>
        %parallel_loop3A_503 = arith.constant 0 : i32
        %parallel_loop3A_504 = vector.broadcast %parallel_loop3A_503 : i32 to vector<16xi32>
        %parallel_loop3A_505 = arith.addi %parallel_loop3A_487, %parallel_loop3A_504 : vector<16xi32>
        %parallel_loop3A_506 = tpu.vector_load_idx %arg26[%parallel_loop3A_505] : memref<20480xf32, #tpu.memory_space<vmem>>[vector<16xi32>], vector<16xf32>,
        %parallel_loop3A_507 = arith.addf %parallel_loop3A_502, %parallel_loop3A_506 : vector<16xf32>
        %parallel_loop3A_508 = arith.addf %parallel_loop3A_489, %parallel_loop3A_507 : vector<16xf32>
        %parallel_loop3A_509 = arith.mulf %parallel_loop3A_507, %parallel_loop3A_507 : vector<16xf32>
        %parallel_loop3A_510 = arith.addf %parallel_loop3A_493, %parallel_loop3A_509 : vector<16xf32>
        %parallel_loop3A_511 = arith.index_cast %parallel_loop3A_484 : i32 to index
        %parallel_loop3A_512 = arith.constant 16 : index
        %parallel_loop3A_513 = tpu.vector_load %arg23[%parallel_loop3A_511, %parallel_loop3A_512] {strides = array<i32>} : memref<64x384xf32, #tpu.memory_space<vmem>>, vector<16xf32>,
        %parallel_loop3A_514 = arith.index_cast %parallel_loop3A_484 : i32 to index
        %parallel_loop3A_515 = arith.constant 16 : index
        %parallel_loop3A_516 = tpu.vector_load %arg24[%parallel_loop3A_514, %parallel_loop3A_515] {strides = array<i32>} : memref<64x384xf32, #tpu.memory_space<vmem>>, vector<16xf32>,
        %parallel_loop3A_517 = arith.addf %parallel_loop3A_513, %parallel_loop3A_516 : vector<16xf32>
        %parallel_loop3A_518 = arith.constant 16 : i32
        %parallel_loop3A_519 = vector.broadcast %parallel_loop3A_518 : i32 to vector<16xi32>
        %parallel_loop3A_520 = arith.addi %parallel_loop3A_487, %parallel_loop3A_519 : vector<16xi32>
        %parallel_loop3A_521 = tpu.vector_load_idx %arg26[%parallel_loop3A_520] : memref<20480xf32, #tpu.memory_space<vmem>>[vector<16xi32>], vector<16xf32>,
        %parallel_loop3A_522 = arith.addf %parallel_loop3A_517, %parallel_loop3A_521 : vector<16xf32>
        %parallel_loop3A_523 = arith.addf %parallel_loop3A_491, %parallel_loop3A_522 : vector<16xf32>
        %parallel_loop3A_524 = arith.mulf %parallel_loop3A_522, %parallel_loop3A_522 : vector<16xf32>
        %parallel_loop3A_525 = arith.addf %parallel_loop3A_495, %parallel_loop3A_524 : vector<16xf32>
        %parallel_loop3A_526 = arith.index_cast %parallel_loop3A_484 : i32 to index
        %parallel_loop3A_527 = arith.constant 32 : index
        %parallel_loop3A_528 = tpu.vector_load %arg23[%parallel_loop3A_526, %parallel_loop3A_527] {strides = array<i32>} : memref<64x384xf32, #tpu.memory_space<vmem>>, vector<16xf32>,
        %parallel_loop3A_529 = arith.index_cast %parallel_loop3A_484 : i32 to index
        %parallel_loop3A_530 = arith.constant 32 : index
        %parallel_loop3A_531 = tpu.vector_load %arg24[%parallel_loop3A_529, %parallel_loop3A_530] {strides = array<i32>} : memref<64x384xf32, #tpu.memory_space<vmem>>, vector<16xf32>,
        %parallel_loop3A_532 = arith.addf %parallel_loop3A_528, %parallel_loop3A_531 : vector<16xf32>
        %parallel_loop3A_533 = arith.constant 32 : i32
        %parallel_loop3A_534 = vector.broadcast %parallel_loop3A_533 : i32 to vector<16xi32>
        %parallel_loop3A_535 = arith.addi %parallel_loop3A_487, %parallel_loop3A_534 : vector<16xi32>
        %parallel_loop3A_536 = tpu.vector_load_idx %arg26[%parallel_loop3A_535] : memref<20480xf32, #tpu.memory_space<vmem>>[vector<16xi32>], vector<16xf32>,
        %parallel_loop3A_537 = arith.addf %parallel_loop3A_532, %parallel_loop3A_536 : vector<16xf32>
        %parallel_loop3A_538 = arith.addf %parallel_loop3A_508, %parallel_loop3A_537 : vector<16xf32>
        %parallel_loop3A_539 = arith.mulf %parallel_loop3A_537, %parallel_loop3A_537 : vector<16xf32>
        %parallel_loop3A_540 = arith.addf %parallel_loop3A_510, %parallel_loop3A_539 : vector<16xf32>
        %parallel_loop3A_541 = arith.index_cast %parallel_loop3A_484 : i32 to index
        %parallel_loop3A_542 = arith.constant 48 : index
        %parallel_loop3A_543 = tpu.vector_load %arg23[%parallel_loop3A_541, %parallel_loop3A_542] {strides = array<i32>} : memref<64x384xf32, #tpu.memory_space<vmem>>, vector<16xf32>,
        %parallel_loop3A_544 = arith.index_cast %parallel_loop3A_484 : i32 to index
        %parallel_loop3A_545 = arith.constant 48 : index
        %parallel_loop3A_546 = tpu.vector_load %arg24[%parallel_loop3A_544, %parallel_loop3A_545] {strides = array<i32>} : memref<64x384xf32, #tpu.memory_space<vmem>>, vector<16xf32>,
        %parallel_loop3A_547 = arith.addf %parallel_loop3A_543, %parallel_loop3A_546 : vector<16xf32>
        %parallel_loop3A_548 = arith.constant 48 : i32
        %parallel_loop3A_549 = vector.broadcast %parallel_loop3A_548 : i32 to vector<16xi32>
        %parallel_loop3A_550 = arith.addi %parallel_loop3A_487, %parallel_loop3A_549 : vector<16xi32>
        %parallel_loop3A_551 = tpu.vector_load_idx %arg26[%parallel_loop3A_550] : memref<20480xf32, #tpu.memory_space<vmem>>[vector<16xi32>], vector<16xf32>,
        %parallel_loop3A_552 = arith.addf %parallel_loop3A_547, %parallel_loop3A_551 : vector<16xf32>
        %parallel_loop3A_553 = arith.addf %parallel_loop3A_523, %parallel_loop3A_552 : vector<16xf32>
        %parallel_loop3A_554 = arith.mulf %parallel_loop3A_552, %parallel_loop3A_552 : vector<16xf32>
        %parallel_loop3A_555 = arith.addf %parallel_loop3A_525, %parallel_loop3A_554 : vector<16xf32>
        %parallel_loop3A_556 = arith.index_cast %parallel_loop3A_484 : i32 to index
        %parallel_loop3A_557 = arith.constant 64 : index
        %parallel_loop3A_558 = tpu.vector_load %arg23[%parallel_loop3A_556, %parallel_loop3A_557] {strides = array<i32>} : memref<64x384xf32, #tpu.memory_space<vmem>>, vector<16xf32>,
        %parallel_loop3A_559 = arith.index_cast %parallel_loop3A_484 : i32 to index
        %parallel_loop3A_560 = arith.constant 64 : index
        %parallel_loop3A_561 = tpu.vector_load %arg24[%parallel_loop3A_559, %parallel_loop3A_560] {strides = array<i32>} : memref<64x384xf32, #tpu.memory_space<vmem>>, vector<16xf32>,
        %parallel_loop3A_562 = arith.addf %parallel_loop3A_558, %parallel_loop3A_561 : vector<16xf32>
        %parallel_loop3A_563 = arith.constant 64 : i32
        %parallel_loop3A_564 = vector.broadcast %parallel_loop3A_563 : i32 to vector<16xi32>
        %parallel_loop3A_565 = arith.addi %parallel_loop3A_487, %parallel_loop3A_564 : vector<16xi32>
        %parallel_loop3A_566 = tpu.vector_load_idx %arg26[%parallel_loop3A_565] : memref<20480xf32, #tpu.memory_space<vmem>>[vector<16xi32>], vector<16xf32>,
        %parallel_loop3A_567 = arith.addf %parallel_loop3A_562, %parallel_loop3A_566 : vector<16xf32>
        %parallel_loop3A_568 = arith.addf %parallel_loop3A_538, %parallel_loop3A_567 : vector<16xf32>
        %parallel_loop3A_569 = arith.mulf %parallel_loop3A_567, %parallel_loop3A_567 : vector<16xf32>
        %parallel_loop3A_570 = arith.addf %parallel_loop3A_540, %parallel_loop3A_569 : vector<16xf32>
        %parallel_loop3A_571 = arith.index_cast %parallel_loop3A_484 : i32 to index
        %parallel_loop3A_572 = arith.constant 80 : index
        %parallel_loop3A_573 = tpu.vector_load %arg23[%parallel_loop3A_571, %parallel_loop3A_572] {strides = array<i32>} : memref<64x384xf32, #tpu.memory_space<vmem>>, vector<16xf32>,
        %parallel_loop3A_574 = arith.index_cast %parallel_loop3A_484 : i32 to index
        %parallel_loop3A_575 = arith.constant 80 : index
        %parallel_loop3A_576 = tpu.vector_load %arg24[%parallel_loop3A_574, %parallel_loop3A_575] {strides = array<i32>} : memref<64x384xf32, #tpu.memory_space<vmem>>, vector<16xf32>,
        %parallel_loop3A_577 = arith.addf %parallel_loop3A_573, %parallel_loop3A_576 : vector<16xf32>
        %parallel_loop3A_578 = arith.constant 80 : i32
        %parallel_loop3A_579 = vector.broadcast %parallel_loop3A_578 : i32 to vector<16xi32>
        %parallel_loop3A_580 = arith.addi %parallel_loop3A_487, %parallel_loop3A_579 : vector<16xi32>
        %parallel_loop3A_581 = tpu.vector_load_idx %arg26[%parallel_loop3A_580] : memref<20480xf32, #tpu.memory_space<vmem>>[vector<16xi32>], vector<16xf32>,
        %parallel_loop3A_582 = arith.addf %parallel_loop3A_577, %parallel_loop3A_581 : vector<16xf32>
        %parallel_loop3A_583 = arith.addf %parallel_loop3A_553, %parallel_loop3A_582 : vector<16xf32>
        %parallel_loop3A_584 = arith.mulf %parallel_loop3A_582, %parallel_loop3A_582 : vector<16xf32>
        %parallel_loop3A_585 = arith.addf %parallel_loop3A_555, %parallel_loop3A_584 : vector<16xf32>
        %parallel_loop3A_586 = arith.index_cast %parallel_loop3A_484 : i32 to index
        %parallel_loop3A_587 = arith.constant 96 : index
        %parallel_loop3A_588 = tpu.vector_load %arg23[%parallel_loop3A_586, %parallel_loop3A_587] {strides = array<i32>} : memref<64x384xf32, #tpu.memory_space<vmem>>, vector<16xf32>,
        %parallel_loop3A_589 = arith.index_cast %parallel_loop3A_484 : i32 to index
        %parallel_loop3A_590 = arith.constant 96 : index
        %parallel_loop3A_591 = tpu.vector_load %arg24[%parallel_loop3A_589, %parallel_loop3A_590] {strides = array<i32>} : memref<64x384xf32, #tpu.memory_space<vmem>>, vector<16xf32>,
        %parallel_loop3A_592 = arith.addf %parallel_loop3A_588, %parallel_loop3A_591 : vector<16xf32>
        %parallel_loop3A_593 = arith.constant 96 : i32
        %parallel_loop3A_594 = vector.broadcast %parallel_loop3A_593 : i32 to vector<16xi32>
        %parallel_loop3A_595 = arith.addi %parallel_loop3A_487, %parallel_loop3A_594 : vector<16xi32>
        %parallel_loop3A_596 = tpu.vector_load_idx %arg26[%parallel_loop3A_595] : memref<20480xf32, #tpu.memory_space<vmem>>[vector<16xi32>], vector<16xf32>,
        %parallel_loop3A_597 = arith.addf %parallel_loop3A_592, %parallel_loop3A_596 : vector<16xf32>
        %parallel_loop3A_598 = arith.addf %parallel_loop3A_568, %parallel_loop3A_597 : vector<16xf32>
        %parallel_loop3A_599 = arith.mulf %parallel_loop3A_597, %parallel_loop3A_597 : vector<16xf32>
        %parallel_loop3A_600 = arith.addf %parallel_loop3A_570, %parallel_loop3A_599 : vector<16xf32>
        %parallel_loop3A_601 = arith.index_cast %parallel_loop3A_484 : i32 to index
        %parallel_loop3A_602 = arith.constant 112 : index
        %parallel_loop3A_603 = tpu.vector_load %arg23[%parallel_loop3A_601, %parallel_loop3A_602] {strides = array<i32>} : memref<64x384xf32, #tpu.memory_space<vmem>>, vector<16xf32>,
        %parallel_loop3A_604 = arith.index_cast %parallel_loop3A_484 : i32 to index
        %parallel_loop3A_605 = arith.constant 112 : index
        %parallel_loop3A_606 = tpu.vector_load %arg24[%parallel_loop3A_604, %parallel_loop3A_605] {strides = array<i32>} : memref<64x384xf32, #tpu.memory_space<vmem>>, vector<16xf32>,
        %parallel_loop3A_607 = arith.addf %parallel_loop3A_603, %parallel_loop3A_606 : vector<16xf32>
        %parallel_loop3A_608 = arith.constant 112 : i32
        %parallel_loop3A_609 = vector.broadcast %parallel_loop3A_608 : i32 to vector<16xi32>
        %parallel_loop3A_610 = arith.addi %parallel_loop3A_487, %parallel_loop3A_609 : vector<16xi32>
        %parallel_loop3A_611 = tpu.vector_load_idx %arg26[%parallel_loop3A_610] : memref<20480xf32, #tpu.memory_space<vmem>>[vector<16xi32>], vector<16xf32>,
        %parallel_loop3A_612 = arith.addf %parallel_loop3A_607, %parallel_loop3A_611 : vector<16xf32>
        %parallel_loop3A_613 = arith.addf %parallel_loop3A_583, %parallel_loop3A_612 : vector<16xf32>
        %parallel_loop3A_614 = arith.mulf %parallel_loop3A_612, %parallel_loop3A_612 : vector<16xf32>
        %parallel_loop3A_615 = arith.addf %parallel_loop3A_585, %parallel_loop3A_614 : vector<16xf32>
        %parallel_loop3A_616 = arith.index_cast %parallel_loop3A_484 : i32 to index
        %parallel_loop3A_617 = arith.constant 128 : index
        %parallel_loop3A_618 = tpu.vector_load %arg23[%parallel_loop3A_616, %parallel_loop3A_617] {strides = array<i32>} : memref<64x384xf32, #tpu.memory_space<vmem>>, vector<16xf32>,
        %parallel_loop3A_619 = arith.index_cast %parallel_loop3A_484 : i32 to index
        %parallel_loop3A_620 = arith.constant 128 : index
        %parallel_loop3A_621 = tpu.vector_load %arg24[%parallel_loop3A_619, %parallel_loop3A_620] {strides = array<i32>} : memref<64x384xf32, #tpu.memory_space<vmem>>, vector<16xf32>,
        %parallel_loop3A_622 = arith.addf %parallel_loop3A_618, %parallel_loop3A_621 : vector<16xf32>
        %parallel_loop3A_623 = arith.constant 128 : i32
        %parallel_loop3A_624 = vector.broadcast %parallel_loop3A_623 : i32 to vector<16xi32>
        %parallel_loop3A_625 = arith.addi %parallel_loop3A_487, %parallel_loop3A_624 : vector<16xi32>
        %parallel_loop3A_626 = tpu.vector_load_idx %arg26[%parallel_loop3A_625] : memref<20480xf32, #tpu.memory_space<vmem>>[vector<16xi32>], vector<16xf32>,
        %parallel_loop3A_627 = arith.addf %parallel_loop3A_622, %parallel_loop3A_626 : vector<16xf32>
        %parallel_loop3A_628 = arith.addf %parallel_loop3A_598, %parallel_loop3A_627 : vector<16xf32>
        %parallel_loop3A_629 = arith.mulf %parallel_loop3A_627, %parallel_loop3A_627 : vector<16xf32>
        %parallel_loop3A_630 = arith.addf %parallel_loop3A_600, %parallel_loop3A_629 : vector<16xf32>
        %parallel_loop3A_631 = arith.index_cast %parallel_loop3A_484 : i32 to index
        %parallel_loop3A_632 = arith.constant 144 : index
        %parallel_loop3A_633 = tpu.vector_load %arg23[%parallel_loop3A_631, %parallel_loop3A_632] {strides = array<i32>} : memref<64x384xf32, #tpu.memory_space<vmem>>, vector<16xf32>,
        %parallel_loop3A_634 = arith.index_cast %parallel_loop3A_484 : i32 to index
        %parallel_loop3A_635 = arith.constant 144 : index
        %parallel_loop3A_636 = tpu.vector_load %arg24[%parallel_loop3A_634, %parallel_loop3A_635] {strides = array<i32>} : memref<64x384xf32, #tpu.memory_space<vmem>>, vector<16xf32>,
        %parallel_loop3A_637 = arith.addf %parallel_loop3A_633, %parallel_loop3A_636 : vector<16xf32>
        %parallel_loop3A_638 = arith.constant 144 : i32
        %parallel_loop3A_639 = vector.broadcast %parallel_loop3A_638 : i32 to vector<16xi32>
        %parallel_loop3A_640 = arith.addi %parallel_loop3A_487, %parallel_loop3A_639 : vector<16xi32>
        %parallel_loop3A_641 = tpu.vector_load_idx %arg26[%parallel_loop3A_640] : memref<20480xf32, #tpu.memory_space<vmem>>[vector<16xi32>], vector<16xf32>,
        %parallel_loop3A_642 = arith.addf %parallel_loop3A_637, %parallel_loop3A_641 : vector<16xf32>
        %parallel_loop3A_643 = arith.addf %parallel_loop3A_613, %parallel_loop3A_642 : vector<16xf32>
        %parallel_loop3A_644 = arith.mulf %parallel_loop3A_642, %parallel_loop3A_642 : vector<16xf32>
        %parallel_loop3A_645 = arith.addf %parallel_loop3A_615, %parallel_loop3A_644 : vector<16xf32>
        %parallel_loop3A_646 = arith.index_cast %parallel_loop3A_484 : i32 to index
        %parallel_loop3A_647 = arith.constant 160 : index
        %parallel_loop3A_648 = tpu.vector_load %arg23[%parallel_loop3A_646, %parallel_loop3A_647] {strides = array<i32>} : memref<64x384xf32, #tpu.memory_space<vmem>>, vector<16xf32>,
        %parallel_loop3A_649 = arith.index_cast %parallel_loop3A_484 : i32 to index
        %parallel_loop3A_650 = arith.constant 160 : index
        %parallel_loop3A_651 = tpu.vector_load %arg24[%parallel_loop3A_649, %parallel_loop3A_650] {strides = array<i32>} : memref<64x384xf32, #tpu.memory_space<vmem>>, vector<16xf32>,
        %parallel_loop3A_652 = arith.addf %parallel_loop3A_648, %parallel_loop3A_651 : vector<16xf32>
        %parallel_loop3A_653 = arith.constant 160 : i32
        %parallel_loop3A_654 = vector.broadcast %parallel_loop3A_653 : i32 to vector<16xi32>
        %parallel_loop3A_655 = arith.addi %parallel_loop3A_487, %parallel_loop3A_654 : vector<16xi32>
        %parallel_loop3A_656 = tpu.vector_load_idx %arg26[%parallel_loop3A_655] : memref<20480xf32, #tpu.memory_space<vmem>>[vector<16xi32>], vector<16xf32>,
        %parallel_loop3A_657 = arith.addf %parallel_loop3A_652, %parallel_loop3A_656 : vector<16xf32>
        %parallel_loop3A_658 = arith.addf %parallel_loop3A_628, %parallel_loop3A_657 : vector<16xf32>
        %parallel_loop3A_659 = arith.mulf %parallel_loop3A_657, %parallel_loop3A_657 : vector<16xf32>
        %parallel_loop3A_660 = arith.addf %parallel_loop3A_630, %parallel_loop3A_659 : vector<16xf32>
        %parallel_loop3A_661 = arith.index_cast %parallel_loop3A_484 : i32 to index
        %parallel_loop3A_662 = arith.constant 176 : index
        %parallel_loop3A_663 = tpu.vector_load %arg23[%parallel_loop3A_661, %parallel_loop3A_662] {strides = array<i32>} : memref<64x384xf32, #tpu.memory_space<vmem>>, vector<16xf32>,
        %parallel_loop3A_664 = arith.index_cast %parallel_loop3A_484 : i32 to index
        %parallel_loop3A_665 = arith.constant 176 : index
        %parallel_loop3A_666 = tpu.vector_load %arg24[%parallel_loop3A_664, %parallel_loop3A_665] {strides = array<i32>} : memref<64x384xf32, #tpu.memory_space<vmem>>, vector<16xf32>,
        %parallel_loop3A_667 = arith.addf %parallel_loop3A_663, %parallel_loop3A_666 : vector<16xf32>
        %parallel_loop3A_668 = arith.constant 176 : i32
        %parallel_loop3A_669 = vector.broadcast %parallel_loop3A_668 : i32 to vector<16xi32>
        %parallel_loop3A_670 = arith.addi %parallel_loop3A_487, %parallel_loop3A_669 : vector<16xi32>
        %parallel_loop3A_671 = tpu.vector_load_idx %arg26[%parallel_loop3A_670] : memref<20480xf32, #tpu.memory_space<vmem>>[vector<16xi32>], vector<16xf32>,
        %parallel_loop3A_672 = arith.addf %parallel_loop3A_667, %parallel_loop3A_671 : vector<16xf32>
        %parallel_loop3A_673 = arith.addf %parallel_loop3A_643, %parallel_loop3A_672 : vector<16xf32>
        %parallel_loop3A_674 = arith.mulf %parallel_loop3A_672, %parallel_loop3A_672 : vector<16xf32>
        %parallel_loop3A_675 = arith.addf %parallel_loop3A_645, %parallel_loop3A_674 : vector<16xf32>
        %parallel_loop3A_676 = arith.index_cast %parallel_loop3A_484 : i32 to index
        %parallel_loop3A_677 = arith.constant 192 : index
        %parallel_loop3A_678 = tpu.vector_load %arg23[%parallel_loop3A_676, %parallel_loop3A_677] {strides = array<i32>} : memref<64x384xf32, #tpu.memory_space<vmem>>, vector<16xf32>,
        %parallel_loop3A_679 = arith.index_cast %parallel_loop3A_484 : i32 to index
        %parallel_loop3A_680 = arith.constant 192 : index
        %parallel_loop3A_681 = tpu.vector_load %arg24[%parallel_loop3A_679, %parallel_loop3A_680] {strides = array<i32>} : memref<64x384xf32, #tpu.memory_space<vmem>>, vector<16xf32>,
        %parallel_loop3A_682 = arith.addf %parallel_loop3A_678, %parallel_loop3A_681 : vector<16xf32>
        %parallel_loop3A_683 = arith.constant 192 : i32
        %parallel_loop3A_684 = vector.broadcast %parallel_loop3A_683 : i32 to vector<16xi32>
        %parallel_loop3A_685 = arith.addi %parallel_loop3A_487, %parallel_loop3A_684 : vector<16xi32>
        %parallel_loop3A_686 = tpu.vector_load_idx %arg26[%parallel_loop3A_685] : memref<20480xf32, #tpu.memory_space<vmem>>[vector<16xi32>], vector<16xf32>,
        %parallel_loop3A_687 = arith.addf %parallel_loop3A_682, %parallel_loop3A_686 : vector<16xf32>
        %parallel_loop3A_688 = arith.addf %parallel_loop3A_658, %parallel_loop3A_687 : vector<16xf32>
        %parallel_loop3A_689 = arith.mulf %parallel_loop3A_687, %parallel_loop3A_687 : vector<16xf32>
        %parallel_loop3A_690 = arith.addf %parallel_loop3A_660, %parallel_loop3A_689 : vector<16xf32>
        %parallel_loop3A_691 = arith.index_cast %parallel_loop3A_484 : i32 to index
        %parallel_loop3A_692 = arith.constant 208 : index
        %parallel_loop3A_693 = tpu.vector_load %arg23[%parallel_loop3A_691, %parallel_loop3A_692] {strides = array<i32>} : memref<64x384xf32, #tpu.memory_space<vmem>>, vector<16xf32>,
        %parallel_loop3A_694 = arith.index_cast %parallel_loop3A_484 : i32 to index
        %parallel_loop3A_695 = arith.constant 208 : index
        %parallel_loop3A_696 = tpu.vector_load %arg24[%parallel_loop3A_694, %parallel_loop3A_695] {strides = array<i32>} : memref<64x384xf32, #tpu.memory_space<vmem>>, vector<16xf32>,
        %parallel_loop3A_697 = arith.addf %parallel_loop3A_693, %parallel_loop3A_696 : vector<16xf32>
        %parallel_loop3A_698 = arith.constant 208 : i32
        %parallel_loop3A_699 = vector.broadcast %parallel_loop3A_698 : i32 to vector<16xi32>
        %parallel_loop3A_700 = arith.addi %parallel_loop3A_487, %parallel_loop3A_699 : vector<16xi32>
        %parallel_loop3A_701 = tpu.vector_load_idx %arg26[%parallel_loop3A_700] : memref<20480xf32, #tpu.memory_space<vmem>>[vector<16xi32>], vector<16xf32>,
        %parallel_loop3A_702 = arith.addf %parallel_loop3A_697, %parallel_loop3A_701 : vector<16xf32>
        %parallel_loop3A_703 = arith.addf %parallel_loop3A_673, %parallel_loop3A_702 : vector<16xf32>
        %parallel_loop3A_704 = arith.mulf %parallel_loop3A_702, %parallel_loop3A_702 : vector<16xf32>
        %parallel_loop3A_705 = arith.addf %parallel_loop3A_675, %parallel_loop3A_704 : vector<16xf32>
        %parallel_loop3A_706 = arith.index_cast %parallel_loop3A_484 : i32 to index
        %parallel_loop3A_707 = arith.constant 224 : index
        %parallel_loop3A_708 = tpu.vector_load %arg23[%parallel_loop3A_706, %parallel_loop3A_707] {strides = array<i32>} : memref<64x384xf32, #tpu.memory_space<vmem>>, vector<16xf32>,
        %parallel_loop3A_709 = arith.index_cast %parallel_loop3A_484 : i32 to index
        %parallel_loop3A_710 = arith.constant 224 : index
        %parallel_loop3A_711 = tpu.vector_load %arg24[%parallel_loop3A_709, %parallel_loop3A_710] {strides = array<i32>} : memref<64x384xf32, #tpu.memory_space<vmem>>, vector<16xf32>,
        %parallel_loop3A_712 = arith.addf %parallel_loop3A_708, %parallel_loop3A_711 : vector<16xf32>
        %parallel_loop3A_713 = arith.constant 224 : i32
        %parallel_loop3A_714 = vector.broadcast %parallel_loop3A_713 : i32 to vector<16xi32>
        %parallel_loop3A_715 = arith.addi %parallel_loop3A_487, %parallel_loop3A_714 : vector<16xi32>
        %parallel_loop3A_716 = tpu.vector_load_idx %arg26[%parallel_loop3A_715] : memref<20480xf32, #tpu.memory_space<vmem>>[vector<16xi32>], vector<16xf32>,
        %parallel_loop3A_717 = arith.addf %parallel_loop3A_712, %parallel_loop3A_716 : vector<16xf32>
        %parallel_loop3A_718 = arith.addf %parallel_loop3A_688, %parallel_loop3A_717 : vector<16xf32>
        %parallel_loop3A_719 = arith.mulf %parallel_loop3A_717, %parallel_loop3A_717 : vector<16xf32>
        %parallel_loop3A_720 = arith.addf %parallel_loop3A_690, %parallel_loop3A_719 : vector<16xf32>
        %parallel_loop3A_721 = arith.index_cast %parallel_loop3A_484 : i32 to index
        %parallel_loop3A_722 = arith.constant 240 : index
        %parallel_loop3A_723 = tpu.vector_load %arg23[%parallel_loop3A_721, %parallel_loop3A_722] {strides = array<i32>} : memref<64x384xf32, #tpu.memory_space<vmem>>, vector<16xf32>,
        %parallel_loop3A_724 = arith.index_cast %parallel_loop3A_484 : i32 to index
        %parallel_loop3A_725 = arith.constant 240 : index
        %parallel_loop3A_726 = tpu.vector_load %arg24[%parallel_loop3A_724, %parallel_loop3A_725] {strides = array<i32>} : memref<64x384xf32, #tpu.memory_space<vmem>>, vector<16xf32>,
        %parallel_loop3A_727 = arith.addf %parallel_loop3A_723, %parallel_loop3A_726 : vector<16xf32>
        %parallel_loop3A_728 = arith.constant 240 : i32
        %parallel_loop3A_729 = vector.broadcast %parallel_loop3A_728 : i32 to vector<16xi32>
        %parallel_loop3A_730 = arith.addi %parallel_loop3A_487, %parallel_loop3A_729 : vector<16xi32>
        %parallel_loop3A_731 = tpu.vector_load_idx %arg26[%parallel_loop3A_730] : memref<20480xf32, #tpu.memory_space<vmem>>[vector<16xi32>], vector<16xf32>,
        %parallel_loop3A_732 = arith.addf %parallel_loop3A_727, %parallel_loop3A_731 : vector<16xf32>
        %parallel_loop3A_733 = arith.addf %parallel_loop3A_703, %parallel_loop3A_732 : vector<16xf32>
        %parallel_loop3A_734 = arith.mulf %parallel_loop3A_732, %parallel_loop3A_732 : vector<16xf32>
        %parallel_loop3A_735 = arith.addf %parallel_loop3A_705, %parallel_loop3A_734 : vector<16xf32>
        %parallel_loop3A_736 = arith.index_cast %parallel_loop3A_484 : i32 to index
        %parallel_loop3A_737 = arith.constant 256 : index
        %parallel_loop3A_738 = tpu.vector_load %arg23[%parallel_loop3A_736, %parallel_loop3A_737] {strides = array<i32>} : memref<64x384xf32, #tpu.memory_space<vmem>>, vector<16xf32>,
        %parallel_loop3A_739 = arith.index_cast %parallel_loop3A_484 : i32 to index
        %parallel_loop3A_740 = arith.constant 256 : index
        %parallel_loop3A_741 = tpu.vector_load %arg24[%parallel_loop3A_739, %parallel_loop3A_740] {strides = array<i32>} : memref<64x384xf32, #tpu.memory_space<vmem>>, vector<16xf32>,
        %parallel_loop3A_742 = arith.addf %parallel_loop3A_738, %parallel_loop3A_741 : vector<16xf32>
        %parallel_loop3A_743 = arith.constant 256 : i32
        %parallel_loop3A_744 = vector.broadcast %parallel_loop3A_743 : i32 to vector<16xi32>
        %parallel_loop3A_745 = arith.addi %parallel_loop3A_487, %parallel_loop3A_744 : vector<16xi32>
        %parallel_loop3A_746 = tpu.vector_load_idx %arg26[%parallel_loop3A_745] : memref<20480xf32, #tpu.memory_space<vmem>>[vector<16xi32>], vector<16xf32>,
        %parallel_loop3A_747 = arith.addf %parallel_loop3A_742, %parallel_loop3A_746 : vector<16xf32>
        %parallel_loop3A_748 = arith.addf %parallel_loop3A_718, %parallel_loop3A_747 : vector<16xf32>
        %parallel_loop3A_749 = arith.mulf %parallel_loop3A_747, %parallel_loop3A_747 : vector<16xf32>
        %parallel_loop3A_750 = arith.addf %parallel_loop3A_720, %parallel_loop3A_749 : vector<16xf32>
        %parallel_loop3A_751 = arith.index_cast %parallel_loop3A_484 : i32 to index
        %parallel_loop3A_752 = arith.constant 272 : index
        %parallel_loop3A_753 = tpu.vector_load %arg23[%parallel_loop3A_751, %parallel_loop3A_752] {strides = array<i32>} : memref<64x384xf32, #tpu.memory_space<vmem>>, vector<16xf32>,
        %parallel_loop3A_754 = arith.index_cast %parallel_loop3A_484 : i32 to index
        %parallel_loop3A_755 = arith.constant 272 : index
        %parallel_loop3A_756 = tpu.vector_load %arg24[%parallel_loop3A_754, %parallel_loop3A_755] {strides = array<i32>} : memref<64x384xf32, #tpu.memory_space<vmem>>, vector<16xf32>,
        %parallel_loop3A_757 = arith.addf %parallel_loop3A_753, %parallel_loop3A_756 : vector<16xf32>
        %parallel_loop3A_758 = arith.constant 272 : i32
        %parallel_loop3A_759 = vector.broadcast %parallel_loop3A_758 : i32 to vector<16xi32>
        %parallel_loop3A_760 = arith.addi %parallel_loop3A_487, %parallel_loop3A_759 : vector<16xi32>
        %parallel_loop3A_761 = tpu.vector_load_idx %arg26[%parallel_loop3A_760] : memref<20480xf32, #tpu.memory_space<vmem>>[vector<16xi32>], vector<16xf32>,
        %parallel_loop3A_762 = arith.addf %parallel_loop3A_757, %parallel_loop3A_761 : vector<16xf32>
        %parallel_loop3A_763 = arith.addf %parallel_loop3A_733, %parallel_loop3A_762 : vector<16xf32>
        %parallel_loop3A_764 = arith.mulf %parallel_loop3A_762, %parallel_loop3A_762 : vector<16xf32>
        %parallel_loop3A_765 = arith.addf %parallel_loop3A_735, %parallel_loop3A_764 : vector<16xf32>
        %parallel_loop3A_766 = arith.index_cast %parallel_loop3A_484 : i32 to index
        %parallel_loop3A_767 = arith.constant 288 : index
        %parallel_loop3A_768 = tpu.vector_load %arg23[%parallel_loop3A_766, %parallel_loop3A_767] {strides = array<i32>} : memref<64x384xf32, #tpu.memory_space<vmem>>, vector<16xf32>,
        %parallel_loop3A_769 = arith.index_cast %parallel_loop3A_484 : i32 to index
        %parallel_loop3A_770 = arith.constant 288 : index
        %parallel_loop3A_771 = tpu.vector_load %arg24[%parallel_loop3A_769, %parallel_loop3A_770] {strides = array<i32>} : memref<64x384xf32, #tpu.memory_space<vmem>>, vector<16xf32>,
        %parallel_loop3A_772 = arith.addf %parallel_loop3A_768, %parallel_loop3A_771 : vector<16xf32>
        %parallel_loop3A_773 = arith.constant 288 : i32
        %parallel_loop3A_774 = vector.broadcast %parallel_loop3A_773 : i32 to vector<16xi32>
        %parallel_loop3A_775 = arith.addi %parallel_loop3A_487, %parallel_loop3A_774 : vector<16xi32>
        %parallel_loop3A_776 = tpu.vector_load_idx %arg26[%parallel_loop3A_775] : memref<20480xf32, #tpu.memory_space<vmem>>[vector<16xi32>], vector<16xf32>,
        %parallel_loop3A_777 = arith.addf %parallel_loop3A_772, %parallel_loop3A_776 : vector<16xf32>
        %parallel_loop3A_778 = arith.addf %parallel_loop3A_748, %parallel_loop3A_777 : vector<16xf32>
        %parallel_loop3A_779 = arith.mulf %parallel_loop3A_777, %parallel_loop3A_777 : vector<16xf32>
        %parallel_loop3A_780 = arith.addf %parallel_loop3A_750, %parallel_loop3A_779 : vector<16xf32>
        %parallel_loop3A_781 = arith.index_cast %parallel_loop3A_484 : i32 to index
        %parallel_loop3A_782 = arith.constant 304 : index
        %parallel_loop3A_783 = tpu.vector_load %arg23[%parallel_loop3A_781, %parallel_loop3A_782] {strides = array<i32>} : memref<64x384xf32, #tpu.memory_space<vmem>>, vector<16xf32>,
        %parallel_loop3A_784 = arith.index_cast %parallel_loop3A_484 : i32 to index
        %parallel_loop3A_785 = arith.constant 304 : index
        %parallel_loop3A_786 = tpu.vector_load %arg24[%parallel_loop3A_784, %parallel_loop3A_785] {strides = array<i32>} : memref<64x384xf32, #tpu.memory_space<vmem>>, vector<16xf32>,
        %parallel_loop3A_787 = arith.addf %parallel_loop3A_783, %parallel_loop3A_786 : vector<16xf32>
        %parallel_loop3A_788 = arith.constant 304 : i32
        %parallel_loop3A_789 = vector.broadcast %parallel_loop3A_788 : i32 to vector<16xi32>
        %parallel_loop3A_790 = arith.addi %parallel_loop3A_487, %parallel_loop3A_789 : vector<16xi32>
        %parallel_loop3A_791 = tpu.vector_load_idx %arg26[%parallel_loop3A_790] : memref<20480xf32, #tpu.memory_space<vmem>>[vector<16xi32>], vector<16xf32>,
        %parallel_loop3A_792 = arith.addf %parallel_loop3A_787, %parallel_loop3A_791 : vector<16xf32>
        %parallel_loop3A_793 = arith.addf %parallel_loop3A_763, %parallel_loop3A_792 : vector<16xf32>
        %parallel_loop3A_794 = arith.mulf %parallel_loop3A_792, %parallel_loop3A_792 : vector<16xf32>
        %parallel_loop3A_795 = arith.addf %parallel_loop3A_765, %parallel_loop3A_794 : vector<16xf32>
        %parallel_loop3A_796 = arith.addf %parallel_loop3A_778, %parallel_loop3A_793 : vector<16xf32>
        %parallel_loop3A_797 = arith.constant 0 : i32
        %parallel_loop3A_798 = vector.broadcast %parallel_loop3A_797 : i32 to vector<16xi32>
        %parallel_loop3A_799 = arith.cmpi slt, %xor3A_4, %parallel_loop3A_798 : vector<16xi32>
        %parallel_loop3A_800 = arith.constant 16 : i32
        %parallel_loop3A_801 = vector.broadcast %parallel_loop3A_800 : i32 to vector<16xi32>
        %parallel_loop3A_802 = arith.addi %xor3A_4, %parallel_loop3A_801 : vector<16xi32>
        %parallel_loop3A_803 = arith.select %parallel_loop3A_799, %parallel_loop3A_802, %xor3A_4 : vector<16xi1>, vector<16xi32>
        %parallel_loop3A_804 = vector.shape_cast %parallel_loop3A_803 : vector<16xi32> to vector<16x1xi32>
        %parallel_loop3A_805 = vector.shape_cast %parallel_loop3A_804 : vector<16x1xi32> to vector<16xi32>
        %parallel_loop3A_806 = tpu.dynamic_gather %parallel_loop3A_796[%parallel_loop3A_805] in [0] : vector<16xf32>, vector<16xi32> -> vector<16xf32>
        %parallel_loop3A_807 = arith.addf %parallel_loop3A_796, %parallel_loop3A_806 : vector<16xf32>
        %parallel_loop3A_808 = arith.constant 0 : i32
        %parallel_loop3A_809 = vector.broadcast %parallel_loop3A_808 : i32 to vector<16xi32>
        %parallel_loop3A_810 = arith.cmpi slt, %xor3A_7, %parallel_loop3A_809 : vector<16xi32>
        %parallel_loop3A_811 = arith.constant 16 : i32
        %parallel_loop3A_812 = vector.broadcast %parallel_loop3A_811 : i32 to vector<16xi32>
        %parallel_loop3A_813 = arith.addi %xor3A_7, %parallel_loop3A_812 : vector<16xi32>
        %parallel_loop3A_814 = arith.select %parallel_loop3A_810, %parallel_loop3A_813, %xor3A_7 : vector<16xi1>, vector<16xi32>
        %parallel_loop3A_815 = vector.shape_cast %parallel_loop3A_814 : vector<16xi32> to vector<16x1xi32>
        %parallel_loop3A_816 = vector.shape_cast %parallel_loop3A_815 : vector<16x1xi32> to vector<16xi32>
        %parallel_loop3A_817 = tpu.dynamic_gather %parallel_loop3A_807[%parallel_loop3A_816] in [0] : vector<16xf32>, vector<16xi32> -> vector<16xf32>
        %parallel_loop3A_818 = arith.addf %parallel_loop3A_807, %parallel_loop3A_817 : vector<16xf32>
        %parallel_loop3A_819 = arith.constant 0 : i32
        %parallel_loop3A_820 = vector.broadcast %parallel_loop3A_819 : i32 to vector<16xi32>
        %parallel_loop3A_821 = arith.cmpi slt, %xor3A_10, %parallel_loop3A_820 : vector<16xi32>
        %parallel_loop3A_822 = arith.constant 16 : i32
        %parallel_loop3A_823 = vector.broadcast %parallel_loop3A_822 : i32 to vector<16xi32>
        %parallel_loop3A_824 = arith.addi %xor3A_10, %parallel_loop3A_823 : vector<16xi32>
        %parallel_loop3A_825 = arith.select %parallel_loop3A_821, %parallel_loop3A_824, %xor3A_10 : vector<16xi1>, vector<16xi32>
        %parallel_loop3A_826 = vector.shape_cast %parallel_loop3A_825 : vector<16xi32> to vector<16x1xi32>
        %parallel_loop3A_827 = vector.shape_cast %parallel_loop3A_826 : vector<16x1xi32> to vector<16xi32>
        %parallel_loop3A_828 = tpu.dynamic_gather %parallel_loop3A_818[%parallel_loop3A_827] in [0] : vector<16xf32>, vector<16xi32> -> vector<16xf32>
        %parallel_loop3A_829 = arith.addf %parallel_loop3A_818, %parallel_loop3A_828 : vector<16xf32>
        %parallel_loop3A_830 = arith.constant 0 : i32
        %parallel_loop3A_831 = vector.broadcast %parallel_loop3A_830 : i32 to vector<16xi32>
        %parallel_loop3A_832 = arith.cmpi slt, %xor3A_13, %parallel_loop3A_831 : vector<16xi32>
        %parallel_loop3A_833 = arith.constant 16 : i32
        %parallel_loop3A_834 = vector.broadcast %parallel_loop3A_833 : i32 to vector<16xi32>
        %parallel_loop3A_835 = arith.addi %xor3A_13, %parallel_loop3A_834 : vector<16xi32>
        %parallel_loop3A_836 = arith.select %parallel_loop3A_832, %parallel_loop3A_835, %xor3A_13 : vector<16xi1>, vector<16xi32>
        %parallel_loop3A_837 = vector.shape_cast %parallel_loop3A_836 : vector<16xi32> to vector<16x1xi32>
        %parallel_loop3A_838 = vector.shape_cast %parallel_loop3A_837 : vector<16x1xi32> to vector<16xi32>
        %parallel_loop3A_839 = tpu.dynamic_gather %parallel_loop3A_829[%parallel_loop3A_838] in [0] : vector<16xf32>, vector<16xi32> -> vector<16xf32>
        %parallel_loop3A_840 = arith.addf %parallel_loop3A_829, %parallel_loop3A_839 : vector<16xf32>
        %parallel_loop3A_841 = arith.addf %parallel_loop3A_780, %parallel_loop3A_795 : vector<16xf32>
        %parallel_loop3A_842 = arith.constant 0 : i32
        %parallel_loop3A_843 = vector.broadcast %parallel_loop3A_842 : i32 to vector<16xi32>
        %parallel_loop3A_844 = arith.cmpi slt, %xor3A_4, %parallel_loop3A_843 : vector<16xi32>
        %parallel_loop3A_845 = arith.constant 16 : i32
        %parallel_loop3A_846 = vector.broadcast %parallel_loop3A_845 : i32 to vector<16xi32>
        %parallel_loop3A_847 = arith.addi %xor3A_4, %parallel_loop3A_846 : vector<16xi32>
        %parallel_loop3A_848 = arith.select %parallel_loop3A_844, %parallel_loop3A_847, %xor3A_4 : vector<16xi1>, vector<16xi32>
        %parallel_loop3A_849 = vector.shape_cast %parallel_loop3A_848 : vector<16xi32> to vector<16x1xi32>
        %parallel_loop3A_850 = vector.shape_cast %parallel_loop3A_849 : vector<16x1xi32> to vector<16xi32>
        %parallel_loop3A_851 = tpu.dynamic_gather %parallel_loop3A_841[%parallel_loop3A_850] in [0] : vector<16xf32>, vector<16xi32> -> vector<16xf32>
        %parallel_loop3A_852 = arith.addf %parallel_loop3A_841, %parallel_loop3A_851 : vector<16xf32>
        %parallel_loop3A_853 = arith.constant 0 : i32
        %parallel_loop3A_854 = vector.broadcast %parallel_loop3A_853 : i32 to vector<16xi32>
        %parallel_loop3A_855 = arith.cmpi slt, %xor3A_7, %parallel_loop3A_854 : vector<16xi32>
        %parallel_loop3A_856 = arith.constant 16 : i32
        %parallel_loop3A_857 = vector.broadcast %parallel_loop3A_856 : i32 to vector<16xi32>
        %parallel_loop3A_858 = arith.addi %xor3A_7, %parallel_loop3A_857 : vector<16xi32>
        %parallel_loop3A_859 = arith.select %parallel_loop3A_855, %parallel_loop3A_858, %xor3A_7 : vector<16xi1>, vector<16xi32>
        %parallel_loop3A_860 = vector.shape_cast %parallel_loop3A_859 : vector<16xi32> to vector<16x1xi32>
        %parallel_loop3A_861 = vector.shape_cast %parallel_loop3A_860 : vector<16x1xi32> to vector<16xi32>
        %parallel_loop3A_862 = tpu.dynamic_gather %parallel_loop3A_852[%parallel_loop3A_861] in [0] : vector<16xf32>, vector<16xi32> -> vector<16xf32>
        %parallel_loop3A_863 = arith.addf %parallel_loop3A_852, %parallel_loop3A_862 : vector<16xf32>
        %parallel_loop3A_864 = arith.constant 0 : i32
        %parallel_loop3A_865 = vector.broadcast %parallel_loop3A_864 : i32 to vector<16xi32>
        %parallel_loop3A_866 = arith.cmpi slt, %xor3A_10, %parallel_loop3A_865 : vector<16xi32>
        %parallel_loop3A_867 = arith.constant 16 : i32
        %parallel_loop3A_868 = vector.broadcast %parallel_loop3A_867 : i32 to vector<16xi32>
        %parallel_loop3A_869 = arith.addi %xor3A_10, %parallel_loop3A_868 : vector<16xi32>
        %parallel_loop3A_870 = arith.select %parallel_loop3A_866, %parallel_loop3A_869, %xor3A_10 : vector<16xi1>, vector<16xi32>
        %parallel_loop3A_871 = vector.shape_cast %parallel_loop3A_870 : vector<16xi32> to vector<16x1xi32>
        %parallel_loop3A_872 = vector.shape_cast %parallel_loop3A_871 : vector<16x1xi32> to vector<16xi32>
        %parallel_loop3A_873 = tpu.dynamic_gather %parallel_loop3A_863[%parallel_loop3A_872] in [0] : vector<16xf32>, vector<16xi32> -> vector<16xf32>
        %parallel_loop3A_874 = arith.addf %parallel_loop3A_863, %parallel_loop3A_873 : vector<16xf32>
        %parallel_loop3A_875 = arith.constant 0 : i32
        %parallel_loop3A_876 = vector.broadcast %parallel_loop3A_875 : i32 to vector<16xi32>
        %parallel_loop3A_877 = arith.cmpi slt, %xor3A_13, %parallel_loop3A_876 : vector<16xi32>
        %parallel_loop3A_878 = arith.constant 16 : i32
        %parallel_loop3A_879 = vector.broadcast %parallel_loop3A_878 : i32 to vector<16xi32>
        %parallel_loop3A_880 = arith.addi %xor3A_13, %parallel_loop3A_879 : vector<16xi32>
        %parallel_loop3A_881 = arith.select %parallel_loop3A_877, %parallel_loop3A_880, %xor3A_13 : vector<16xi1>, vector<16xi32>
        %parallel_loop3A_882 = vector.shape_cast %parallel_loop3A_881 : vector<16xi32> to vector<16x1xi32>
        %parallel_loop3A_883 = vector.shape_cast %parallel_loop3A_882 : vector<16x1xi32> to vector<16xi32>
        %parallel_loop3A_884 = tpu.dynamic_gather %parallel_loop3A_874[%parallel_loop3A_883] in [0] : vector<16xf32>, vector<16xi32> -> vector<16xf32>
        %parallel_loop3A_885 = arith.addf %parallel_loop3A_874, %parallel_loop3A_884 : vector<16xf32>
        %parallel_loop3A_886 = arith.constant 0.00320512825 : f32
        %parallel_loop3A_887 = vector.broadcast %parallel_loop3A_886 : f32 to vector<16xf32>
        %parallel_loop3A_888 = arith.mulf %parallel_loop3A_840, %parallel_loop3A_887 : vector<16xf32>
        %parallel_loop3A_889 = arith.constant 0.00320512825 : f32
        %parallel_loop3A_890 = vector.broadcast %parallel_loop3A_889 : f32 to vector<16xf32>
        %parallel_loop3A_891 = arith.mulf %parallel_loop3A_885, %parallel_loop3A_890 : vector<16xf32>
        %parallel_loop3A_892 = arith.mulf %parallel_loop3A_888, %parallel_loop3A_888 : vector<16xf32>
        %parallel_loop3A_893 = arith.subf %parallel_loop3A_891, %parallel_loop3A_892 : vector<16xf32>
        %parallel_loop3A_894 = arith.constant 0.000000e+00 : f32
        %parallel_loop3A_895 = vector.broadcast %parallel_loop3A_894 : f32 to vector<16xf32>
        %parallel_loop3A_896 = arith.maximumf %parallel_loop3A_893, %parallel_loop3A_895 : vector<16xf32>
        %parallel_loop3A_897 = arith.constant 9.99999996E-13 : f32
        %parallel_loop3A_898 = vector.broadcast %parallel_loop3A_897 : f32 to vector<16xf32>
        %parallel_loop3A_899 = arith.addf %parallel_loop3A_896, %parallel_loop3A_898 : vector<16xf32>
        %parallel_loop3A_900 = tpu.bitcast %parallel_loop3A_899 : vector<16xf32> -> vector<16xi32>
        %parallel_loop3A_901 = arith.constant 1 : i32
        %parallel_loop3A_902 = vector.broadcast %parallel_loop3A_901 : i32 to vector<16xi32>
        %parallel_loop3A_903 = arith.shrui %parallel_loop3A_900, %parallel_loop3A_902 : vector<16xi32>
        %parallel_loop3A_904 = arith.constant 1597463007 : i32
        %parallel_loop3A_905 = vector.broadcast %parallel_loop3A_904 : i32 to vector<16xi32>
        %parallel_loop3A_906 = arith.subi %parallel_loop3A_905, %parallel_loop3A_903 : vector<16xi32>
        %parallel_loop3A_907 = tpu.bitcast %parallel_loop3A_906 : vector<16xi32> -> vector<16xf32>
        %parallel_loop3A_908 = arith.constant 5.000000e-01 : f32
        %parallel_loop3A_909 = vector.broadcast %parallel_loop3A_908 : f32 to vector<16xf32>
        %parallel_loop3A_910 = arith.mulf %parallel_loop3A_909, %parallel_loop3A_899 : vector<16xf32>
        %parallel_loop3A_911 = arith.mulf %parallel_loop3A_910, %parallel_loop3A_907 : vector<16xf32>
        %parallel_loop3A_912 = arith.mulf %parallel_loop3A_911, %parallel_loop3A_907 : vector<16xf32>
        %parallel_loop3A_913 = arith.constant 1.500000e+00 : f32
        %parallel_loop3A_914 = vector.broadcast %parallel_loop3A_913 : f32 to vector<16xf32>
        %parallel_loop3A_915 = arith.subf %parallel_loop3A_914, %parallel_loop3A_912 : vector<16xf32>
        %parallel_loop3A_916 = arith.mulf %parallel_loop3A_907, %parallel_loop3A_915 : vector<16xf32>
        %parallel_loop3A_917 = arith.constant 5.000000e-01 : f32
        %parallel_loop3A_918 = vector.broadcast %parallel_loop3A_917 : f32 to vector<16xf32>
        %parallel_loop3A_919 = arith.mulf %parallel_loop3A_918, %parallel_loop3A_899 : vector<16xf32>
        %parallel_loop3A_920 = arith.mulf %parallel_loop3A_919, %parallel_loop3A_916 : vector<16xf32>
        %parallel_loop3A_921 = arith.mulf %parallel_loop3A_920, %parallel_loop3A_916 : vector<16xf32>
        %parallel_loop3A_922 = arith.constant 1.500000e+00 : f32
        %parallel_loop3A_923 = vector.broadcast %parallel_loop3A_922 : f32 to vector<16xf32>
        %parallel_loop3A_924 = arith.subf %parallel_loop3A_923, %parallel_loop3A_921 : vector<16xf32>
        %parallel_loop3A_925 = arith.mulf %parallel_loop3A_916, %parallel_loop3A_924 : vector<16xf32>
        %parallel_loop3A_926 = arith.constant 5.000000e-01 : f32
        %parallel_loop3A_927 = vector.broadcast %parallel_loop3A_926 : f32 to vector<16xf32>
        %parallel_loop3A_928 = arith.mulf %parallel_loop3A_927, %parallel_loop3A_899 : vector<16xf32>
        %parallel_loop3A_929 = arith.mulf %parallel_loop3A_928, %parallel_loop3A_925 : vector<16xf32>
        %parallel_loop3A_930 = arith.mulf %parallel_loop3A_929, %parallel_loop3A_925 : vector<16xf32>
        %parallel_loop3A_931 = arith.constant 1.500000e+00 : f32
        %parallel_loop3A_932 = vector.broadcast %parallel_loop3A_931 : f32 to vector<16xf32>
        %parallel_loop3A_933 = arith.subf %parallel_loop3A_932, %parallel_loop3A_930 : vector<16xf32>
        %parallel_loop3A_934 = arith.mulf %parallel_loop3A_925, %parallel_loop3A_933 : vector<16xf32>
        %parallel_loop3A_935 = arith.extui %eq3A_301 : i1 to i32
        %parallel_loop3A_936 = arith.constant 0 : i32
        %parallel_loop3A_937 = arith.cmpi ne, %parallel_loop3A_935, %parallel_loop3A_936 : i32
        scf.if %parallel_loop3A_937 {
          %parallel_loop3A_943 = arith.subf %parallel_loop3A_507, %parallel_loop3A_888 : vector<16xf32>
          %parallel_loop3A_944 = arith.mulf %parallel_loop3A_943, %parallel_loop3A_934 : vector<16xf32>
          %parallel_loop3A_945 = arith.index_cast %parallel_loop3A_484 : i32 to index
          %parallel_loop3A_946 = arith.constant 0 : index
          %parallel_loop3A_947 = tpu.vector_load %arg23[%parallel_loop3A_945, %parallel_loop3A_946] {strides = array<i32>} : memref<64x384xf32, #tpu.memory_space<vmem>>, vector<16xf32>,
          tpu.vector_store %arg23[%parallel_loop3A_945, %parallel_loop3A_946], %parallel_loop3A_944 {strides = array<i32>} : memref<64x384xf32, #tpu.memory_space<vmem>>, vector<16xf32>,
          %parallel_loop3A_948 = arith.subf %parallel_loop3A_522, %parallel_loop3A_888 : vector<16xf32>
          %parallel_loop3A_949 = arith.mulf %parallel_loop3A_948, %parallel_loop3A_934 : vector<16xf32>
          %parallel_loop3A_950 = arith.index_cast %parallel_loop3A_484 : i32 to index
          %parallel_loop3A_951 = arith.constant 16 : index
          %parallel_loop3A_952 = tpu.vector_load %arg23[%parallel_loop3A_950, %parallel_loop3A_951] {strides = array<i32>} : memref<64x384xf32, #tpu.memory_space<vmem>>, vector<16xf32>,
          tpu.vector_store %arg23[%parallel_loop3A_950, %parallel_loop3A_951], %parallel_loop3A_949 {strides = array<i32>} : memref<64x384xf32, #tpu.memory_space<vmem>>, vector<16xf32>,
          %parallel_loop3A_953 = arith.subf %parallel_loop3A_537, %parallel_loop3A_888 : vector<16xf32>
          %parallel_loop3A_954 = arith.mulf %parallel_loop3A_953, %parallel_loop3A_934 : vector<16xf32>
          %parallel_loop3A_955 = arith.index_cast %parallel_loop3A_484 : i32 to index
          %parallel_loop3A_956 = arith.constant 32 : index
          %parallel_loop3A_957 = tpu.vector_load %arg23[%parallel_loop3A_955, %parallel_loop3A_956] {strides = array<i32>} : memref<64x384xf32, #tpu.memory_space<vmem>>, vector<16xf32>,
          tpu.vector_store %arg23[%parallel_loop3A_955, %parallel_loop3A_956], %parallel_loop3A_954 {strides = array<i32>} : memref<64x384xf32, #tpu.memory_space<vmem>>, vector<16xf32>,
          %parallel_loop3A_958 = arith.subf %parallel_loop3A_552, %parallel_loop3A_888 : vector<16xf32>
          %parallel_loop3A_959 = arith.mulf %parallel_loop3A_958, %parallel_loop3A_934 : vector<16xf32>
          %parallel_loop3A_960 = arith.index_cast %parallel_loop3A_484 : i32 to index
          %parallel_loop3A_961 = arith.constant 48 : index
          %parallel_loop3A_962 = tpu.vector_load %arg23[%parallel_loop3A_960, %parallel_loop3A_961] {strides = array<i32>} : memref<64x384xf32, #tpu.memory_space<vmem>>, vector<16xf32>,
          tpu.vector_store %arg23[%parallel_loop3A_960, %parallel_loop3A_961], %parallel_loop3A_959 {strides = array<i32>} : memref<64x384xf32, #tpu.memory_space<vmem>>, vector<16xf32>,
          %parallel_loop3A_963 = arith.subf %parallel_loop3A_567, %parallel_loop3A_888 : vector<16xf32>
          %parallel_loop3A_964 = arith.mulf %parallel_loop3A_963, %parallel_loop3A_934 : vector<16xf32>
          %parallel_loop3A_965 = arith.index_cast %parallel_loop3A_484 : i32 to index
          %parallel_loop3A_966 = arith.constant 64 : index
          %parallel_loop3A_967 = tpu.vector_load %arg23[%parallel_loop3A_965, %parallel_loop3A_966] {strides = array<i32>} : memref<64x384xf32, #tpu.memory_space<vmem>>, vector<16xf32>,
          tpu.vector_store %arg23[%parallel_loop3A_965, %parallel_loop3A_966], %parallel_loop3A_964 {strides = array<i32>} : memref<64x384xf32, #tpu.memory_space<vmem>>, vector<16xf32>,
          %parallel_loop3A_968 = arith.subf %parallel_loop3A_582, %parallel_loop3A_888 : vector<16xf32>
          %parallel_loop3A_969 = arith.mulf %parallel_loop3A_968, %parallel_loop3A_934 : vector<16xf32>
          %parallel_loop3A_970 = arith.index_cast %parallel_loop3A_484 : i32 to index
          %parallel_loop3A_971 = arith.constant 80 : index
          %parallel_loop3A_972 = tpu.vector_load %arg23[%parallel_loop3A_970, %parallel_loop3A_971] {strides = array<i32>} : memref<64x384xf32, #tpu.memory_space<vmem>>, vector<16xf32>,
          tpu.vector_store %arg23[%parallel_loop3A_970, %parallel_loop3A_971], %parallel_loop3A_969 {strides = array<i32>} : memref<64x384xf32, #tpu.memory_space<vmem>>, vector<16xf32>,
          %parallel_loop3A_973 = arith.subf %parallel_loop3A_597, %parallel_loop3A_888 : vector<16xf32>
          %parallel_loop3A_974 = arith.mulf %parallel_loop3A_973, %parallel_loop3A_934 : vector<16xf32>
          %parallel_loop3A_975 = arith.index_cast %parallel_loop3A_484 : i32 to index
          %parallel_loop3A_976 = arith.constant 96 : index
          %parallel_loop3A_977 = tpu.vector_load %arg23[%parallel_loop3A_975, %parallel_loop3A_976] {strides = array<i32>} : memref<64x384xf32, #tpu.memory_space<vmem>>, vector<16xf32>,
          tpu.vector_store %arg23[%parallel_loop3A_975, %parallel_loop3A_976], %parallel_loop3A_974 {strides = array<i32>} : memref<64x384xf32, #tpu.memory_space<vmem>>, vector<16xf32>,
          %parallel_loop3A_978 = arith.subf %parallel_loop3A_612, %parallel_loop3A_888 : vector<16xf32>
          %parallel_loop3A_979 = arith.mulf %parallel_loop3A_978, %parallel_loop3A_934 : vector<16xf32>
          %parallel_loop3A_980 = arith.index_cast %parallel_loop3A_484 : i32 to index
          %parallel_loop3A_981 = arith.constant 112 : index
          %parallel_loop3A_982 = tpu.vector_load %arg23[%parallel_loop3A_980, %parallel_loop3A_981] {strides = array<i32>} : memref<64x384xf32, #tpu.memory_space<vmem>>, vector<16xf32>,
          tpu.vector_store %arg23[%parallel_loop3A_980, %parallel_loop3A_981], %parallel_loop3A_979 {strides = array<i32>} : memref<64x384xf32, #tpu.memory_space<vmem>>, vector<16xf32>,
          %parallel_loop3A_983 = arith.subf %parallel_loop3A_627, %parallel_loop3A_888 : vector<16xf32>
          %parallel_loop3A_984 = arith.mulf %parallel_loop3A_983, %parallel_loop3A_934 : vector<16xf32>
          %parallel_loop3A_985 = arith.index_cast %parallel_loop3A_484 : i32 to index
          %parallel_loop3A_986 = arith.constant 128 : index
          %parallel_loop3A_987 = tpu.vector_load %arg23[%parallel_loop3A_985, %parallel_loop3A_986] {strides = array<i32>} : memref<64x384xf32, #tpu.memory_space<vmem>>, vector<16xf32>,
          tpu.vector_store %arg23[%parallel_loop3A_985, %parallel_loop3A_986], %parallel_loop3A_984 {strides = array<i32>} : memref<64x384xf32, #tpu.memory_space<vmem>>, vector<16xf32>,
          %parallel_loop3A_988 = arith.subf %parallel_loop3A_642, %parallel_loop3A_888 : vector<16xf32>
          %parallel_loop3A_989 = arith.mulf %parallel_loop3A_988, %parallel_loop3A_934 : vector<16xf32>
          %parallel_loop3A_990 = arith.index_cast %parallel_loop3A_484 : i32 to index
          %parallel_loop3A_991 = arith.constant 144 : index
          %parallel_loop3A_992 = tpu.vector_load %arg23[%parallel_loop3A_990, %parallel_loop3A_991] {strides = array<i32>} : memref<64x384xf32, #tpu.memory_space<vmem>>, vector<16xf32>,
          tpu.vector_store %arg23[%parallel_loop3A_990, %parallel_loop3A_991], %parallel_loop3A_989 {strides = array<i32>} : memref<64x384xf32, #tpu.memory_space<vmem>>, vector<16xf32>,
          %parallel_loop3A_993 = arith.subf %parallel_loop3A_657, %parallel_loop3A_888 : vector<16xf32>
          %parallel_loop3A_994 = arith.mulf %parallel_loop3A_993, %parallel_loop3A_934 : vector<16xf32>
          %parallel_loop3A_995 = arith.index_cast %parallel_loop3A_484 : i32 to index
          %parallel_loop3A_996 = arith.constant 160 : index
          %parallel_loop3A_997 = tpu.vector_load %arg23[%parallel_loop3A_995, %parallel_loop3A_996] {strides = array<i32>} : memref<64x384xf32, #tpu.memory_space<vmem>>, vector<16xf32>,
          tpu.vector_store %arg23[%parallel_loop3A_995, %parallel_loop3A_996], %parallel_loop3A_994 {strides = array<i32>} : memref<64x384xf32, #tpu.memory_space<vmem>>, vector<16xf32>,
          %parallel_loop3A_998 = arith.subf %parallel_loop3A_672, %parallel_loop3A_888 : vector<16xf32>
          %parallel_loop3A_999 = arith.mulf %parallel_loop3A_998, %parallel_loop3A_934 : vector<16xf32>
          %parallel_loop3A_1000 = arith.index_cast %parallel_loop3A_484 : i32 to index
          %parallel_loop3A_1001 = arith.constant 176 : index
          %parallel_loop3A_1002 = tpu.vector_load %arg23[%parallel_loop3A_1000, %parallel_loop3A_1001] {strides = array<i32>} : memref<64x384xf32, #tpu.memory_space<vmem>>, vector<16xf32>,
          tpu.vector_store %arg23[%parallel_loop3A_1000, %parallel_loop3A_1001], %parallel_loop3A_999 {strides = array<i32>} : memref<64x384xf32, #tpu.memory_space<vmem>>, vector<16xf32>,
          %parallel_loop3A_1003 = arith.subf %parallel_loop3A_687, %parallel_loop3A_888 : vector<16xf32>
          %parallel_loop3A_1004 = arith.mulf %parallel_loop3A_1003, %parallel_loop3A_934 : vector<16xf32>
          %parallel_loop3A_1005 = arith.index_cast %parallel_loop3A_484 : i32 to index
          %parallel_loop3A_1006 = arith.constant 192 : index
          %parallel_loop3A_1007 = tpu.vector_load %arg23[%parallel_loop3A_1005, %parallel_loop3A_1006] {strides = array<i32>} : memref<64x384xf32, #tpu.memory_space<vmem>>, vector<16xf32>,
          tpu.vector_store %arg23[%parallel_loop3A_1005, %parallel_loop3A_1006], %parallel_loop3A_1004 {strides = array<i32>} : memref<64x384xf32, #tpu.memory_space<vmem>>, vector<16xf32>,
          %parallel_loop3A_1008 = arith.subf %parallel_loop3A_702, %parallel_loop3A_888 : vector<16xf32>
          %parallel_loop3A_1009 = arith.mulf %parallel_loop3A_1008, %parallel_loop3A_934 : vector<16xf32>
          %parallel_loop3A_1010 = arith.index_cast %parallel_loop3A_484 : i32 to index
          %parallel_loop3A_1011 = arith.constant 208 : index
          %parallel_loop3A_1012 = tpu.vector_load %arg23[%parallel_loop3A_1010, %parallel_loop3A_1011] {strides = array<i32>} : memref<64x384xf32, #tpu.memory_space<vmem>>, vector<16xf32>,
          tpu.vector_store %arg23[%parallel_loop3A_1010, %parallel_loop3A_1011], %parallel_loop3A_1009 {strides = array<i32>} : memref<64x384xf32, #tpu.memory_space<vmem>>, vector<16xf32>,
          %parallel_loop3A_1013 = arith.subf %parallel_loop3A_717, %parallel_loop3A_888 : vector<16xf32>
          %parallel_loop3A_1014 = arith.mulf %parallel_loop3A_1013, %parallel_loop3A_934 : vector<16xf32>
          %parallel_loop3A_1015 = arith.index_cast %parallel_loop3A_484 : i32 to index
          %parallel_loop3A_1016 = arith.constant 224 : index
          %parallel_loop3A_1017 = tpu.vector_load %arg23[%parallel_loop3A_1015, %parallel_loop3A_1016] {strides = array<i32>} : memref<64x384xf32, #tpu.memory_space<vmem>>, vector<16xf32>,
          tpu.vector_store %arg23[%parallel_loop3A_1015, %parallel_loop3A_1016], %parallel_loop3A_1014 {strides = array<i32>} : memref<64x384xf32, #tpu.memory_space<vmem>>, vector<16xf32>,
          %parallel_loop3A_1018 = arith.subf %parallel_loop3A_732, %parallel_loop3A_888 : vector<16xf32>
          %parallel_loop3A_1019 = arith.mulf %parallel_loop3A_1018, %parallel_loop3A_934 : vector<16xf32>
          %parallel_loop3A_1020 = arith.index_cast %parallel_loop3A_484 : i32 to index
          %parallel_loop3A_1021 = arith.constant 240 : index
          %parallel_loop3A_1022 = tpu.vector_load %arg23[%parallel_loop3A_1020, %parallel_loop3A_1021] {strides = array<i32>} : memref<64x384xf32, #tpu.memory_space<vmem>>, vector<16xf32>,
          tpu.vector_store %arg23[%parallel_loop3A_1020, %parallel_loop3A_1021], %parallel_loop3A_1019 {strides = array<i32>} : memref<64x384xf32, #tpu.memory_space<vmem>>, vector<16xf32>,
          %parallel_loop3A_1023 = arith.subf %parallel_loop3A_747, %parallel_loop3A_888 : vector<16xf32>
          %parallel_loop3A_1024 = arith.mulf %parallel_loop3A_1023, %parallel_loop3A_934 : vector<16xf32>
          %parallel_loop3A_1025 = arith.index_cast %parallel_loop3A_484 : i32 to index
          %parallel_loop3A_1026 = arith.constant 256 : index
          %parallel_loop3A_1027 = tpu.vector_load %arg23[%parallel_loop3A_1025, %parallel_loop3A_1026] {strides = array<i32>} : memref<64x384xf32, #tpu.memory_space<vmem>>, vector<16xf32>,
          tpu.vector_store %arg23[%parallel_loop3A_1025, %parallel_loop3A_1026], %parallel_loop3A_1024 {strides = array<i32>} : memref<64x384xf32, #tpu.memory_space<vmem>>, vector<16xf32>,
          %parallel_loop3A_1028 = arith.subf %parallel_loop3A_762, %parallel_loop3A_888 : vector<16xf32>
          %parallel_loop3A_1029 = arith.mulf %parallel_loop3A_1028, %parallel_loop3A_934 : vector<16xf32>
          %parallel_loop3A_1030 = arith.index_cast %parallel_loop3A_484 : i32 to index
          %parallel_loop3A_1031 = arith.constant 272 : index
          %parallel_loop3A_1032 = tpu.vector_load %arg23[%parallel_loop3A_1030, %parallel_loop3A_1031] {strides = array<i32>} : memref<64x384xf32, #tpu.memory_space<vmem>>, vector<16xf32>,
          tpu.vector_store %arg23[%parallel_loop3A_1030, %parallel_loop3A_1031], %parallel_loop3A_1029 {strides = array<i32>} : memref<64x384xf32, #tpu.memory_space<vmem>>, vector<16xf32>,
          %parallel_loop3A_1033 = arith.subf %parallel_loop3A_777, %parallel_loop3A_888 : vector<16xf32>
          %parallel_loop3A_1034 = arith.mulf %parallel_loop3A_1033, %parallel_loop3A_934 : vector<16xf32>
          %parallel_loop3A_1035 = arith.index_cast %parallel_loop3A_484 : i32 to index
          %parallel_loop3A_1036 = arith.constant 288 : index
          %parallel_loop3A_1037 = tpu.vector_load %arg23[%parallel_loop3A_1035, %parallel_loop3A_1036] {strides = array<i32>} : memref<64x384xf32, #tpu.memory_space<vmem>>, vector<16xf32>,
          tpu.vector_store %arg23[%parallel_loop3A_1035, %parallel_loop3A_1036], %parallel_loop3A_1034 {strides = array<i32>} : memref<64x384xf32, #tpu.memory_space<vmem>>, vector<16xf32>,
          %parallel_loop3A_1038 = arith.subf %parallel_loop3A_792, %parallel_loop3A_888 : vector<16xf32>
          %parallel_loop3A_1039 = arith.mulf %parallel_loop3A_1038, %parallel_loop3A_934 : vector<16xf32>
          %parallel_loop3A_1040 = arith.index_cast %parallel_loop3A_484 : i32 to index
          %parallel_loop3A_1041 = arith.constant 304 : index
          %parallel_loop3A_1042 = tpu.vector_load %arg23[%parallel_loop3A_1040, %parallel_loop3A_1041] {strides = array<i32>} : memref<64x384xf32, #tpu.memory_space<vmem>>, vector<16xf32>,
          tpu.vector_store %arg23[%parallel_loop3A_1040, %parallel_loop3A_1041], %parallel_loop3A_1039 {strides = array<i32>} : memref<64x384xf32, #tpu.memory_space<vmem>>, vector<16xf32>,
        } else {
        }
        %parallel_loop3A_938 = arith.constant true
        %parallel_loop3A_939 = arith.xori %eq3A_301, %parallel_loop3A_938 : i1
        %parallel_loop3A_940 = arith.extui %parallel_loop3A_939 : i1 to i32
        %parallel_loop3A_941 = arith.constant 0 : i32
        %parallel_loop3A_942 = arith.cmpi ne, %parallel_loop3A_940, %parallel_loop3A_941 : i32
        scf.if %parallel_loop3A_942 {
          %parallel_loop3A_943 = arith.subf %parallel_loop3A_507, %parallel_loop3A_888 : vector<16xf32>
          %parallel_loop3A_944 = arith.mulf %parallel_loop3A_943, %parallel_loop3A_934 : vector<16xf32>
          %parallel_loop3A_945 = arith.constant 0 : index
          %parallel_loop3A_946 = tpu.vector_load %arg27[%parallel_loop3A_945] {strides = array<i32>} : memref<384xf32, #tpu.memory_space<vmem>>, vector<16xf32>,
          %parallel_loop3A_947 = arith.mulf %parallel_loop3A_944, %parallel_loop3A_946 : vector<16xf32>
          %parallel_loop3A_948 = arith.constant 0 : index
          %parallel_loop3A_949 = tpu.vector_load %arg28[%parallel_loop3A_948] {strides = array<i32>} : memref<384xf32, #tpu.memory_space<vmem>>, vector<16xf32>,
          %parallel_loop3A_950 = arith.addf %parallel_loop3A_947, %parallel_loop3A_949 : vector<16xf32>
          %parallel_loop3A_951 = arith.index_cast %parallel_loop3A_484 : i32 to index
          %parallel_loop3A_952 = arith.constant 0 : index
          %parallel_loop3A_953 = tpu.vector_load %arg23[%parallel_loop3A_951, %parallel_loop3A_952] {strides = array<i32>} : memref<64x384xf32, #tpu.memory_space<vmem>>, vector<16xf32>,
          tpu.vector_store %arg23[%parallel_loop3A_951, %parallel_loop3A_952], %parallel_loop3A_950 {strides = array<i32>} : memref<64x384xf32, #tpu.memory_space<vmem>>, vector<16xf32>,
          %parallel_loop3A_954 = arith.subf %parallel_loop3A_522, %parallel_loop3A_888 : vector<16xf32>
          %parallel_loop3A_955 = arith.mulf %parallel_loop3A_954, %parallel_loop3A_934 : vector<16xf32>
          %parallel_loop3A_956 = arith.constant 16 : index
          %parallel_loop3A_957 = tpu.vector_load %arg27[%parallel_loop3A_956] {strides = array<i32>} : memref<384xf32, #tpu.memory_space<vmem>>, vector<16xf32>,
          %parallel_loop3A_958 = arith.mulf %parallel_loop3A_955, %parallel_loop3A_957 : vector<16xf32>
          %parallel_loop3A_959 = arith.constant 16 : index
          %parallel_loop3A_960 = tpu.vector_load %arg28[%parallel_loop3A_959] {strides = array<i32>} : memref<384xf32, #tpu.memory_space<vmem>>, vector<16xf32>,
          %parallel_loop3A_961 = arith.addf %parallel_loop3A_958, %parallel_loop3A_960 : vector<16xf32>
          %parallel_loop3A_962 = arith.index_cast %parallel_loop3A_484 : i32 to index
          %parallel_loop3A_963 = arith.constant 16 : index
          %parallel_loop3A_964 = tpu.vector_load %arg23[%parallel_loop3A_962, %parallel_loop3A_963] {strides = array<i32>} : memref<64x384xf32, #tpu.memory_space<vmem>>, vector<16xf32>,
          tpu.vector_store %arg23[%parallel_loop3A_962, %parallel_loop3A_963], %parallel_loop3A_961 {strides = array<i32>} : memref<64x384xf32, #tpu.memory_space<vmem>>, vector<16xf32>,
          %parallel_loop3A_965 = arith.subf %parallel_loop3A_537, %parallel_loop3A_888 : vector<16xf32>
          %parallel_loop3A_966 = arith.mulf %parallel_loop3A_965, %parallel_loop3A_934 : vector<16xf32>
          %parallel_loop3A_967 = arith.constant 32 : index
          %parallel_loop3A_968 = tpu.vector_load %arg27[%parallel_loop3A_967] {strides = array<i32>} : memref<384xf32, #tpu.memory_space<vmem>>, vector<16xf32>,
          %parallel_loop3A_969 = arith.mulf %parallel_loop3A_966, %parallel_loop3A_968 : vector<16xf32>
          %parallel_loop3A_970 = arith.constant 32 : index
          %parallel_loop3A_971 = tpu.vector_load %arg28[%parallel_loop3A_970] {strides = array<i32>} : memref<384xf32, #tpu.memory_space<vmem>>, vector<16xf32>,
          %parallel_loop3A_972 = arith.addf %parallel_loop3A_969, %parallel_loop3A_971 : vector<16xf32>
          %parallel_loop3A_973 = arith.index_cast %parallel_loop3A_484 : i32 to index
          %parallel_loop3A_974 = arith.constant 32 : index
          %parallel_loop3A_975 = tpu.vector_load %arg23[%parallel_loop3A_973, %parallel_loop3A_974] {strides = array<i32>} : memref<64x384xf32, #tpu.memory_space<vmem>>, vector<16xf32>,
          tpu.vector_store %arg23[%parallel_loop3A_973, %parallel_loop3A_974], %parallel_loop3A_972 {strides = array<i32>} : memref<64x384xf32, #tpu.memory_space<vmem>>, vector<16xf32>,
          %parallel_loop3A_976 = arith.subf %parallel_loop3A_552, %parallel_loop3A_888 : vector<16xf32>
          %parallel_loop3A_977 = arith.mulf %parallel_loop3A_976, %parallel_loop3A_934 : vector<16xf32>
          %parallel_loop3A_978 = arith.constant 48 : index
          %parallel_loop3A_979 = tpu.vector_load %arg27[%parallel_loop3A_978] {strides = array<i32>} : memref<384xf32, #tpu.memory_space<vmem>>, vector<16xf32>,
          %parallel_loop3A_980 = arith.mulf %parallel_loop3A_977, %parallel_loop3A_979 : vector<16xf32>
          %parallel_loop3A_981 = arith.constant 48 : index
          %parallel_loop3A_982 = tpu.vector_load %arg28[%parallel_loop3A_981] {strides = array<i32>} : memref<384xf32, #tpu.memory_space<vmem>>, vector<16xf32>,
          %parallel_loop3A_983 = arith.addf %parallel_loop3A_980, %parallel_loop3A_982 : vector<16xf32>
          %parallel_loop3A_984 = arith.index_cast %parallel_loop3A_484 : i32 to index
          %parallel_loop3A_985 = arith.constant 48 : index
          %parallel_loop3A_986 = tpu.vector_load %arg23[%parallel_loop3A_984, %parallel_loop3A_985] {strides = array<i32>} : memref<64x384xf32, #tpu.memory_space<vmem>>, vector<16xf32>,
          tpu.vector_store %arg23[%parallel_loop3A_984, %parallel_loop3A_985], %parallel_loop3A_983 {strides = array<i32>} : memref<64x384xf32, #tpu.memory_space<vmem>>, vector<16xf32>,
          %parallel_loop3A_987 = arith.subf %parallel_loop3A_567, %parallel_loop3A_888 : vector<16xf32>
          %parallel_loop3A_988 = arith.mulf %parallel_loop3A_987, %parallel_loop3A_934 : vector<16xf32>
          %parallel_loop3A_989 = arith.constant 64 : index
          %parallel_loop3A_990 = tpu.vector_load %arg27[%parallel_loop3A_989] {strides = array<i32>} : memref<384xf32, #tpu.memory_space<vmem>>, vector<16xf32>,
          %parallel_loop3A_991 = arith.mulf %parallel_loop3A_988, %parallel_loop3A_990 : vector<16xf32>
          %parallel_loop3A_992 = arith.constant 64 : index
          %parallel_loop3A_993 = tpu.vector_load %arg28[%parallel_loop3A_992] {strides = array<i32>} : memref<384xf32, #tpu.memory_space<vmem>>, vector<16xf32>,
          %parallel_loop3A_994 = arith.addf %parallel_loop3A_991, %parallel_loop3A_993 : vector<16xf32>
          %parallel_loop3A_995 = arith.index_cast %parallel_loop3A_484 : i32 to index
          %parallel_loop3A_996 = arith.constant 64 : index
          %parallel_loop3A_997 = tpu.vector_load %arg23[%parallel_loop3A_995, %parallel_loop3A_996] {strides = array<i32>} : memref<64x384xf32, #tpu.memory_space<vmem>>, vector<16xf32>,
          tpu.vector_store %arg23[%parallel_loop3A_995, %parallel_loop3A_996], %parallel_loop3A_994 {strides = array<i32>} : memref<64x384xf32, #tpu.memory_space<vmem>>, vector<16xf32>,
          %parallel_loop3A_998 = arith.subf %parallel_loop3A_582, %parallel_loop3A_888 : vector<16xf32>
          %parallel_loop3A_999 = arith.mulf %parallel_loop3A_998, %parallel_loop3A_934 : vector<16xf32>
          %parallel_loop3A_1000 = arith.constant 80 : index
          %parallel_loop3A_1001 = tpu.vector_load %arg27[%parallel_loop3A_1000] {strides = array<i32>} : memref<384xf32, #tpu.memory_space<vmem>>, vector<16xf32>,
          %parallel_loop3A_1002 = arith.mulf %parallel_loop3A_999, %parallel_loop3A_1001 : vector<16xf32>
          %parallel_loop3A_1003 = arith.constant 80 : index
          %parallel_loop3A_1004 = tpu.vector_load %arg28[%parallel_loop3A_1003] {strides = array<i32>} : memref<384xf32, #tpu.memory_space<vmem>>, vector<16xf32>,
          %parallel_loop3A_1005 = arith.addf %parallel_loop3A_1002, %parallel_loop3A_1004 : vector<16xf32>
          %parallel_loop3A_1006 = arith.index_cast %parallel_loop3A_484 : i32 to index
          %parallel_loop3A_1007 = arith.constant 80 : index
          %parallel_loop3A_1008 = tpu.vector_load %arg23[%parallel_loop3A_1006, %parallel_loop3A_1007] {strides = array<i32>} : memref<64x384xf32, #tpu.memory_space<vmem>>, vector<16xf32>,
          tpu.vector_store %arg23[%parallel_loop3A_1006, %parallel_loop3A_1007], %parallel_loop3A_1005 {strides = array<i32>} : memref<64x384xf32, #tpu.memory_space<vmem>>, vector<16xf32>,
          %parallel_loop3A_1009 = arith.subf %parallel_loop3A_597, %parallel_loop3A_888 : vector<16xf32>
          %parallel_loop3A_1010 = arith.mulf %parallel_loop3A_1009, %parallel_loop3A_934 : vector<16xf32>
          %parallel_loop3A_1011 = arith.constant 96 : index
          %parallel_loop3A_1012 = tpu.vector_load %arg27[%parallel_loop3A_1011] {strides = array<i32>} : memref<384xf32, #tpu.memory_space<vmem>>, vector<16xf32>,
          %parallel_loop3A_1013 = arith.mulf %parallel_loop3A_1010, %parallel_loop3A_1012 : vector<16xf32>
          %parallel_loop3A_1014 = arith.constant 96 : index
          %parallel_loop3A_1015 = tpu.vector_load %arg28[%parallel_loop3A_1014] {strides = array<i32>} : memref<384xf32, #tpu.memory_space<vmem>>, vector<16xf32>,
          %parallel_loop3A_1016 = arith.addf %parallel_loop3A_1013, %parallel_loop3A_1015 : vector<16xf32>
          %parallel_loop3A_1017 = arith.index_cast %parallel_loop3A_484 : i32 to index
          %parallel_loop3A_1018 = arith.constant 96 : index
          %parallel_loop3A_1019 = tpu.vector_load %arg23[%parallel_loop3A_1017, %parallel_loop3A_1018] {strides = array<i32>} : memref<64x384xf32, #tpu.memory_space<vmem>>, vector<16xf32>,
          tpu.vector_store %arg23[%parallel_loop3A_1017, %parallel_loop3A_1018], %parallel_loop3A_1016 {strides = array<i32>} : memref<64x384xf32, #tpu.memory_space<vmem>>, vector<16xf32>,
          %parallel_loop3A_1020 = arith.subf %parallel_loop3A_612, %parallel_loop3A_888 : vector<16xf32>
          %parallel_loop3A_1021 = arith.mulf %parallel_loop3A_1020, %parallel_loop3A_934 : vector<16xf32>
          %parallel_loop3A_1022 = arith.constant 112 : index
          %parallel_loop3A_1023 = tpu.vector_load %arg27[%parallel_loop3A_1022] {strides = array<i32>} : memref<384xf32, #tpu.memory_space<vmem>>, vector<16xf32>,
          %parallel_loop3A_1024 = arith.mulf %parallel_loop3A_1021, %parallel_loop3A_1023 : vector<16xf32>
          %parallel_loop3A_1025 = arith.constant 112 : index
          %parallel_loop3A_1026 = tpu.vector_load %arg28[%parallel_loop3A_1025] {strides = array<i32>} : memref<384xf32, #tpu.memory_space<vmem>>, vector<16xf32>,
          %parallel_loop3A_1027 = arith.addf %parallel_loop3A_1024, %parallel_loop3A_1026 : vector<16xf32>
          %parallel_loop3A_1028 = arith.index_cast %parallel_loop3A_484 : i32 to index
          %parallel_loop3A_1029 = arith.constant 112 : index
          %parallel_loop3A_1030 = tpu.vector_load %arg23[%parallel_loop3A_1028, %parallel_loop3A_1029] {strides = array<i32>} : memref<64x384xf32, #tpu.memory_space<vmem>>, vector<16xf32>,
          tpu.vector_store %arg23[%parallel_loop3A_1028, %parallel_loop3A_1029], %parallel_loop3A_1027 {strides = array<i32>} : memref<64x384xf32, #tpu.memory_space<vmem>>, vector<16xf32>,
          %parallel_loop3A_1031 = arith.subf %parallel_loop3A_627, %parallel_loop3A_888 : vector<16xf32>
          %parallel_loop3A_1032 = arith.mulf %parallel_loop3A_1031, %parallel_loop3A_934 : vector<16xf32>
          %parallel_loop3A_1033 = arith.constant 128 : index
          %parallel_loop3A_1034 = tpu.vector_load %arg27[%parallel_loop3A_1033] {strides = array<i32>} : memref<384xf32, #tpu.memory_space<vmem>>, vector<16xf32>,
          %parallel_loop3A_1035 = arith.mulf %parallel_loop3A_1032, %parallel_loop3A_1034 : vector<16xf32>
          %parallel_loop3A_1036 = arith.constant 128 : index
          %parallel_loop3A_1037 = tpu.vector_load %arg28[%parallel_loop3A_1036] {strides = array<i32>} : memref<384xf32, #tpu.memory_space<vmem>>, vector<16xf32>,
          %parallel_loop3A_1038 = arith.addf %parallel_loop3A_1035, %parallel_loop3A_1037 : vector<16xf32>
          %parallel_loop3A_1039 = arith.index_cast %parallel_loop3A_484 : i32 to index
          %parallel_loop3A_1040 = arith.constant 128 : index
          %parallel_loop3A_1041 = tpu.vector_load %arg23[%parallel_loop3A_1039, %parallel_loop3A_1040] {strides = array<i32>} : memref<64x384xf32, #tpu.memory_space<vmem>>, vector<16xf32>,
          tpu.vector_store %arg23[%parallel_loop3A_1039, %parallel_loop3A_1040], %parallel_loop3A_1038 {strides = array<i32>} : memref<64x384xf32, #tpu.memory_space<vmem>>, vector<16xf32>,
          %parallel_loop3A_1042 = arith.subf %parallel_loop3A_642, %parallel_loop3A_888 : vector<16xf32>
          %parallel_loop3A_1043 = arith.mulf %parallel_loop3A_1042, %parallel_loop3A_934 : vector<16xf32>
          %parallel_loop3A_1044 = arith.constant 144 : index
          %parallel_loop3A_1045 = tpu.vector_load %arg27[%parallel_loop3A_1044] {strides = array<i32>} : memref<384xf32, #tpu.memory_space<vmem>>, vector<16xf32>,
          %parallel_loop3A_1046 = arith.mulf %parallel_loop3A_1043, %parallel_loop3A_1045 : vector<16xf32>
          %parallel_loop3A_1047 = arith.constant 144 : index
          %parallel_loop3A_1048 = tpu.vector_load %arg28[%parallel_loop3A_1047] {strides = array<i32>} : memref<384xf32, #tpu.memory_space<vmem>>, vector<16xf32>,
          %parallel_loop3A_1049 = arith.addf %parallel_loop3A_1046, %parallel_loop3A_1048 : vector<16xf32>
          %parallel_loop3A_1050 = arith.index_cast %parallel_loop3A_484 : i32 to index
          %parallel_loop3A_1051 = arith.constant 144 : index
          %parallel_loop3A_1052 = tpu.vector_load %arg23[%parallel_loop3A_1050, %parallel_loop3A_1051] {strides = array<i32>} : memref<64x384xf32, #tpu.memory_space<vmem>>, vector<16xf32>,
          tpu.vector_store %arg23[%parallel_loop3A_1050, %parallel_loop3A_1051], %parallel_loop3A_1049 {strides = array<i32>} : memref<64x384xf32, #tpu.memory_space<vmem>>, vector<16xf32>,
          %parallel_loop3A_1053 = arith.subf %parallel_loop3A_657, %parallel_loop3A_888 : vector<16xf32>
          %parallel_loop3A_1054 = arith.mulf %parallel_loop3A_1053, %parallel_loop3A_934 : vector<16xf32>
          %parallel_loop3A_1055 = arith.constant 160 : index
          %parallel_loop3A_1056 = tpu.vector_load %arg27[%parallel_loop3A_1055] {strides = array<i32>} : memref<384xf32, #tpu.memory_space<vmem>>, vector<16xf32>,
          %parallel_loop3A_1057 = arith.mulf %parallel_loop3A_1054, %parallel_loop3A_1056 : vector<16xf32>
          %parallel_loop3A_1058 = arith.constant 160 : index
          %parallel_loop3A_1059 = tpu.vector_load %arg28[%parallel_loop3A_1058] {strides = array<i32>} : memref<384xf32, #tpu.memory_space<vmem>>, vector<16xf32>,
          %parallel_loop3A_1060 = arith.addf %parallel_loop3A_1057, %parallel_loop3A_1059 : vector<16xf32>
          %parallel_loop3A_1061 = arith.index_cast %parallel_loop3A_484 : i32 to index
          %parallel_loop3A_1062 = arith.constant 160 : index
          %parallel_loop3A_1063 = tpu.vector_load %arg23[%parallel_loop3A_1061, %parallel_loop3A_1062] {strides = array<i32>} : memref<64x384xf32, #tpu.memory_space<vmem>>, vector<16xf32>,
          tpu.vector_store %arg23[%parallel_loop3A_1061, %parallel_loop3A_1062], %parallel_loop3A_1060 {strides = array<i32>} : memref<64x384xf32, #tpu.memory_space<vmem>>, vector<16xf32>,
          %parallel_loop3A_1064 = arith.subf %parallel_loop3A_672, %parallel_loop3A_888 : vector<16xf32>
          %parallel_loop3A_1065 = arith.mulf %parallel_loop3A_1064, %parallel_loop3A_934 : vector<16xf32>
          %parallel_loop3A_1066 = arith.constant 176 : index
          %parallel_loop3A_1067 = tpu.vector_load %arg27[%parallel_loop3A_1066] {strides = array<i32>} : memref<384xf32, #tpu.memory_space<vmem>>, vector<16xf32>,
          %parallel_loop3A_1068 = arith.mulf %parallel_loop3A_1065, %parallel_loop3A_1067 : vector<16xf32>
          %parallel_loop3A_1069 = arith.constant 176 : index
          %parallel_loop3A_1070 = tpu.vector_load %arg28[%parallel_loop3A_1069] {strides = array<i32>} : memref<384xf32, #tpu.memory_space<vmem>>, vector<16xf32>,
          %parallel_loop3A_1071 = arith.addf %parallel_loop3A_1068, %parallel_loop3A_1070 : vector<16xf32>
          %parallel_loop3A_1072 = arith.index_cast %parallel_loop3A_484 : i32 to index
          %parallel_loop3A_1073 = arith.constant 176 : index
          %parallel_loop3A_1074 = tpu.vector_load %arg23[%parallel_loop3A_1072, %parallel_loop3A_1073] {strides = array<i32>} : memref<64x384xf32, #tpu.memory_space<vmem>>, vector<16xf32>,
          tpu.vector_store %arg23[%parallel_loop3A_1072, %parallel_loop3A_1073], %parallel_loop3A_1071 {strides = array<i32>} : memref<64x384xf32, #tpu.memory_space<vmem>>, vector<16xf32>,
          %parallel_loop3A_1075 = arith.subf %parallel_loop3A_687, %parallel_loop3A_888 : vector<16xf32>
          %parallel_loop3A_1076 = arith.mulf %parallel_loop3A_1075, %parallel_loop3A_934 : vector<16xf32>
          %parallel_loop3A_1077 = arith.constant 192 : index
          %parallel_loop3A_1078 = tpu.vector_load %arg27[%parallel_loop3A_1077] {strides = array<i32>} : memref<384xf32, #tpu.memory_space<vmem>>, vector<16xf32>,
          %parallel_loop3A_1079 = arith.mulf %parallel_loop3A_1076, %parallel_loop3A_1078 : vector<16xf32>
          %parallel_loop3A_1080 = arith.constant 192 : index
          %parallel_loop3A_1081 = tpu.vector_load %arg28[%parallel_loop3A_1080] {strides = array<i32>} : memref<384xf32, #tpu.memory_space<vmem>>, vector<16xf32>,
          %parallel_loop3A_1082 = arith.addf %parallel_loop3A_1079, %parallel_loop3A_1081 : vector<16xf32>
          %parallel_loop3A_1083 = arith.index_cast %parallel_loop3A_484 : i32 to index
          %parallel_loop3A_1084 = arith.constant 192 : index
          %parallel_loop3A_1085 = tpu.vector_load %arg23[%parallel_loop3A_1083, %parallel_loop3A_1084] {strides = array<i32>} : memref<64x384xf32, #tpu.memory_space<vmem>>, vector<16xf32>,
          tpu.vector_store %arg23[%parallel_loop3A_1083, %parallel_loop3A_1084], %parallel_loop3A_1082 {strides = array<i32>} : memref<64x384xf32, #tpu.memory_space<vmem>>, vector<16xf32>,
          %parallel_loop3A_1086 = arith.subf %parallel_loop3A_702, %parallel_loop3A_888 : vector<16xf32>
          %parallel_loop3A_1087 = arith.mulf %parallel_loop3A_1086, %parallel_loop3A_934 : vector<16xf32>
          %parallel_loop3A_1088 = arith.constant 208 : index
          %parallel_loop3A_1089 = tpu.vector_load %arg27[%parallel_loop3A_1088] {strides = array<i32>} : memref<384xf32, #tpu.memory_space<vmem>>, vector<16xf32>,
          %parallel_loop3A_1090 = arith.mulf %parallel_loop3A_1087, %parallel_loop3A_1089 : vector<16xf32>
          %parallel_loop3A_1091 = arith.constant 208 : index
          %parallel_loop3A_1092 = tpu.vector_load %arg28[%parallel_loop3A_1091] {strides = array<i32>} : memref<384xf32, #tpu.memory_space<vmem>>, vector<16xf32>,
          %parallel_loop3A_1093 = arith.addf %parallel_loop3A_1090, %parallel_loop3A_1092 : vector<16xf32>
          %parallel_loop3A_1094 = arith.index_cast %parallel_loop3A_484 : i32 to index
          %parallel_loop3A_1095 = arith.constant 208 : index
          %parallel_loop3A_1096 = tpu.vector_load %arg23[%parallel_loop3A_1094, %parallel_loop3A_1095] {strides = array<i32>} : memref<64x384xf32, #tpu.memory_space<vmem>>, vector<16xf32>,
          tpu.vector_store %arg23[%parallel_loop3A_1094, %parallel_loop3A_1095], %parallel_loop3A_1093 {strides = array<i32>} : memref<64x384xf32, #tpu.memory_space<vmem>>, vector<16xf32>,
          %parallel_loop3A_1097 = arith.subf %parallel_loop3A_717, %parallel_loop3A_888 : vector<16xf32>
          %parallel_loop3A_1098 = arith.mulf %parallel_loop3A_1097, %parallel_loop3A_934 : vector<16xf32>
          %parallel_loop3A_1099 = arith.constant 224 : index
          %parallel_loop3A_1100 = tpu.vector_load %arg27[%parallel_loop3A_1099] {strides = array<i32>} : memref<384xf32, #tpu.memory_space<vmem>>, vector<16xf32>,
          %parallel_loop3A_1101 = arith.mulf %parallel_loop3A_1098, %parallel_loop3A_1100 : vector<16xf32>
          %parallel_loop3A_1102 = arith.constant 224 : index
          %parallel_loop3A_1103 = tpu.vector_load %arg28[%parallel_loop3A_1102] {strides = array<i32>} : memref<384xf32, #tpu.memory_space<vmem>>, vector<16xf32>,
          %parallel_loop3A_1104 = arith.addf %parallel_loop3A_1101, %parallel_loop3A_1103 : vector<16xf32>
          %parallel_loop3A_1105 = arith.index_cast %parallel_loop3A_484 : i32 to index
          %parallel_loop3A_1106 = arith.constant 224 : index
          %parallel_loop3A_1107 = tpu.vector_load %arg23[%parallel_loop3A_1105, %parallel_loop3A_1106] {strides = array<i32>} : memref<64x384xf32, #tpu.memory_space<vmem>>, vector<16xf32>,
          tpu.vector_store %arg23[%parallel_loop3A_1105, %parallel_loop3A_1106], %parallel_loop3A_1104 {strides = array<i32>} : memref<64x384xf32, #tpu.memory_space<vmem>>, vector<16xf32>,
          %parallel_loop3A_1108 = arith.subf %parallel_loop3A_732, %parallel_loop3A_888 : vector<16xf32>
          %parallel_loop3A_1109 = arith.mulf %parallel_loop3A_1108, %parallel_loop3A_934 : vector<16xf32>
          %parallel_loop3A_1110 = arith.constant 240 : index
          %parallel_loop3A_1111 = tpu.vector_load %arg27[%parallel_loop3A_1110] {strides = array<i32>} : memref<384xf32, #tpu.memory_space<vmem>>, vector<16xf32>,
          %parallel_loop3A_1112 = arith.mulf %parallel_loop3A_1109, %parallel_loop3A_1111 : vector<16xf32>
          %parallel_loop3A_1113 = arith.constant 240 : index
          %parallel_loop3A_1114 = tpu.vector_load %arg28[%parallel_loop3A_1113] {strides = array<i32>} : memref<384xf32, #tpu.memory_space<vmem>>, vector<16xf32>,
          %parallel_loop3A_1115 = arith.addf %parallel_loop3A_1112, %parallel_loop3A_1114 : vector<16xf32>
          %parallel_loop3A_1116 = arith.index_cast %parallel_loop3A_484 : i32 to index
          %parallel_loop3A_1117 = arith.constant 240 : index
          %parallel_loop3A_1118 = tpu.vector_load %arg23[%parallel_loop3A_1116, %parallel_loop3A_1117] {strides = array<i32>} : memref<64x384xf32, #tpu.memory_space<vmem>>, vector<16xf32>,
          tpu.vector_store %arg23[%parallel_loop3A_1116, %parallel_loop3A_1117], %parallel_loop3A_1115 {strides = array<i32>} : memref<64x384xf32, #tpu.memory_space<vmem>>, vector<16xf32>,
          %parallel_loop3A_1119 = arith.subf %parallel_loop3A_747, %parallel_loop3A_888 : vector<16xf32>
          %parallel_loop3A_1120 = arith.mulf %parallel_loop3A_1119, %parallel_loop3A_934 : vector<16xf32>
          %parallel_loop3A_1121 = arith.constant 256 : index
          %parallel_loop3A_1122 = tpu.vector_load %arg27[%parallel_loop3A_1121] {strides = array<i32>} : memref<384xf32, #tpu.memory_space<vmem>>, vector<16xf32>,
          %parallel_loop3A_1123 = arith.mulf %parallel_loop3A_1120, %parallel_loop3A_1122 : vector<16xf32>
          %parallel_loop3A_1124 = arith.constant 256 : index
          %parallel_loop3A_1125 = tpu.vector_load %arg28[%parallel_loop3A_1124] {strides = array<i32>} : memref<384xf32, #tpu.memory_space<vmem>>, vector<16xf32>,
          %parallel_loop3A_1126 = arith.addf %parallel_loop3A_1123, %parallel_loop3A_1125 : vector<16xf32>
          %parallel_loop3A_1127 = arith.index_cast %parallel_loop3A_484 : i32 to index
          %parallel_loop3A_1128 = arith.constant 256 : index
          %parallel_loop3A_1129 = tpu.vector_load %arg23[%parallel_loop3A_1127, %parallel_loop3A_1128] {strides = array<i32>} : memref<64x384xf32, #tpu.memory_space<vmem>>, vector<16xf32>,
          tpu.vector_store %arg23[%parallel_loop3A_1127, %parallel_loop3A_1128], %parallel_loop3A_1126 {strides = array<i32>} : memref<64x384xf32, #tpu.memory_space<vmem>>, vector<16xf32>,
          %parallel_loop3A_1130 = arith.subf %parallel_loop3A_762, %parallel_loop3A_888 : vector<16xf32>
          %parallel_loop3A_1131 = arith.mulf %parallel_loop3A_1130, %parallel_loop3A_934 : vector<16xf32>
          %parallel_loop3A_1132 = arith.constant 272 : index
          %parallel_loop3A_1133 = tpu.vector_load %arg27[%parallel_loop3A_1132] {strides = array<i32>} : memref<384xf32, #tpu.memory_space<vmem>>, vector<16xf32>,
          %parallel_loop3A_1134 = arith.mulf %parallel_loop3A_1131, %parallel_loop3A_1133 : vector<16xf32>
          %parallel_loop3A_1135 = arith.constant 272 : index
          %parallel_loop3A_1136 = tpu.vector_load %arg28[%parallel_loop3A_1135] {strides = array<i32>} : memref<384xf32, #tpu.memory_space<vmem>>, vector<16xf32>,
          %parallel_loop3A_1137 = arith.addf %parallel_loop3A_1134, %parallel_loop3A_1136 : vector<16xf32>
          %parallel_loop3A_1138 = arith.index_cast %parallel_loop3A_484 : i32 to index
          %parallel_loop3A_1139 = arith.constant 272 : index
          %parallel_loop3A_1140 = tpu.vector_load %arg23[%parallel_loop3A_1138, %parallel_loop3A_1139] {strides = array<i32>} : memref<64x384xf32, #tpu.memory_space<vmem>>, vector<16xf32>,
          tpu.vector_store %arg23[%parallel_loop3A_1138, %parallel_loop3A_1139], %parallel_loop3A_1137 {strides = array<i32>} : memref<64x384xf32, #tpu.memory_space<vmem>>, vector<16xf32>,
          %parallel_loop3A_1141 = arith.subf %parallel_loop3A_777, %parallel_loop3A_888 : vector<16xf32>
          %parallel_loop3A_1142 = arith.mulf %parallel_loop3A_1141, %parallel_loop3A_934 : vector<16xf32>
          %parallel_loop3A_1143 = arith.constant 288 : index
          %parallel_loop3A_1144 = tpu.vector_load %arg27[%parallel_loop3A_1143] {strides = array<i32>} : memref<384xf32, #tpu.memory_space<vmem>>, vector<16xf32>,
          %parallel_loop3A_1145 = arith.mulf %parallel_loop3A_1142, %parallel_loop3A_1144 : vector<16xf32>
          %parallel_loop3A_1146 = arith.constant 288 : index
          %parallel_loop3A_1147 = tpu.vector_load %arg28[%parallel_loop3A_1146] {strides = array<i32>} : memref<384xf32, #tpu.memory_space<vmem>>, vector<16xf32>,
          %parallel_loop3A_1148 = arith.addf %parallel_loop3A_1145, %parallel_loop3A_1147 : vector<16xf32>
          %parallel_loop3A_1149 = arith.index_cast %parallel_loop3A_484 : i32 to index
          %parallel_loop3A_1150 = arith.constant 288 : index
          %parallel_loop3A_1151 = tpu.vector_load %arg23[%parallel_loop3A_1149, %parallel_loop3A_1150] {strides = array<i32>} : memref<64x384xf32, #tpu.memory_space<vmem>>, vector<16xf32>,
          tpu.vector_store %arg23[%parallel_loop3A_1149, %parallel_loop3A_1150], %parallel_loop3A_1148 {strides = array<i32>} : memref<64x384xf32, #tpu.memory_space<vmem>>, vector<16xf32>,
          %parallel_loop3A_1152 = arith.subf %parallel_loop3A_792, %parallel_loop3A_888 : vector<16xf32>
          %parallel_loop3A_1153 = arith.mulf %parallel_loop3A_1152, %parallel_loop3A_934 : vector<16xf32>
          %parallel_loop3A_1154 = arith.constant 304 : index
          %parallel_loop3A_1155 = tpu.vector_load %arg27[%parallel_loop3A_1154] {strides = array<i32>} : memref<384xf32, #tpu.memory_space<vmem>>, vector<16xf32>,
          %parallel_loop3A_1156 = arith.mulf %parallel_loop3A_1153, %parallel_loop3A_1155 : vector<16xf32>
          %parallel_loop3A_1157 = arith.constant 304 : index
          %parallel_loop3A_1158 = tpu.vector_load %arg28[%parallel_loop3A_1157] {strides = array<i32>} : memref<384xf32, #tpu.memory_space<vmem>>, vector<16xf32>,
          %parallel_loop3A_1159 = arith.addf %parallel_loop3A_1156, %parallel_loop3A_1158 : vector<16xf32>
          %parallel_loop3A_1160 = arith.index_cast %parallel_loop3A_484 : i32 to index
          %parallel_loop3A_1161 = arith.constant 304 : index
          %parallel_loop3A_1162 = tpu.vector_load %arg23[%parallel_loop3A_1160, %parallel_loop3A_1161] {strides = array<i32>} : memref<64x384xf32, #tpu.memory_space<vmem>>, vector<16xf32>,
          tpu.vector_store %arg23[%parallel_loop3A_1160, %parallel_loop3A_1161], %parallel_loop3A_1159 {strides = array<i32>} : memref<64x384xf32, #tpu.memory_space<vmem>>, vector<16xf32>,
        } else {
        }
      } {sc.loop_unroll_factor = 4 : i64, sc.parallel_access}
      %add3A_475 = arith.constant 1 : i32
      %add3A_476 = arith.addi %mul3A_325, %add3A_475 : i32
      %mul3A_477 = arith.constant 64 : i32
      %mul3A_478 = arith.muli %add3A_476, %mul3A_477 : i32
      %add3A_479 = arith.addi %mul3A_2, %mul3A_478 : i32
      %dma_start3A_480 = arith.constant 0 : i32
      %dma_start3A_481 = tpu.memref_slice %arg12[%add3A_479, %dma_start3A_480] : memref<65536x384xf32, #tpu.memory_space<hbm>> -> memref<64x384xf32, #tpu.memory_space<hbm>>
      %dma_start3A_482 = arith.constant 0 : i32
      %dma_start3A_483 = tpu.memref_slice %arg12[%add3A_479, %dma_start3A_482] : memref<65536x384xf32, #tpu.memory_space<hbm>> -> memref<64x384xf32, #tpu.memory_space<hbm>>
      tpu.enqueue_dma source(%arg23 : memref<64x384xf32, #tpu.memory_space<vmem>>) target(%dma_start3A_483 : memref<64x384xf32, #tpu.memory_space<hbm>>) target_semaphore(%arg33 : memref<!tpu.dma_semaphore, #tpu.memory_space<semaphore_mem>>)
    }
    %scan3A_319 = arith.constant 16 : i32
    %dma_wait3A = arith.constant 0 : i32
    %dma_wait3A_320 = tpu.memref_slice %arg12[%mul3A_2, %dma_wait3A] : memref<65536x384xf32, #tpu.memory_space<hbm>> -> memref<64x384xf32, #tpu.memory_space<hbm>>
    %dma_wait3A_321 = arith.constant 0 : i32
    %dma_wait3A_322 = tpu.memref_slice %arg12[%mul3A_2, %dma_wait3A_321] : memref<65536x384xf32, #tpu.memory_space<hbm>> -> memref<64x384xf32, #tpu.memory_space<hbm>>
    tpu.wait_dma2 semaphore(%arg33 : memref<!tpu.dma_semaphore, #tpu.memory_space<semaphore_mem>>) src(%arg23 : memref<64x384xf32, #tpu.memory_space<vmem>>) dst(%dma_wait3A_322 : memref<64x384xf32, #tpu.memory_space<hbm>>)
    return
  }
}

</mosaic_0001>

<sc_bundles>
// kernel: kernel.3.cloned.1.call-start
scs
__scs_entry_jumppad:
0x0: {  	(pc) =	sbr.rel $0x88, $3  }
0x1: {  	(tag) =	ssettag $0x0;
	lr =	simm.s32 $0x1  }
0x2: {  	[smem:$0x3F97] =	sst lr;
	_ =	strace $0xD0000000  }
0x3: {  	_ = 	snop  }
0x4: {  	_ = 	snop  }
0x5: {  	_ = 	snop  }
0x6: {  	_ = 	snop  }
0x7: {  	_ = 	snop  }
__scs_overlays_trampoline_lowered:
0x8: {  	[smem:$0x3FA6] =	sst s0  }
0x9: {  	[smem:$0x3FA7] =	sst s1  }
0xa: {  	[smem:$0x3FA8] =	sst s2  }
0xb: {  	[smem:$0x3FA9] =	sst s3  }
0xc: {  	[smem:$0x3FAA] =	sst s4  }
0xd: {  	[smem:$0x3FAB] =	sst s5  }
0xe: {  	[smem:$0x3FAC] =	sst s6  }
0xf: {  	[smem:$0x3FAD] =	sst s7  }
0x10: {  	[smem:$0x3FAE] =	sst s8  }
0x11: {  	[smem:$0x3FAF] =	sst s9;
	s0 =	simm.s32 @!p0 $0x0  }
0x12: {  	s1 =	sld [smem:$0x3F95];
	s0 =	simm.s32 @p0 $0x1  }
0x13: {  	[smem:$0x3FB0] =	sst s0;
	s0 =	simm.s32 @!p1 $0x0  }
0x14: {  	s2 =	sld [smem:$0x3F94];
	s0 =	simm.s32 @p1 $0x1  }
0x15: {  	[smem:$0x3FB1] =	sst s0;
	s0 =	simm.s32 @!p2 $0x0  }
0x16: {  	s3 =	sld [smem:$0x3FDB];
	s0 =	simm.s32 @p2 $0x1  }
0x17: {  	s4 =	simm.s32 $0x1BF5;
	[smem:$0x3FB3] =	sst s0  }
0x18: {  	s0 =	sld [smem:$0x3F96];
	_ =	swait.ge [sflag:s4], $0x0  }
0x19: {  	s7 =	sld [smem:$0x3F97]  }
0x1a: {  	s8 =	sadd.s32 $0xFFFFE003, lr  }
0x1b: {  	s9 =	sadd.s32 $0xFFFFFEF7, lr;
	s5 =	simm.s32 $0xFFFFFFFF;
	p2 =	slt.u32 s8, $0xFFFFF086  }
0x1c: {  	p1 =	slt.u32 s9, $0xF7A;
	s5 =	simm.s32 @!p2 $0x0  }
0x1d: {  	s5 =	simm.s32 @p1 $0x1;
	p0 =	seq.s32 s7, s2  }
0x1e: {  	s7 =	smul.u32 @!p0 $0xF7A, s2;
	p2 =	seq.s32 @!p0 s5, $0x0  }
0x1f: {  	s9 =	smul.u32 $0xF7A, s1;
	s8 =	simm.s32 @!p0 $0x1BF5;
	p2 =	por !p2, p0  }
0x20: {  	[sflag:s8] =	ssyncset.s32 @!p0 $0xFFFFF086;
	s6 =	sadd.s32 @!p0 s3, s7;
	s7 =	simm.s32 @!p0 $0x108  }
0x21: {  	s3 =	sadd.s32 s3, s9;
	s6 =	sadd.s32 @!p0 $0x88, s6;
	s7 =	simm.s32 @p2 $0x1082  }
0x22: {  	[simem:s7], [sflag:s8] =	dma.local @!p0 [hbm:s6], $0xF7A  }
0x23: {  	s9 =	sor.u32 $0xD0000000, s2;
	s6 =	simm.s32 $0x108;
	_ =	swait.ge @!p0 [sflag:s8], $0x0  }
0x24: {  	s3 =	sadd.s32 $0x88, s3;
	s6 =	simm.s32 @!p1 $0x1082;
	[sflag:s4] =	ssyncset.s32 $0xFFFFF086  }
0x25: {  	[simem:s6], [sflag:s4] =	dma.local [hbm:s3], $0xF7A  }
0x26: {  	[smem:$0x3F97] =	sst s1;
	(tag) =	ssettag s2;
	_ =	strace s9  }
0x27: {  	s1 =	sld [smem:$0x3FA7]  }
0x28: {  	s2 =	sld [smem:$0x3FA8]  }
0x29: {  	s4 =	sld [smem:$0x3FAA]  }
0x2a: {  	p0 =	seq.s32 s5, $0x0;
	s5 =	sld [smem:$0x3FAB]  }
0x2b: {  	s6 =	sld [smem:$0x3FAC]  }
0x2c: {  	s7 =	sld [smem:$0x3FAD]  }
0x2d: {  	s3 =	simm.s32 $0x108;
	s8 =	sld [smem:$0x3FAE]  }
0x2e: {  	s3 =	simm.s32 @!p0 $0x1082;
	s9 =	sld [smem:$0x3FAF]  }
0x2f: {  	lr =	sadd.s32 s0, s3;
	s0 =	sld [smem:$0x3FA6]  }
0x30: {  	s3 =	sld [smem:$0x3FA9]  }
0x31: {  	[smem:$0x3FB2] =	sst s10  }
0x32: {  	s10 =	sld [smem:$0x3FB0];
	_ =	sdelay $0x3  }
0x33: {  	p0 =	seq.s32 s10, $0x1;
	s10 =	sld [smem:$0x3FB2];
	_ =	sdelay $0x3  }
0x34: {  	[smem:$0x3FB2] =	sst s10  }
0x35: {  	s10 =	sld [smem:$0x3FB1];
	_ =	sdelay $0x3  }
0x36: {  	p1 =	seq.s32 s10, $0x1;
	s10 =	sld [smem:$0x3FB2];
	_ =	sdelay $0x3  }
0x37: {  	[smem:$0x3FB2] =	sst s10  }
0x38: {  	s10 =	sld [smem:$0x3FB3]  }
0x39: {  	_ = 	snop;
	(pc) =	sbr.ind lr, $3  }
0x3a: {  	_ = 	snop  }
0x3b: {  	_ = 	snop  }
0x3c: {  	p2 =	seq.s32 s10, $0x1;
	s10 =	sld [smem:$0x3FB2]  }
0x3d: {  	_ =	shalt  }
0x3e: {  	_ =	shalt  }
0x3f: {  	_ =	shalt  }
0x40: {  	_ =	shalt  }
0x41: {  	_ =	shalt  }
0x42: {  	_ =	shalt  }
0x43: {  	_ =	shalt  }
0x44: {  	_ =	shalt  }
0x45: {  	_ =	shalt  }
0x46: {  	_ =	shalt  }
0x47: {  	_ =	shalt  }
0x48: {  	_ =	shalt  }
0x49: {  	_ =	shalt  }
0x4a: {  	_ =	shalt  }
0x4b: {  	_ =	shalt  }
0x4c: {  	_ =	shalt  }
0x4d: {  	_ =	shalt  }
0x4e: {  	_ =	shalt  }
0x4f: {  	_ =	shalt  }
0x50: {  	_ =	shalt  }
0x51: {  	_ =	shalt  }
0x52: {  	_ =	shalt  }
0x53: {  	_ =	shalt  }
0x54: {  	_ =	shalt  }
0x55: {  	_ =	shalt  }
0x56: {  	_ =	shalt  }
0x57: {  	_ =	shalt  }
0x58: {  	_ =	shalt  }
0x59: {  	_ =	shalt  }
0x5a: {  	_ =	shalt  }
0x5b: {  	_ =	shalt  }
0x5c: {  	_ =	shalt  }
0x5d: {  	_ =	shalt  }
0x5e: {  	_ =	shalt  }
0x5f: {  	_ =	shalt  }
0x60: {  	_ =	shalt  }
0x61: {  	_ =	shalt  }
0x62: {  	_ =	shalt  }
0x63: {  	_ =	shalt  }
0x64: {  	_ =	shalt  }
0x65: {  	_ =	shalt  }
0x66: {  	_ =	shalt  }
0x67: {  	_ =	shalt  }
0x68: {  	_ =	shalt  }
0x69: {  	_ =	shalt  }
0x6a: {  	_ =	shalt  }
0x6b: {  	_ =	shalt  }
0x6c: {  	_ =	shalt  }
0x6d: {  	_ =	shalt  }
0x6e: {  	_ =	shalt  }
0x6f: {  	_ =	shalt  }
0x70: {  	_ =	shalt  }
0x71: {  	_ =	shalt  }
0x72: {  	_ =	shalt  }
0x73: {  	_ =	shalt  }
0x74: {  	_ =	shalt  }
0x75: {  	_ =	shalt  }
0x76: {  	_ =	shalt  }
0x77: {  	_ =	shalt  }
0x78: {  	_ =	shalt  }
0x79: {  	_ =	shalt  }
0x7a: {  	_ =	shalt  }
0x7b: {  	_ =	shalt  }
0x7c: {  	_ =	shalt  }
0x7d: {  	_ =	shalt  }
0x7e: {  	_ =	shalt  }
0x7f: {  	_ =	shalt  }
0x80: {  	_ =	shalt  }
0x81: {  	_ =	shalt  }
0x82: {  	_ =	shalt  }
0x83: {  	_ =	shalt  }
0x84: {  	_ =	shalt  }
0x85: {  	_ =	shalt  }
0x86: {  	_ =	shalt  }
0x87: {  	_ =	shalt  }
.Lfunc_end0:
.L_simem_size_0:
called_computation.1_lowered:
.L_overlay_start_0:
0x88: {  	s2 =	sld [smem:$0x3FD9]  }
0x89: {  	s3 =	sld [smem:$0x3FFE];
	_ =	sdelay $0x1  }
0x8a: {  	s1 =	srdreg.scid  }
0x8b: {  	s0 =	sand.u32 $0x1, s1  }
0x8c: {  	s16 =	sshll.u32 s0, $0xA;
	s2 =	sadd.s32 s3, s2  }
0x8d: {  	s2 =	sadd.s32 s2, s16  }
0x8e: {  	[smem:$0x3FBE] =	sst s2  }
0x8f: {  	_ = 	snop  }
0x90: {  	(tm) =	ssettm $0x1  }
0x91: {  	s17 =	sld [smem:$0x3FFB];
	_ =	sdelay $0x3  }
0x92: {  	_ =	strace s17  }
0x93: {  	s2 =	sld [smem:$0x3FFC];
	_ =	sdelay $0x3  }
0x94: {  	_ =	strace s2  }
0x95: {  	s2 =	sld [smem:$0x3FFD];
	_ =	sdelay $0x3  }
0x96: {  	_ =	strace s2  }
0x97: {  	_ =	strace $0x8FFFFFFF  }
0x98: {  	s18 =	sld [smem:$0x3FDB];
	_ =	sdelay $0x1  }
0x99: {  	s19 =	simm.s32 $_scs_section_size  }
0x9a: {  	s4 =	simm.s32 $_size__tile_overlayer_lowered;
	s5 =	simm.s32 $_tile_overlayer_lowered  }
0x9b: {  	s22 =	simm.s32 $0x1BFF;
	s21 =	sshll.u32 s5, $0x1;
	s2 =	sadd.s32 s19, s18  }
0x9c: {  	s6 =	simm.s32 $0x0;
	s20 =	sshll.u32 s4, $0x1;
	s4 =	sadd.s32 s21, s2  }
0x9d: {  	[timem:s6], [sflag:s22] =	dma.local [hbm:s4], s20  }
0x9e: {  	_ =	swait.ge [sflag:s22], s20  }
0x9f: {  	s3 =	ssub.s32 $0x0, s20;
	[sflag:s22] =	ssyncset.done $0x0  }
0xa0: {  	[sflag:s22] =	ssyncadd.s32 s3;
	_ =	sdelay $0x1  }
0xa1: {  	s23 =	simm.s32 $0x1B8B  }
0xa2: {  	_ =	swait.ge [sflag:s23], $0x1  }
0xa3: {  	[sflag:s23] =	ssyncset.done $0x0  }
0xa4: {  	s25 =	simm.s32 $0x1B8E;
	s24 =	sld [smem:$0x3FFE];
	[sflag:s23] =	ssyncadd.s32 $0xFFFFFFFF  }
0xa5: {  	s26 =	simm.s32 $execute0_lowered;
	[smem:$0x3FD2] =	sst s25  }
0xa6: {  	s4 =	sshll.u32 s26, $0x1;
	_ =	strace $0x80000046;
	[dreg:$0x1] =	wrdreg $0xFFFFFFFF  }
0xa7: {  	s28 =	simm.s32 $_size_execute0_lowered;
	s2 =	sadd.s32 s2, s4;
	[dreg:$0x0] =	wrdreg $0x0  }
0xa8: {  	s4 =	sshll.u32 s28, $0x1;
	[dreg:$0x2] =	wrdreg s2  }
0xa9: {  	[dreg:$0x3] =	wrdreg s4  }
0xaa: {  	[dreg:$0x4] =	wrdreg $0xC0  }
0xab: {  	_ =	task [dreg:s6], $0x5FFFF  }
0xac: {  	[dreg:$0x1] =	wrdreg $0xFFFFFFFF  }
0xad: {  	[dreg:$0x0] =	wrdreg $0x60  }
0xae: {  	[dreg:$0x2] =	wrdreg s24  }
0xaf: {  	[dreg:$0x3] =	wrdreg $0x9  }
0xb0: {  	_ =	task.clear_ibuf [dreg:s6], $0x4FFFF;
	_ =	strace $0x90000046  }
0xb1: {  	s29 =	simm.s32 $0x9;
	_ =	strace $0x80000048  }
0xb2: {  	_ =	swait.ge [sflag:s29], $0x1  }
0xb3: {  	[sflag:s29] =	ssyncadd.s32 $0xFFFFFFFF  }
0xb4: {  	_ =	strace $0x90000048  }
0xb5: {  	_ =	sfence  }
0xb6: {  	s30 =	sld [smem:$0x0];
	_ =	sdelay $0x2  }
0xb7: {  	s31 =	sshll.u32 s1, $0xD;
	s1 =	sshrl.u32 s1, $0x2  }
0xb8: {  	s3 =	sand.u32 $0x4000, s31;
	s1 =	sadd.s32 s1, s30  }
0xb9: {  	s0 =	sor.u32 s3, s0;
	s1 =	sshll.u32 s1, $0x11  }
0xba: {  	s0 =	sor.u32 s1, s0  }
0xbb: {  	s0 =	sadd.s32 $0x8F2B, s0  }
0xbc: {  	[sflag:s0] =	ssyncadd.remote.s32 $0x1  }
0xbd: {  	_ =	sfence.sel $0xFFFF  }
0xbe: {  	[dreg:$0x0] =	wrdreg $0xFFFFFFFF;
	(pc) =	sbr.abs _section_cstart, $3  }
0xbf: {  	[dreg:$0x1] =	wrdreg $0xFFFFFFFF  }
0xc0: {  	_ =	task.clear_ibuf [dreg:s6], $0x2FFFF;
	_ =	strace $0x9FFFFFFF  }
0xc1: {  	(tm) =	ssettm $0x7FFFFFFF  }
tec
execute0_lowered:
.L_overlay_start_1:
0x0: {  	(tag) =	ssettag $0x1  }
0x1: {  	s0 =	rddreg [dreg:$0x0];
	s1 =	simm.s32 $0x0  }
0x2: {  	[smem:$0x7FF] =	sst s1;
	s17 =	sadd.s32 $0x21200, s0  }
0x3: {  	s18 =	sadd.s32 $0xC00, s0;
	_ =	strace $0x80000047;
	[dreg:$0x6] =	wrdreg s17  }
0x4: {  	s20 =	srdreg.scid;
	s19 =	sadd.s32 $0xE00, s0;
	[dreg:$0x7] =	wrdreg s18  }
0x5: {  	s3 =	stileid.u32;
	s2 =	sadd.s32 $0x800, s0;
	[dreg:$0x8] =	wrdreg s19  }
0x6: {  	v0 =	vimm.s32 $0xEFCDAB89;
	s5 =	sadd.s32 $0x1200, s0;
	s4 =	sadd.s32 $0xA00, s0;
	[dreg:$0x9] =	wrdreg s2  }
0x7: {  	v1 =	vimm.s32 $0x67452301;
	s6 =	sadd.s32 $0x3200, s0;
	s23 =	sadd.s32 $0x1F5E00, s0;
	[dreg:$0xa] =	wrdreg s4  }
0x8: {  	v3 =	vimm.s32 $0xDCFE98BA;
	v4 =	vimm.s32 $0x54761032;
	s8 =	sadd.s32 $0x5200, s0;
	s9 =	sadd.s32 $0x7200, s0;
	[dreg:$0xc] =	wrdreg s23  }
0x9: {  	v5 =	vimm.s32 $0xBA98FEDC;
	v6 =	vimm.s32 $0x32107654;
	s7 =	sadd.s32 $0x9200, s0;
	s1 =	sand.u32 $0x1, s20;
	[dreg:$0x2] =	wrdreg s5  }
0xa: {  	vm0 =	vmmov $0xff;
	v7 =	vimm.s32 $0xFEDCBA98;
	v8 =	vimm.s32 $0x76543210;
	s3 =	sshll.u32 s3, $0xC;
	s20 =	sadd.s32 $0x9300, s0;
	[dreg:$0x3] =	wrdreg s6  }
0xb: {  	v2 =	vunpack.c.l.s4.s8 v0;
	v1 =	vunpack.c.l.s4.s8 v1;
	v3 =	vunpack.c.l.s4.s8 v3;
	s21 =	ssub.s32 $0x2, s1;
	s1 =	sshll.u32 s1, $0xB;
	[dreg:$0x4] =	wrdreg s8  }
0xc: {  	v4 =	vunpack.c.l.s4.s8 v4;
	v5 =	vunpack.c.l.s4.s8 v5;
	v6 =	vunpack.c.l.s4.s8 v6;
	[dreg:$0x5] =	wrdreg s9;
	s19 =	sadd.s32 $0x21300, s0;
	s3 =	sor.u32 s1, s3  }
0xd: {  	v7 =	vunpack.c.l.s4.s8 v7;
	v8 =	vunpack.c.l.s4.s8 v8;
	v2 =	vunpack.c.0.s8.s32 v2;
	s25 =	sshrl.u32 s3, $0x3;
	[dreg:$0xb] =	wrdreg s3;
	s30 =	sor.u32 $0x80, s3  }
0xe: {  	s4 =	simm.s32 $0xC400;
	v1 =	vunpack.c.0.s8.s32 v1;
	v3 =	vunpack.c.0.s8.s32 v3;
	v4 =	vunpack.c.0.s8.s32 v4;
	s26 =	sadd.s32 s5, s25;
	[dreg:$0x11] =	wrdreg s30  }
.Ltmp0:
0xf: {  	v5 =	vunpack.c.0.s8.s32 v5;
	v6 =	vunpack.c.0.s8.s32 v6;
	v7 =	vunpack.c.0.s8.s32 v7;
	s28 =	sadd.s32 s6, s25;
	[dreg:$0xd] =	wrdreg s26;
	(pc) =	sbr.rel .LBB2_1-.Ltmp0, $4  }
0x10: {  	s22 =	sshrl.u32 s21, $0x1;
	s29 =	sadd.s32 s8, s25;
	v1 =	vcombine.low v1, v2;
	v2 =	vcombine.low v4, v3;
	v4 =	vlaneseq.u32;
	[dreg:$0xe] =	wrdreg s28  }
0x11: {  	v8 =	vunpack.c.0.s8.s32 v8;
	s24 =	ssub.s32 s21, s22;
	s2 =	sadd.s32 s9, s25;
	v3 =	vcombine.low v6, v5;
	[dreg:$0xf] =	wrdreg s29;
	v0 =	vand.u32 $0x7, v4  }
0x12: {  	s23 =	simm.s32 $0x18A00;
	s31 =	smax.u32 s24, $0x1;
	v5 =	vand.u32 $0xF, v7;
	[dreg:$0x10] =	wrdreg s2;
	v7 =	vshrl.u32 v4, $0x3;
	[tilespmem:$0x1FFE0] =	vst v0;
	v0 =	vor.u32 $0x8, v4  }
0x13: {  	vm1 =	vmmov $0xffff;
	s8 =	simm.s32 $0x1DD00;
	[dreg:$0x12] =	wrdreg s31;
	v5 =	vcombine.low v5, v8;
	s2 =	simm.s32 $0x0;
	v7 =	vmul.u32 $0x8, v7;
	[tilespmem:$0x1FFF0] =	vst v0  }
.LBB2_35:
0x14: {  	s1 =	simm.s32 $0x4  }
0x15: {  	_ =	swait.ge [sflag:s1], $0x6000  }
0x16: {  	s2 =	rddreg [dreg:$0x13]  }
0x17: {  	s0 =	rddreg [dreg:$0x12];
	s2 =	sadd.s32 $0x1, s2  }
0x18: {  	p0 =	sne.s32 s2, s0  }
.Ltmp1:
0x19: {  	_ = 	snop;
	(pc) =	sbr.rel @!p0 .LBB2_36-.Ltmp1, $3  }
0x1a: {  	_ =	sdelay $0x1  }
0x1b: {  	[sflag:s1] =	ssyncset.done $0x0  }
0x1c: {  	[sflag:s1] =	ssyncadd.s32 $0xFFFFA000  }
.LBB2_1:
0x1d: {  	[dreg:$0x13] =	wrdreg s2;
	s21 =	simm.s32 $0x0  }
0x1e: {  	s0 =	rddreg [dreg:$0x9];
	s1 =	simm.s32 $0x1DA00;
	s22 =	simm.s32 $0x5  }
0x1f: {  	[tilespmem:s1], [sflag:$0x5] =	stream.linear.gather [hbm4b:s0+s21], $0x180, $0x38;
	[tilespmem:$0x1DD80] =	vst v63  }
0x20: {  	_ =	swait.ge [sflag:s22], $0x180  }
0x21: {  	[sflag:s22] =	ssyncset.done $0x0  }
0x22: {  	s3 =	simm.s32 $0x1DB80;
	s24 =	rddreg [dreg:$0xa];
	[sflag:s22] =	ssyncadd.s32 $0xFFFFFE80  }
0x23: {  	[tilespmem:s3], [sflag:$0x5] =	stream.linear.gather [hbm4b:s24+s21], $0x180, $0x38;
	[tilespmem:$0x1DD80] =	vst v63  }
0x24: {  	_ =	swait.ge [sflag:s22], $0x180  }
0x25: {  	[sflag:s22] =	ssyncset.done $0x0  }
0x26: {  	s26 =	simm.s32 $0x18400;
	s25 =	rddreg [dreg:$0x7];
	[sflag:s22] =	ssyncadd.s32 $0xFFFFFE80  }
0x27: {  	[tilespmem:s26], [sflag:$0x5] =	stream.linear.gather [hbm4b:s25+s21], $0x600, $0x38;
	[tilespmem:$0x1DD80] =	vst v63  }
0x28: {  	_ =	swait.ge [sflag:s22], $0x600  }
0x29: {  	[sflag:s22] =	ssyncset.done $0x0  }
0x2a: {  	s29 =	simm.s32 $0x6400;
	s28 =	rddreg [dreg:$0x8];
	[sflag:s22] =	ssyncadd.s32 $0xFFFFFA00  }
0x2b: {  	[tilespmem:s29], [sflag:$0x5] =	stream.linear.gather [hbm4b:s28+s21], $0x1800, $0x38;
	[tilespmem:$0x1DD80] =	vst v63  }
0x2c: {  	_ =	swait.ge [sflag:s22], $0x1800  }
0x2d: {  	[sflag:s22] =	ssyncset.done $0x0  }
0x2e: {  	[sflag:s22] =	ssyncadd.s32 $0xFFFFE800  }
0x2f: {  	v24 =	vld [tilespmem:$0x1DA00]  }
0x30: {  	v25 =	vld [tilespmem:$0x1DB80]  }
0x31: {  	v26 =	vld [tilespmem:$0x1DA10]  }
0x32: {  	v27 =	vld [tilespmem:$0x1DB90]  }
0x33: {  	v28 =	vld [tilespmem:$0x1DA20]  }
0x34: {  	v29 =	vld [tilespmem:$0x1DBA0]  }
0x35: {  	v30 =	vld [tilespmem:$0x1DA30]  }
0x36: {  	v31 =	vld [tilespmem:$0x1DBB0]  }
0x37: {  	v32 =	vld [tilespmem:$0x1DA40]  }
0x38: {  	v33 =	vld [tilespmem:$0x1DBC0]  }
0x39: {  	v34 =	vld [tilespmem:$0x1DA50]  }
0x3a: {  	v35 =	vld [tilespmem:$0x1DBD0]  }
0x3b: {  	v36 =	vld [tilespmem:$0x1DA60]  }
0x3c: {  	v37 =	vld [tilespmem:$0x1DBE0]  }
0x3d: {  	v38 =	vld [tilespmem:$0x1DA70]  }
0x3e: {  	v39 =	vld [tilespmem:$0x1DBF0]  }
0x3f: {  	v40 =	vld [tilespmem:$0x1DA80]  }
0x40: {  	v41 =	vld [tilespmem:$0x1DC00]  }
0x41: {  	v42 =	vld [tilespmem:$0x1DA90]  }
0x42: {  	v43 =	vld [tilespmem:$0x1DC10]  }
0x43: {  	v44 =	vld [tilespmem:$0x1DAA0]  }
0x44: {  	v45 =	vld [tilespmem:$0x1DC20]  }
0x45: {  	v46 =	vld [tilespmem:$0x1DAB0]  }
0x46: {  	v47 =	vld [tilespmem:$0x1DC30]  }
0x47: {  	v48 =	vld [tilespmem:$0x1DAC0]  }
0x48: {  	v23 =	vld [tilespmem:$0x1DC40]  }
0x49: {  	v22 =	vld [tilespmem:$0x1DAD0]  }
0x4a: {  	v21 =	vld [tilespmem:$0x1DC50]  }
0x4b: {  	v19 =	vld [tilespmem:$0x1DAE0]  }
0x4c: {  	v18 =	vld [tilespmem:$0x1DC60]  }
0x4d: {  	v16 =	vld [tilespmem:$0x1DAF0]  }
0x4e: {  	s30 =	simm.s32 $0x0;
	v13 =	vld [tilespmem:$0x1DC70]  }
0x4f: {  	s10 =	sand.u32 $0x180, s21;
	s0 =	sand.u32 $0xC00, s30;
	s31 =	sand.u32 $0x380, s21;
	v11 =	vld [tilespmem:$0x1DB00]  }
0x50: {  	s0 =	sor.u32 s31, s0;
	v15 =	vld [tilespmem:s10+$0x18400]  }
0x51: {  	v49 =	vld [tilespmem:s0+$0x6400]  }
0x52: {  	v10 =	vld [tilespmem:$0x1DC80]  }
0x53: {  	v20 =	vld [tilespmem:$0x1DB10]  }
0x54: {  	v17 =	vld [tilespmem:$0x1DC90]  }
0x55: {  	v14 =	vld [tilespmem:$0x1DB20]  }
0x56: {  	v9 =	vld [tilespmem:$0x1DCA0];
	v49 =	vadd.f32 v49, v15  }
0x57: {  	s11 =	simm.s32 $0x18AA0;
	v12 =	vld [tilespmem:$0x1DB28]  }
0x58: {  	v15 =	vld [tilespmem:$0x1DCA8];
	[tilespmem:s11+$0xFFFFFF60] =	vst v49  }
0x59: {  	v49 =	vld [tilespmem:s10+$0x18410]  }
0x5a: {  	v50 =	vld [tilespmem:s0+$0x6410];
	_ =	sdelay $0x4  }
0x5b: {  	v49 =	vadd.f32 v50, v49;
	_ =	sdelay $0x1  }
0x5c: {  	[tilespmem:s11+$0xFFFFFF70] =	vst v49  }
0x5d: {  	v49 =	vld [tilespmem:s10+$0x18420]  }
0x5e: {  	v58 =	vld [tilespmem:s0+$0x6420];
	_ =	sdelay $0x4  }
0x5f: {  	v49 =	vadd.f32 v58, v49;
	_ =	sdelay $0x1  }
0x60: {  	[tilespmem:s11+$0xFFFFFF80] =	vst v49  }
0x61: {  	v49 =	vld [tilespmem:s10+$0x18430]  }
0x62: {  	v59 =	vld [tilespmem:s0+$0x6430];
	_ =	sdelay $0x4  }
0x63: {  	v49 =	vadd.f32 v59, v49;
	_ =	sdelay $0x1  }
0x64: {  	[tilespmem:s11+$0xFFFFFF90] =	vst v49  }
0x65: {  	v49 =	vld [tilespmem:s10+$0x18440]  }
0x66: {  	v60 =	vld [tilespmem:s0+$0x6440];
	_ =	sdelay $0x4  }
0x67: {  	v49 =	vadd.f32 v60, v49;
	_ =	sdelay $0x1  }
0x68: {  	[tilespmem:s11+$0xFFFFFFA0] =	vst v49  }
0x69: {  	v49 =	vld [tilespmem:s10+$0x18450]  }
0x6a: {  	v61 =	vld [tilespmem:s0+$0x6450];
	_ =	sdelay $0x4  }
0x6b: {  	v49 =	vadd.f32 v61, v49;
	_ =	sdelay $0x1  }
0x6c: {  	[tilespmem:s11+$0xFFFFFFB0] =	vst v49  }
0x6d: {  	v49 =	vld [tilespmem:s10+$0x18460]  }
0x6e: {  	v62 =	vld [tilespmem:s0+$0x6460];
	_ =	sdelay $0x4  }
0x6f: {  	v49 =	vadd.f32 v62, v49;
	_ =	sdelay $0x1  }
0x70: {  	[tilespmem:s11+$0xFFFFFFC0] =	vst v49  }
0x71: {  	v49 =	vld [tilespmem:s10+$0x18470]  }
0x72: {  	v63 =	vld [tilespmem:s0+$0x6470];
	_ =	sdelay $0x4  }
0x73: {  	v49 =	vadd.f32 v63, v49;
	_ =	sdelay $0x1  }
0x74: {  	[tilespmem:s11+$0xFFFFFFD0] =	vst v49  }
0x75: {  	v49 =	vld [tilespmem:s10+$0x18600]  }
0x76: {  	v52 =	vld [tilespmem:s0+$0x6800];
	_ =	sdelay $0x4  }
0x77: {  	v49 =	vadd.f32 v52, v49  }
0x78: {  	s2 =	sand.u32 $0x7FC0, s21  }
0x79: {  	[tilespmem:s2+$0x18A80] =	vst v49  }
0x7a: {  	v49 =	vld [tilespmem:s10+$0x18610]  }
0x7b: {  	v53 =	vld [tilespmem:s0+$0x6810];
	_ =	sdelay $0x4  }
0x7c: {  	v49 =	vadd.f32 v53, v49;
	_ =	sdelay $0x1  }
0x7d: {  	[tilespmem:s11+$0xFFFFFFF0] =	vst v49  }
0x7e: {  	v49 =	vld [tilespmem:s10+$0x18620]  }
0x7f: {  	v54 =	vld [tilespmem:s0+$0x6820];
	_ =	sdelay $0x4  }
0x80: {  	v49 =	vadd.f32 v54, v49;
	_ =	sdelay $0x1  }
0x81: {  	[tilespmem:s11+$0x0] =	vst v49  }
0x82: {  	v49 =	vld [tilespmem:s10+$0x18630]  }
0x83: {  	v55 =	vld [tilespmem:s0+$0x6830];
	_ =	sdelay $0x4  }
0x84: {  	v49 =	vadd.f32 v55, v49;
	_ =	sdelay $0x1  }
0x85: {  	[tilespmem:s11+$0x10] =	vst v49  }
0x86: {  	v49 =	vld [tilespmem:s10+$0x18640]  }
0x87: {  	v56 =	vld [tilespmem:s0+$0x6840]  }
0x88: {  	vm2 =	veq.f32 v24, $1.000000000e+00;
	vm3 =	veq.f32 v25, $0.0e+00  }
0x89: {  	vm4 =	veq.f32 v26, $1.000000000e+00;
	vm2 =	vmand vm2, vm3  }
0x8a: {  	vm3 =	veq.f32 v27, $0.0e+00;
	vm2 =	vmand vm2, vm4  }
0x8b: {  	vm8 =	veq.f32 v28, $1.000000000e+00;
	vm2 =	vmand vm2, vm3  }
0x8c: {  	vm3 =	veq.f32 v29, $0.0e+00;
	vm2 =	vmand vm2, vm8;
	v57 =	vadd.f32 v56, v49  }
0x8d: {  	vm9 =	veq.f32 v30, $1.000000000e+00;
	vm2 =	vmand vm2, vm3  }
0x8e: {  	vm3 =	veq.f32 v31, $0.0e+00;
	vm2 =	vmand vm2, vm9;
	[tilespmem:s11+$0x20] =	vst v57  }
0x8f: {  	vm2 =	vmand vm2, vm3;
	vm3 =	veq.f32 v32, $1.000000000e+00;
	v24 =	vld [tilespmem:s10+$0x18650]  }
0x90: {  	vm2 =	vmand vm2, vm3;
	vm3 =	veq.f32 v33, $0.0e+00;
	v58 =	vld [tilespmem:s0+$0x6850]  }
0x91: {  	vm10 =	veq.f32 v34, $1.000000000e+00;
	vm2 =	vmand vm2, vm3  }
0x92: {  	vm3 =	veq.f32 v35, $0.0e+00;
	vm2 =	vmand vm2, vm10  }
0x93: {  	vm11 =	veq.f32 v36, $1.000000000e+00;
	vm2 =	vmand vm2, vm3  }
0x94: {  	vm3 =	veq.f32 v37, $0.0e+00;
	vm2 =	vmand vm2, vm11  }
0x95: {  	vm12 =	veq.f32 v38, $1.000000000e+00;
	vm2 =	vmand vm2, vm3;
	v24 =	vadd.f32 v58, v24  }
0x96: {  	vm3 =	veq.f32 v39, $0.0e+00;
	vm2 =	vmand vm2, vm12  }
0x97: {  	vm13 =	veq.f32 v40, $1.000000000e+00;
	vm2 =	vmand vm2, vm3;
	[tilespmem:s11+$0x30] =	vst v24  }
0x98: {  	vm3 =	veq.f32 v41, $0.0e+00;
	vm2 =	vmand vm2, vm13;
	v24 =	vld [tilespmem:s10+$0x18660]  }
0x99: {  	vm2 =	vmand vm2, vm3;
	vm3 =	veq.f32 v42, $1.000000000e+00;
	v59 =	vld [tilespmem:s0+$0x6860]  }
0x9a: {  	vm14 =	veq.f32 v43, $0.0e+00;
	vm2 =	vmand vm2, vm3  }
0x9b: {  	vm3 =	veq.f32 v44, $1.000000000e+00;
	vm2 =	vmand vm2, vm14  }
0x9c: {  	vm15 =	veq.f32 v45, $0.0e+00;
	vm2 =	vmand vm2, vm3  }
0x9d: {  	vm3 =	veq.f32 v46, $1.000000000e+00;
	vm2 =	vmand vm2, vm15  }
0x9e: {  	vm8 =	veq.f32 v47, $0.0e+00;
	vm2 =	vmand vm2, vm3;
	v24 =	vadd.f32 v59, v24  }
0x9f: {  	vm3 =	veq.f32 v48, $1.000000000e+00;
	vm2 =	vmand vm2, vm8  }
0xa0: {  	vm9 =	veq.f32 v23, $0.0e+00;
	vm2 =	vmand vm2, vm3;
	[tilespmem:s11+$0x40] =	vst v24  }
0xa1: {  	vm3 =	veq.f32 v22, $1.000000000e+00;
	vm2 =	vmand vm2, vm9;
	v60 =	vld [tilespmem:s10+$0x18670]  }
0xa2: {  	vm2 =	vmand vm2, vm3;
	vm3 =	veq.f32 v21, $0.0e+00;
	v61 =	vld [tilespmem:s0+$0x6870]  }
0xa3: {  	vm10 =	veq.f32 v19, $1.000000000e+00;
	vm2 =	vmand vm2, vm3  }
0xa4: {  	vm3 =	veq.f32 v18, $0.0e+00;
	vm2 =	vmand vm2, vm10  }
0xa5: {  	vm11 =	veq.f32 v16, $1.000000000e+00;
	vm2 =	vmand vm2, vm3  }
0xa6: {  	vm3 =	veq.f32 v13, $0.0e+00;
	vm2 =	vmand vm2, vm11  }
0xa7: {  	vm12 =	veq.f32 v11, $1.000000000e+00;
	vm2 =	vmand vm2, vm3;
	v11 =	vadd.f32 v61, v60  }
0xa8: {  	vm3 =	veq.f32 v10, $0.0e+00;
	vm2 =	vmand vm2, vm12  }
0xa9: {  	vm13 =	veq.f32 v20, $1.000000000e+00;
	vm2 =	vmand vm2, vm3;
	[tilespmem:s11+$0x50] =	vst v11  }
0xaa: {  	vm5 =	veq.f32 v15, $0.0e+00;
	vm3 =	veq.f32 v17, $0.0e+00;
	vm2 =	vmand vm2, vm13;
	v10 =	vld [tilespmem:s10+$0x18800]  }
0xab: {  	vm14 =	veq.f32 v14, $1.000000000e+00;
	vm2 =	vmand vm2, vm3;
	vm3 =	veq.f32 v12, $1.000000000e+00;
	v11 =	vld [tilespmem:s0+$0x6C00]  }
0xac: {  	vm15 =	veq.f32 v9, $0.0e+00;
	vm2 =	vmand vm2, vm14;
	vm3 =	vmand vm3, vm5  }
0xad: {  	vm2 =	vmand vm2, vm15;
	vm3 =	vmor vm3, vm0  }
0xae: {  	v0 =	vimm.s32 $0x0;
	vm2 =	vmand vm2, vm3  }
0xaf: {  	v9 =	vsel vm2, $0x1, v0  }
0xb0: {  	v62 =	vperm.xlane v9, v1;
	v10 =	vadd.f32 v11, v10;
	_ =	sdelay $0x1  }
0xb1: {  	v9 =	vand.u32 v9, v62;
	[tilespmem:s2+$0x18B00] =	vst v10  }
0xb2: {  	v10 =	vperm.xlane v9, v2;
	v11 =	vld [tilespmem:s10+$0x18810]  }
0xb3: {  	v63 =	vld [tilespmem:s0+$0x6C10]  }
0xb4: {  	v9 =	vand.u32 v10, v9  }
0xb5: {  	v10 =	vperm.xlane v9, v3;
	_ =	sdelay $0x1  }
0xb6: {  	s12 =	simm.s32 $0x1;
	s13 =	simm.s32 $0x18BE0;
	v9 =	vand.u32 v10, v9  }
0xb7: {  	s15 =	simm.s32 $0x0;
	s16 =	simm.s32 $0x0;
	s17 =	simm.s32 $0x0;
	v10 =	vperm.xlane v9, v5;
	v11 =	vadd.f32 v63, v11  }
.LBB2_2:
0xb8: {  	s15 =	sadd.s32 $0x140, s15;
	s16 =	sadd.s32 $0x8, s16;
	s17 =	sadd.s32 $0x80, s17  }
0xb9: {  	p0 =	sne.s32 s12, $0x3F;
	s1 =	smov.u32 s12;
	s12 =	sadd.s32 $0x1, s12;
	[tilespmem:s11+$0x70] =	vst v11  }
0xba: {  	v11 =	vld [tilespmem:s10+$0x18820]  }
0xbb: {  	v12 =	vld [tilespmem:s0+$0x6C20];
	_ =	sdelay $0x4  }
0xbc: {  	v11 =	vadd.f32 v12, v11;
	_ =	sdelay $0x1  }
0xbd: {  	[tilespmem:s11+$0x80] =	vst v11  }
0xbe: {  	v11 =	vld [tilespmem:s10+$0x18830]  }
0xbf: {  	v12 =	vld [tilespmem:s0+$0x6C30];
	_ =	sdelay $0x4  }
0xc0: {  	s0 =	sshll.u32 s1, $0x1C;
	v11 =	vadd.f32 v12, v11  }
0xc1: {  	s0 =	sshra.s32 s0, $0x1F  }
0xc2: {  	s10 =	sand.u32 $0x180, s16;
	s1 =	sand.u32 $0x380, s17;
	s0 =	sand.u32 $0xC00, s0;
	[tilespmem:s11+$0x90] =	vst v11  }
0xc3: {  	s0 =	sor.u32 s1, s0;
	s11 =	smov.u32 s13;
	v11 =	vld [tilespmem:s10+$0x18400]  }
0xc4: {  	v12 =	vld [tilespmem:s0+$0x6400];
	_ =	sdelay $0x4  }
0xc5: {  	v11 =	vadd.f32 v12, v11;
	_ =	sdelay $0x1  }
0xc6: {  	[tilespmem:s13+$0xFFFFFF60] =	vst v11  }
0xc7: {  	v11 =	vld [tilespmem:s10+$0x18410]  }
0xc8: {  	v12 =	vld [tilespmem:s0+$0x6410];
	_ =	sdelay $0x4  }
0xc9: {  	v11 =	vadd.f32 v12, v11;
	_ =	sdelay $0x1  }
0xca: {  	[tilespmem:s13+$0xFFFFFF70] =	vst v11  }
0xcb: {  	v11 =	vld [tilespmem:s10+$0x18420]  }
0xcc: {  	v12 =	vld [tilespmem:s0+$0x6420];
	_ =	sdelay $0x4  }
0xcd: {  	v11 =	vadd.f32 v12, v11;
	_ =	sdelay $0x1  }
0xce: {  	[tilespmem:s13+$0xFFFFFF80] =	vst v11  }
0xcf: {  	v11 =	vld [tilespmem:s10+$0x18430]  }
0xd0: {  	v12 =	vld [tilespmem:s0+$0x6430];
	_ =	sdelay $0x4  }
0xd1: {  	v11 =	vadd.f32 v12, v11;
	_ =	sdelay $0x1  }
0xd2: {  	[tilespmem:s13+$0xFFFFFF90] =	vst v11  }
0xd3: {  	v11 =	vld [tilespmem:s10+$0x18440]  }
0xd4: {  	v12 =	vld [tilespmem:s0+$0x6440];
	_ =	sdelay $0x4  }
0xd5: {  	v11 =	vadd.f32 v12, v11;
	_ =	sdelay $0x1  }
0xd6: {  	[tilespmem:s13+$0xFFFFFFA0] =	vst v11  }
0xd7: {  	v11 =	vld [tilespmem:s10+$0x18450]  }
0xd8: {  	v12 =	vld [tilespmem:s0+$0x6450];
	_ =	sdelay $0x4  }
0xd9: {  	v11 =	vadd.f32 v12, v11;
	_ =	sdelay $0x1  }
0xda: {  	[tilespmem:s13+$0xFFFFFFB0] =	vst v11  }
0xdb: {  	v11 =	vld [tilespmem:s10+$0x18460]  }
0xdc: {  	v12 =	vld [tilespmem:s0+$0x6460];
	_ =	sdelay $0x4  }
0xdd: {  	v11 =	vadd.f32 v12, v11;
	_ =	sdelay $0x1  }
0xde: {  	[tilespmem:s13+$0xFFFFFFC0] =	vst v11  }
0xdf: {  	v11 =	vld [tilespmem:s10+$0x18470]  }
0xe0: {  	v12 =	vld [tilespmem:s0+$0x6470];
	_ =	sdelay $0x4  }
0xe1: {  	v11 =	vadd.f32 v12, v11;
	_ =	sdelay $0x1  }
0xe2: {  	s2 =	sand.u32 $0x7FC0, s15;
	[tilespmem:s13+$0xFFFFFFD0] =	vst v11  }
0xe3: {  	v11 =	vld [tilespmem:s10+$0x18600]  }
0xe4: {  	v12 =	vld [tilespmem:s0+$0x6800];
	_ =	sdelay $0x4  }
0xe5: {  	v11 =	vadd.f32 v12, v11;
	_ =	sdelay $0x1  }
0xe6: {  	[tilespmem:s2+$0x18A80] =	vst v11  }
0xe7: {  	v11 =	vld [tilespmem:s10+$0x18610]  }
0xe8: {  	v12 =	vld [tilespmem:s0+$0x6810];
	_ =	sdelay $0x4  }
0xe9: {  	v11 =	vadd.f32 v12, v11;
	_ =	sdelay $0x1  }
0xea: {  	[tilespmem:s13+$0xFFFFFFF0] =	vst v11  }
0xeb: {  	v11 =	vld [tilespmem:s10+$0x18620]  }
0xec: {  	v12 =	vld [tilespmem:s0+$0x6820];
	_ =	sdelay $0x4  }
0xed: {  	v11 =	vadd.f32 v12, v11;
	_ =	sdelay $0x1  }
0xee: {  	[tilespmem:s13+$0x0] =	vst v11  }
0xef: {  	v11 =	vld [tilespmem:s10+$0x18630]  }
0xf0: {  	v12 =	vld [tilespmem:s0+$0x6830];
	_ =	sdelay $0x4  }
0xf1: {  	v11 =	vadd.f32 v12, v11;
	_ =	sdelay $0x1  }
0xf2: {  	[tilespmem:s13+$0x10] =	vst v11  }
0xf3: {  	v11 =	vld [tilespmem:s10+$0x18640]  }
0xf4: {  	v12 =	vld [tilespmem:s0+$0x6840];
	_ =	sdelay $0x4  }
0xf5: {  	v11 =	vadd.f32 v12, v11;
	_ =	sdelay $0x1  }
0xf6: {  	[tilespmem:s13+$0x20] =	vst v11  }
0xf7: {  	v11 =	vld [tilespmem:s10+$0x18650]  }
0xf8: {  	v12 =	vld [tilespmem:s0+$0x6850];
	_ =	sdelay $0x4  }
0xf9: {  	v11 =	vadd.f32 v12, v11;
	_ =	sdelay $0x1  }
0xfa: {  	[tilespmem:s13+$0x30] =	vst v11  }
0xfb: {  	v11 =	vld [tilespmem:s10+$0x18660]  }
0xfc: {  	v12 =	vld [tilespmem:s0+$0x6860];
	_ =	sdelay $0x4  }
0xfd: {  	v11 =	vadd.f32 v12, v11;
	_ =	sdelay $0x1  }
0xfe: {  	[tilespmem:s13+$0x40] =	vst v11  }
0xff: {  	v11 =	vld [tilespmem:s10+$0x18670]  }
0x100: {  	v12 =	vld [tilespmem:s0+$0x6870];
	_ =	sdelay $0x4  }
0x101: {  	v11 =	vadd.f32 v12, v11;
	_ =	sdelay $0x1  }
0x102: {  	[tilespmem:s13+$0x50] =	vst v11  }
0x103: {  	v11 =	vld [tilespmem:s10+$0x18800]  }
0x104: {  	v12 =	vld [tilespmem:s0+$0x6C00];
	_ =	sdelay $0x4  }
0x105: {  	v11 =	vadd.f32 v12, v11;
	_ =	sdelay $0x1  }
0x106: {  	[tilespmem:s2+$0x18B00] =	vst v11  }
0x107: {  	v11 =	vld [tilespmem:s10+$0x18810]  }
0x108: {  	v12 =	vld [tilespmem:s0+$0x6C10]  }
.Ltmp2:
0x109: {  	(pc) =	sbr.rel @p0 .LBB2_2-.Ltmp2, $2  }
0x10a: {  	_ =	sdelay $0x2  }
0x10b: {  	s13 =	sadd.s32 $0x140, s13;
	v11 =	vadd.f32 v12, v11  }
0x10c: {  	_ = 	snop  }
0x10d: {  	[tilespmem:s11+$0x70] =	vst v11  }
0x10e: {  	v11 =	vld [tilespmem:s10+$0x18820]  }
0x10f: {  	v9 =	vand.u32 v10, v9;
	v12 =	vld [tilespmem:s0+$0x6C20]  }
0x110: {  	(v2sf) =	vpush v9, $0x0;
	_ =	sdelay $0x3  }
0x111: {  	v53 =	vadd.f32 v12, v11;
	_ =	sdelay $0x1  }
0x112: {  	[tilespmem:s11+$0x80] =	vst v53  }
0x113: {  	v9 =	vld [tilespmem:s10+$0x18830]  }
0x114: {  	v54 =	vld [tilespmem:s0+$0x6C30];
	_ =	sdelay $0x4  }
0x115: {  	v9 =	vadd.f32 v54, v9  }
0x116: {  	s1 =	rddreg [dreg:$0xd]  }
0x117: {  	s2 =	simm.s32 $0x5;
	s10 =	simm.s32 $0x0;
	s0 =	spop (v2sf);
	[tilespmem:s11+$0x90] =	vst v9  }
0x118: {  	[tilespmem:s10], [sflag:$0x5] =	stream.linear.gather [hbm4b:s1+s10], $0x40, $0x38;
	[tilespmem:$0x1DD80] =	vst v63  }
0x119: {  	_ =	swait.ge [sflag:s2], $0x40  }
0x11a: {  	[sflag:s2] =	ssyncset.done $0x0  }
0x11b: {  	s3 =	simm.s32 $0x80;
	s11 =	rddreg [dreg:$0xe];
	[sflag:s2] =	ssyncadd.s32 $0xFFFFFFC0  }
0x11c: {  	[tilespmem:s3], [sflag:$0x5] =	stream.linear.gather [hbm4b:s11+s10], $0x40, $0x38;
	[tilespmem:$0x1DD80] =	vst v63  }
0x11d: {  	_ =	swait.ge [sflag:s2], $0x40  }
0x11e: {  	[sflag:s2] =	ssyncset.done $0x0  }
0x11f: {  	s13 =	simm.s32 $0x100;
	s12 =	rddreg [dreg:$0xf];
	[sflag:s2] =	ssyncadd.s32 $0xFFFFFFC0  }
0x120: {  	[tilespmem:s13], [sflag:$0x5] =	stream.linear.gather [hbm4b:s12+s10], $0x40, $0x38;
	[tilespmem:$0x1DD80] =	vst v63  }
0x121: {  	_ =	swait.ge [sflag:s2], $0x40  }
0x122: {  	[sflag:s2] =	ssyncset.done $0x0  }
0x123: {  	s15 =	simm.s32 $0x180;
	s14 =	rddreg [dreg:$0x10];
	[sflag:s2] =	ssyncadd.s32 $0xFFFFFFC0  }
0x124: {  	[tilespmem:s15], [sflag:$0x5] =	stream.linear.gather [hbm4b:s14+s10], $0x40, $0x38;
	[tilespmem:$0x1DD80] =	vst v63  }
0x125: {  	_ =	swait.ge [sflag:s2], $0x40  }
0x126: {  	[sflag:s2] =	ssyncset.done $0x0  }
0x127: {  	[sflag:s2] =	ssyncadd.s32 $0xFFFFFFC0  }
0x128: {  	v55 =	vld [tilespmem:$0x0];
	_ =	sdelay $0x3  }
0x129: {  	v0 =	vld [tilespmem:$0x1FFE0]  }
0x12a: {  	v56 =	vshrl.u32 v55, $0x3  }
0x12b: {  	v10 =	vmul.u32 $0x18, v56  }
0x12c: {  	v9 =	vand.u32 $0x7, v55  }
0x12d: {  	v6 =	vld [tilespmem:$0x1FFF0];
	v9 =	vor.u32 v9, v10  }
0x12e: {  	v10 =	vperm.xlane v9, v0;
	_ =	sdelay $0x1  }
0x12f: {  	v10 =	vadd.s32 v7, v10;
	_ =	sdelay $0x1  }
0x130: {  	v9 =	vperm.xlane v9, v6;
	_ =	sdelay $0x1  }
0x131: {  	s17 =	simm.s32 $0x400;
	s16 =	rddreg [dreg:$0x6];
	v9 =	vadd.s32 v7, v9  }
0x132: {  	[tilespmem:s17], [sflag:$0x1] =	stream.indirect_vreg.gather [hbm4b:s16+s10], $0x80, v10, vm1, $0xb8;
	[tilespmem:$0x1DD80] =	vst v63  }
0x133: {  	s18 =	simm.s32 $0xC00  }
0x134: {  	[tilespmem:s18], [sflag:$0x1] =	stream.indirect_vreg.gather [hbm4b:s19+s10], $0x80, v10, vm0, $0xb8;
	[tilespmem:$0x1DD80] =	vst v63  }
0x135: {  	s21 =	simm.s32 $0x1000  }
0x136: {  	[tilespmem:s21], [sflag:$0x1] =	stream.indirect_vreg.gather [hbm4b:s16+s10], $0x80, v9, vm1, $0xb8;
	[tilespmem:$0x1DD80] =	vst v63  }
0x137: {  	s22 =	simm.s32 $0x1800  }
0x138: {  	[tilespmem:s22], [sflag:$0x1] =	stream.indirect_vreg.gather [hbm4b:s19+s10], $0x80, v9, vm0, $0xb8;
	[tilespmem:$0x1DD80] =	vst v63  }
0x139: {  	v9 =	vld [tilespmem:$0x10];
	_ =	sdelay $0x4  }
0x13a: {  	v57 =	vshrl.u32 v9, $0x3  }
0x13b: {  	v10 =	vmul.u32 $0x18, v57  }
0x13c: {  	v9 =	vand.u32 $0x7, v9  }
0x13d: {  	v9 =	vor.u32 v9, v10  }
0x13e: {  	v10 =	vperm.xlane v9, v0;
	_ =	sdelay $0x1  }
0x13f: {  	v10 =	vadd.s32 v7, v10;
	_ =	sdelay $0x1  }
0x140: {  	v9 =	vperm.xlane v9, v6;
	_ =	sdelay $0x1  }
0x141: {  	s24 =	simm.s32 $0x1C00;
	v9 =	vadd.s32 v7, v9  }
0x142: {  	[tilespmem:s24], [sflag:$0x1] =	stream.indirect_vreg.gather [hbm4b:s16+s10], $0x80, v10, vm1, $0xb8;
	[tilespmem:$0x1DD80] =	vst v63  }
0x143: {  	s25 =	simm.s32 $0x2400  }
0x144: {  	[tilespmem:s25], [sflag:$0x1] =	stream.indirect_vreg.gather [hbm4b:s19+s10], $0x80, v10, vm0, $0xb8;
	[tilespmem:$0x1DD80] =	vst v63  }
0x145: {  	s26 =	simm.s32 $0x2800  }
0x146: {  	[tilespmem:s26], [sflag:$0x1] =	stream.indirect_vreg.gather [hbm4b:s16+s10], $0x80, v9, vm1, $0xb8;
	[tilespmem:$0x1DD80] =	vst v63  }
0x147: {  	s28 =	simm.s32 $0x3000  }
0x148: {  	[tilespmem:s28], [sflag:$0x1] =	stream.indirect_vreg.gather [hbm4b:s19+s10], $0x80, v9, vm0, $0xb8;
	[tilespmem:$0x1DD80] =	vst v63  }
0x149: {  	v9 =	vld [tilespmem:$0x20];
	_ =	sdelay $0x4  }
0x14a: {  	v58 =	vshrl.u32 v9, $0x3  }
0x14b: {  	v10 =	vmul.u32 $0x18, v58  }
0x14c: {  	v9 =	vand.u32 $0x7, v9  }
0x14d: {  	v9 =	vor.u32 v9, v10  }
0x14e: {  	v10 =	vperm.xlane v9, v0;
	_ =	sdelay $0x1  }
0x14f: {  	v10 =	vadd.s32 v7, v10;
	_ =	sdelay $0x1  }
0x150: {  	v9 =	vperm.xlane v9, v6;
	_ =	sdelay $0x1  }
0x151: {  	s29 =	simm.s32 $0x3400;
	v9 =	vadd.s32 v7, v9  }
0x152: {  	[tilespmem:s29], [sflag:$0x1] =	stream.indirect_vreg.gather [hbm4b:s16+s10], $0x80, v10, vm1, $0xb8;
	[tilespmem:$0x1DD80] =	vst v63  }
0x153: {  	s30 =	simm.s32 $0x3C00  }
0x154: {  	[tilespmem:s30], [sflag:$0x1] =	stream.indirect_vreg.gather [hbm4b:s19+s10], $0x80, v10, vm0, $0xb8;
	[tilespmem:$0x1DD80] =	vst v63  }
0x155: {  	s31 =	simm.s32 $0x4000  }
0x156: {  	[tilespmem:s31], [sflag:$0x1] =	stream.indirect_vreg.gather [hbm4b:s16+s10], $0x80, v9, vm1, $0xb8;
	[tilespmem:$0x1DD80] =	vst v63  }
0x157: {  	s3 =	simm.s32 $0x4800  }
0x158: {  	[tilespmem:s3], [sflag:$0x1] =	stream.indirect_vreg.gather [hbm4b:s19+s10], $0x80, v9, vm0, $0xb8;
	[tilespmem:$0x1DD80] =	vst v63  }
0x159: {  	v9 =	vld [tilespmem:$0x30];
	_ =	sdelay $0x4  }
0x15a: {  	v59 =	vshrl.u32 v9, $0x3  }
0x15b: {  	v10 =	vmul.u32 $0x18, v59  }
0x15c: {  	v9 =	vand.u32 $0x7, v9  }
0x15d: {  	v9 =	vor.u32 v9, v10  }
0x15e: {  	v10 =	vperm.xlane v9, v0;
	_ =	sdelay $0x1  }
0x15f: {  	v10 =	vadd.s32 v7, v10;
	_ =	sdelay $0x1  }
0x160: {  	v9 =	vperm.xlane v9, v6;
	_ =	sdelay $0x1  }
0x161: {  	s5 =	simm.s32 $0x4C00;
	v9 =	vadd.s32 v7, v9  }
0x162: {  	[tilespmem:s5], [sflag:$0x1] =	stream.indirect_vreg.gather [hbm4b:s16+s10], $0x80, v10, vm1, $0xb8;
	[tilespmem:$0x1DD80] =	vst v63  }
0x163: {  	s6 =	simm.s32 $0x5400  }
0x164: {  	[tilespmem:s6], [sflag:$0x1] =	stream.indirect_vreg.gather [hbm4b:s19+s10], $0x80, v10, vm0, $0xb8;
	[tilespmem:$0x1DD80] =	vst v63  }
0x165: {  	s9 =	simm.s32 $0x5800  }
0x166: {  	[tilespmem:s9], [sflag:$0x1] =	stream.indirect_vreg.gather [hbm4b:s16+s10], $0x80, v9, vm1, $0xb8;
	[tilespmem:$0x1DD80] =	vst v63  }
0x167: {  	s11 =	simm.s32 $0x6000  }
0x168: {  	[tilespmem:s11], [sflag:$0x1] =	stream.indirect_vreg.gather [hbm4b:s19+s10], $0x80, v9, vm0, $0xb8;
	[tilespmem:$0x1DD80] =	vst v63  }
0x169: {  	v9 =	vld [tilespmem:$0x80];
	_ =	sdelay $0x4  }
0x16a: {  	v60 =	vshrl.u32 v9, $0x3  }
0x16b: {  	v10 =	vmul.u32 $0x18, v60  }
0x16c: {  	v9 =	vand.u32 $0x7, v9  }
0x16d: {  	v9 =	vor.u32 v9, v10  }
0x16e: {  	v10 =	vperm.xlane v9, v0;
	_ =	sdelay $0x1  }
0x16f: {  	v10 =	vadd.s32 v7, v10;
	_ =	sdelay $0x1  }
0x170: {  	v9 =	vperm.xlane v9, v6;
	_ =	sdelay $0x1  }
0x171: {  	s12 =	simm.s32 $0x6400;
	v9 =	vadd.s32 v7, v9  }
0x172: {  	[tilespmem:s12], [sflag:$0x1] =	stream.indirect_vreg.gather [hbm4b:s7+s10], $0x80, v10, vm1, $0xb8;
	[tilespmem:$0x1DD80] =	vst v63  }
0x173: {  	s13 =	simm.s32 $0x6C00  }
0x174: {  	[tilespmem:s13], [sflag:$0x1] =	stream.indirect_vreg.gather [hbm4b:s20+s10], $0x80, v10, vm0, $0xb8;
	[tilespmem:$0x1DD80] =	vst v63  }
0x175: {  	s14 =	simm.s32 $0x7000  }
0x176: {  	[tilespmem:s14], [sflag:$0x1] =	stream.indirect_vreg.gather [hbm4b:s7+s10], $0x80, v9, vm1, $0xb8;
	[tilespmem:$0x1DD80] =	vst v63  }
0x177: {  	s15 =	simm.s32 $0x7800  }
0x178: {  	[tilespmem:s15], [sflag:$0x1] =	stream.indirect_vreg.gather [hbm4b:s20+s10], $0x80, v9, vm0, $0xb8;
	[tilespmem:$0x1DD80] =	vst v63  }
0x179: {  	v9 =	vld [tilespmem:$0x90];
	_ =	sdelay $0x4  }
0x17a: {  	v61 =	vshrl.u32 v9, $0x3  }
0x17b: {  	v10 =	vmul.u32 $0x18, v61  }
0x17c: {  	v9 =	vand.u32 $0x7, v9  }
0x17d: {  	v9 =	vor.u32 v9, v10  }
0x17e: {  	v10 =	vperm.xlane v9, v0;
	_ =	sdelay $0x1  }
0x17f: {  	v10 =	vadd.s32 v7, v10;
	_ =	sdelay $0x1  }
0x180: {  	v9 =	vperm.xlane v9, v6;
	_ =	sdelay $0x1  }
0x181: {  	s16 =	simm.s32 $0x7C00;
	v9 =	vadd.s32 v7, v9  }
0x182: {  	[tilespmem:s16], [sflag:$0x1] =	stream.indirect_vreg.gather [hbm4b:s7+s10], $0x80, v10, vm1, $0xb8;
	[tilespmem:$0x1DD80] =	vst v63  }
0x183: {  	s17 =	simm.s32 $0x8400  }
0x184: {  	[tilespmem:s17], [sflag:$0x1] =	stream.indirect_vreg.gather [hbm4b:s20+s10], $0x80, v10, vm0, $0xb8;
	[tilespmem:$0x1DD80] =	vst v63  }
0x185: {  	s18 =	simm.s32 $0x8800  }
0x186: {  	[tilespmem:s18], [sflag:$0x1] =	stream.indirect_vreg.gather [hbm4b:s7+s10], $0x80, v9, vm1, $0xb8;
	[tilespmem:$0x1DD80] =	vst v63  }
0x187: {  	s21 =	simm.s32 $0x9000  }
0x188: {  	[tilespmem:s21], [sflag:$0x1] =	stream.indirect_vreg.gather [hbm4b:s20+s10], $0x80, v9, vm0, $0xb8;
	[tilespmem:$0x1DD80] =	vst v63  }
0x189: {  	v9 =	vld [tilespmem:$0xA0];
	_ =	sdelay $0x4  }
0x18a: {  	v62 =	vshrl.u32 v9, $0x3  }
0x18b: {  	v10 =	vmul.u32 $0x18, v62  }
0x18c: {  	v9 =	vand.u32 $0x7, v9  }
0x18d: {  	v9 =	vor.u32 v9, v10  }
0x18e: {  	v10 =	vperm.xlane v9, v0;
	_ =	sdelay $0x1  }
0x18f: {  	v10 =	vadd.s32 v7, v10;
	_ =	sdelay $0x1  }
0x190: {  	v9 =	vperm.xlane v9, v6;
	_ =	sdelay $0x1  }
0x191: {  	s22 =	simm.s32 $0x9400;
	v9 =	vadd.s32 v7, v9  }
0x192: {  	[tilespmem:s22], [sflag:$0x1] =	stream.indirect_vreg.gather [hbm4b:s7+s10], $0x80, v10, vm1, $0xb8;
	[tilespmem:$0x1DD80] =	vst v63  }
0x193: {  	s24 =	simm.s32 $0x9C00  }
0x194: {  	[tilespmem:s24], [sflag:$0x1] =	stream.indirect_vreg.gather [hbm4b:s20+s10], $0x80, v10, vm0, $0xb8;
	[tilespmem:$0x1DD80] =	vst v63  }
0x195: {  	s25 =	simm.s32 $0xA000  }
0x196: {  	[tilespmem:s25], [sflag:$0x1] =	stream.indirect_vreg.gather [hbm4b:s7+s10], $0x80, v9, vm1, $0xb8;
	[tilespmem:$0x1DD80] =	vst v63  }
0x197: {  	s26 =	simm.s32 $0xA800  }
0x198: {  	[tilespmem:s26], [sflag:$0x1] =	stream.indirect_vreg.gather [hbm4b:s20+s10], $0x80, v9, vm0, $0xb8;
	[tilespmem:$0x1DD80] =	vst v63  }
0x199: {  	v9 =	vld [tilespmem:$0xB0];
	_ =	sdelay $0x4  }
0x19a: {  	v63 =	vshrl.u32 v9, $0x3  }
0x19b: {  	v10 =	vmul.u32 $0x18, v63  }
0x19c: {  	v9 =	vand.u32 $0x7, v9  }
0x19d: {  	v9 =	vor.u32 v9, v10  }
0x19e: {  	v10 =	vperm.xlane v9, v0;
	_ =	sdelay $0x1  }
0x19f: {  	v10 =	vadd.s32 v7, v10;
	_ =	sdelay $0x2  }
0x1a0: {  	v9 =	vperm.xlane v9, v6  }
0x1a1: {  	s28 =	simm.s32 $0xAC00  }
0x1a2: {  	v9 =	vadd.s32 v7, v9;
	[tilespmem:s28], [sflag:$0x1] =	stream.indirect_vreg.gather [hbm4b:s7+s10], $0x80, v10, vm1, $0xb8;
	[tilespmem:$0x1DD80] =	vst v63  }
0x1a3: {  	s29 =	simm.s32 $0xB400  }
0x1a4: {  	[tilespmem:s29], [sflag:$0x1] =	stream.indirect_vreg.gather [hbm4b:s20+s10], $0x80, v10, vm0, $0xb8;
	[tilespmem:$0x1DD80] =	vst v63  }
.Ltmp3:
0x1a5: {  	_ = 	snop;
	(pc) =	sbr.rel .LBB2_4-.Ltmp3, $4  }
0x1a6: {  	s30 =	simm.s32 $0xB800  }
0x1a7: {  	[tilespmem:s30], [sflag:$0x1] =	stream.indirect_vreg.gather [hbm4b:s7+s10], $0x80, v9, vm1, $0xb8;
	[tilespmem:$0x1DD80] =	vst v63  }
0x1a8: {  	p0 =	seq.s32 s0, $0x0;
	s0 =	simm.s32 $0x0;
	s31 =	simm.s32 $0xC000  }
0x1a9: {  	[tilespmem:s31], [sflag:$0x1] =	stream.indirect_vreg.gather [hbm4b:s20+s10], $0x80, v9, vm0, $0xb8;
	[tilespmem:$0x1DD80] =	vst v63  }
.LBB2_34:
0x1aa: {  	s0 =	rddreg [dreg:$0x15]  }
0x1ab: {  	s0 =	smul.u32 $0x180, s0  }
0x1ac: {  	s1 =	rddreg [dreg:$0xc];
	s30 =	simm.s32 $0x0  }
0x1ad: {  	s4 =	simm.s32 $0xC400;
	s31 =	rddreg [dreg:$0x14];
	s0 =	sadd.s32 s1, s0  }
0x1ae: {  	[hbm4b:s0+s30] =	stream.linear.scatter [tilespmem:s4], [sflag:$0x4], $0x6000, $0x38;
	[tilespmem:$0x1DD80] =	vst v63  }
0x1af: {  	s0 =	sadd.s32 $0x1, s31  }
0x1b0: {  	p1 =	sne.s32 s0, $0x10  }
.Ltmp4:
0x1b1: {  	_ = 	snop;
	(pc) =	sbr.rel @!p1 .LBB2_35-.Ltmp4, $1  }
0x1b2: {  	_ =	sdelay $0x3  }
.LBB2_4:
0x1b3: {  	s2 =	sshll.u32 s0, $0x7;
	[dreg:$0x14] =	wrdreg s0  }
0x1b4: {  	p1 =	seq.s32 s0, $0x0;
	s1 =	rddreg [dreg:$0xb];
	s9 =	simm.s32 $0x200  }
0x1b5: {  	s0 =	simm.s32 @!p1 $0x4;
	[dreg:$0x16] =	wrdreg s2;
	s1 =	sor.u32 s2, s1  }
0x1b6: {  	s11 =	simm.s32 $0x5;
	_ =	swait.ge @!p1 [sflag:s0], $0x6000;
	s1 =	sshrl.u32 s1, $0x3  }
0x1b7: {  	[sflag:s0] =	ssyncset.done @!p1 $0x0;
	s3 =	sor.u32 $0x8, s1;
	s6 =	rddreg [dreg:$0x2]  }
0x1b8: {  	[dreg:$0x17] =	wrdreg s1;
	[sflag:s0] =	ssyncadd.s32 @!p1 $0xFFFFA000;
	s0 =	sadd.s32 s6, s3  }
0x1b9: {  	[tilespmem:s9], [sflag:$0x5] =	stream.linear.gather [hbm4b:s0+s10], $0x40, $0x38;
	[tilespmem:$0x1DD80] =	vst v63  }
0x1ba: {  	_ =	swait.ge [sflag:s11], $0x40  }
0x1bb: {  	[sflag:s11] =	ssyncset.done $0x0;
	s12 =	rddreg [dreg:$0x3]  }
0x1bc: {  	s13 =	simm.s32 $0x280;
	[sflag:s11] =	ssyncadd.s32 $0xFFFFFFC0;
	s0 =	sadd.s32 s12, s3  }
0x1bd: {  	[tilespmem:s13], [sflag:$0x5] =	stream.linear.gather [hbm4b:s0+s10], $0x40, $0x38;
	[tilespmem:$0x1DD80] =	vst v63  }
0x1be: {  	_ =	swait.ge [sflag:s11], $0x40  }
0x1bf: {  	[sflag:s11] =	ssyncset.done $0x0;
	s14 =	rddreg [dreg:$0x4]  }
0x1c0: {  	s15 =	simm.s32 $0x300;
	[sflag:s11] =	ssyncadd.s32 $0xFFFFFFC0;
	s0 =	sadd.s32 s14, s3  }
0x1c1: {  	[tilespmem:s15], [sflag:$0x5] =	stream.linear.gather [hbm4b:s0+s10], $0x40, $0x38;
	[tilespmem:$0x1DD80] =	vst v63  }
0x1c2: {  	_ =	swait.ge [sflag:s11], $0x40  }
0x1c3: {  	s17 =	simm.s32 $0x380;
	[sflag:s11] =	ssyncset.done $0x0;
	s16 =	rddreg [dreg:$0x5]  }
0x1c4: {  	[dreg:$0x15] =	wrdreg s3;
	[sflag:s11] =	ssyncadd.s32 $0xFFFFFFC0;
	s0 =	sadd.s32 s16, s3  }
0x1c5: {  	[tilespmem:s17], [sflag:$0x5] =	stream.linear.gather [hbm4b:s0+s10], $0x40, $0x38;
	[tilespmem:$0x1DD80] =	vst v63  }
0x1c6: {  	_ =	swait.ge [sflag:s11], $0x40  }
0x1c7: {  	[sflag:s11] =	ssyncset.done $0x0  }
0x1c8: {  	[sflag:s11] =	ssyncadd.s32 $0xFFFFFFC0  }
0x1c9: {  	v9 =	vld [tilespmem:$0x200];
	_ =	sdelay $0x3  }
0x1ca: {  	v0 =	vld [tilespmem:$0x1FFE0]  }
0x1cb: {  	v10 =	vshrl.u32 v9, $0x3  }
0x1cc: {  	v10 =	vmul.u32 $0x18, v10  }
0x1cd: {  	v9 =	vand.u32 $0x7, v9  }
0x1ce: {  	v6 =	vld [tilespmem:$0x1FFF0];
	v9 =	vor.u32 v9, v10  }
0x1cf: {  	v10 =	vperm.xlane v9, v0;
	_ =	sdelay $0x1  }
0x1d0: {  	v10 =	vadd.s32 v7, v10;
	_ =	sdelay $0x1  }
0x1d1: {  	v9 =	vperm.xlane v9, v6;
	_ =	sdelay $0x1  }
0x1d2: {  	s18 =	rddreg [dreg:$0x6];
	v9 =	vadd.s32 v7, v9  }
0x1d3: {  	[tilespmem:s4], [sflag:$0x2] =	stream.indirect_vreg.gather [hbm4b:s18+s10], $0x80, v10, vm1, $0xb8;
	[tilespmem:$0x1DD80] =	vst v63  }
0x1d4: {  	s21 =	simm.s32 $0xCC00  }
0x1d5: {  	[tilespmem:s21], [sflag:$0x2] =	stream.indirect_vreg.gather [hbm4b:s19+s10], $0x80, v10, vm0, $0xb8;
	[tilespmem:$0x1DD80] =	vst v63  }
0x1d6: {  	s22 =	simm.s32 $0xD000  }
0x1d7: {  	[tilespmem:s22], [sflag:$0x2] =	stream.indirect_vreg.gather [hbm4b:s18+s10], $0x80, v9, vm1, $0xb8;
	[tilespmem:$0x1DD80] =	vst v63  }
0x1d8: {  	s24 =	simm.s32 $0xD800  }
0x1d9: {  	[tilespmem:s24], [sflag:$0x2] =	stream.indirect_vreg.gather [hbm4b:s19+s10], $0x80, v9, vm0, $0xb8;
	[tilespmem:$0x1DD80] =	vst v63  }
0x1da: {  	v9 =	vld [tilespmem:$0x210];
	_ =	sdelay $0x4  }
0x1db: {  	v51 =	vshrl.u32 v9, $0x3  }
0x1dc: {  	v10 =	vmul.u32 $0x18, v51  }
0x1dd: {  	v9 =	vand.u32 $0x7, v9  }
0x1de: {  	v9 =	vor.u32 v9, v10  }
0x1df: {  	v10 =	vperm.xlane v9, v0;
	_ =	sdelay $0x1  }
0x1e0: {  	v10 =	vadd.s32 v7, v10;
	_ =	sdelay $0x1  }
0x1e1: {  	v9 =	vperm.xlane v9, v6;
	_ =	sdelay $0x1  }
0x1e2: {  	s25 =	simm.s32 $0xDC00;
	v9 =	vadd.s32 v7, v9  }
0x1e3: {  	[tilespmem:s25], [sflag:$0x2] =	stream.indirect_vreg.gather [hbm4b:s18+s10], $0x80, v10, vm1, $0xb8;
	[tilespmem:$0x1DD80] =	vst v63  }
0x1e4: {  	s26 =	simm.s32 $0xE400  }
0x1e5: {  	[tilespmem:s26], [sflag:$0x2] =	stream.indirect_vreg.gather [hbm4b:s19+s10], $0x80, v10, vm0, $0xb8;
	[tilespmem:$0x1DD80] =	vst v63  }
0x1e6: {  	s28 =	simm.s32 $0xE800  }
0x1e7: {  	[tilespmem:s28], [sflag:$0x2] =	stream.indirect_vreg.gather [hbm4b:s18+s10], $0x80, v9, vm1, $0xb8;
	[tilespmem:$0x1DD80] =	vst v63  }
0x1e8: {  	s29 =	simm.s32 $0xF000  }
0x1e9: {  	[tilespmem:s29], [sflag:$0x2] =	stream.indirect_vreg.gather [hbm4b:s19+s10], $0x80, v9, vm0, $0xb8;
	[tilespmem:$0x1DD80] =	vst v63  }
0x1ea: {  	v9 =	vld [tilespmem:$0x220];
	_ =	sdelay $0x4  }
0x1eb: {  	v52 =	vshrl.u32 v9, $0x3  }
0x1ec: {  	v10 =	vmul.u32 $0x18, v52  }
0x1ed: {  	v9 =	vand.u32 $0x7, v9  }
0x1ee: {  	v9 =	vor.u32 v9, v10  }
0x1ef: {  	v10 =	vperm.xlane v9, v0;
	_ =	sdelay $0x1  }
0x1f0: {  	v10 =	vadd.s32 v7, v10;
	_ =	sdelay $0x1  }
0x1f1: {  	v9 =	vperm.xlane v9, v6;
	_ =	sdelay $0x1  }
0x1f2: {  	s30 =	simm.s32 $0xF400;
	v9 =	vadd.s32 v7, v9  }
0x1f3: {  	[tilespmem:s30], [sflag:$0x2] =	stream.indirect_vreg.gather [hbm4b:s18+s10], $0x80, v10, vm1, $0xb8;
	[tilespmem:$0x1DD80] =	vst v63  }
0x1f4: {  	s31 =	simm.s32 $0xFC00  }
0x1f5: {  	[tilespmem:s31], [sflag:$0x2] =	stream.indirect_vreg.gather [hbm4b:s19+s10], $0x80, v10, vm0, $0xb8;
	[tilespmem:$0x1DD80] =	vst v63  }
0x1f6: {  	s2 =	simm.s32 $0x10000  }
0x1f7: {  	[tilespmem:s2], [sflag:$0x2] =	stream.indirect_vreg.gather [hbm4b:s18+s10], $0x80, v9, vm1, $0xb8;
	[tilespmem:$0x1DD80] =	vst v63  }
0x1f8: {  	s3 =	simm.s32 $0x10800  }
0x1f9: {  	[tilespmem:s3], [sflag:$0x2] =	stream.indirect_vreg.gather [hbm4b:s19+s10], $0x80, v9, vm0, $0xb8;
	[tilespmem:$0x1DD80] =	vst v63  }
0x1fa: {  	v9 =	vld [tilespmem:$0x230];
	_ =	sdelay $0x4  }
0x1fb: {  	v53 =	vshrl.u32 v9, $0x3  }
0x1fc: {  	v10 =	vmul.u32 $0x18, v53  }
0x1fd: {  	v9 =	vand.u32 $0x7, v9  }
0x1fe: {  	v9 =	vor.u32 v9, v10  }
0x1ff: {  	v10 =	vperm.xlane v9, v0;
	_ =	sdelay $0x1  }
0x200: {  	v10 =	vadd.s32 v7, v10;
	_ =	sdelay $0x1  }
0x201: {  	v9 =	vperm.xlane v9, v6;
	_ =	sdelay $0x1  }
0x202: {  	s4 =	simm.s32 $0x10C00;
	v9 =	vadd.s32 v7, v9  }
0x203: {  	[tilespmem:s4], [sflag:$0x2] =	stream.indirect_vreg.gather [hbm4b:s18+s10], $0x80, v10, vm1, $0xb8;
	[tilespmem:$0x1DD80] =	vst v63  }
0x204: {  	s5 =	simm.s32 $0x11400  }
0x205: {  	[tilespmem:s5], [sflag:$0x2] =	stream.indirect_vreg.gather [hbm4b:s19+s10], $0x80, v10, vm0, $0xb8;
	[tilespmem:$0x1DD80] =	vst v63  }
0x206: {  	s6 =	simm.s32 $0x11800  }
0x207: {  	[tilespmem:s6], [sflag:$0x2] =	stream.indirect_vreg.gather [hbm4b:s18+s10], $0x80, v9, vm1, $0xb8;
	[tilespmem:$0x1DD80] =	vst v63  }
0x208: {  	s9 =	simm.s32 $0x12000  }
0x209: {  	[tilespmem:s9], [sflag:$0x2] =	stream.indirect_vreg.gather [hbm4b:s19+s10], $0x80, v9, vm0, $0xb8;
	[tilespmem:$0x1DD80] =	vst v63  }
0x20a: {  	v9 =	vld [tilespmem:$0x280];
	_ =	sdelay $0x4  }
0x20b: {  	v54 =	vshrl.u32 v9, $0x3  }
0x20c: {  	v10 =	vmul.u32 $0x18, v54  }
0x20d: {  	v9 =	vand.u32 $0x7, v9  }
0x20e: {  	v9 =	vor.u32 v9, v10  }
0x20f: {  	v10 =	vperm.xlane v9, v0;
	_ =	sdelay $0x1  }
0x210: {  	v10 =	vadd.s32 v7, v10;
	_ =	sdelay $0x1  }
0x211: {  	v9 =	vperm.xlane v9, v6;
	_ =	sdelay $0x1  }
0x212: {  	s11 =	simm.s32 $0x12400;
	v9 =	vadd.s32 v7, v9  }
0x213: {  	[tilespmem:s11], [sflag:$0x2] =	stream.indirect_vreg.gather [hbm4b:s7+s10], $0x80, v10, vm1, $0xb8;
	[tilespmem:$0x1DD80] =	vst v63  }
0x214: {  	s12 =	simm.s32 $0x12C00  }
0x215: {  	[tilespmem:s12], [sflag:$0x2] =	stream.indirect_vreg.gather [hbm4b:s20+s10], $0x80, v10, vm0, $0xb8;
	[tilespmem:$0x1DD80] =	vst v63  }
0x216: {  	s13 =	simm.s32 $0x13000  }
0x217: {  	[tilespmem:s13], [sflag:$0x2] =	stream.indirect_vreg.gather [hbm4b:s7+s10], $0x80, v9, vm1, $0xb8;
	[tilespmem:$0x1DD80] =	vst v63  }
0x218: {  	s14 =	simm.s32 $0x13800  }
0x219: {  	[tilespmem:s14], [sflag:$0x2] =	stream.indirect_vreg.gather [hbm4b:s20+s10], $0x80, v9, vm0, $0xb8;
	[tilespmem:$0x1DD80] =	vst v63  }
0x21a: {  	v9 =	vld [tilespmem:$0x290];
	_ =	sdelay $0x4  }
0x21b: {  	v55 =	vshrl.u32 v9, $0x3  }
0x21c: {  	v10 =	vmul.u32 $0x18, v55  }
0x21d: {  	v9 =	vand.u32 $0x7, v9  }
0x21e: {  	v9 =	vor.u32 v9, v10  }
0x21f: {  	v10 =	vperm.xlane v9, v0;
	_ =	sdelay $0x1  }
0x220: {  	v10 =	vadd.s32 v7, v10;
	_ =	sdelay $0x1  }
0x221: {  	v9 =	vperm.xlane v9, v6;
	_ =	sdelay $0x1  }
0x222: {  	s15 =	simm.s32 $0x13C00;
	v9 =	vadd.s32 v7, v9  }
0x223: {  	[tilespmem:s15], [sflag:$0x2] =	stream.indirect_vreg.gather [hbm4b:s7+s10], $0x80, v10, vm1, $0xb8;
	[tilespmem:$0x1DD80] =	vst v63  }
0x224: {  	s16 =	simm.s32 $0x14400  }
0x225: {  	[tilespmem:s16], [sflag:$0x2] =	stream.indirect_vreg.gather [hbm4b:s20+s10], $0x80, v10, vm0, $0xb8;
	[tilespmem:$0x1DD80] =	vst v63  }
0x226: {  	s17 =	simm.s32 $0x14800  }
0x227: {  	[tilespmem:s17], [sflag:$0x2] =	stream.indirect_vreg.gather [hbm4b:s7+s10], $0x80, v9, vm1, $0xb8;
	[tilespmem:$0x1DD80] =	vst v63  }
0x228: {  	s18 =	simm.s32 $0x15000  }
0x229: {  	[tilespmem:s18], [sflag:$0x2] =	stream.indirect_vreg.gather [hbm4b:s20+s10], $0x80, v9, vm0, $0xb8;
	[tilespmem:$0x1DD80] =	vst v63  }
0x22a: {  	v9 =	vld [tilespmem:$0x2A0];
	_ =	sdelay $0x4  }
0x22b: {  	v56 =	vshrl.u32 v9, $0x3  }
0x22c: {  	v10 =	vmul.u32 $0x18, v56  }
0x22d: {  	v9 =	vand.u32 $0x7, v9  }
0x22e: {  	v9 =	vor.u32 v9, v10  }
0x22f: {  	v10 =	vperm.xlane v9, v0;
	_ =	sdelay $0x1  }
0x230: {  	v10 =	vadd.s32 v7, v10;
	_ =	sdelay $0x1  }
0x231: {  	v9 =	vperm.xlane v9, v6;
	_ =	sdelay $0x1  }
0x232: {  	s21 =	simm.s32 $0x15400;
	v9 =	vadd.s32 v7, v9  }
0x233: {  	[tilespmem:s21], [sflag:$0x2] =	stream.indirect_vreg.gather [hbm4b:s7+s10], $0x80, v10, vm1, $0xb8;
	[tilespmem:$0x1DD80] =	vst v63  }
0x234: {  	s22 =	simm.s32 $0x15C00  }
0x235: {  	[tilespmem:s22], [sflag:$0x2] =	stream.indirect_vreg.gather [hbm4b:s20+s10], $0x80, v10, vm0, $0xb8;
	[tilespmem:$0x1DD80] =	vst v63  }
0x236: {  	s24 =	simm.s32 $0x16000  }
0x237: {  	[tilespmem:s24], [sflag:$0x2] =	stream.indirect_vreg.gather [hbm4b:s7+s10], $0x80, v9, vm1, $0xb8;
	[tilespmem:$0x1DD80] =	vst v63  }
0x238: {  	s25 =	simm.s32 $0x16800  }
0x239: {  	[tilespmem:s25], [sflag:$0x2] =	stream.indirect_vreg.gather [hbm4b:s20+s10], $0x80, v9, vm0, $0xb8;
	[tilespmem:$0x1DD80] =	vst v63  }
0x23a: {  	v9 =	vld [tilespmem:$0x2B0];
	_ =	sdelay $0x4  }
0x23b: {  	v57 =	vshrl.u32 v9, $0x3  }
0x23c: {  	v10 =	vmul.u32 $0x18, v57  }
0x23d: {  	v9 =	vand.u32 $0x7, v9  }
0x23e: {  	v9 =	vor.u32 v9, v10  }
0x23f: {  	v10 =	vperm.xlane v9, v0;
	_ =	sdelay $0x1  }
0x240: {  	v10 =	vadd.s32 v7, v10;
	_ =	sdelay $0x1  }
0x241: {  	v9 =	vperm.xlane v9, v6;
	_ =	sdelay $0x1  }
0x242: {  	s26 =	simm.s32 $0x16C00;
	v9 =	vadd.s32 v7, v9  }
0x243: {  	[tilespmem:s26], [sflag:$0x2] =	stream.indirect_vreg.gather [hbm4b:s7+s10], $0x80, v10, vm1, $0xb8;
	[tilespmem:$0x1DD80] =	vst v63  }
0x244: {  	s28 =	simm.s32 $0x17400  }
0x245: {  	[tilespmem:s28], [sflag:$0x2] =	stream.indirect_vreg.gather [hbm4b:s20+s10], $0x80, v10, vm0, $0xb8;
	[tilespmem:$0x1DD80] =	vst v63  }
0x246: {  	s29 =	simm.s32 $0x17800  }
0x247: {  	[tilespmem:s29], [sflag:$0x2] =	stream.indirect_vreg.gather [hbm4b:s7+s10], $0x80, v9, vm1, $0xb8;
	[tilespmem:$0x1DD80] =	vst v63  }
0x248: {  	s30 =	simm.s32 $0x18000;
	s31 =	simm.s32 $0x1  }
0x249: {  	[tilespmem:s30], [sflag:$0x2] =	stream.indirect_vreg.gather [hbm4b:s20+s10], $0x80, v9, vm0, $0xb8;
	[tilespmem:$0x1DD80] =	vst v63  }
0x24a: {  	_ =	swait.ge [sflag:s31], $0x6000  }
0x24b: {  	[sflag:s31] =	ssyncset.done $0x0  }
0x24c: {  	[sflag:s31] =	ssyncadd.s32 $0xFFFFA000  }
0x24d: {  	_ =	swait.ge [sflag:s31], $0x6000  }
0x24e: {  	[sflag:s31] =	ssyncset.done $0x0  }
0x24f: {  	[sflag:s31] =	ssyncadd.s32 $0xFFFFA000  }
0x250: {  	v58 =	vld [tilespmem:$0x100]  }
0x251: {  	v59 =	vld [tilespmem:$0x180]  }
0x252: {  	v11 =	vld [tilespmem:$0x110]  }
0x253: {  	v12 =	vld [tilespmem:$0x190]  }
0x254: {  	v13 =	vld [tilespmem:$0x120]  }
0x255: {  	v14 =	vld [tilespmem:$0x1A0]  }
0x256: {  	v15 =	vld [tilespmem:$0x130]  }
0x257: {  	v16 =	vld [tilespmem:$0x1B0]  }
0x258: {  	v9 =	vshll.u32 v58, $0x4  }
0x259: {  	v60 =	vshll.u32 v11, $0x4;
	v9 =	vadd.s32 v59, v9  }
0x25a: {  	v61 =	vshll.u32 v13, $0x4;
	v10 =	vadd.s32 v12, v60;
	v9 =	vmul.u32 $0x140, v9  }
.Ltmp5:
0x25b: {  	v62 =	vshll.u32 v15, $0x4;
	v11 =	vadd.s32 v14, v61;
	v10 =	vmul.u32 $0x140, v10;
	(pc) =	sbr.rel .LBB2_5-.Ltmp5, $4  }
0x25c: {  	v63 =	vadd.s32 v16, v62;
	v11 =	vmul.u32 $0x140, v11;
	[tilespmem:$0x1DD00] =	vst v9  }
0x25d: {  	[tilespmem:$0x1DD10] =	vst v10;
	v9 =	vmul.u32 $0x140, v63  }
0x25e: {  	[tilespmem:$0x1DD20] =	vst v11  }
0x25f: {  	s17 =	simm.s32 $0x180;
	s18 =	simm.s32 $0x0;
	[tilespmem:$0x1DD30] =	vst v9  }
.LBB2_16:
0x260: {  	v0 =	vld [tilespmem:$0x1DA00];
	_ =	sdelay $0x1  }
0x261: {  	v6 =	vld [tilespmem:$0x1DB80];
	_ =	sdelay $0x2  }
0x262: {  	v0 =	vmul.f32 v0, v36;
	_ =	sdelay $0x1  }
0x263: {  	v0 =	vadd.f32 v6, v0;
	_ =	sdelay $0x1  }
0x264: {  	[tilespmem:s21+$0x400] =	vst v0  }
0x265: {  	v0 =	vld [tilespmem:$0x1DA10]  }
0x266: {  	v6 =	vsub.f32 v52, v43  }
0x267: {  	v8 =	vld [tilespmem:$0x1DB90]  }
0x268: {  	v6 =	vmul.f32 v51, v6;
	_ =	sdelay $0x1  }
0x269: {  	v0 =	vmul.f32 v0, v6;
	_ =	sdelay $0x1  }
0x26a: {  	v0 =	vadd.f32 v8, v0;
	_ =	sdelay $0x1  }
0x26b: {  	[tilespmem:s6+$0x400] =	vst v0  }
0x26c: {  	v0 =	vld [tilespmem:$0x1DA20]  }
0x26d: {  	v6 =	vsub.f32 v49, v43  }
0x26e: {  	v8 =	vld [tilespmem:$0x1DBA0]  }
0x26f: {  	v6 =	vmul.f32 v51, v6;
	_ =	sdelay $0x1  }
0x270: {  	v0 =	vmul.f32 v0, v6;
	_ =	sdelay $0x1  }
0x271: {  	v0 =	vadd.f32 v8, v0;
	_ =	sdelay $0x1  }
0x272: {  	[tilespmem:s11+$0x400] =	vst v0  }
0x273: {  	v0 =	vld [tilespmem:$0x1DA30]  }
0x274: {  	v6 =	vsub.f32 v50, v43  }
0x275: {  	v8 =	vld [tilespmem:$0x1DBB0]  }
0x276: {  	v6 =	vmul.f32 v51, v6;
	_ =	sdelay $0x1  }
0x277: {  	v0 =	vmul.f32 v0, v6;
	_ =	sdelay $0x1  }
0x278: {  	v0 =	vadd.f32 v8, v0;
	_ =	sdelay $0x1  }
0x279: {  	[tilespmem:s1+$0x400] =	vst v0  }
0x27a: {  	v0 =	vld [tilespmem:$0x1DA40]  }
0x27b: {  	v6 =	vsub.f32 v47, v43  }
0x27c: {  	v8 =	vld [tilespmem:$0x1DBC0]  }
0x27d: {  	v6 =	vmul.f32 v51, v6;
	_ =	sdelay $0x1  }
0x27e: {  	v0 =	vmul.f32 v0, v6;
	_ =	sdelay $0x1  }
0x27f: {  	v0 =	vadd.f32 v8, v0;
	_ =	sdelay $0x1  }
0x280: {  	[tilespmem:s24+$0x400] =	vst v0  }
0x281: {  	v0 =	vld [tilespmem:$0x1DA50]  }
0x282: {  	v6 =	vsub.f32 v48, v43  }
0x283: {  	v8 =	vld [tilespmem:$0x1DBD0]  }
0x284: {  	v6 =	vmul.f32 v51, v6;
	_ =	sdelay $0x1  }
0x285: {  	v0 =	vmul.f32 v0, v6;
	_ =	sdelay $0x1  }
0x286: {  	v0 =	vadd.f32 v8, v0;
	_ =	sdelay $0x1  }
0x287: {  	[tilespmem:s12+$0x400] =	vst v0  }
0x288: {  	v0 =	vld [tilespmem:$0x1DA60]  }
0x289: {  	v6 =	vsub.f32 v46, v43  }
0x28a: {  	v8 =	vld [tilespmem:$0x1DBE0]  }
0x28b: {  	v6 =	vmul.f32 v51, v6;
	_ =	sdelay $0x1  }
0x28c: {  	v0 =	vmul.f32 v0, v6;
	_ =	sdelay $0x1  }
0x28d: {  	v0 =	vadd.f32 v8, v0;
	_ =	sdelay $0x1  }
0x28e: {  	[tilespmem:s16+$0x400] =	vst v0  }
0x28f: {  	v0 =	vld [tilespmem:$0x1DA70]  }
0x290: {  	v6 =	vsub.f32 v45, v43  }
0x291: {  	v8 =	vld [tilespmem:$0x1DBF0]  }
0x292: {  	v6 =	vmul.f32 v51, v6;
	_ =	sdelay $0x1  }
0x293: {  	v0 =	vmul.f32 v0, v6;
	_ =	sdelay $0x1  }
0x294: {  	v0 =	vadd.f32 v8, v0;
	_ =	sdelay $0x1  }
0x295: {  	[tilespmem:s15+$0x400] =	vst v0  }
0x296: {  	v0 =	vld [tilespmem:$0x1DA80]  }
0x297: {  	v6 =	vsub.f32 v44, v43  }
0x298: {  	v8 =	vld [tilespmem:$0x1DC00]  }
0x299: {  	v6 =	vmul.f32 v51, v6;
	_ =	sdelay $0x1  }
0x29a: {  	v0 =	vmul.f32 v0, v6;
	_ =	sdelay $0x1  }
0x29b: {  	v0 =	vadd.f32 v8, v0;
	_ =	sdelay $0x1  }
0x29c: {  	[tilespmem:s13+$0x400] =	vst v0  }
0x29d: {  	v0 =	vld [tilespmem:$0x1DA90]  }
0x29e: {  	v6 =	vsub.f32 v39, v43  }
0x29f: {  	v8 =	vld [tilespmem:$0x1DC10]  }
0x2a0: {  	v6 =	vmul.f32 v51, v6;
	_ =	sdelay $0x1  }
0x2a1: {  	v0 =	vmul.f32 v0, v6;
	_ =	sdelay $0x1  }
0x2a2: {  	v0 =	vadd.f32 v8, v0;
	_ =	sdelay $0x1  }
0x2a3: {  	[tilespmem:s9+$0x400] =	vst v0  }
0x2a4: {  	v0 =	vld [tilespmem:$0x1DAA0]  }
0x2a5: {  	v6 =	vsub.f32 v41, v43  }
0x2a6: {  	v8 =	vld [tilespmem:$0x1DC20]  }
0x2a7: {  	v6 =	vmul.f32 v51, v6;
	_ =	sdelay $0x1  }
0x2a8: {  	v0 =	vmul.f32 v0, v6;
	_ =	sdelay $0x1  }
0x2a9: {  	v0 =	vadd.f32 v8, v0;
	_ =	sdelay $0x1  }
0x2aa: {  	[tilespmem:s26+$0x400] =	vst v0  }
0x2ab: {  	v0 =	vld [tilespmem:$0x1DAB0]  }
0x2ac: {  	v6 =	vsub.f32 v42, v43  }
0x2ad: {  	v8 =	vld [tilespmem:$0x1DC30]  }
0x2ae: {  	v6 =	vmul.f32 v51, v6;
	_ =	sdelay $0x1  }
0x2af: {  	v0 =	vmul.f32 v0, v6;
	_ =	sdelay $0x1  }
0x2b0: {  	v0 =	vadd.f32 v8, v0;
	_ =	sdelay $0x1  }
0x2b1: {  	[tilespmem:s14+$0x400] =	vst v0  }
0x2b2: {  	v0 =	vld [tilespmem:$0x1DAC0]  }
0x2b3: {  	v6 =	vsub.f32 v40, v43  }
0x2b4: {  	v8 =	vld [tilespmem:$0x1DC40]  }
0x2b5: {  	v6 =	vmul.f32 v51, v6;
	_ =	sdelay $0x1  }
0x2b6: {  	v0 =	vmul.f32 v0, v6;
	_ =	sdelay $0x1  }
0x2b7: {  	v0 =	vadd.f32 v8, v0;
	_ =	sdelay $0x1  }
0x2b8: {  	[tilespmem:s25+$0x400] =	vst v0  }
0x2b9: {  	v0 =	vld [tilespmem:$0x1DAD0]  }
0x2ba: {  	v6 =	vsub.f32 v37, v43  }
0x2bb: {  	v8 =	vld [tilespmem:$0x1DC50]  }
0x2bc: {  	v6 =	vmul.f32 v51, v6;
	_ =	sdelay $0x1  }
0x2bd: {  	v0 =	vmul.f32 v0, v6;
	_ =	sdelay $0x1  }
0x2be: {  	v0 =	vadd.f32 v8, v0;
	_ =	sdelay $0x1  }
0x2bf: {  	[tilespmem:s5+$0x400] =	vst v0  }
0x2c0: {  	v0 =	vld [tilespmem:$0x1DAE0]  }
0x2c1: {  	v6 =	vsub.f32 v35, v43  }
0x2c2: {  	v8 =	vld [tilespmem:$0x1DC60]  }
0x2c3: {  	v6 =	vmul.f32 v51, v6;
	_ =	sdelay $0x1  }
0x2c4: {  	v0 =	vmul.f32 v0, v6;
	_ =	sdelay $0x1  }
0x2c5: {  	v0 =	vadd.f32 v8, v0;
	_ =	sdelay $0x1  }
0x2c6: {  	[tilespmem:s4+$0x400] =	vst v0  }
0x2c7: {  	v0 =	vld [tilespmem:$0x1DAF0]  }
0x2c8: {  	v6 =	vsub.f32 v32, v43  }
0x2c9: {  	v8 =	vld [tilespmem:$0x1DC70]  }
0x2ca: {  	v6 =	vmul.f32 v51, v6;
	_ =	sdelay $0x1  }
0x2cb: {  	v0 =	vmul.f32 v0, v6;
	_ =	sdelay $0x1  }
0x2cc: {  	v0 =	vadd.f32 v8, v0;
	_ =	sdelay $0x1  }
0x2cd: {  	[tilespmem:s3+$0x400] =	vst v0  }
0x2ce: {  	v0 =	vld [tilespmem:$0x1DB00]  }
0x2cf: {  	v6 =	vsub.f32 v38, v43  }
0x2d0: {  	v8 =	vld [tilespmem:$0x1DC80]  }
0x2d1: {  	v6 =	vmul.f32 v51, v6;
	_ =	sdelay $0x1  }
0x2d2: {  	v0 =	vmul.f32 v0, v6;
	_ =	sdelay $0x1  }
0x2d3: {  	v0 =	vadd.f32 v8, v0;
	_ =	sdelay $0x1  }
0x2d4: {  	[tilespmem:s0+$0x400] =	vst v0  }
0x2d5: {  	v0 =	vld [tilespmem:$0x1DB10]  }
0x2d6: {  	v6 =	vsub.f32 v34, v43  }
0x2d7: {  	v8 =	vld [tilespmem:$0x1DC90]  }
0x2d8: {  	v6 =	vmul.f32 v51, v6;
	_ =	sdelay $0x1  }
0x2d9: {  	v0 =	vmul.f32 v0, v6;
	_ =	sdelay $0x1  }
0x2da: {  	v0 =	vadd.f32 v8, v0;
	_ =	sdelay $0x1  }
0x2db: {  	[tilespmem:s2+$0x400] =	vst v0  }
0x2dc: {  	v0 =	vld [tilespmem:$0x1DB20]  }
0x2dd: {  	v6 =	vsub.f32 v33, v43  }
0x2de: {  	v8 =	vld [tilespmem:$0x1DCA0]  }
0x2df: {  	v6 =	vmul.f32 v51, v6;
	_ =	sdelay $0x1  }
0x2e0: {  	v0 =	vmul.f32 v0, v6;
	_ =	sdelay $0x1  }
0x2e1: {  	v0 =	vadd.f32 v8, v0;
	_ =	sdelay $0x1  }
0x2e2: {  	[tilespmem:s22+$0x400] =	vst v0  }
0x2e3: {  	v0 =	vld [tilespmem:$0x1DB30]  }
0x2e4: {  	v6 =	vsub.f32 v31, v43  }
0x2e5: {  	v8 =	vld [tilespmem:$0x1DCB0]  }
0x2e6: {  	v6 =	vmul.f32 v51, v6;
	_ =	sdelay $0x1  }
0x2e7: {  	v0 =	vmul.f32 v0, v6;
	_ =	sdelay $0x1  }
0x2e8: {  	v31 =	vadd.f32 v8, v0  }
.LBB2_17:
0x2e9: {  	p1 =	slt.u32 s18, $0x3C  }
.Ltmp6:
0x2ea: {  	_ = 	snop;
	(pc) =	sbr.rel @!p1 .LBB2_18-.Ltmp6, $3  }
0x2eb: {  	_ =	sdelay $0x1  }
0x2ec: {  	s0 =	sor.u32 $0x30, s0  }
0x2ed: {  	s17 =	sadd.s32 $0x200, s17;
	s18 =	sadd.s32 $0x4, s18;
	[tilespmem:s0+$0x400] =	vst v31  }
.LBB2_5:
0x2ee: {  	s0 =	sshrl.u32 s18, $0x3  }
0x2ef: {  	v9 =	vmov s18;
	s31 =	sadd.s32 $0xFFFFFE80, s17;
	s22 =	smul.u32 $0xC00, s0  }
0x2f0: {  	v9 =	vand.u32 $0xFFFFFFFC, v9;
	s2 =	sand.u32 $0x200, s31  }
0x2f1: {  	v9 =	vbroadcast v9, $0x0;
	s13 =	sor.u32 s2, s22  }
0x2f2: {  	v16 =	vld [tilespmem:s13+$0x400]  }
0x2f3: {  	v17 =	vld [tilespmem:s13+$0x6400]  }
0x2f4: {  	v19 =	vld [tilespmem:s13+$0x410]  }
0x2f5: {  	v20 =	vld [tilespmem:s13+$0x6410]  }
0x2f6: {  	v22 =	vld [tilespmem:s13+$0x420]  }
0x2f7: {  	v28 =	vld.idx.msk [tilespmem:v9+s8+$0x0], $0xffff  }
0x2f8: {  	v23 =	vld [tilespmem:s13+$0x6420]  }
0x2f9: {  	v25 =	vld [tilespmem:s13+$0x430]  }
0x2fa: {  	v26 =	vld [tilespmem:s13+$0x6430]  }
0x2fb: {  	v29 =	vld [tilespmem:s13+$0x440]  }
0x2fc: {  	v30 =	vld [tilespmem:s13+$0x6440];
	v9 =	vor.u32 $0x10, v4;
	v10 =	vadd.s32 v4, v28  }
0x2fd: {  	v32 =	vld [tilespmem:s13+$0x450];
	v11 =	vadd.s32 v9, v28  }
0x2fe: {  	v34 =	vld [tilespmem:s13+$0x6450]  }
0x2ff: {  	v36 =	vld [tilespmem:s13+$0x460]  }
0x300: {  	v38 =	vld [tilespmem:s13+$0x6460]  }
0x301: {  	v18 =	vld.idx.msk [tilespmem:v10+s23+$0x0], $0xffff;
	v10 =	vor.u32 $0x20, v4  }
0x302: {  	v21 =	vld.idx.msk [tilespmem:v11+s23+$0x0], $0xffff;
	v11 =	vor.u32 $0x30, v4;
	v12 =	vadd.s32 v10, v28  }
0x303: {  	s29 =	sadd.s32 $0x400, s22;
	v39 =	vld [tilespmem:s13+$0x470];
	v13 =	vadd.s32 v11, v28  }
0x304: {  	v41 =	vld [tilespmem:s13+$0x6470];
	s0 =	sor.u32 s2, s29  }
0x305: {  	v57 =	vld [tilespmem:s0+$0x6430]  }
0x306: {  	v54 =	vld [tilespmem:s0+$0x450]  }
0x307: {  	v24 =	vld.idx.msk [tilespmem:v12+s23+$0x0], $0xffff;
	v12 =	vor.u32 $0x40, v4  }
0x308: {  	v17 =	vadd.f32 v17, v16;
	v27 =	vld.idx.msk [tilespmem:v13+s23+$0x0], $0xffff;
	v13 =	vor.u32 $0x50, v4;
	v14 =	vadd.s32 v12, v28  }
0x309: {  	v55 =	vld [tilespmem:s0+$0x6460];
	v29 =	vadd.f32 v30, v29;
	v15 =	vadd.s32 v13, v28  }
0x30a: {  	v16 =	vor.u32 $0x80, v4;
	v30 =	vld [tilespmem:s0+$0x6410];
	v51 =	vadd.f32 v18, v17;
	v18 =	vadd.f32 v20, v19  }
0x30b: {  	v32 =	vadd.f32 v34, v32;
	v34 =	vld [tilespmem:s0+$0x6420];
	v36 =	vadd.f32 v38, v36;
	v17 =	vor.u32 $0x90, v4  }
0x30c: {  	v19 =	vadd.f32 v23, v22;
	v23 =	vld [tilespmem:s0+$0x400];
	v50 =	vadd.f32 v21, v18;
	v21 =	vadd.s32 v17, v28  }
0x30d: {  	v56 =	vadd.f32 v41, v39;
	v40 =	vadd.s32 v16, v28;
	v20 =	vadd.f32 $0.0e+00, v51;
	v31 =	vld.idx.msk [tilespmem:v14+s23+$0x0], $0xffff  }
0x30e: {  	v46 =	vadd.f32 v24, v19;
	v19 =	vadd.f32 v26, v25;
	v14 =	vor.u32 $0x60, v4;
	v35 =	vld.idx.msk [tilespmem:v15+s23+$0x0], $0xffff  }
0x30f: {  	v18 =	vor.u32 $0xA0, v4;
	v24 =	vld [tilespmem:s0+$0x6400];
	v15 =	vor.u32 $0x70, v4;
	v33 =	vadd.s32 v14, v28  }
0x310: {  	v42 =	vadd.s32 v18, v28;
	v37 =	vadd.s32 v15, v28;
	v44 =	vadd.f32 v27, v19;
	v27 =	vld [tilespmem:s0+$0x410]  }
0x311: {  	v43 =	vmul.f32 v50, v50;
	v25 =	vmul.f32 v51, v51;
	v26 =	vadd.f32 $0.0e+00, v50;
	v45 =	vld.idx.msk [tilespmem:v21+s23+$0x0], $0xffff  }
0x312: {  	v60 =	vmul.f32 v46, v46;
	v19 =	vor.u32 $0xB0, v4;
	v48 =	vadd.f32 v31, v29;
	v29 =	vld [tilespmem:s0+$0x420]  }
0x313: {  	v20 =	vadd.f32 v46, v20;
	v21 =	vadd.s32 v19, v28;
	v49 =	vadd.f32 v35, v32;
	v32 =	vld [tilespmem:s0+$0x430]  }
0x314: {  	v25 =	vadd.f32 v60, v25;
	v61 =	vmul.f32 v44, v44;
	v26 =	vadd.f32 v44, v26;
	v33 =	vld.idx.msk [tilespmem:v33+s23+$0x0], $0xffff  }
0x315: {  	v23 =	vadd.f32 v24, v23;
	v22 =	vld.idx.msk [tilespmem:v37+s23+$0x0], $0xffff;
	v24 =	vadd.f32 v30, v27  }
0x316: {  	v31 =	vadd.f32 v61, v43;
	v27 =	vld [tilespmem:s0+$0x6450];
	v47 =	vadd.f32 v48, v20;
	v62 =	vmul.f32 v48, v48  }
0x317: {  	v38 =	vld.idx.msk [tilespmem:v42+s23+$0x0], $0xffff;
	v20 =	vor.u32 $0xC0, v4;
	v58 =	vmul.f32 v49, v49;
	v42 =	vadd.f32 v45, v24  }
0x318: {  	v37 =	vld.idx.msk [tilespmem:v40+s23+$0x0], $0xffff;
	v63 =	vadd.s32 v20, v28;
	v25 =	vadd.f32 v62, v25;
	v24 =	vadd.f32 v34, v29  }
0x319: {  	v52 =	vld.idx.msk [tilespmem:v21+s23+$0x0], $0xffff;
	v21 =	vor.u32 $0xD0, v4;
	v32 =	vadd.f32 v57, v32;
	v43 =	vadd.f32 v33, v36  }
0x31a: {  	v60 =	vadd.s32 v21, v28;
	v29 =	vld [tilespmem:s0+$0x460];
	v40 =	vadd.f32 v22, v56;
	v22 =	vadd.f32 v49, v26  }
0x31b: {  	v33 =	vld [tilespmem:s0+$0x440];
	v26 =	vadd.f32 v58, v31;
	v56 =	vmul.f32 v42, v42;
	v27 =	vadd.f32 v27, v54  }
0x31c: {  	s28 =	sadd.s32 $0x800, s22;
	v31 =	vld [tilespmem:s0+$0x6440];
	v61 =	vadd.f32 v43, v47;
	v53 =	vadd.f32 v40, v22;
	v22 =	vor.u32 $0xE0, v4  }
0x31d: {  	s30 =	sor.u32 s2, s28;
	v35 =	vld.idx.msk [tilespmem:v63+s23+$0x0], $0xffff;
	v47 =	vadd.f32 v37, v23;
	v23 =	vor.u32 $0xF0, v4;
	v63 =	vadd.s32 v22, v28  }
0x31e: {  	v45 =	vld [tilespmem:s30+$0x400];
	v59 =	vmul.f32 v43, v43;
	v62 =	vmul.f32 v40, v40;
	v34 =	vadd.s32 v23, v28  }
0x31f: {  	v41 =	vadd.f32 v38, v24;
	v24 =	vor.u32 $0x100, v4;
	v36 =	vadd.f32 v52, v32;
	v30 =	vld.idx.msk [tilespmem:v60+s23+$0x0], $0xffff  }
0x320: {  	v57 =	vld [tilespmem:s0+$0x470];
	v25 =	vadd.f32 v59, v25;
	v26 =	vadd.f32 v62, v26;
	v60 =	vmul.f32 v47, v47  }
0x321: {  	v32 =	vld [tilespmem:s0+$0x6470];
	v39 =	vadd.f32 v47, v61;
	v62 =	vmul.f32 v41, v41;
	v31 =	vadd.f32 v31, v33  }
0x322: {  	v29 =	vadd.f32 v55, v29;
	v33 =	vadd.s32 v24, v28;
	v61 =	vadd.f32 v60, v25;
	v52 =	vld.idx.msk [tilespmem:v63+s23+$0x0], $0xffff  }
0x323: {  	v26 =	vadd.f32 v56, v26;
	v37 =	vadd.f32 v35, v31;
	v63 =	vmul.f32 v36, v36;
	v31 =	vld.idx.msk [tilespmem:v34+s23+$0x0], $0xffff  }
0x324: {  	v58 =	vld [tilespmem:s30+$0x420];
	v25 =	vor.u32 $0x110, v4;
	v38 =	vadd.f32 v30, v27;
	v60 =	vadd.f32 v62, v61  }
0x325: {  	v55 =	vld [tilespmem:s30+$0x6400];
	v61 =	vadd.s32 v25, v28;
	v56 =	vadd.f32 v63, v26;
	v26 =	vmul.f32 v37, v37  }
0x326: {  	v59 =	vld [tilespmem:s30+$0x430];
	v27 =	vadd.f32 v32, v57;
	v63 =	vmul.f32 v38, v38  }
0x327: {  	v62 =	vadd.f32 v26, v60;
	v26 =	vor.u32 $0x120, v4;
	v35 =	vadd.f32 v52, v29;
	v29 =	vld [tilespmem:s30+$0x410]  }
0x328: {  	v32 =	vadd.f32 v31, v27;
	v31 =	vld [tilespmem:s30+$0x6410];
	v57 =	vadd.s32 v26, v28;
	v27 =	vor.u32 $0x130, v4  }
0x329: {  	v53 =	vadd.f32 v42, v53;
	v30 =	vld.idx.msk [tilespmem:v33+s23+$0x0], $0xffff;
	v28 =	vadd.s32 v27, v28  }
0x32a: {  	v34 =	vadd.f32 v63, v56;
	v54 =	vld.idx.msk [tilespmem:v61+s23+$0x0], $0xffff;
	v52 =	vmul.f32 v35, v35;
	v60 =	vmul.f32 v32, v32  }
0x32b: {  	v39 =	vadd.f32 v41, v39;
	v45 =	vadd.f32 v55, v45;
	v61 =	vld [tilespmem:s30+$0x6420]  }
0x32c: {  	v63 =	vld [tilespmem:s30+$0x6430];
	v52 =	vadd.f32 v52, v62;
	v56 =	vadd.f32 v60, v34  }
0x32d: {  	v62 =	vadd.f32 v36, v53;
	v29 =	vadd.f32 v31, v29;
	v57 =	vld.idx.msk [tilespmem:v57+s23+$0x0], $0xffff  }
0x32e: {  	v31 =	vadd.f32 v37, v39;
	v39 =	vadd.f32 v30, v45;
	v28 =	vld.idx.msk [tilespmem:v28+s23+$0x0], $0xffff  }
0x32f: {  	v30 =	vadd.f32 v38, v62;
	v34 =	vadd.f32 v54, v29  }
0x330: {  	v29 =	vadd.f32 v35, v31;
	v31 =	vadd.f32 v61, v58  }
0x331: {  	v59 =	vadd.f32 v63, v59;
	v60 =	vmul.f32 v39, v39;
	v30 =	vadd.f32 v32, v30  }
0x332: {  	v29 =	vadd.f32 v39, v29;
	v54 =	vmul.f32 v34, v34;
	v33 =	vadd.f32 v57, v31  }
0x333: {  	v30 =	vadd.f32 v34, v30;
	v31 =	vadd.f32 v28, v59  }
0x334: {  	v28 =	vadd.f32 v60, v52;
	v61 =	vadd.f32 v54, v56;
	v62 =	vmul.f32 v33, v33  }
0x335: {  	v29 =	vadd.f32 v33, v29;
	v30 =	vadd.f32 v31, v30;
	v63 =	vmul.f32 v31, v31  }
0x336: {  	v52 =	vadd.f32 v62, v28  }
0x337: {  	v45 =	vadd.f32 v63, v61;
	v29 =	vadd.f32 v30, v29  }
0x338: {  	v28 =	vand.u32 $0xF, v1  }
0x339: {  	v30 =	vperm.xlane v29, v28;
	v45 =	vadd.f32 v45, v52;
	_ =	sdelay $0x1  }
0x33a: {  	v30 =	vadd.f32 v29, v30;
	v52 =	vperm.xlane v45, v28  }
0x33b: {  	v29 =	vand.u32 $0xF, v2  }
0x33c: {  	v56 =	vperm.xlane v30, v29;
	v45 =	vadd.f32 v52, v45;
	_ =	sdelay $0x1  }
0x33d: {  	v57 =	vadd.f32 v30, v56;
	v58 =	vperm.xlane v45, v29  }
0x33e: {  	v30 =	vand.u32 $0xF, v3  }
0x33f: {  	v59 =	vperm.xlane v57, v30;
	v45 =	vadd.f32 v58, v45;
	_ =	sdelay $0x1  }
0x340: {  	v52 =	vadd.f32 v57, v59;
	v53 =	vperm.xlane v45, v30;
	_ =	sdelay $0x1  }
0x341: {  	v54 =	vperm.xlane v52, v5;
	v45 =	vadd.f32 v53, v45;
	_ =	sdelay $0x1  }
0x342: {  	v52 =	vadd.f32 v52, v54;
	v53 =	vperm.xlane v45, v5;
	_ =	sdelay $0x1  }
0x343: {  	v53 =	vadd.f32 v53, v45;
	v45 =	vmul.f32 $3.205128250e-03, v52;
	_ =	sdelay $0x1  }
0x344: {  	v60 =	vmul.f32 $3.205128250e-03, v53;
	v61 =	vmul.f32 v45, v45;
	_ =	sdelay $0x1  }
0x345: {  	v52 =	vsub.f32 v60, v61;
	_ =	sdelay $0x1  }
0x346: {  	v52 =	vmax.f32 v52, $0.0e+00  }
0x347: {  	v52 =	vadd.f32 $9.999999960e-13, v52;
	_ =	sdelay $0x1  }
0x348: {  	v62 =	vshrl.u32 v52, $0x1;
	v52 =	vmul.f32 $5.000000000e-01, v52  }
0x349: {  	v53 =	vsub.s32 $0x5F3759DF, v62  }
0x34a: {  	v63 =	vmul.f32 v53, v52;
	_ =	sdelay $0x1  }
0x34b: {  	v54 =	vmul.f32 v53, v63;
	_ =	sdelay $0x1  }
0x34c: {  	v54 =	vsub.f32 $1.500000000e+00, v54;
	_ =	sdelay $0x1  }
0x34d: {  	v53 =	vmul.f32 v53, v54;
	_ =	sdelay $0x1  }
0x34e: {  	v54 =	vmul.f32 v53, v52;
	_ =	sdelay $0x1  }
0x34f: {  	v54 =	vmul.f32 v54, v53;
	_ =	sdelay $0x1  }
0x350: {  	v54 =	vsub.f32 $1.500000000e+00, v54;
	_ =	sdelay $0x1  }
0x351: {  	v53 =	vmul.f32 v54, v53;
	_ =	sdelay $0x1  }
0x352: {  	v52 =	vmul.f32 v53, v52;
	_ =	sdelay $0x1  }
0x353: {  	v52 =	vmul.f32 v52, v53  }
0x354: {  	s6 =	sor.u32 $0x10, s13;
	s11 =	sor.u32 $0x20, s13  }
.Ltmp7:
0x355: {  	s1 =	sor.u32 $0x30, s13;
	s24 =	sor.u32 $0x40, s13;
	v52 =	vsub.f32 $1.500000000e+00, v52;
	(pc) =	sbr.rel @p0 .LBB2_7-.Ltmp7, $4  }
0x356: {  	s12 =	sor.u32 $0x50, s13;
	s16 =	sor.u32 $0x60, s13;
	s15 =	sor.u32 $0x70, s13  }
0x357: {  	s9 =	sor.u32 $0x10, s0;
	s26 =	sor.u32 $0x20, s0;
	s14 =	sor.u32 $0x30, s0;
	v51 =	vsub.f32 v51, v45;
	v52 =	vmul.f32 v52, v53  }
0x358: {  	s5 =	sor.u32 $0x40, s0;
	s4 =	sor.u32 $0x50, s0;
	s3 =	sor.u32 $0x60, s0  }
0x359: {  	s2 =	sor.u32 $0x70, s0;
	s25 =	sor.u32 $0x10, s30;
	s21 =	sor.u32 $0x20, s30;
	v51 =	vmul.f32 v52, v51  }
0x35a: {  	v50 =	vsub.f32 v50, v45  }
0x35b: {  	v46 =	vsub.f32 v46, v45  }
0x35c: {  	v44 =	vsub.f32 v44, v45;
	v50 =	vmul.f32 v52, v50  }
0x35d: {  	v48 =	vsub.f32 v48, v45;
	[tilespmem:s13+$0x400] =	vst v51;
	v46 =	vmul.f32 v52, v46  }
0x35e: {  	v57 =	vsub.f32 v47, v45;
	v44 =	vmul.f32 v52, v44;
	[tilespmem:s6+$0x400] =	vst v50  }
0x35f: {  	v49 =	vsub.f32 v49, v45;
	v55 =	vmul.f32 v52, v48;
	[tilespmem:s11+$0x400] =	vst v46  }
0x360: {  	v42 =	vsub.f32 v42, v45;
	v58 =	vmul.f32 v52, v57;
	[tilespmem:s1+$0x400] =	vst v44  }
0x361: {  	v43 =	vsub.f32 v43, v45;
	v56 =	vmul.f32 v52, v49;
	[tilespmem:s24+$0x400] =	vst v55  }
0x362: {  	v41 =	vsub.f32 v41, v45;
	v59 =	vmul.f32 v52, v42;
	[tilespmem:s0+$0x400] =	vst v58  }
0x363: {  	v40 =	vsub.f32 v40, v45;
	v43 =	vmul.f32 v52, v43;
	[tilespmem:s12+$0x400] =	vst v56  }
0x364: {  	v36 =	vsub.f32 v36, v45;
	v41 =	vmul.f32 v52, v41;
	[tilespmem:s9+$0x400] =	vst v59  }
0x365: {  	v37 =	vsub.f32 v37, v45;
	v40 =	vmul.f32 v52, v40;
	[tilespmem:s16+$0x400] =	vst v43  }
0x366: {  	v61 =	vsub.f32 v39, v45;
	v36 =	vmul.f32 v52, v36;
	[tilespmem:s26+$0x400] =	vst v41  }
0x367: {  	v38 =	vsub.f32 v38, v45;
	v37 =	vmul.f32 v52, v37;
	[tilespmem:s15+$0x400] =	vst v40  }
0x368: {  	v34 =	vsub.f32 v34, v45;
	v62 =	vmul.f32 v52, v61;
	[tilespmem:s14+$0x400] =	vst v36  }
0x369: {  	v35 =	vsub.f32 v35, v45;
	v60 =	vmul.f32 v52, v38;
	[tilespmem:s5+$0x400] =	vst v37  }
0x36a: {  	v33 =	vsub.f32 v33, v45;
	v63 =	vmul.f32 v52, v34;
	[tilespmem:s30+$0x400] =	vst v62  }
.Ltmp8:
0x36b: {  	v32 =	vsub.f32 v32, v45;
	v35 =	vmul.f32 v52, v35;
	[tilespmem:s4+$0x400] =	vst v60;
	(pc) =	sbr.rel .LBB2_8-.Ltmp8, $4  }
0x36c: {  	v33 =	vmul.f32 v52, v33;
	[tilespmem:s25+$0x400] =	vst v63  }
0x36d: {  	v31 =	vsub.f32 v31, v45;
	v32 =	vmul.f32 v52, v32;
	[tilespmem:s3+$0x400] =	vst v35  }
0x36e: {  	[tilespmem:s21+$0x400] =	vst v33  }
0x36f: {  	v36 =	vmul.f32 v52, v31;
	[tilespmem:s2+$0x400] =	vst v32  }
.LBB2_7:
0x370: {  	v53 =	vld [tilespmem:$0x1DA00];
	_ =	sdelay $0x1  }
0x371: {  	v54 =	vld [tilespmem:$0x1DB80];
	_ =	sdelay $0x2  }
0x372: {  	v51 =	vmul.f32 v53, v51;
	_ =	sdelay $0x1  }
0x373: {  	v51 =	vadd.f32 v54, v51;
	_ =	sdelay $0x1  }
0x374: {  	[tilespmem:s13+$0x400] =	vst v51  }
0x375: {  	v51 =	vld [tilespmem:$0x1DA10]  }
0x376: {  	v50 =	vsub.f32 v50, v45  }
0x377: {  	v63 =	vld [tilespmem:$0x1DB90]  }
0x378: {  	v50 =	vmul.f32 v52, v50;
	_ =	sdelay $0x1  }
0x379: {  	v50 =	vmul.f32 v51, v50;
	_ =	sdelay $0x1  }
0x37a: {  	v50 =	vadd.f32 v63, v50;
	_ =	sdelay $0x1  }
0x37b: {  	[tilespmem:s6+$0x400] =	vst v50  }
0x37c: {  	v50 =	vld [tilespmem:$0x1DA20]  }
0x37d: {  	v46 =	vsub.f32 v46, v45  }
0x37e: {  	v56 =	vld [tilespmem:$0x1DBA0]  }
0x37f: {  	v46 =	vmul.f32 v52, v46;
	_ =	sdelay $0x1  }
0x380: {  	v46 =	vmul.f32 v50, v46;
	_ =	sdelay $0x1  }
0x381: {  	v46 =	vadd.f32 v56, v46;
	_ =	sdelay $0x1  }
0x382: {  	[tilespmem:s11+$0x400] =	vst v46  }
0x383: {  	v46 =	vld [tilespmem:$0x1DA30]  }
0x384: {  	v44 =	vsub.f32 v44, v45  }
0x385: {  	v57 =	vld [tilespmem:$0x1DBB0]  }
0x386: {  	v44 =	vmul.f32 v52, v44;
	_ =	sdelay $0x1  }
0x387: {  	v44 =	vmul.f32 v46, v44;
	_ =	sdelay $0x1  }
0x388: {  	v44 =	vadd.f32 v57, v44;
	_ =	sdelay $0x1  }
0x389: {  	[tilespmem:s1+$0x400] =	vst v44  }
0x38a: {  	v44 =	vld [tilespmem:$0x1DA40]  }
0x38b: {  	v58 =	vsub.f32 v48, v45  }
0x38c: {  	v59 =	vld [tilespmem:$0x1DBC0]  }
0x38d: {  	v46 =	vmul.f32 v52, v58;
	_ =	sdelay $0x1  }
0x38e: {  	v44 =	vmul.f32 v44, v46;
	_ =	sdelay $0x1  }
0x38f: {  	v44 =	vadd.f32 v59, v44;
	_ =	sdelay $0x1  }
0x390: {  	[tilespmem:s24+$0x400] =	vst v44  }
0x391: {  	v44 =	vld [tilespmem:$0x1DA50]  }
0x392: {  	v60 =	vsub.f32 v49, v45  }
0x393: {  	v61 =	vld [tilespmem:$0x1DBD0]  }
0x394: {  	v46 =	vmul.f32 v52, v60;
	_ =	sdelay $0x1  }
0x395: {  	v44 =	vmul.f32 v44, v46;
	_ =	sdelay $0x1  }
0x396: {  	v44 =	vadd.f32 v61, v44;
	_ =	sdelay $0x1  }
0x397: {  	[tilespmem:s12+$0x400] =	vst v44  }
0x398: {  	v44 =	vld [tilespmem:$0x1DA60]  }
0x399: {  	v43 =	vsub.f32 v43, v45  }
0x39a: {  	v62 =	vld [tilespmem:$0x1DBE0]  }
0x39b: {  	v43 =	vmul.f32 v52, v43;
	_ =	sdelay $0x1  }
0x39c: {  	v43 =	vmul.f32 v44, v43;
	_ =	sdelay $0x1  }
0x39d: {  	v43 =	vadd.f32 v62, v43;
	_ =	sdelay $0x1  }
0x39e: {  	[tilespmem:s16+$0x400] =	vst v43  }
0x39f: {  	v43 =	vld [tilespmem:$0x1DA70]  }
0x3a0: {  	v40 =	vsub.f32 v40, v45  }
0x3a1: {  	v63 =	vld [tilespmem:$0x1DBF0]  }
0x3a2: {  	v40 =	vmul.f32 v52, v40;
	_ =	sdelay $0x1  }
0x3a3: {  	v40 =	vmul.f32 v43, v40;
	_ =	sdelay $0x1  }
0x3a4: {  	v40 =	vadd.f32 v63, v40;
	_ =	sdelay $0x1  }
0x3a5: {  	[tilespmem:s15+$0x400] =	vst v40  }
0x3a6: {  	v40 =	vld [tilespmem:$0x1DA80]  }
0x3a7: {  	v48 =	vsub.f32 v47, v45  }
0x3a8: {  	v49 =	vld [tilespmem:$0x1DC00]  }
0x3a9: {  	v43 =	vmul.f32 v52, v48;
	_ =	sdelay $0x1  }
0x3aa: {  	v40 =	vmul.f32 v40, v43;
	_ =	sdelay $0x1  }
0x3ab: {  	v40 =	vadd.f32 v49, v40;
	_ =	sdelay $0x1  }
0x3ac: {  	[tilespmem:s0+$0x400] =	vst v40  }
0x3ad: {  	v40 =	vld [tilespmem:$0x1DA90]  }
0x3ae: {  	v42 =	vsub.f32 v42, v45  }
0x3af: {  	v50 =	vld [tilespmem:$0x1DC10]  }
0x3b0: {  	v42 =	vmul.f32 v52, v42;
	_ =	sdelay $0x1  }
0x3b1: {  	v40 =	vmul.f32 v40, v42;
	_ =	sdelay $0x1  }
0x3b2: {  	v40 =	vadd.f32 v50, v40;
	_ =	sdelay $0x1  }
0x3b3: {  	[tilespmem:s9+$0x400] =	vst v40  }
0x3b4: {  	v40 =	vld [tilespmem:$0x1DAA0]  }
0x3b5: {  	v41 =	vsub.f32 v41, v45  }
0x3b6: {  	v51 =	vld [tilespmem:$0x1DC20]  }
0x3b7: {  	v41 =	vmul.f32 v52, v41;
	_ =	sdelay $0x1  }
0x3b8: {  	v40 =	vmul.f32 v40, v41;
	_ =	sdelay $0x1  }
0x3b9: {  	v40 =	vadd.f32 v51, v40;
	_ =	sdelay $0x1  }
0x3ba: {  	[tilespmem:s26+$0x400] =	vst v40  }
0x3bb: {  	v40 =	vld [tilespmem:$0x1DAB0]  }
0x3bc: {  	v36 =	vsub.f32 v36, v45  }
0x3bd: {  	v53 =	vld [tilespmem:$0x1DC30]  }
0x3be: {  	v36 =	vmul.f32 v52, v36;
	_ =	sdelay $0x1  }
0x3bf: {  	v36 =	vmul.f32 v40, v36;
	_ =	sdelay $0x1  }
0x3c0: {  	v36 =	vadd.f32 v53, v36;
	_ =	sdelay $0x1  }
0x3c1: {  	[tilespmem:s14+$0x400] =	vst v36  }
0x3c2: {  	v36 =	vld [tilespmem:$0x1DAC0]  }
0x3c3: {  	v37 =	vsub.f32 v37, v45  }
0x3c4: {  	v54 =	vld [tilespmem:$0x1DC40]  }
0x3c5: {  	v37 =	vmul.f32 v52, v37;
	_ =	sdelay $0x1  }
0x3c6: {  	v36 =	vmul.f32 v36, v37;
	_ =	sdelay $0x1  }
0x3c7: {  	v36 =	vadd.f32 v54, v36;
	_ =	sdelay $0x1  }
0x3c8: {  	[tilespmem:s5+$0x400] =	vst v36  }
0x3c9: {  	v36 =	vld [tilespmem:$0x1DAD0]  }
0x3ca: {  	v55 =	vsub.f32 v38, v45  }
0x3cb: {  	v56 =	vld [tilespmem:$0x1DC50]  }
0x3cc: {  	v37 =	vmul.f32 v52, v55;
	_ =	sdelay $0x1  }
0x3cd: {  	v36 =	vmul.f32 v36, v37;
	_ =	sdelay $0x1  }
0x3ce: {  	v36 =	vadd.f32 v56, v36;
	_ =	sdelay $0x1  }
0x3cf: {  	[tilespmem:s4+$0x400] =	vst v36  }
0x3d0: {  	v36 =	vld [tilespmem:$0x1DAE0]  }
0x3d1: {  	v35 =	vsub.f32 v35, v45  }
0x3d2: {  	v57 =	vld [tilespmem:$0x1DC60]  }
0x3d3: {  	v35 =	vmul.f32 v52, v35;
	_ =	sdelay $0x1  }
0x3d4: {  	v35 =	vmul.f32 v36, v35;
	_ =	sdelay $0x1  }
0x3d5: {  	v35 =	vadd.f32 v57, v35;
	_ =	sdelay $0x1  }
0x3d6: {  	[tilespmem:s3+$0x400] =	vst v35  }
0x3d7: {  	v35 =	vld [tilespmem:$0x1DAF0]  }
0x3d8: {  	v32 =	vsub.f32 v32, v45  }
0x3d9: {  	v58 =	vld [tilespmem:$0x1DC70]  }
0x3da: {  	v32 =	vmul.f32 v52, v32;
	_ =	sdelay $0x1  }
0x3db: {  	v32 =	vmul.f32 v35, v32;
	_ =	sdelay $0x1  }
0x3dc: {  	v32 =	vadd.f32 v58, v32;
	_ =	sdelay $0x1  }
0x3dd: {  	[tilespmem:s2+$0x400] =	vst v32  }
0x3de: {  	v32 =	vld [tilespmem:$0x1DB00]  }
0x3df: {  	v59 =	vsub.f32 v39, v45  }
0x3e0: {  	v60 =	vld [tilespmem:$0x1DC80]  }
0x3e1: {  	v35 =	vmul.f32 v52, v59;
	_ =	sdelay $0x1  }
0x3e2: {  	v32 =	vmul.f32 v32, v35;
	_ =	sdelay $0x1  }
0x3e3: {  	v32 =	vadd.f32 v60, v32;
	_ =	sdelay $0x1  }
0x3e4: {  	[tilespmem:s30+$0x400] =	vst v32  }
0x3e5: {  	v32 =	vld [tilespmem:$0x1DB10]  }
0x3e6: {  	v34 =	vsub.f32 v34, v45  }
0x3e7: {  	v61 =	vld [tilespmem:$0x1DC90]  }
0x3e8: {  	v34 =	vmul.f32 v52, v34;
	_ =	sdelay $0x1  }
0x3e9: {  	v32 =	vmul.f32 v32, v34;
	_ =	sdelay $0x1  }
0x3ea: {  	v32 =	vadd.f32 v61, v32;
	_ =	sdelay $0x1  }
0x3eb: {  	[tilespmem:s25+$0x400] =	vst v32  }
0x3ec: {  	v32 =	vld [tilespmem:$0x1DB20]  }
0x3ed: {  	v33 =	vsub.f32 v33, v45  }
0x3ee: {  	v62 =	vld [tilespmem:$0x1DCA0]  }
0x3ef: {  	v33 =	vmul.f32 v52, v33;
	_ =	sdelay $0x1  }
0x3f0: {  	v32 =	vmul.f32 v32, v33;
	_ =	sdelay $0x1  }
0x3f1: {  	v32 =	vadd.f32 v62, v32;
	_ =	sdelay $0x1  }
0x3f2: {  	[tilespmem:s21+$0x400] =	vst v32  }
0x3f3: {  	v32 =	vld [tilespmem:$0x1DB30]  }
0x3f4: {  	v31 =	vsub.f32 v31, v45  }
0x3f5: {  	v63 =	vld [tilespmem:$0x1DCB0]  }
0x3f6: {  	v31 =	vmul.f32 v52, v31;
	_ =	sdelay $0x1  }
0x3f7: {  	v31 =	vmul.f32 v32, v31;
	_ =	sdelay $0x1  }
0x3f8: {  	v36 =	vadd.f32 v63, v31  }
.LBB2_8:
0x3f9: {  	s1 =	sadd.s32 $0xFFFFFF00, s17  }
0x3fa: {  	s2 =	sand.u32 $0x280, s1  }
0x3fb: {  	s25 =	sor.u32 s22, s2  }
0x3fc: {  	v33 =	vld [tilespmem:s25+$0x400]  }
0x3fd: {  	s0 =	sadd.s32 $0x1, s18;
	v35 =	vld [tilespmem:s25+$0x6400]  }
0x3fe: {  	v31 =	vmov s0;
	v37 =	vld [tilespmem:s25+$0x410]  }
0x3ff: {  	v31 =	vand.u32 $0xFFFFFFFD, v31;
	v39 =	vld [tilespmem:s25+$0x6410]  }
0x400: {  	v31 =	vbroadcast v31, $0x0;
	v40 =	vld [tilespmem:s25+$0x420]  }
0x401: {  	v42 =	vld [tilespmem:s25+$0x6420]  }
0x402: {  	v43 =	vld [tilespmem:s25+$0x430]  }
0x403: {  	v45 =	vld [tilespmem:s25+$0x6430]  }
0x404: {  	v46 =	vld [tilespmem:s25+$0x440]  }
0x405: {  	v48 =	vld [tilespmem:s25+$0x6440]  }
0x406: {  	v31 =	vld.idx.msk [tilespmem:v31+s8+$0x0], $0xffff  }
0x407: {  	v51 =	vld [tilespmem:s25+$0x450]  }
0x408: {  	v54 =	vld [tilespmem:s25+$0x6450]  }
0x409: {  	v56 =	vld [tilespmem:s25+$0x460]  }
0x40a: {  	v57 =	vld [tilespmem:s25+$0x6460]  }
0x40b: {  	v59 =	vld [tilespmem:s25+$0x470];
	v32 =	vadd.s32 v4, v31  }
0x40c: {  	s13 =	sor.u32 s2, s29;
	v60 =	vld [tilespmem:s25+$0x6470];
	v34 =	vadd.s32 v9, v31  }
0x40d: {  	v62 =	vld [tilespmem:s13+$0x400];
	v38 =	vadd.s32 v10, v31  }
0x40e: {  	v0 =	vld [tilespmem:s13+$0x430];
	v41 =	vadd.s32 v11, v31  }
0x40f: {  	v33 =	vadd.f32 v35, v33;
	v35 =	vld [tilespmem:s13+$0x6400];
	v44 =	vadd.s32 v12, v31  }
0x410: {  	v47 =	vadd.s32 v13, v31;
	v32 =	vld.idx.msk [tilespmem:v32+s23+$0x0], $0xffff  }
0x411: {  	v49 =	vadd.s32 v14, v31;
	v34 =	vld.idx.msk [tilespmem:v34+s23+$0x0], $0xffff  }
0x412: {  	v52 =	vadd.s32 v15, v31;
	v38 =	vld.idx.msk [tilespmem:v38+s23+$0x0], $0xffff  }
0x413: {  	v53 =	vadd.s32 v16, v31;
	v41 =	vld.idx.msk [tilespmem:v41+s23+$0x0], $0xffff  }
0x414: {  	v44 =	vld.idx.msk [tilespmem:v44+s23+$0x0], $0xffff  }
0x415: {  	v55 =	vld.idx.msk [tilespmem:v47+s23+$0x0], $0xffff  }
0x416: {  	v58 =	vld.idx.msk [tilespmem:v49+s23+$0x0], $0xffff  }
0x417: {  	v61 =	vld.idx.msk [tilespmem:v52+s23+$0x0], $0xffff  }
0x418: {  	v40 =	vadd.f32 v42, v40;
	v37 =	vadd.f32 v39, v37;
	v63 =	vadd.s32 v17, v31;
	v42 =	vld.idx.msk [tilespmem:v53+s23+$0x0], $0xffff  }
0x419: {  	v43 =	vadd.f32 v45, v43;
	v45 =	vadd.s32 v19, v31;
	v53 =	vadd.f32 v32, v33;
	v32 =	vld [tilespmem:s13+$0x410]  }
0x41a: {  	v49 =	vadd.f32 v38, v40;
	v38 =	vld [tilespmem:s13+$0x6410]  }
0x41b: {  	v33 =	vadd.s32 v18, v31;
	v52 =	vadd.f32 v34, v37;
	v37 =	vld [tilespmem:s13+$0x420];
	v50 =	vadd.f32 v41, v43  }
0x41c: {  	v41 =	vadd.f32 v48, v46;
	v43 =	vld [tilespmem:s13+$0x6420];
	v40 =	vmul.f32 v53, v53;
	v34 =	vmul.f32 v49, v49  }
0x41d: {  	v35 =	vadd.f32 v35, v62;
	v63 =	vld.idx.msk [tilespmem:v63+s23+$0x0], $0xffff;
	v39 =	vadd.f32 $0.0e+00, v53  }
0x41e: {  	v8 =	vld.idx.msk [tilespmem:v45+s23+$0x0], $0xffff;
	v48 =	vmul.f32 v52, v52;
	v47 =	vadd.f32 v44, v41;
	v34 =	vadd.f32 v34, v40  }
0x41f: {  	v40 =	vmul.f32 v50, v50;
	v6 =	vadd.f32 v49, v39;
	v39 =	vadd.f32 v54, v51;
	v51 =	vld [tilespmem:s13+$0x6430]  }
0x420: {  	v46 =	vadd.f32 $0.0e+00, v52;
	v41 =	vadd.s32 v20, v31;
	v33 =	vld.idx.msk [tilespmem:v33+s23+$0x0], $0xffff;
	v32 =	vadd.f32 v38, v32  }
0x421: {  	v44 =	vmul.f32 v47, v47;
	v38 =	vld [tilespmem:s13+$0x450];
	v37 =	vadd.f32 v43, v37;
	v40 =	vadd.f32 v40, v48  }
0x422: {  	v43 =	vld [tilespmem:s13+$0x6460];
	v48 =	vadd.f32 v55, v39;
	v39 =	vadd.f32 v57, v56  }
0x423: {  	v55 =	vld [tilespmem:s13+$0x440];
	v56 =	vadd.s32 v21, v31;
	v34 =	vadd.f32 v44, v34;
	v44 =	vadd.f32 v60, v59  }
0x424: {  	v54 =	vadd.f32 v50, v46;
	v57 =	vld [tilespmem:s13+$0x6440];
	v46 =	vadd.f32 v58, v39  }
0x425: {  	v59 =	vld [tilespmem:s13+$0x460];
	v60 =	vmul.f32 v48, v48;
	v45 =	vadd.f32 v61, v44;
	v44 =	vadd.f32 v42, v35  }
0x426: {  	v58 =	vld.idx.msk [tilespmem:v41+s23+$0x0], $0xffff;
	v39 =	vadd.f32 v63, v32;
	v0 =	vadd.f32 v51, v0;
	v62 =	vmul.f32 v46, v46  }
0x427: {  	v35 =	vld [tilespmem:s13+$0x6450];
	v40 =	vadd.f32 v60, v40;
	v42 =	vmul.f32 v45, v45;
	v41 =	vmul.f32 v44, v44  }
0x428: {  	v60 =	vadd.s32 v23, v31;
	v32 =	vld.idx.msk [tilespmem:v56+s23+$0x0], $0xffff;
	v56 =	vadd.s32 v22, v31;
	v34 =	vadd.f32 v62, v34  }
0x429: {  	s21 =	sor.u32 s2, s28;
	v61 =	vld [tilespmem:s13+$0x470];
	v57 =	vadd.f32 v57, v55;
	v40 =	vadd.f32 v42, v40;
	v42 =	vmul.f32 v39, v39  }
0x42a: {  	v43 =	vadd.f32 v43, v59;
	v59 =	vld [tilespmem:s21+$0x420];
	v34 =	vadd.f32 v41, v34  }
0x42b: {  	v63 =	vadd.s32 v24, v31;
	v62 =	vadd.f32 v42, v40;
	v41 =	vadd.f32 v33, v37;
	v33 =	vld [tilespmem:s13+$0x6470]  }
0x42c: {  	v42 =	vadd.f32 v8, v0;
	v0 =	vadd.f32 v35, v38;
	v8 =	vld [tilespmem:s21+$0x400];
	v38 =	vadd.s32 v25, v31  }
0x42d: {  	v51 =	vadd.f32 v48, v54;
	v40 =	vadd.f32 v58, v57;
	v54 =	vld.idx.msk [tilespmem:v56+s23+$0x0], $0xffff;
	v35 =	vmul.f32 v41, v41  }
0x42e: {  	v6 =	vadd.f32 v47, v6;
	v55 =	vld.idx.msk [tilespmem:v60+s23+$0x0], $0xffff  }
0x42f: {  	v56 =	vld [tilespmem:s21+$0x6400];
	v60 =	vmul.f32 v42, v42;
	v58 =	vmul.f32 v40, v40;
	v34 =	vadd.f32 v35, v34  }
0x430: {  	v37 =	vadd.f32 v32, v0;
	v0 =	vadd.f32 v33, v61;
	v33 =	vld.idx.msk [tilespmem:v63+s23+$0x0], $0xffff  }
0x431: {  	v62 =	vadd.f32 v60, v62;
	v34 =	vadd.f32 v58, v34;
	v58 =	vld.idx.msk [tilespmem:v38+s23+$0x0], $0xffff  }
0x432: {  	v63 =	vmul.f32 v37, v37;
	v38 =	vadd.s32 v26, v31;
	v35 =	vadd.f32 v54, v43;
	v43 =	vld [tilespmem:s21+$0x410]  }
0x433: {  	v51 =	vadd.f32 v45, v51;
	v31 =	vadd.s32 v27, v31;
	v32 =	vadd.f32 v55, v0;
	v0 =	vld [tilespmem:s21+$0x6410]  }
0x434: {  	v6 =	vadd.f32 v46, v6;
	v61 =	vld [tilespmem:s21+$0x430];
	v54 =	vadd.f32 v63, v62;
	v60 =	vmul.f32 v35, v35  }
0x435: {  	v62 =	vadd.f32 v39, v51;
	v8 =	vadd.f32 v56, v8;
	v63 =	vld [tilespmem:s21+$0x6430]  }
0x436: {  	v6 =	vadd.f32 v44, v6;
	v55 =	vadd.f32 v60, v34;
	v60 =	vld [tilespmem:s21+$0x6420]  }
0x437: {  	v57 =	vmul.f32 v32, v32;
	v56 =	vld.idx.msk [tilespmem:v38+s23+$0x0], $0xffff;
	v38 =	vadd.f32 v33, v8;
	v8 =	vadd.f32 v42, v62  }
0x438: {  	v6 =	vadd.f32 v41, v6;
	v31 =	vld.idx.msk [tilespmem:v31+s23+$0x0], $0xffff;
	v0 =	vadd.f32 v0, v43  }
0x439: {  	v54 =	vadd.f32 v57, v54;
	v8 =	vadd.f32 v37, v8  }
0x43a: {  	v34 =	vadd.f32 v58, v0;
	v0 =	vadd.f32 v40, v6  }
0x43b: {  	v51 =	vadd.f32 v63, v61;
	v8 =	vadd.f32 v32, v8  }
0x43c: {  	v6 =	vadd.f32 v60, v59;
	v0 =	vadd.f32 v35, v0  }
0x43d: {  	v31 =	vadd.f32 v31, v51;
	v60 =	vmul.f32 v34, v34;
	v8 =	vadd.f32 v34, v8  }
0x43e: {  	v33 =	vadd.f32 v56, v6;
	v6 =	vmul.f32 v38, v38;
	v0 =	vadd.f32 v38, v0  }
0x43f: {  	v43 =	vadd.f32 v60, v54;
	v62 =	vmul.f32 v31, v31;
	v8 =	vadd.f32 v31, v8  }
0x440: {  	v6 =	vadd.f32 v6, v55;
	v61 =	vmul.f32 v33, v33;
	v0 =	vadd.f32 v33, v0  }
0x441: {  	v43 =	vadd.f32 v62, v43  }
0x442: {  	v6 =	vadd.f32 v61, v6;
	v0 =	vadd.f32 v8, v0;
	_ =	sdelay $0x1  }
0x443: {  	v8 =	vperm.xlane v0, v28;
	v6 =	vadd.f32 v43, v6;
	_ =	sdelay $0x1  }
0x444: {  	v0 =	vadd.f32 v0, v8;
	v8 =	vperm.xlane v6, v28;
	_ =	sdelay $0x1  }
0x445: {  	v63 =	vperm.xlane v0, v29;
	v6 =	vadd.f32 v8, v6;
	_ =	sdelay $0x1  }
0x446: {  	v0 =	vadd.f32 v0, v63;
	v8 =	vperm.xlane v6, v29;
	_ =	sdelay $0x1  }
0x447: {  	v43 =	vperm.xlane v0, v30;
	v6 =	vadd.f32 v8, v6;
	_ =	sdelay $0x1  }
0x448: {  	v0 =	vadd.f32 v0, v43;
	v8 =	vperm.xlane v6, v30;
	_ =	sdelay $0x1  }
0x449: {  	v43 =	vperm.xlane v0, v5;
	v6 =	vadd.f32 v8, v6;
	_ =	sdelay $0x1  }
0x44a: {  	v0 =	vadd.f32 v0, v43;
	v8 =	vperm.xlane v6, v5;
	_ =	sdelay $0x1  }
0x44b: {  	v6 =	vadd.f32 v8, v6;
	v43 =	vmul.f32 $3.205128250e-03, v0;
	_ =	sdelay $0x1  }
0x44c: {  	v0 =	vmul.f32 $3.205128250e-03, v6;
	v6 =	vmul.f32 v43, v43;
	_ =	sdelay $0x1  }
0x44d: {  	v0 =	vsub.f32 v0, v6;
	_ =	sdelay $0x1  }
0x44e: {  	v0 =	vmax.f32 v0, $0.0e+00  }
0x44f: {  	v0 =	vadd.f32 $9.999999960e-13, v0;
	_ =	sdelay $0x1  }
0x450: {  	v6 =	vshrl.u32 v0, $0x1;
	v0 =	vmul.f32 $5.000000000e-01, v0  }
0x451: {  	v6 =	vsub.s32 $0x5F3759DF, v6  }
0x452: {  	v8 =	vmul.f32 v6, v0;
	_ =	sdelay $0x1  }
0x453: {  	v8 =	vmul.f32 v6, v8;
	_ =	sdelay $0x1  }
0x454: {  	v8 =	vsub.f32 $1.500000000e+00, v8;
	_ =	sdelay $0x1  }
0x455: {  	v6 =	vmul.f32 v6, v8;
	_ =	sdelay $0x1  }
0x456: {  	v8 =	vmul.f32 v6, v0;
	_ =	sdelay $0x1  }
0x457: {  	v8 =	vmul.f32 v8, v6;
	_ =	sdelay $0x1  }
0x458: {  	v8 =	vsub.f32 $1.500000000e+00, v8;
	_ =	sdelay $0x1  }
0x459: {  	v6 =	vmul.f32 v8, v6;
	_ =	sdelay $0x1  }
0x45a: {  	v0 =	vmul.f32 v6, v0;
	_ =	sdelay $0x1  }
0x45b: {  	v0 =	vmul.f32 v0, v6  }
0x45c: {  	s3 =	sor.u32 $0x30, s30;
	s6 =	sor.u32 $0x10, s25;
	s11 =	sor.u32 $0x20, s25  }
.Ltmp9:
0x45d: {  	s1 =	sor.u32 $0x30, s25;
	s24 =	sor.u32 $0x40, s25;
	v0 =	vsub.f32 $1.500000000e+00, v0;
	(pc) =	sbr.rel @p0 .LBB2_10-.Ltmp9, $4  }
0x45e: {  	s12 =	sor.u32 $0x50, s25;
	s16 =	sor.u32 $0x60, s25;
	s15 =	sor.u32 $0x70, s25  }
0x45f: {  	s9 =	sor.u32 $0x10, s13;
	s31 =	sor.u32 $0x20, s13;
	s14 =	sor.u32 $0x30, s13;
	v51 =	vmul.f32 v0, v6;
	v0 =	vsub.f32 v53, v43  }
0x460: {  	s26 =	sor.u32 $0x40, s13;
	s5 =	sor.u32 $0x50, s13;
	s4 =	sor.u32 $0x60, s13  }
0x461: {  	[tilespmem:s3+$0x400] =	vst v36;
	s3 =	sor.u32 $0x70, s13;
	s2 =	sor.u32 $0x10, s21;
	s30 =	sor.u32 $0x20, s21;
	v36 =	vmul.f32 v51, v0  }
0x462: {  	v0 =	vsub.f32 v52, v43  }
0x463: {  	v6 =	vsub.f32 v49, v43  }
0x464: {  	v8 =	vsub.f32 v50, v43;
	v0 =	vmul.f32 v51, v0  }
0x465: {  	v57 =	vsub.f32 v47, v43;
	[tilespmem:s25+$0x400] =	vst v36;
	v6 =	vmul.f32 v51, v6  }
0x466: {  	[tilespmem:s6+$0x400] =	vst v0;
	v0 =	vmul.f32 v51, v8;
	v8 =	vsub.f32 v48, v43  }
0x467: {  	v58 =	vsub.f32 v46, v43;
	[tilespmem:s11+$0x400] =	vst v6;
	v6 =	vmul.f32 v51, v57  }
0x468: {  	[tilespmem:s1+$0x400] =	vst v0;
	v0 =	vmul.f32 v51, v8;
	v8 =	vsub.f32 v45, v43  }
0x469: {  	v59 =	vsub.f32 v44, v43;
	[tilespmem:s24+$0x400] =	vst v6;
	v6 =	vmul.f32 v51, v58  }
0x46a: {  	[tilespmem:s12+$0x400] =	vst v0;
	v0 =	vmul.f32 v51, v8;
	v8 =	vsub.f32 v39, v43  }
0x46b: {  	v60 =	vsub.f32 v41, v43;
	[tilespmem:s16+$0x400] =	vst v6;
	v6 =	vmul.f32 v51, v59  }
0x46c: {  	[tilespmem:s15+$0x400] =	vst v0;
	v0 =	vmul.f32 v51, v8;
	v8 =	vsub.f32 v42, v43  }
0x46d: {  	v61 =	vsub.f32 v40, v43;
	[tilespmem:s13+$0x400] =	vst v6;
	v6 =	vmul.f32 v51, v60  }
0x46e: {  	[tilespmem:s9+$0x400] =	vst v0;
	v0 =	vmul.f32 v51, v8;
	v8 =	vsub.f32 v37, v43  }
0x46f: {  	v35 =	vsub.f32 v35, v43;
	[tilespmem:s31+$0x400] =	vst v6;
	v6 =	vmul.f32 v51, v61  }
0x470: {  	[tilespmem:s14+$0x400] =	vst v0;
	v0 =	vmul.f32 v51, v8;
	v8 =	vsub.f32 v32, v43  }
0x471: {  	v62 =	vsub.f32 v38, v43;
	[tilespmem:s26+$0x400] =	vst v6;
	v6 =	vmul.f32 v51, v35  }
0x472: {  	[tilespmem:s5+$0x400] =	vst v0;
	v0 =	vmul.f32 v51, v8;
	v8 =	vsub.f32 v34, v43  }
.Ltmp10:
0x473: {  	v63 =	vsub.f32 v33, v43;
	[tilespmem:s4+$0x400] =	vst v6;
	v6 =	vmul.f32 v51, v62;
	(pc) =	sbr.rel .LBB2_11-.Ltmp10, $4  }
0x474: {  	[tilespmem:s3+$0x400] =	vst v0;
	v0 =	vmul.f32 v51, v8  }
0x475: {  	v8 =	vsub.f32 v31, v43;
	[tilespmem:s21+$0x400] =	vst v6;
	v6 =	vmul.f32 v51, v63  }
0x476: {  	[tilespmem:s2+$0x400] =	vst v0  }
0x477: {  	v36 =	vmul.f32 v51, v8;
	[tilespmem:s30+$0x400] =	vst v6  }
.LBB2_10:
0x478: {  	v0 =	vld [tilespmem:$0x1DA00];
	_ =	sdelay $0x1  }
0x479: {  	v6 =	vld [tilespmem:$0x1DB80];
	_ =	sdelay $0x2  }
0x47a: {  	v0 =	vmul.f32 v0, v36;
	_ =	sdelay $0x1  }
0x47b: {  	v0 =	vadd.f32 v6, v0;
	_ =	sdelay $0x1  }
0x47c: {  	[tilespmem:s25+$0x400] =	vst v0  }
0x47d: {  	v0 =	vld [tilespmem:$0x1DA10]  }
0x47e: {  	v6 =	vsub.f32 v52, v43  }
0x47f: {  	v8 =	vld [tilespmem:$0x1DB90]  }
0x480: {  	v6 =	vmul.f32 v51, v6;
	_ =	sdelay $0x1  }
0x481: {  	v0 =	vmul.f32 v0, v6;
	_ =	sdelay $0x1  }
0x482: {  	v0 =	vadd.f32 v8, v0;
	_ =	sdelay $0x1  }
0x483: {  	[tilespmem:s6+$0x400] =	vst v0  }
0x484: {  	v0 =	vld [tilespmem:$0x1DA20]  }
0x485: {  	v6 =	vsub.f32 v49, v43  }
0x486: {  	v8 =	vld [tilespmem:$0x1DBA0]  }
0x487: {  	v6 =	vmul.f32 v51, v6;
	_ =	sdelay $0x1  }
0x488: {  	v0 =	vmul.f32 v0, v6;
	_ =	sdelay $0x1  }
0x489: {  	v0 =	vadd.f32 v8, v0;
	_ =	sdelay $0x1  }
0x48a: {  	[tilespmem:s11+$0x400] =	vst v0  }
0x48b: {  	v0 =	vld [tilespmem:$0x1DA30]  }
0x48c: {  	v6 =	vsub.f32 v50, v43  }
0x48d: {  	v8 =	vld [tilespmem:$0x1DBB0]  }
0x48e: {  	v6 =	vmul.f32 v51, v6;
	_ =	sdelay $0x1  }
0x48f: {  	v0 =	vmul.f32 v0, v6;
	_ =	sdelay $0x1  }
0x490: {  	v0 =	vadd.f32 v8, v0;
	_ =	sdelay $0x1  }
0x491: {  	[tilespmem:s1+$0x400] =	vst v0  }
0x492: {  	v0 =	vld [tilespmem:$0x1DA40]  }
0x493: {  	v6 =	vsub.f32 v47, v43  }
0x494: {  	v8 =	vld [tilespmem:$0x1DBC0]  }
0x495: {  	v6 =	vmul.f32 v51, v6;
	_ =	sdelay $0x1  }
0x496: {  	v0 =	vmul.f32 v0, v6;
	_ =	sdelay $0x1  }
0x497: {  	v0 =	vadd.f32 v8, v0;
	_ =	sdelay $0x1  }
0x498: {  	[tilespmem:s24+$0x400] =	vst v0  }
0x499: {  	v0 =	vld [tilespmem:$0x1DA50]  }
0x49a: {  	v6 =	vsub.f32 v48, v43  }
0x49b: {  	v8 =	vld [tilespmem:$0x1DBD0]  }
0x49c: {  	v6 =	vmul.f32 v51, v6;
	_ =	sdelay $0x1  }
0x49d: {  	v0 =	vmul.f32 v0, v6;
	_ =	sdelay $0x1  }
0x49e: {  	v0 =	vadd.f32 v8, v0;
	_ =	sdelay $0x1  }
0x49f: {  	[tilespmem:s12+$0x400] =	vst v0  }
0x4a0: {  	v0 =	vld [tilespmem:$0x1DA60]  }
0x4a1: {  	v6 =	vsub.f32 v46, v43  }
0x4a2: {  	v8 =	vld [tilespmem:$0x1DBE0]  }
0x4a3: {  	v6 =	vmul.f32 v51, v6;
	_ =	sdelay $0x1  }
0x4a4: {  	v0 =	vmul.f32 v0, v6;
	_ =	sdelay $0x1  }
0x4a5: {  	v0 =	vadd.f32 v8, v0;
	_ =	sdelay $0x1  }
0x4a6: {  	[tilespmem:s16+$0x400] =	vst v0  }
0x4a7: {  	v0 =	vld [tilespmem:$0x1DA70]  }
0x4a8: {  	v6 =	vsub.f32 v45, v43  }
0x4a9: {  	v8 =	vld [tilespmem:$0x1DBF0]  }
0x4aa: {  	v6 =	vmul.f32 v51, v6;
	_ =	sdelay $0x1  }
0x4ab: {  	v0 =	vmul.f32 v0, v6;
	_ =	sdelay $0x1  }
0x4ac: {  	v0 =	vadd.f32 v8, v0;
	_ =	sdelay $0x1  }
0x4ad: {  	[tilespmem:s15+$0x400] =	vst v0  }
0x4ae: {  	v0 =	vld [tilespmem:$0x1DA80]  }
0x4af: {  	v6 =	vsub.f32 v44, v43  }
0x4b0: {  	v8 =	vld [tilespmem:$0x1DC00]  }
0x4b1: {  	v6 =	vmul.f32 v51, v6;
	_ =	sdelay $0x1  }
0x4b2: {  	v0 =	vmul.f32 v0, v6;
	_ =	sdelay $0x1  }
0x4b3: {  	v0 =	vadd.f32 v8, v0;
	_ =	sdelay $0x1  }
0x4b4: {  	[tilespmem:s13+$0x400] =	vst v0  }
0x4b5: {  	v0 =	vld [tilespmem:$0x1DA90]  }
0x4b6: {  	v6 =	vsub.f32 v39, v43  }
0x4b7: {  	v8 =	vld [tilespmem:$0x1DC10]  }
0x4b8: {  	v6 =	vmul.f32 v51, v6;
	_ =	sdelay $0x1  }
0x4b9: {  	v0 =	vmul.f32 v0, v6;
	_ =	sdelay $0x1  }
0x4ba: {  	v0 =	vadd.f32 v8, v0;
	_ =	sdelay $0x1  }
0x4bb: {  	[tilespmem:s9+$0x400] =	vst v0  }
0x4bc: {  	v0 =	vld [tilespmem:$0x1DAA0]  }
0x4bd: {  	v6 =	vsub.f32 v41, v43  }
0x4be: {  	v8 =	vld [tilespmem:$0x1DC20]  }
0x4bf: {  	v6 =	vmul.f32 v51, v6;
	_ =	sdelay $0x1  }
0x4c0: {  	v0 =	vmul.f32 v0, v6;
	_ =	sdelay $0x1  }
0x4c1: {  	v0 =	vadd.f32 v8, v0;
	_ =	sdelay $0x1  }
0x4c2: {  	[tilespmem:s31+$0x400] =	vst v0  }
0x4c3: {  	v0 =	vld [tilespmem:$0x1DAB0]  }
0x4c4: {  	v6 =	vsub.f32 v42, v43  }
0x4c5: {  	v8 =	vld [tilespmem:$0x1DC30]  }
0x4c6: {  	v6 =	vmul.f32 v51, v6;
	_ =	sdelay $0x1  }
0x4c7: {  	v0 =	vmul.f32 v0, v6;
	_ =	sdelay $0x1  }
0x4c8: {  	v0 =	vadd.f32 v8, v0;
	_ =	sdelay $0x1  }
0x4c9: {  	[tilespmem:s14+$0x400] =	vst v0  }
0x4ca: {  	v0 =	vld [tilespmem:$0x1DAC0]  }
0x4cb: {  	v6 =	vsub.f32 v40, v43  }
0x4cc: {  	v8 =	vld [tilespmem:$0x1DC40]  }
0x4cd: {  	v6 =	vmul.f32 v51, v6;
	_ =	sdelay $0x1  }
0x4ce: {  	v0 =	vmul.f32 v0, v6;
	_ =	sdelay $0x1  }
0x4cf: {  	v0 =	vadd.f32 v8, v0;
	_ =	sdelay $0x1  }
0x4d0: {  	[tilespmem:s26+$0x400] =	vst v0  }
0x4d1: {  	v0 =	vld [tilespmem:$0x1DAD0]  }
0x4d2: {  	v6 =	vsub.f32 v37, v43  }
0x4d3: {  	v8 =	vld [tilespmem:$0x1DC50]  }
0x4d4: {  	v6 =	vmul.f32 v51, v6;
	_ =	sdelay $0x1  }
0x4d5: {  	v0 =	vmul.f32 v0, v6;
	_ =	sdelay $0x1  }
0x4d6: {  	v0 =	vadd.f32 v8, v0;
	_ =	sdelay $0x1  }
0x4d7: {  	[tilespmem:s5+$0x400] =	vst v0  }
0x4d8: {  	v0 =	vld [tilespmem:$0x1DAE0]  }
0x4d9: {  	v6 =	vsub.f32 v35, v43  }
0x4da: {  	v8 =	vld [tilespmem:$0x1DC60]  }
0x4db: {  	v6 =	vmul.f32 v51, v6;
	_ =	sdelay $0x1  }
0x4dc: {  	v0 =	vmul.f32 v0, v6;
	_ =	sdelay $0x1  }
0x4dd: {  	v0 =	vadd.f32 v8, v0;
	_ =	sdelay $0x1  }
0x4de: {  	[tilespmem:s4+$0x400] =	vst v0  }
0x4df: {  	v0 =	vld [tilespmem:$0x1DAF0]  }
0x4e0: {  	v6 =	vsub.f32 v32, v43  }
0x4e1: {  	v8 =	vld [tilespmem:$0x1DC70]  }
0x4e2: {  	v6 =	vmul.f32 v51, v6;
	_ =	sdelay $0x1  }
0x4e3: {  	v0 =	vmul.f32 v0, v6;
	_ =	sdelay $0x1  }
0x4e4: {  	v0 =	vadd.f32 v8, v0;
	_ =	sdelay $0x1  }
0x4e5: {  	[tilespmem:s3+$0x400] =	vst v0  }
0x4e6: {  	v0 =	vld [tilespmem:$0x1DB00]  }
0x4e7: {  	v6 =	vsub.f32 v38, v43  }
0x4e8: {  	v8 =	vld [tilespmem:$0x1DC80]  }
0x4e9: {  	v6 =	vmul.f32 v51, v6;
	_ =	sdelay $0x1  }
0x4ea: {  	v0 =	vmul.f32 v0, v6;
	_ =	sdelay $0x1  }
0x4eb: {  	v0 =	vadd.f32 v8, v0;
	_ =	sdelay $0x1  }
0x4ec: {  	[tilespmem:s21+$0x400] =	vst v0  }
0x4ed: {  	v0 =	vld [tilespmem:$0x1DB10]  }
0x4ee: {  	v6 =	vsub.f32 v34, v43  }
0x4ef: {  	v8 =	vld [tilespmem:$0x1DC90]  }
0x4f0: {  	v6 =	vmul.f32 v51, v6;
	_ =	sdelay $0x1  }
0x4f1: {  	v0 =	vmul.f32 v0, v6;
	_ =	sdelay $0x1  }
0x4f2: {  	v0 =	vadd.f32 v8, v0;
	_ =	sdelay $0x1  }
0x4f3: {  	[tilespmem:s2+$0x400] =	vst v0  }
0x4f4: {  	v0 =	vld [tilespmem:$0x1DB20]  }
0x4f5: {  	v6 =	vsub.f32 v33, v43  }
0x4f6: {  	v8 =	vld [tilespmem:$0x1DCA0]  }
0x4f7: {  	v6 =	vmul.f32 v51, v6;
	_ =	sdelay $0x1  }
0x4f8: {  	v0 =	vmul.f32 v0, v6;
	_ =	sdelay $0x1  }
0x4f9: {  	v0 =	vadd.f32 v8, v0;
	_ =	sdelay $0x1  }
0x4fa: {  	[tilespmem:s30+$0x400] =	vst v0  }
0x4fb: {  	v0 =	vld [tilespmem:$0x1DB30]  }
0x4fc: {  	v6 =	vsub.f32 v31, v43  }
0x4fd: {  	v8 =	vld [tilespmem:$0x1DCB0]  }
0x4fe: {  	v6 =	vmul.f32 v51, v6;
	_ =	sdelay $0x1  }
0x4ff: {  	v0 =	vmul.f32 v0, v6;
	_ =	sdelay $0x1  }
0x500: {  	v36 =	vadd.f32 v8, v0  }
.LBB2_11:
0x501: {  	s1 =	sadd.s32 $0xFFFFFF80, s17  }
0x502: {  	s2 =	sand.u32 $0x300, s1  }
0x503: {  	s25 =	sor.u32 s22, s2  }
0x504: {  	v6 =	vld [tilespmem:s25+$0x400]  }
0x505: {  	v32 =	vld [tilespmem:s25+$0x6400]  }
0x506: {  	s0 =	sadd.s32 $0x1, s0;
	v33 =	vld [tilespmem:s25+$0x410]  }
0x507: {  	v0 =	vmov s0;
	v35 =	vld [tilespmem:s25+$0x6410]  }
0x508: {  	v0 =	vand.u32 $0xFFFFFFFE, v0;
	v37 =	vld [tilespmem:s25+$0x420]  }
0x509: {  	v0 =	vbroadcast v0, $0x0;
	v39 =	vld [tilespmem:s25+$0x6420]  }
0x50a: {  	v40 =	vld [tilespmem:s25+$0x430]  }
0x50b: {  	v42 =	vld [tilespmem:s25+$0x6430]  }
0x50c: {  	v43 =	vld [tilespmem:s25+$0x440]  }
0x50d: {  	v45 =	vld [tilespmem:s25+$0x6440]  }
0x50e: {  	v46 =	vld [tilespmem:s25+$0x450]  }
0x50f: {  	v31 =	vld.idx.msk [tilespmem:v0+s8+$0x0], $0xffff  }
0x510: {  	v56 =	vld [tilespmem:s25+$0x470]  }
0x511: {  	s13 =	sor.u32 s2, s29;
	v57 =	vld [tilespmem:s25+$0x6470]  }
0x512: {  	v59 =	vld [tilespmem:s13+$0x400]  }
0x513: {  	v6 =	vadd.f32 v32, v6;
	v32 =	vld [tilespmem:s13+$0x6400]  }
0x514: {  	v48 =	vld [tilespmem:s25+$0x6450];
	v0 =	vadd.s32 v4, v31  }
0x515: {  	v51 =	vld [tilespmem:s25+$0x460];
	v8 =	vadd.s32 v9, v31  }
0x516: {  	v54 =	vld [tilespmem:s25+$0x6460];
	v34 =	vadd.s32 v10, v31  }
0x517: {  	v62 =	vadd.f32 v57, v56;
	v56 =	vld [tilespmem:s13+$0x6440];
	v38 =	vadd.s32 v11, v31  }
0x518: {  	v32 =	vadd.f32 v32, v59;
	v59 =	vld [tilespmem:s13+$0x6460];
	v41 =	vadd.s32 v12, v31  }
0x519: {  	v44 =	vadd.s32 v13, v31;
	v0 =	vld.idx.msk [tilespmem:v0+s23+$0x0], $0xffff  }
0x51a: {  	v47 =	vadd.s32 v14, v31;
	v8 =	vld.idx.msk [tilespmem:v8+s23+$0x0], $0xffff  }
0x51b: {  	v49 =	vadd.s32 v15, v31;
	v34 =	vld.idx.msk [tilespmem:v34+s23+$0x0], $0xffff  }
0x51c: {  	v60 =	vadd.s32 v16, v31;
	v38 =	vld.idx.msk [tilespmem:v38+s23+$0x0], $0xffff  }
0x51d: {  	v50 =	vadd.s32 v17, v31;
	v41 =	vld.idx.msk [tilespmem:v41+s23+$0x0], $0xffff  }
0x51e: {  	v44 =	vld.idx.msk [tilespmem:v44+s23+$0x0], $0xffff  }
0x51f: {  	v55 =	vld.idx.msk [tilespmem:v47+s23+$0x0], $0xffff  }
0x520: {  	v37 =	vadd.f32 v39, v37;
	v58 =	vld.idx.msk [tilespmem:v49+s23+$0x0], $0xffff  }
0x521: {  	v33 =	vadd.f32 v35, v33;
	v40 =	vadd.f32 v42, v40;
	v39 =	vld.idx.msk [tilespmem:v60+s23+$0x0], $0xffff  }
0x522: {  	v61 =	vadd.f32 v45, v43;
	v46 =	vadd.f32 v48, v46;
	v42 =	vld.idx.msk [tilespmem:v50+s23+$0x0], $0xffff  }
0x523: {  	v53 =	vadd.f32 v0, v6;
	v0 =	vld [tilespmem:s13+$0x410];
	v49 =	vadd.f32 v34, v37  }
0x524: {  	v60 =	vadd.s32 v19, v31;
	v34 =	vld [tilespmem:s13+$0x6410];
	v52 =	vadd.f32 v8, v33;
	v50 =	vadd.f32 v38, v40  }
0x525: {  	v6 =	vadd.s32 v18, v31;
	v33 =	vld [tilespmem:s13+$0x420];
	v47 =	vadd.f32 v41, v61;
	v48 =	vadd.f32 v44, v46  }
0x526: {  	v40 =	vld [tilespmem:s13+$0x6420];
	v44 =	vadd.f32 v54, v51;
	v37 =	vmul.f32 v53, v53;
	v8 =	vmul.f32 v49, v49  }
0x527: {  	v38 =	vld [tilespmem:s13+$0x430];
	v41 =	vadd.s32 v20, v31;
	v35 =	vadd.f32 $0.0e+00, v53;
	v43 =	vadd.f32 $0.0e+00, v52  }
0x528: {  	v61 =	vld [tilespmem:s13+$0x6430];
	v45 =	vmul.f32 v52, v52;
	v8 =	vadd.f32 v8, v37;
	v37 =	vmul.f32 v50, v50  }
0x529: {  	v60 =	vld.idx.msk [tilespmem:v60+s23+$0x0], $0xffff;
	v54 =	vadd.s32 v21, v31;
	v46 =	vadd.f32 v55, v44;
	v44 =	vadd.f32 v39, v32  }
0x52a: {  	v51 =	vld [tilespmem:s13+$0x440];
	v35 =	vadd.f32 v49, v35;
	v37 =	vadd.f32 v37, v45;
	v45 =	vmul.f32 v47, v47  }
0x52b: {  	v32 =	vld [tilespmem:s13+$0x6450];
	v43 =	vadd.f32 v50, v43;
	v0 =	vadd.f32 v34, v0  }
0x52c: {  	v63 =	vmul.f32 v48, v48;
	v6 =	vld.idx.msk [tilespmem:v6+s23+$0x0], $0xffff;
	v8 =	vadd.f32 v45, v8;
	v45 =	vadd.f32 v58, v62  }
0x52d: {  	v55 =	vld.idx.msk [tilespmem:v41+s23+$0x0], $0xffff;
	v33 =	vadd.f32 v40, v33;
	v39 =	vadd.f32 v42, v0;
	v62 =	vmul.f32 v46, v46  }
0x52e: {  	v34 =	vld [tilespmem:s13+$0x450];
	v42 =	vadd.s32 v22, v31;
	v37 =	vadd.f32 v63, v37;
	v63 =	vmul.f32 v45, v45  }
0x52f: {  	v0 =	vld.idx.msk [tilespmem:v54+s23+$0x0], $0xffff;
	v58 =	vadd.s32 v23, v31;
	v8 =	vadd.f32 v62, v8;
	v62 =	vmul.f32 v44, v44  }
0x530: {  	v35 =	vadd.f32 v47, v35;
	v54 =	vld [tilespmem:s13+$0x460];
	v57 =	vmul.f32 v39, v39;
	v37 =	vadd.f32 v63, v37  }
0x531: {  	v41 =	vadd.f32 v6, v33;
	v6 =	vld [tilespmem:s13+$0x6470];
	v8 =	vadd.f32 v62, v8  }
0x532: {  	v62 =	vld [tilespmem:s13+$0x470];
	v63 =	vadd.f32 v56, v51;
	v57 =	vadd.f32 v57, v37  }
0x533: {  	v37 =	vadd.f32 v61, v38;
	v38 =	vadd.f32 v48, v43;
	v43 =	vld.idx.msk [tilespmem:v42+s23+$0x0], $0xffff  }
0x534: {  	s30 =	sor.u32 s2, s28;
	v32 =	vadd.f32 v32, v34;
	v51 =	vld.idx.msk [tilespmem:v58+s23+$0x0], $0xffff  }
0x535: {  	v34 =	vld [tilespmem:s30+$0x400];
	v56 =	vadd.s32 v25, v31;
	v61 =	vadd.f32 v46, v35;
	v40 =	vadd.f32 v55, v63  }
0x536: {  	v33 =	vadd.s32 v24, v31;
	v58 =	vld [tilespmem:s30+$0x420];
	v63 =	vadd.f32 v59, v54;
	v42 =	vadd.f32 v60, v37  }
0x537: {  	v54 =	vld [tilespmem:s30+$0x6400];
	v60 =	vmul.f32 v41, v41;
	v37 =	vadd.f32 v0, v32;
	v0 =	vadd.f32 v6, v62  }
0x538: {  	v38 =	vadd.f32 v45, v38;
	v59 =	vmul.f32 v42, v42;
	v35 =	vadd.f32 v43, v63;
	v43 =	vld [tilespmem:s30+$0x410]  }
0x539: {  	v8 =	vadd.f32 v60, v8;
	v60 =	vmul.f32 v40, v40;
	v32 =	vadd.f32 v51, v0;
	v0 =	vld [tilespmem:s30+$0x6410]  }
0x53a: {  	v62 =	vmul.f32 v37, v37;
	v51 =	vld.idx.msk [tilespmem:v56+s23+$0x0], $0xffff;
	v56 =	vadd.s32 v26, v31;
	v55 =	vadd.f32 v59, v57  }
0x53b: {  	v6 =	vld.idx.msk [tilespmem:v33+s23+$0x0], $0xffff;
	v31 =	vadd.s32 v27, v31;
	v8 =	vadd.f32 v60, v8;
	v63 =	vmul.f32 v35, v35  }
0x53c: {  	v33 =	vld [tilespmem:s30+$0x6420];
	v34 =	vadd.f32 v54, v34;
	v60 =	vmul.f32 v32, v32;
	v55 =	vadd.f32 v62, v55  }
0x53d: {  	v59 =	vadd.f32 v44, v61;
	v57 =	vld [tilespmem:s30+$0x430];
	v8 =	vadd.f32 v63, v8  }
0x53e: {  	v62 =	vld [tilespmem:s30+$0x6430];
	v55 =	vadd.f32 v60, v55;
	v60 =	vadd.f32 v39, v38  }
0x53f: {  	v63 =	vadd.f32 v41, v59;
	v0 =	vadd.f32 v0, v43;
	v56 =	vld.idx.msk [tilespmem:v56+s23+$0x0], $0xffff  }
0x540: {  	v38 =	vadd.f32 v6, v34;
	v31 =	vld.idx.msk [tilespmem:v31+s23+$0x0], $0xffff;
	v6 =	vadd.f32 v42, v60  }
0x541: {  	v34 =	vadd.f32 v51, v0  }
0x542: {  	v0 =	vadd.f32 v40, v63;
	v6 =	vadd.f32 v37, v6  }
0x543: {  	v33 =	vadd.f32 v33, v58;
	v58 =	vadd.f32 v62, v57  }
0x544: {  	v59 =	vmul.f32 v38, v38;
	v0 =	vadd.f32 v35, v0;
	v6 =	vadd.f32 v32, v6  }
0x545: {  	v60 =	vmul.f32 v34, v34;
	v33 =	vadd.f32 v56, v33;
	v31 =	vadd.f32 v31, v58  }
0x546: {  	v0 =	vadd.f32 v38, v0;
	v6 =	vadd.f32 v34, v6  }
0x547: {  	v8 =	vadd.f32 v59, v8;
	v43 =	vadd.f32 v60, v55;
	v61 =	vmul.f32 v33, v33  }
0x548: {  	v62 =	vmul.f32 v31, v31;
	v0 =	vadd.f32 v33, v0;
	v6 =	vadd.f32 v31, v6  }
0x549: {  	v8 =	vadd.f32 v61, v8  }
0x54a: {  	v43 =	vadd.f32 v62, v43;
	v0 =	vadd.f32 v6, v0;
	_ =	sdelay $0x1  }
0x54b: {  	v8 =	vadd.f32 v43, v8;
	v6 =	vperm.xlane v0, v28;
	_ =	sdelay $0x1  }
0x54c: {  	v0 =	vadd.f32 v0, v6;
	v6 =	vperm.xlane v8, v28;
	_ =	sdelay $0x1  }
0x54d: {  	v63 =	vperm.xlane v0, v29;
	v6 =	vadd.f32 v6, v8;
	_ =	sdelay $0x1  }
0x54e: {  	v0 =	vadd.f32 v0, v63;
	v8 =	vperm.xlane v6, v29;
	_ =	sdelay $0x1  }
0x54f: {  	v43 =	vperm.xlane v0, v30;
	v6 =	vadd.f32 v8, v6;
	_ =	sdelay $0x1  }
0x550: {  	v0 =	vadd.f32 v0, v43;
	v8 =	vperm.xlane v6, v30;
	_ =	sdelay $0x1  }
0x551: {  	v43 =	vperm.xlane v0, v5;
	v6 =	vadd.f32 v8, v6;
	_ =	sdelay $0x1  }
0x552: {  	v0 =	vadd.f32 v0, v43;
	v8 =	vperm.xlane v6, v5;
	_ =	sdelay $0x1  }
0x553: {  	v6 =	vadd.f32 v8, v6;
	v43 =	vmul.f32 $3.205128250e-03, v0;
	_ =	sdelay $0x1  }
0x554: {  	v0 =	vmul.f32 $3.205128250e-03, v6;
	v6 =	vmul.f32 v43, v43;
	_ =	sdelay $0x1  }
0x555: {  	v0 =	vsub.f32 v0, v6;
	_ =	sdelay $0x1  }
0x556: {  	v0 =	vmax.f32 v0, $0.0e+00  }
0x557: {  	v0 =	vadd.f32 $9.999999960e-13, v0;
	_ =	sdelay $0x1  }
0x558: {  	v6 =	vshrl.u32 v0, $0x1;
	v0 =	vmul.f32 $5.000000000e-01, v0  }
0x559: {  	v6 =	vsub.s32 $0x5F3759DF, v6  }
0x55a: {  	v8 =	vmul.f32 v6, v0;
	_ =	sdelay $0x1  }
0x55b: {  	v8 =	vmul.f32 v6, v8;
	_ =	sdelay $0x1  }
0x55c: {  	v8 =	vsub.f32 $1.500000000e+00, v8;
	_ =	sdelay $0x1  }
0x55d: {  	v6 =	vmul.f32 v6, v8;
	_ =	sdelay $0x1  }
0x55e: {  	v8 =	vmul.f32 v6, v0;
	_ =	sdelay $0x1  }
0x55f: {  	v8 =	vmul.f32 v8, v6;
	_ =	sdelay $0x1  }
0x560: {  	v8 =	vsub.f32 $1.500000000e+00, v8;
	_ =	sdelay $0x1  }
0x561: {  	v6 =	vmul.f32 v8, v6;
	_ =	sdelay $0x1  }
0x562: {  	v0 =	vmul.f32 v6, v0;
	_ =	sdelay $0x1  }
0x563: {  	v0 =	vmul.f32 v0, v6  }
0x564: {  	s21 =	sor.u32 $0x30, s21;
	s6 =	sor.u32 $0x10, s25;
	s11 =	sor.u32 $0x20, s25  }
.Ltmp11:
0x565: {  	s1 =	sor.u32 $0x30, s25;
	s24 =	sor.u32 $0x40, s25;
	v0 =	vsub.f32 $1.500000000e+00, v0;
	(pc) =	sbr.rel @p0 .LBB2_13-.Ltmp11, $4  }
0x566: {  	s12 =	sor.u32 $0x50, s25;
	s16 =	sor.u32 $0x60, s25;
	s15 =	sor.u32 $0x70, s25  }
0x567: {  	s9 =	sor.u32 $0x10, s13;
	s31 =	sor.u32 $0x20, s13;
	s14 =	sor.u32 $0x30, s13;
	v51 =	vmul.f32 v0, v6;
	v0 =	vsub.f32 v53, v43  }
0x568: {  	s26 =	sor.u32 $0x40, s13;
	s5 =	sor.u32 $0x50, s13;
	s4 =	sor.u32 $0x60, s13  }
0x569: {  	[tilespmem:s21+$0x400] =	vst v36;
	s3 =	sor.u32 $0x70, s13;
	s2 =	sor.u32 $0x10, s30;
	s21 =	sor.u32 $0x20, s30;
	v36 =	vmul.f32 v51, v0  }
0x56a: {  	v0 =	vsub.f32 v52, v43  }
0x56b: {  	v6 =	vsub.f32 v49, v43  }
0x56c: {  	v8 =	vsub.f32 v50, v43;
	v0 =	vmul.f32 v51, v0  }
0x56d: {  	v57 =	vsub.f32 v47, v43;
	[tilespmem:s25+$0x400] =	vst v36;
	v6 =	vmul.f32 v51, v6  }
0x56e: {  	[tilespmem:s6+$0x400] =	vst v0;
	v0 =	vmul.f32 v51, v8;
	v8 =	vsub.f32 v48, v43  }
0x56f: {  	v58 =	vsub.f32 v46, v43;
	[tilespmem:s11+$0x400] =	vst v6;
	v6 =	vmul.f32 v51, v57  }
0x570: {  	[tilespmem:s1+$0x400] =	vst v0;
	v0 =	vmul.f32 v51, v8;
	v8 =	vsub.f32 v45, v43  }
0x571: {  	v59 =	vsub.f32 v44, v43;
	[tilespmem:s24+$0x400] =	vst v6;
	v6 =	vmul.f32 v51, v58  }
0x572: {  	[tilespmem:s12+$0x400] =	vst v0;
	v0 =	vmul.f32 v51, v8;
	v8 =	vsub.f32 v39, v43  }
0x573: {  	v60 =	vsub.f32 v41, v43;
	[tilespmem:s16+$0x400] =	vst v6;
	v6 =	vmul.f32 v51, v59  }
0x574: {  	[tilespmem:s15+$0x400] =	vst v0;
	v0 =	vmul.f32 v51, v8;
	v8 =	vsub.f32 v42, v43  }
0x575: {  	v61 =	vsub.f32 v40, v43;
	[tilespmem:s13+$0x400] =	vst v6;
	v6 =	vmul.f32 v51, v60  }
0x576: {  	[tilespmem:s9+$0x400] =	vst v0;
	v0 =	vmul.f32 v51, v8;
	v8 =	vsub.f32 v37, v43  }
0x577: {  	v35 =	vsub.f32 v35, v43;
	[tilespmem:s31+$0x400] =	vst v6;
	v6 =	vmul.f32 v51, v61  }
0x578: {  	[tilespmem:s14+$0x400] =	vst v0;
	v0 =	vmul.f32 v51, v8;
	v8 =	vsub.f32 v32, v43  }
0x579: {  	v62 =	vsub.f32 v38, v43;
	[tilespmem:s26+$0x400] =	vst v6;
	v6 =	vmul.f32 v51, v35  }
0x57a: {  	[tilespmem:s5+$0x400] =	vst v0;
	v0 =	vmul.f32 v51, v8;
	v8 =	vsub.f32 v34, v43  }
.Ltmp12:
0x57b: {  	v63 =	vsub.f32 v33, v43;
	[tilespmem:s4+$0x400] =	vst v6;
	v6 =	vmul.f32 v51, v62;
	(pc) =	sbr.rel .LBB2_14-.Ltmp12, $4  }
0x57c: {  	[tilespmem:s3+$0x400] =	vst v0;
	v0 =	vmul.f32 v51, v8  }
0x57d: {  	v8 =	vsub.f32 v31, v43;
	[tilespmem:s30+$0x400] =	vst v6;
	v6 =	vmul.f32 v51, v63  }
0x57e: {  	[tilespmem:s2+$0x400] =	vst v0  }
0x57f: {  	v36 =	vmul.f32 v51, v8;
	[tilespmem:s21+$0x400] =	vst v6  }
.LBB2_13:
0x580: {  	v0 =	vld [tilespmem:$0x1DA00];
	_ =	sdelay $0x1  }
0x581: {  	v6 =	vld [tilespmem:$0x1DB80];
	_ =	sdelay $0x2  }
0x582: {  	v0 =	vmul.f32 v0, v36;
	_ =	sdelay $0x1  }
0x583: {  	v0 =	vadd.f32 v6, v0;
	_ =	sdelay $0x1  }
0x584: {  	[tilespmem:s25+$0x400] =	vst v0  }
0x585: {  	v0 =	vld [tilespmem:$0x1DA10]  }
0x586: {  	v6 =	vsub.f32 v52, v43  }
0x587: {  	v8 =	vld [tilespmem:$0x1DB90]  }
0x588: {  	v6 =	vmul.f32 v51, v6;
	_ =	sdelay $0x1  }
0x589: {  	v0 =	vmul.f32 v0, v6;
	_ =	sdelay $0x1  }
0x58a: {  	v0 =	vadd.f32 v8, v0;
	_ =	sdelay $0x1  }
0x58b: {  	[tilespmem:s6+$0x400] =	vst v0  }
0x58c: {  	v0 =	vld [tilespmem:$0x1DA20]  }
0x58d: {  	v6 =	vsub.f32 v49, v43  }
0x58e: {  	v8 =	vld [tilespmem:$0x1DBA0]  }
0x58f: {  	v6 =	vmul.f32 v51, v6;
	_ =	sdelay $0x1  }
0x590: {  	v0 =	vmul.f32 v0, v6;
	_ =	sdelay $0x1  }
0x591: {  	v0 =	vadd.f32 v8, v0;
	_ =	sdelay $0x1  }
0x592: {  	[tilespmem:s11+$0x400] =	vst v0  }
0x593: {  	v0 =	vld [tilespmem:$0x1DA30]  }
0x594: {  	v6 =	vsub.f32 v50, v43  }
0x595: {  	v8 =	vld [tilespmem:$0x1DBB0]  }
0x596: {  	v6 =	vmul.f32 v51, v6;
	_ =	sdelay $0x1  }
0x597: {  	v0 =	vmul.f32 v0, v6;
	_ =	sdelay $0x1  }
0x598: {  	v0 =	vadd.f32 v8, v0;
	_ =	sdelay $0x1  }
0x599: {  	[tilespmem:s1+$0x400] =	vst v0  }
0x59a: {  	v0 =	vld [tilespmem:$0x1DA40]  }
0x59b: {  	v6 =	vsub.f32 v47, v43  }
0x59c: {  	v8 =	vld [tilespmem:$0x1DBC0]  }
0x59d: {  	v6 =	vmul.f32 v51, v6;
	_ =	sdelay $0x1  }
0x59e: {  	v0 =	vmul.f32 v0, v6;
	_ =	sdelay $0x1  }
0x59f: {  	v0 =	vadd.f32 v8, v0;
	_ =	sdelay $0x1  }
0x5a0: {  	[tilespmem:s24+$0x400] =	vst v0  }
0x5a1: {  	v0 =	vld [tilespmem:$0x1DA50]  }
0x5a2: {  	v6 =	vsub.f32 v48, v43  }
0x5a3: {  	v8 =	vld [tilespmem:$0x1DBD0]  }
0x5a4: {  	v6 =	vmul.f32 v51, v6;
	_ =	sdelay $0x1  }
0x5a5: {  	v0 =	vmul.f32 v0, v6;
	_ =	sdelay $0x1  }
0x5a6: {  	v0 =	vadd.f32 v8, v0;
	_ =	sdelay $0x1  }
0x5a7: {  	[tilespmem:s12+$0x400] =	vst v0  }
0x5a8: {  	v0 =	vld [tilespmem:$0x1DA60]  }
0x5a9: {  	v6 =	vsub.f32 v46, v43  }
0x5aa: {  	v8 =	vld [tilespmem:$0x1DBE0]  }
0x5ab: {  	v6 =	vmul.f32 v51, v6;
	_ =	sdelay $0x1  }
0x5ac: {  	v0 =	vmul.f32 v0, v6;
	_ =	sdelay $0x1  }
0x5ad: {  	v0 =	vadd.f32 v8, v0;
	_ =	sdelay $0x1  }
0x5ae: {  	[tilespmem:s16+$0x400] =	vst v0  }
0x5af: {  	v0 =	vld [tilespmem:$0x1DA70]  }
0x5b0: {  	v6 =	vsub.f32 v45, v43  }
0x5b1: {  	v8 =	vld [tilespmem:$0x1DBF0]  }
0x5b2: {  	v6 =	vmul.f32 v51, v6;
	_ =	sdelay $0x1  }
0x5b3: {  	v0 =	vmul.f32 v0, v6;
	_ =	sdelay $0x1  }
0x5b4: {  	v0 =	vadd.f32 v8, v0;
	_ =	sdelay $0x1  }
0x5b5: {  	[tilespmem:s15+$0x400] =	vst v0  }
0x5b6: {  	v0 =	vld [tilespmem:$0x1DA80]  }
0x5b7: {  	v6 =	vsub.f32 v44, v43  }
0x5b8: {  	v8 =	vld [tilespmem:$0x1DC00]  }
0x5b9: {  	v6 =	vmul.f32 v51, v6;
	_ =	sdelay $0x1  }
0x5ba: {  	v0 =	vmul.f32 v0, v6;
	_ =	sdelay $0x1  }
0x5bb: {  	v0 =	vadd.f32 v8, v0;
	_ =	sdelay $0x1  }
0x5bc: {  	[tilespmem:s13+$0x400] =	vst v0  }
0x5bd: {  	v0 =	vld [tilespmem:$0x1DA90]  }
0x5be: {  	v6 =	vsub.f32 v39, v43  }
0x5bf: {  	v8 =	vld [tilespmem:$0x1DC10]  }
0x5c0: {  	v6 =	vmul.f32 v51, v6;
	_ =	sdelay $0x1  }
0x5c1: {  	v0 =	vmul.f32 v0, v6;
	_ =	sdelay $0x1  }
0x5c2: {  	v0 =	vadd.f32 v8, v0;
	_ =	sdelay $0x1  }
0x5c3: {  	[tilespmem:s9+$0x400] =	vst v0  }
0x5c4: {  	v0 =	vld [tilespmem:$0x1DAA0]  }
0x5c5: {  	v6 =	vsub.f32 v41, v43  }
0x5c6: {  	v8 =	vld [tilespmem:$0x1DC20]  }
0x5c7: {  	v6 =	vmul.f32 v51, v6;
	_ =	sdelay $0x1  }
0x5c8: {  	v0 =	vmul.f32 v0, v6;
	_ =	sdelay $0x1  }
0x5c9: {  	v0 =	vadd.f32 v8, v0;
	_ =	sdelay $0x1  }
0x5ca: {  	[tilespmem:s31+$0x400] =	vst v0  }
0x5cb: {  	v0 =	vld [tilespmem:$0x1DAB0]  }
0x5cc: {  	v6 =	vsub.f32 v42, v43  }
0x5cd: {  	v8 =	vld [tilespmem:$0x1DC30]  }
0x5ce: {  	v6 =	vmul.f32 v51, v6;
	_ =	sdelay $0x1  }
0x5cf: {  	v0 =	vmul.f32 v0, v6;
	_ =	sdelay $0x1  }
0x5d0: {  	v0 =	vadd.f32 v8, v0;
	_ =	sdelay $0x1  }
0x5d1: {  	[tilespmem:s14+$0x400] =	vst v0  }
0x5d2: {  	v0 =	vld [tilespmem:$0x1DAC0]  }
0x5d3: {  	v6 =	vsub.f32 v40, v43  }
0x5d4: {  	v8 =	vld [tilespmem:$0x1DC40]  }
0x5d5: {  	v6 =	vmul.f32 v51, v6;
	_ =	sdelay $0x1  }
0x5d6: {  	v0 =	vmul.f32 v0, v6;
	_ =	sdelay $0x1  }
0x5d7: {  	v0 =	vadd.f32 v8, v0;
	_ =	sdelay $0x1  }
0x5d8: {  	[tilespmem:s26+$0x400] =	vst v0  }
0x5d9: {  	v0 =	vld [tilespmem:$0x1DAD0]  }
0x5da: {  	v6 =	vsub.f32 v37, v43  }
0x5db: {  	v8 =	vld [tilespmem:$0x1DC50]  }
0x5dc: {  	v6 =	vmul.f32 v51, v6;
	_ =	sdelay $0x1  }
0x5dd: {  	v0 =	vmul.f32 v0, v6;
	_ =	sdelay $0x1  }
0x5de: {  	v0 =	vadd.f32 v8, v0;
	_ =	sdelay $0x1  }
0x5df: {  	[tilespmem:s5+$0x400] =	vst v0  }
0x5e0: {  	v0 =	vld [tilespmem:$0x1DAE0]  }
0x5e1: {  	v6 =	vsub.f32 v35, v43  }
0x5e2: {  	v8 =	vld [tilespmem:$0x1DC60]  }
0x5e3: {  	v6 =	vmul.f32 v51, v6;
	_ =	sdelay $0x1  }
0x5e4: {  	v0 =	vmul.f32 v0, v6;
	_ =	sdelay $0x1  }
0x5e5: {  	v0 =	vadd.f32 v8, v0;
	_ =	sdelay $0x1  }
0x5e6: {  	[tilespmem:s4+$0x400] =	vst v0  }
0x5e7: {  	v0 =	vld [tilespmem:$0x1DAF0]  }
0x5e8: {  	v6 =	vsub.f32 v32, v43  }
0x5e9: {  	v8 =	vld [tilespmem:$0x1DC70]  }
0x5ea: {  	v6 =	vmul.f32 v51, v6;
	_ =	sdelay $0x1  }
0x5eb: {  	v0 =	vmul.f32 v0, v6;
	_ =	sdelay $0x1  }
0x5ec: {  	v0 =	vadd.f32 v8, v0;
	_ =	sdelay $0x1  }
0x5ed: {  	[tilespmem:s3+$0x400] =	vst v0  }
0x5ee: {  	v0 =	vld [tilespmem:$0x1DB00]  }
0x5ef: {  	v6 =	vsub.f32 v38, v43  }
0x5f0: {  	v8 =	vld [tilespmem:$0x1DC80]  }
0x5f1: {  	v6 =	vmul.f32 v51, v6;
	_ =	sdelay $0x1  }
0x5f2: {  	v0 =	vmul.f32 v0, v6;
	_ =	sdelay $0x1  }
0x5f3: {  	v0 =	vadd.f32 v8, v0;
	_ =	sdelay $0x1  }
0x5f4: {  	[tilespmem:s30+$0x400] =	vst v0  }
0x5f5: {  	v0 =	vld [tilespmem:$0x1DB10]  }
0x5f6: {  	v6 =	vsub.f32 v34, v43  }
0x5f7: {  	v8 =	vld [tilespmem:$0x1DC90]  }
0x5f8: {  	v6 =	vmul.f32 v51, v6;
	_ =	sdelay $0x1  }
0x5f9: {  	v0 =	vmul.f32 v0, v6;
	_ =	sdelay $0x1  }
0x5fa: {  	v0 =	vadd.f32 v8, v0;
	_ =	sdelay $0x1  }
0x5fb: {  	[tilespmem:s2+$0x400] =	vst v0  }
0x5fc: {  	v0 =	vld [tilespmem:$0x1DB20]  }
0x5fd: {  	v6 =	vsub.f32 v33, v43  }
0x5fe: {  	v8 =	vld [tilespmem:$0x1DCA0]  }
0x5ff: {  	v6 =	vmul.f32 v51, v6;
	_ =	sdelay $0x1  }
0x600: {  	v0 =	vmul.f32 v0, v6;
	_ =	sdelay $0x1  }
0x601: {  	v0 =	vadd.f32 v8, v0;
	_ =	sdelay $0x1  }
0x602: {  	[tilespmem:s21+$0x400] =	vst v0  }
0x603: {  	v0 =	vld [tilespmem:$0x1DB30]  }
0x604: {  	v6 =	vsub.f32 v31, v43  }
0x605: {  	v8 =	vld [tilespmem:$0x1DCB0]  }
0x606: {  	v6 =	vmul.f32 v51, v6;
	_ =	sdelay $0x1  }
0x607: {  	v0 =	vmul.f32 v0, v6;
	_ =	sdelay $0x1  }
0x608: {  	v36 =	vadd.f32 v8, v0  }
.LBB2_14:
0x609: {  	s31 =	sand.u32 $0x380, s17  }
0x60a: {  	s21 =	sor.u32 s22, s31  }
0x60b: {  	v6 =	vld [tilespmem:s21+$0x400]  }
0x60c: {  	v32 =	vld [tilespmem:s21+$0x6400]  }
0x60d: {  	v33 =	vld [tilespmem:s21+$0x410]  }
0x60e: {  	v35 =	vld [tilespmem:s21+$0x6410]  }
0x60f: {  	v37 =	vld [tilespmem:s21+$0x420]  }
0x610: {  	s0 =	sadd.s32 $0x1, s0;
	v39 =	vld [tilespmem:s21+$0x6420]  }
0x611: {  	v0 =	vmov s0;
	v40 =	vld [tilespmem:s21+$0x430]  }
0x612: {  	v42 =	vld [tilespmem:s21+$0x6430]  }
0x613: {  	v43 =	vld [tilespmem:s21+$0x440]  }
0x614: {  	v45 =	vld [tilespmem:s21+$0x6440]  }
0x615: {  	v46 =	vld [tilespmem:s21+$0x450]  }
0x616: {  	v31 =	vld.idx.msk [tilespmem:v0+s8+$0x0], $0xffff  }
0x617: {  	v56 =	vld [tilespmem:s21+$0x470]  }
0x618: {  	s13 =	sor.u32 s31, s29;
	v57 =	vld [tilespmem:s21+$0x6470]  }
0x619: {  	v59 =	vld [tilespmem:s13+$0x400]  }
0x61a: {  	v6 =	vadd.f32 v32, v6;
	v32 =	vld [tilespmem:s13+$0x6400]  }
0x61b: {  	v48 =	vld [tilespmem:s21+$0x6450];
	v0 =	vadd.s32 v4, v31  }
0x61c: {  	v51 =	vld [tilespmem:s21+$0x460];
	v8 =	vadd.s32 v9, v31  }
0x61d: {  	v54 =	vld [tilespmem:s21+$0x6460];
	v34 =	vadd.s32 v10, v31  }
0x61e: {  	v62 =	vadd.f32 v57, v56;
	v56 =	vld [tilespmem:s13+$0x6440];
	v38 =	vadd.s32 v11, v31  }
0x61f: {  	v41 =	vadd.s32 v12, v31;
	v32 =	vadd.f32 v32, v59;
	v59 =	vld [tilespmem:s13+$0x6460]  }
0x620: {  	v44 =	vadd.s32 v13, v31;
	v0 =	vld.idx.msk [tilespmem:v0+s23+$0x0], $0xffff  }
0x621: {  	v47 =	vadd.s32 v14, v31;
	v8 =	vld.idx.msk [tilespmem:v8+s23+$0x0], $0xffff  }
0x622: {  	v49 =	vadd.s32 v15, v31;
	v34 =	vld.idx.msk [tilespmem:v34+s23+$0x0], $0xffff  }
0x623: {  	v60 =	vadd.s32 v16, v31;
	v38 =	vld.idx.msk [tilespmem:v38+s23+$0x0], $0xffff  }
0x624: {  	v50 =	vadd.s32 v17, v31;
	v41 =	vld.idx.msk [tilespmem:v41+s23+$0x0], $0xffff  }
0x625: {  	v44 =	vld.idx.msk [tilespmem:v44+s23+$0x0], $0xffff  }
0x626: {  	v55 =	vld.idx.msk [tilespmem:v47+s23+$0x0], $0xffff  }
0x627: {  	v37 =	vadd.f32 v39, v37;
	v58 =	vld.idx.msk [tilespmem:v49+s23+$0x0], $0xffff  }
0x628: {  	v33 =	vadd.f32 v35, v33;
	v40 =	vadd.f32 v42, v40;
	v39 =	vld.idx.msk [tilespmem:v60+s23+$0x0], $0xffff  }
0x629: {  	v61 =	vadd.f32 v45, v43;
	v46 =	vadd.f32 v48, v46;
	v42 =	vld.idx.msk [tilespmem:v50+s23+$0x0], $0xffff  }
0x62a: {  	v53 =	vadd.f32 v0, v6;
	v0 =	vld [tilespmem:s13+$0x410];
	v49 =	vadd.f32 v34, v37  }
0x62b: {  	v60 =	vadd.s32 v19, v31;
	v34 =	vld [tilespmem:s13+$0x6410];
	v52 =	vadd.f32 v8, v33;
	v50 =	vadd.f32 v38, v40  }
0x62c: {  	v6 =	vadd.s32 v18, v31;
	v33 =	vld [tilespmem:s13+$0x420];
	v47 =	vadd.f32 v41, v61;
	v48 =	vadd.f32 v44, v46  }
0x62d: {  	v40 =	vld [tilespmem:s13+$0x6420];
	v44 =	vadd.f32 v54, v51;
	v37 =	vmul.f32 v53, v53;
	v8 =	vmul.f32 v49, v49  }
0x62e: {  	v38 =	vld [tilespmem:s13+$0x430];
	v41 =	vadd.s32 v20, v31;
	v35 =	vadd.f32 $0.0e+00, v53;
	v43 =	vadd.f32 $0.0e+00, v52  }
0x62f: {  	v61 =	vld [tilespmem:s13+$0x6430];
	v45 =	vmul.f32 v52, v52;
	v8 =	vadd.f32 v8, v37;
	v37 =	vmul.f32 v50, v50  }
0x630: {  	v60 =	vld.idx.msk [tilespmem:v60+s23+$0x0], $0xffff;
	v54 =	vadd.s32 v21, v31;
	v46 =	vadd.f32 v55, v44;
	v44 =	vadd.f32 v39, v32  }
0x631: {  	v51 =	vld [tilespmem:s13+$0x440];
	v35 =	vadd.f32 v49, v35;
	v37 =	vadd.f32 v37, v45;
	v45 =	vmul.f32 v47, v47  }
0x632: {  	v32 =	vld [tilespmem:s13+$0x6450];
	v43 =	vadd.f32 v50, v43;
	v0 =	vadd.f32 v34, v0  }
0x633: {  	v63 =	vmul.f32 v48, v48;
	v6 =	vld.idx.msk [tilespmem:v6+s23+$0x0], $0xffff;
	v8 =	vadd.f32 v45, v8;
	v45 =	vadd.f32 v58, v62  }
0x634: {  	v55 =	vld.idx.msk [tilespmem:v41+s23+$0x0], $0xffff;
	v33 =	vadd.f32 v40, v33;
	v39 =	vadd.f32 v42, v0;
	v62 =	vmul.f32 v46, v46  }
0x635: {  	v34 =	vld [tilespmem:s13+$0x450];
	v42 =	vadd.s32 v22, v31;
	v37 =	vadd.f32 v63, v37;
	v63 =	vmul.f32 v45, v45  }
0x636: {  	v0 =	vld.idx.msk [tilespmem:v54+s23+$0x0], $0xffff;
	v58 =	vadd.s32 v23, v31;
	v8 =	vadd.f32 v62, v8;
	v62 =	vmul.f32 v44, v44  }
0x637: {  	v35 =	vadd.f32 v47, v35;
	v54 =	vld [tilespmem:s13+$0x460];
	v57 =	vmul.f32 v39, v39;
	v37 =	vadd.f32 v63, v37  }
0x638: {  	v41 =	vadd.f32 v6, v33;
	v6 =	vld [tilespmem:s13+$0x6470];
	v8 =	vadd.f32 v62, v8  }
0x639: {  	v62 =	vld [tilespmem:s13+$0x470];
	v63 =	vadd.f32 v56, v51;
	v57 =	vadd.f32 v57, v37  }
0x63a: {  	v37 =	vadd.f32 v61, v38;
	v38 =	vadd.f32 v48, v43;
	v43 =	vld.idx.msk [tilespmem:v42+s23+$0x0], $0xffff  }
0x63b: {  	s0 =	sor.u32 s31, s28;
	v32 =	vadd.f32 v32, v34;
	v51 =	vld.idx.msk [tilespmem:v58+s23+$0x0], $0xffff  }
0x63c: {  	v34 =	vld [tilespmem:s0+$0x400];
	v56 =	vadd.s32 v25, v31;
	v61 =	vadd.f32 v46, v35;
	v40 =	vadd.f32 v55, v63  }
0x63d: {  	v33 =	vadd.s32 v24, v31;
	v58 =	vld [tilespmem:s0+$0x420];
	v63 =	vadd.f32 v59, v54;
	v42 =	vadd.f32 v60, v37  }
0x63e: {  	v54 =	vld [tilespmem:s0+$0x6400];
	v60 =	vmul.f32 v41, v41;
	v37 =	vadd.f32 v0, v32;
	v0 =	vadd.f32 v6, v62  }
0x63f: {  	v38 =	vadd.f32 v45, v38;
	v59 =	vmul.f32 v42, v42;
	v35 =	vadd.f32 v43, v63;
	v43 =	vld [tilespmem:s0+$0x410]  }
0x640: {  	v8 =	vadd.f32 v60, v8;
	v60 =	vmul.f32 v40, v40;
	v32 =	vadd.f32 v51, v0;
	v0 =	vld [tilespmem:s0+$0x6410]  }
0x641: {  	v62 =	vmul.f32 v37, v37;
	v51 =	vld.idx.msk [tilespmem:v56+s23+$0x0], $0xffff;
	v56 =	vadd.s32 v26, v31;
	v55 =	vadd.f32 v59, v57  }
0x642: {  	v6 =	vld.idx.msk [tilespmem:v33+s23+$0x0], $0xffff;
	v31 =	vadd.s32 v27, v31;
	v8 =	vadd.f32 v60, v8;
	v63 =	vmul.f32 v35, v35  }
0x643: {  	v33 =	vld [tilespmem:s0+$0x6420];
	v34 =	vadd.f32 v54, v34;
	v60 =	vmul.f32 v32, v32;
	v55 =	vadd.f32 v62, v55  }
0x644: {  	v59 =	vadd.f32 v44, v61;
	v57 =	vld [tilespmem:s0+$0x430];
	v8 =	vadd.f32 v63, v8  }
0x645: {  	v62 =	vld [tilespmem:s0+$0x6430];
	v55 =	vadd.f32 v60, v55;
	v60 =	vadd.f32 v39, v38  }
0x646: {  	v63 =	vadd.f32 v41, v59;
	v0 =	vadd.f32 v0, v43;
	v56 =	vld.idx.msk [tilespmem:v56+s23+$0x0], $0xffff  }
0x647: {  	v38 =	vadd.f32 v6, v34;
	v31 =	vld.idx.msk [tilespmem:v31+s23+$0x0], $0xffff;
	v6 =	vadd.f32 v42, v60  }
0x648: {  	v34 =	vadd.f32 v51, v0  }
0x649: {  	v0 =	vadd.f32 v40, v63;
	v6 =	vadd.f32 v37, v6  }
0x64a: {  	v33 =	vadd.f32 v33, v58;
	v58 =	vadd.f32 v62, v57  }
0x64b: {  	v59 =	vmul.f32 v38, v38;
	v0 =	vadd.f32 v35, v0;
	v6 =	vadd.f32 v32, v6  }
0x64c: {  	v60 =	vmul.f32 v34, v34;
	v33 =	vadd.f32 v56, v33;
	v31 =	vadd.f32 v31, v58  }
0x64d: {  	v0 =	vadd.f32 v38, v0;
	v6 =	vadd.f32 v34, v6  }
0x64e: {  	v8 =	vadd.f32 v59, v8;
	v43 =	vadd.f32 v60, v55;
	v61 =	vmul.f32 v33, v33  }
0x64f: {  	v62 =	vmul.f32 v31, v31;
	v0 =	vadd.f32 v33, v0;
	v6 =	vadd.f32 v31, v6  }
0x650: {  	v8 =	vadd.f32 v61, v8  }
0x651: {  	v43 =	vadd.f32 v62, v43;
	v0 =	vadd.f32 v6, v0;
	_ =	sdelay $0x1  }
0x652: {  	v8 =	vadd.f32 v43, v8;
	v6 =	vperm.xlane v0, v28;
	_ =	sdelay $0x1  }
0x653: {  	v0 =	vadd.f32 v0, v6;
	v6 =	vperm.xlane v8, v28;
	_ =	sdelay $0x1  }
0x654: {  	v63 =	vperm.xlane v0, v29;
	v6 =	vadd.f32 v6, v8;
	_ =	sdelay $0x1  }
0x655: {  	v0 =	vadd.f32 v0, v63;
	v8 =	vperm.xlane v6, v29;
	_ =	sdelay $0x1  }
0x656: {  	v43 =	vperm.xlane v0, v30;
	v6 =	vadd.f32 v8, v6;
	_ =	sdelay $0x1  }
0x657: {  	v0 =	vadd.f32 v0, v43;
	v8 =	vperm.xlane v6, v30;
	_ =	sdelay $0x1  }
0x658: {  	v43 =	vperm.xlane v0, v5;
	v6 =	vadd.f32 v8, v6;
	_ =	sdelay $0x1  }
0x659: {  	v0 =	vadd.f32 v0, v43;
	v8 =	vperm.xlane v6, v5;
	_ =	sdelay $0x1  }
0x65a: {  	v6 =	vadd.f32 v8, v6;
	v43 =	vmul.f32 $3.205128250e-03, v0;
	_ =	sdelay $0x1  }
0x65b: {  	v0 =	vmul.f32 $3.205128250e-03, v6;
	v6 =	vmul.f32 v43, v43;
	_ =	sdelay $0x1  }
0x65c: {  	v0 =	vsub.f32 v0, v6;
	_ =	sdelay $0x1  }
0x65d: {  	v0 =	vmax.f32 v0, $0.0e+00  }
0x65e: {  	v0 =	vadd.f32 $9.999999960e-13, v0;
	_ =	sdelay $0x1  }
0x65f: {  	v6 =	vshrl.u32 v0, $0x1;
	v0 =	vmul.f32 $5.000000000e-01, v0  }
0x660: {  	v6 =	vsub.s32 $0x5F3759DF, v6  }
0x661: {  	v8 =	vmul.f32 v6, v0;
	_ =	sdelay $0x1  }
0x662: {  	v8 =	vmul.f32 v6, v8;
	_ =	sdelay $0x1  }
0x663: {  	v8 =	vsub.f32 $1.500000000e+00, v8;
	_ =	sdelay $0x1  }
0x664: {  	v6 =	vmul.f32 v6, v8;
	_ =	sdelay $0x1  }
0x665: {  	v8 =	vmul.f32 v6, v0;
	_ =	sdelay $0x1  }
0x666: {  	v8 =	vmul.f32 v8, v6;
	_ =	sdelay $0x1  }
0x667: {  	v8 =	vsub.f32 $1.500000000e+00, v8;
	_ =	sdelay $0x1  }
0x668: {  	v6 =	vmul.f32 v8, v6;
	_ =	sdelay $0x1  }
0x669: {  	v0 =	vmul.f32 v6, v0;
	_ =	sdelay $0x1  }
0x66a: {  	v0 =	vmul.f32 v0, v6  }
0x66b: {  	s2 =	sor.u32 $0x30, s30;
	s6 =	sor.u32 $0x10, s21;
	s11 =	sor.u32 $0x20, s21  }
.Ltmp13:
0x66c: {  	s1 =	sor.u32 $0x30, s21;
	s24 =	sor.u32 $0x40, s21;
	v0 =	vsub.f32 $1.500000000e+00, v0;
	(pc) =	sbr.rel @p0 .LBB2_16-.Ltmp13, $4  }
0x66d: {  	s12 =	sor.u32 $0x50, s21;
	s16 =	sor.u32 $0x60, s21;
	s15 =	sor.u32 $0x70, s21  }
0x66e: {  	s9 =	sor.u32 $0x10, s13;
	s26 =	sor.u32 $0x20, s13;
	s14 =	sor.u32 $0x30, s13;
	v51 =	vmul.f32 v0, v6;
	v0 =	vsub.f32 v53, v43  }
0x66f: {  	s25 =	sor.u32 $0x40, s13;
	s5 =	sor.u32 $0x50, s13;
	s4 =	sor.u32 $0x60, s13  }
0x670: {  	[tilespmem:s2+$0x400] =	vst v36;
	s3 =	sor.u32 $0x70, s13;
	s2 =	sor.u32 $0x10, s0;
	s22 =	sor.u32 $0x20, s0;
	v36 =	vmul.f32 v51, v0  }
0x671: {  	v0 =	vsub.f32 v52, v43  }
0x672: {  	v6 =	vsub.f32 v49, v43  }
0x673: {  	v8 =	vsub.f32 v50, v43;
	v0 =	vmul.f32 v51, v0  }
0x674: {  	v57 =	vsub.f32 v47, v43;
	[tilespmem:s21+$0x400] =	vst v36;
	v6 =	vmul.f32 v51, v6  }
0x675: {  	[tilespmem:s6+$0x400] =	vst v0;
	v0 =	vmul.f32 v51, v8;
	v8 =	vsub.f32 v48, v43  }
0x676: {  	v58 =	vsub.f32 v46, v43;
	[tilespmem:s11+$0x400] =	vst v6;
	v6 =	vmul.f32 v51, v57  }
0x677: {  	[tilespmem:s1+$0x400] =	vst v0;
	v0 =	vmul.f32 v51, v8;
	v8 =	vsub.f32 v45, v43  }
0x678: {  	v59 =	vsub.f32 v44, v43;
	[tilespmem:s24+$0x400] =	vst v6;
	v6 =	vmul.f32 v51, v58  }
0x679: {  	[tilespmem:s12+$0x400] =	vst v0;
	v0 =	vmul.f32 v51, v8;
	v8 =	vsub.f32 v39, v43  }
0x67a: {  	v60 =	vsub.f32 v41, v43;
	[tilespmem:s16+$0x400] =	vst v6;
	v6 =	vmul.f32 v51, v59  }
0x67b: {  	[tilespmem:s15+$0x400] =	vst v0;
	v0 =	vmul.f32 v51, v8;
	v8 =	vsub.f32 v42, v43  }
0x67c: {  	v61 =	vsub.f32 v40, v43;
	[tilespmem:s13+$0x400] =	vst v6;
	v6 =	vmul.f32 v51, v60  }
0x67d: {  	[tilespmem:s9+$0x400] =	vst v0;
	v0 =	vmul.f32 v51, v8;
	v8 =	vsub.f32 v37, v43  }
0x67e: {  	v35 =	vsub.f32 v35, v43;
	[tilespmem:s26+$0x400] =	vst v6;
	v6 =	vmul.f32 v51, v61  }
0x67f: {  	[tilespmem:s14+$0x400] =	vst v0;
	v0 =	vmul.f32 v51, v8;
	v8 =	vsub.f32 v32, v43  }
0x680: {  	v62 =	vsub.f32 v38, v43;
	[tilespmem:s25+$0x400] =	vst v6;
	v6 =	vmul.f32 v51, v35  }
0x681: {  	[tilespmem:s5+$0x400] =	vst v0;
	v0 =	vmul.f32 v51, v8;
	v8 =	vsub.f32 v34, v43  }
.Ltmp14:
0x682: {  	v63 =	vsub.f32 v33, v43;
	[tilespmem:s4+$0x400] =	vst v6;
	v6 =	vmul.f32 v51, v62;
	(pc) =	sbr.rel .LBB2_17-.Ltmp14, $4  }
0x683: {  	[tilespmem:s3+$0x400] =	vst v0;
	v0 =	vmul.f32 v51, v8  }
0x684: {  	v8 =	vsub.f32 v31, v43;
	[tilespmem:s0+$0x400] =	vst v6;
	v6 =	vmul.f32 v51, v63  }
0x685: {  	[tilespmem:s2+$0x400] =	vst v0  }
0x686: {  	v31 =	vmul.f32 v51, v8;
	[tilespmem:s22+$0x400] =	vst v6  }
.LBB2_18:
0x687: {  	s0 =	rddreg [dreg:$0x17]  }
0x688: {  	s0 =	smul.u32 $0x180, s0  }
0x689: {  	s1 =	rddreg [dreg:$0xc];
	s29 =	simm.s32 $0x0  }
0x68a: {  	s2 =	simm.s32 $0x400;
	s30 =	simm.s32 $0x3;
	s0 =	sadd.s32 s1, s0  }
0x68b: {  	[hbm4b:s0+s29] =	stream.linear.scatter [tilespmem:s2], [sflag:$0x3], $0x6000, $0x38;
	[tilespmem:$0x1DD80] =	vst v63  }
0x68c: {  	_ =	swait.ge [sflag:s30], $0x6000  }
0x68d: {  	s31 =	rddreg [dreg:$0x14]  }
0x68e: {  	p1 =	seq.s32 s31, $0xF  }
.Ltmp15:
0x68f: {  	_ = 	snop;
	(pc) =	sbr.rel @p1 .LBB2_20-.Ltmp15, $3  }
0x690: {  	_ =	sdelay $0x1  }
0x691: {  	[sflag:s30] =	ssyncset.done $0x0  }
0x692: {  	[sflag:s30] =	ssyncadd.s32 $0xFFFFA000  }
0x693: {  	s0 =	rddreg [dreg:$0x11]  }
0x694: {  	s1 =	rddreg [dreg:$0x16]  }
0x695: {  	s0 =	sadd.s32 s1, s0  }
0x696: {  	s11 =	rddreg [dreg:$0x2];
	s0 =	sshrl.u32 s0, $0x3  }
0x697: {  	s2 =	simm.s32 $0x0;
	s3 =	simm.s32 $0x5;
	s1 =	sadd.s32 s11, s0  }
0x698: {  	[tilespmem:s2], [sflag:$0x5] =	stream.linear.gather [hbm4b:s1+s2], $0x40, $0x38;
	[tilespmem:$0x1DD80] =	vst v63  }
0x699: {  	_ =	swait.ge [sflag:s3], $0x40  }
0x69a: {  	[sflag:s3] =	ssyncset.done $0x0;
	s12 =	rddreg [dreg:$0x3]  }
0x69b: {  	s4 =	simm.s32 $0x80;
	[sflag:s3] =	ssyncadd.s32 $0xFFFFFFC0;
	s1 =	sadd.s32 s12, s0  }
0x69c: {  	[tilespmem:s4], [sflag:$0x5] =	stream.linear.gather [hbm4b:s1+s2], $0x40, $0x38;
	[tilespmem:$0x1DD80] =	vst v63  }
0x69d: {  	_ =	swait.ge [sflag:s3], $0x40  }
0x69e: {  	[sflag:s3] =	ssyncset.done $0x0;
	s13 =	rddreg [dreg:$0x4]  }
0x69f: {  	s14 =	simm.s32 $0x100;
	[sflag:s3] =	ssyncadd.s32 $0xFFFFFFC0;
	s1 =	sadd.s32 s13, s0  }
0x6a0: {  	[tilespmem:s14], [sflag:$0x5] =	stream.linear.gather [hbm4b:s1+s2], $0x40, $0x38;
	[tilespmem:$0x1DD80] =	vst v63  }
0x6a1: {  	_ =	swait.ge [sflag:s3], $0x40  }
0x6a2: {  	[sflag:s3] =	ssyncset.done $0x0;
	s15 =	rddreg [dreg:$0x5]  }
0x6a3: {  	s16 =	simm.s32 $0x180;
	[sflag:s3] =	ssyncadd.s32 $0xFFFFFFC0;
	s0 =	sadd.s32 s15, s0  }
0x6a4: {  	[tilespmem:s16], [sflag:$0x5] =	stream.linear.gather [hbm4b:s0+s2], $0x40, $0x38;
	[tilespmem:$0x1DD80] =	vst v63  }
0x6a5: {  	_ =	swait.ge [sflag:s3], $0x40  }
0x6a6: {  	[sflag:s3] =	ssyncset.done $0x0  }
0x6a7: {  	[sflag:s3] =	ssyncadd.s32 $0xFFFFFFC0  }
0x6a8: {  	v0 =	vld [tilespmem:$0x0];
	_ =	sdelay $0x3  }
0x6a9: {  	v8 =	vld [tilespmem:$0x1FFE0]  }
0x6aa: {  	v6 =	vshrl.u32 v0, $0x3  }
0x6ab: {  	v6 =	vmul.u32 $0x18, v6  }
0x6ac: {  	v0 =	vand.u32 $0x7, v0  }
0x6ad: {  	v31 =	vld [tilespmem:$0x1FFF0];
	v0 =	vor.u32 v0, v6  }
0x6ae: {  	v6 =	vperm.xlane v0, v8;
	_ =	sdelay $0x1  }
0x6af: {  	v6 =	vadd.s32 v7, v6;
	_ =	sdelay $0x1  }
0x6b0: {  	v0 =	vperm.xlane v0, v31;
	_ =	sdelay $0x1  }
0x6b1: {  	s18 =	simm.s32 $0x400;
	s17 =	rddreg [dreg:$0x6];
	v0 =	vadd.s32 v7, v0  }
0x6b2: {  	[tilespmem:s18], [sflag:$0x1] =	stream.indirect_vreg.gather [hbm4b:s17+s2], $0x80, v6, vm1, $0xb8;
	[tilespmem:$0x1DD80] =	vst v63  }
0x6b3: {  	s21 =	simm.s32 $0xC00  }
0x6b4: {  	[tilespmem:s21], [sflag:$0x1] =	stream.indirect_vreg.gather [hbm4b:s19+s2], $0x80, v6, vm0, $0xb8;
	[tilespmem:$0x1DD80] =	vst v63  }
0x6b5: {  	s22 =	simm.s32 $0x1000  }
0x6b6: {  	[tilespmem:s22], [sflag:$0x1] =	stream.indirect_vreg.gather [hbm4b:s17+s2], $0x80, v0, vm1, $0xb8;
	[tilespmem:$0x1DD80] =	vst v63  }
0x6b7: {  	s24 =	simm.s32 $0x1800  }
0x6b8: {  	[tilespmem:s24], [sflag:$0x1] =	stream.indirect_vreg.gather [hbm4b:s19+s2], $0x80, v0, vm0, $0xb8;
	[tilespmem:$0x1DD80] =	vst v63  }
0x6b9: {  	v0 =	vld [tilespmem:$0x10];
	_ =	sdelay $0x4  }
0x6ba: {  	v6 =	vshrl.u32 v0, $0x3  }
0x6bb: {  	v6 =	vmul.u32 $0x18, v6  }
0x6bc: {  	v0 =	vand.u32 $0x7, v0  }
0x6bd: {  	v0 =	vor.u32 v0, v6  }
0x6be: {  	v6 =	vperm.xlane v0, v8;
	_ =	sdelay $0x1  }
0x6bf: {  	v6 =	vadd.s32 v7, v6;
	_ =	sdelay $0x1  }
0x6c0: {  	v0 =	vperm.xlane v0, v31;
	_ =	sdelay $0x1  }
0x6c1: {  	s25 =	simm.s32 $0x1C00;
	v0 =	vadd.s32 v7, v0  }
0x6c2: {  	[tilespmem:s25], [sflag:$0x1] =	stream.indirect_vreg.gather [hbm4b:s17+s2], $0x80, v6, vm1, $0xb8;
	[tilespmem:$0x1DD80] =	vst v63  }
0x6c3: {  	s26 =	simm.s32 $0x2400  }
0x6c4: {  	[tilespmem:s26], [sflag:$0x1] =	stream.indirect_vreg.gather [hbm4b:s19+s2], $0x80, v6, vm0, $0xb8;
	[tilespmem:$0x1DD80] =	vst v63  }
0x6c5: {  	s28 =	simm.s32 $0x2800  }
0x6c6: {  	[tilespmem:s28], [sflag:$0x1] =	stream.indirect_vreg.gather [hbm4b:s17+s2], $0x80, v0, vm1, $0xb8;
	[tilespmem:$0x1DD80] =	vst v63  }
0x6c7: {  	s29 =	simm.s32 $0x3000  }
0x6c8: {  	[tilespmem:s29], [sflag:$0x1] =	stream.indirect_vreg.gather [hbm4b:s19+s2], $0x80, v0, vm0, $0xb8;
	[tilespmem:$0x1DD80] =	vst v63  }
0x6c9: {  	v0 =	vld [tilespmem:$0x20];
	_ =	sdelay $0x4  }
0x6ca: {  	v6 =	vshrl.u32 v0, $0x3  }
0x6cb: {  	v6 =	vmul.u32 $0x18, v6  }
0x6cc: {  	v0 =	vand.u32 $0x7, v0  }
0x6cd: {  	v0 =	vor.u32 v0, v6  }
0x6ce: {  	v6 =	vperm.xlane v0, v8;
	_ =	sdelay $0x1  }
0x6cf: {  	v6 =	vadd.s32 v7, v6;
	_ =	sdelay $0x1  }
0x6d0: {  	v0 =	vperm.xlane v0, v31;
	_ =	sdelay $0x1  }
0x6d1: {  	s30 =	simm.s32 $0x3400;
	v0 =	vadd.s32 v7, v0  }
0x6d2: {  	[tilespmem:s30], [sflag:$0x1] =	stream.indirect_vreg.gather [hbm4b:s17+s2], $0x80, v6, vm1, $0xb8;
	[tilespmem:$0x1DD80] =	vst v63  }
0x6d3: {  	s31 =	simm.s32 $0x3C00  }
0x6d4: {  	[tilespmem:s31], [sflag:$0x1] =	stream.indirect_vreg.gather [hbm4b:s19+s2], $0x80, v6, vm0, $0xb8;
	[tilespmem:$0x1DD80] =	vst v63  }
0x6d5: {  	s3 =	simm.s32 $0x4000  }
0x6d6: {  	[tilespmem:s3], [sflag:$0x1] =	stream.indirect_vreg.gather [hbm4b:s17+s2], $0x80, v0, vm1, $0xb8;
	[tilespmem:$0x1DD80] =	vst v63  }
0x6d7: {  	s4 =	simm.s32 $0x4800  }
0x6d8: {  	[tilespmem:s4], [sflag:$0x1] =	stream.indirect_vreg.gather [hbm4b:s19+s2], $0x80, v0, vm0, $0xb8;
	[tilespmem:$0x1DD80] =	vst v63  }
0x6d9: {  	v0 =	vld [tilespmem:$0x30];
	_ =	sdelay $0x4  }
0x6da: {  	v6 =	vshrl.u32 v0, $0x3  }
0x6db: {  	v6 =	vmul.u32 $0x18, v6  }
0x6dc: {  	v0 =	vand.u32 $0x7, v0  }
0x6dd: {  	v0 =	vor.u32 v0, v6  }
0x6de: {  	v6 =	vperm.xlane v0, v8;
	_ =	sdelay $0x1  }
0x6df: {  	v6 =	vadd.s32 v7, v6;
	_ =	sdelay $0x1  }
0x6e0: {  	v0 =	vperm.xlane v0, v31;
	_ =	sdelay $0x1  }
0x6e1: {  	s5 =	simm.s32 $0x4C00;
	v0 =	vadd.s32 v7, v0  }
0x6e2: {  	[tilespmem:s5], [sflag:$0x1] =	stream.indirect_vreg.gather [hbm4b:s17+s2], $0x80, v6, vm1, $0xb8;
	[tilespmem:$0x1DD80] =	vst v63  }
0x6e3: {  	s6 =	simm.s32 $0x5400  }
0x6e4: {  	[tilespmem:s6], [sflag:$0x1] =	stream.indirect_vreg.gather [hbm4b:s19+s2], $0x80, v6, vm0, $0xb8;
	[tilespmem:$0x1DD80] =	vst v63  }
0x6e5: {  	s9 =	simm.s32 $0x5800  }
0x6e6: {  	[tilespmem:s9], [sflag:$0x1] =	stream.indirect_vreg.gather [hbm4b:s17+s2], $0x80, v0, vm1, $0xb8;
	[tilespmem:$0x1DD80] =	vst v63  }
0x6e7: {  	s11 =	simm.s32 $0x6000  }
0x6e8: {  	[tilespmem:s11], [sflag:$0x1] =	stream.indirect_vreg.gather [hbm4b:s19+s2], $0x80, v0, vm0, $0xb8;
	[tilespmem:$0x1DD80] =	vst v63  }
0x6e9: {  	v0 =	vld [tilespmem:$0x80];
	_ =	sdelay $0x4  }
0x6ea: {  	v6 =	vshrl.u32 v0, $0x3  }
0x6eb: {  	v6 =	vmul.u32 $0x18, v6  }
0x6ec: {  	v0 =	vand.u32 $0x7, v0  }
0x6ed: {  	v0 =	vor.u32 v0, v6  }
0x6ee: {  	v6 =	vperm.xlane v0, v8;
	_ =	sdelay $0x1  }
0x6ef: {  	v6 =	vadd.s32 v7, v6;
	_ =	sdelay $0x1  }
0x6f0: {  	v0 =	vperm.xlane v0, v31;
	_ =	sdelay $0x1  }
0x6f1: {  	s12 =	simm.s32 $0x6400;
	v0 =	vadd.s32 v7, v0  }
0x6f2: {  	[tilespmem:s12], [sflag:$0x1] =	stream.indirect_vreg.gather [hbm4b:s7+s2], $0x80, v6, vm1, $0xb8;
	[tilespmem:$0x1DD80] =	vst v63  }
0x6f3: {  	s13 =	simm.s32 $0x6C00  }
0x6f4: {  	[tilespmem:s13], [sflag:$0x1] =	stream.indirect_vreg.gather [hbm4b:s20+s2], $0x80, v6, vm0, $0xb8;
	[tilespmem:$0x1DD80] =	vst v63  }
0x6f5: {  	s14 =	simm.s32 $0x7000  }
0x6f6: {  	[tilespmem:s14], [sflag:$0x1] =	stream.indirect_vreg.gather [hbm4b:s7+s2], $0x80, v0, vm1, $0xb8;
	[tilespmem:$0x1DD80] =	vst v63  }
0x6f7: {  	s15 =	simm.s32 $0x7800  }
0x6f8: {  	[tilespmem:s15], [sflag:$0x1] =	stream.indirect_vreg.gather [hbm4b:s20+s2], $0x80, v0, vm0, $0xb8;
	[tilespmem:$0x1DD80] =	vst v63  }
0x6f9: {  	v0 =	vld [tilespmem:$0x90];
	_ =	sdelay $0x4  }
0x6fa: {  	v6 =	vshrl.u32 v0, $0x3  }
0x6fb: {  	v6 =	vmul.u32 $0x18, v6  }
0x6fc: {  	v0 =	vand.u32 $0x7, v0  }
0x6fd: {  	v0 =	vor.u32 v0, v6  }
0x6fe: {  	v6 =	vperm.xlane v0, v8;
	_ =	sdelay $0x1  }
0x6ff: {  	v6 =	vadd.s32 v7, v6;
	_ =	sdelay $0x1  }
0x700: {  	v0 =	vperm.xlane v0, v31;
	_ =	sdelay $0x1  }
0x701: {  	s16 =	simm.s32 $0x7C00;
	v0 =	vadd.s32 v7, v0  }
0x702: {  	[tilespmem:s16], [sflag:$0x1] =	stream.indirect_vreg.gather [hbm4b:s7+s2], $0x80, v6, vm1, $0xb8;
	[tilespmem:$0x1DD80] =	vst v63  }
0x703: {  	s17 =	simm.s32 $0x8400  }
0x704: {  	[tilespmem:s17], [sflag:$0x1] =	stream.indirect_vreg.gather [hbm4b:s20+s2], $0x80, v6, vm0, $0xb8;
	[tilespmem:$0x1DD80] =	vst v63  }
0x705: {  	s18 =	simm.s32 $0x8800  }
0x706: {  	[tilespmem:s18], [sflag:$0x1] =	stream.indirect_vreg.gather [hbm4b:s7+s2], $0x80, v0, vm1, $0xb8;
	[tilespmem:$0x1DD80] =	vst v63  }
0x707: {  	s21 =	simm.s32 $0x9000  }
0x708: {  	[tilespmem:s21], [sflag:$0x1] =	stream.indirect_vreg.gather [hbm4b:s20+s2], $0x80, v0, vm0, $0xb8;
	[tilespmem:$0x1DD80] =	vst v63  }
0x709: {  	v0 =	vld [tilespmem:$0xA0];
	_ =	sdelay $0x4  }
0x70a: {  	v6 =	vshrl.u32 v0, $0x3  }
0x70b: {  	v6 =	vmul.u32 $0x18, v6  }
0x70c: {  	v0 =	vand.u32 $0x7, v0  }
0x70d: {  	v0 =	vor.u32 v0, v6  }
0x70e: {  	v6 =	vperm.xlane v0, v8;
	_ =	sdelay $0x1  }
0x70f: {  	v6 =	vadd.s32 v7, v6;
	_ =	sdelay $0x1  }
0x710: {  	v0 =	vperm.xlane v0, v31;
	_ =	sdelay $0x1  }
0x711: {  	s22 =	simm.s32 $0x9400;
	v0 =	vadd.s32 v7, v0  }
0x712: {  	[tilespmem:s22], [sflag:$0x1] =	stream.indirect_vreg.gather [hbm4b:s7+s2], $0x80, v6, vm1, $0xb8;
	[tilespmem:$0x1DD80] =	vst v63  }
0x713: {  	s24 =	simm.s32 $0x9C00  }
0x714: {  	[tilespmem:s24], [sflag:$0x1] =	stream.indirect_vreg.gather [hbm4b:s20+s2], $0x80, v6, vm0, $0xb8;
	[tilespmem:$0x1DD80] =	vst v63  }
0x715: {  	s25 =	simm.s32 $0xA000  }
0x716: {  	[tilespmem:s25], [sflag:$0x1] =	stream.indirect_vreg.gather [hbm4b:s7+s2], $0x80, v0, vm1, $0xb8;
	[tilespmem:$0x1DD80] =	vst v63  }
0x717: {  	s26 =	simm.s32 $0xA800  }
0x718: {  	[tilespmem:s26], [sflag:$0x1] =	stream.indirect_vreg.gather [hbm4b:s20+s2], $0x80, v0, vm0, $0xb8;
	[tilespmem:$0x1DD80] =	vst v63  }
0x719: {  	v0 =	vld [tilespmem:$0xB0];
	_ =	sdelay $0x4  }
0x71a: {  	v6 =	vshrl.u32 v0, $0x3  }
0x71b: {  	v6 =	vmul.u32 $0x18, v6  }
0x71c: {  	v0 =	vand.u32 $0x7, v0  }
0x71d: {  	v0 =	vor.u32 v0, v6  }
0x71e: {  	v6 =	vperm.xlane v0, v8;
	_ =	sdelay $0x1  }
0x71f: {  	v6 =	vadd.s32 v7, v6;
	_ =	sdelay $0x1  }
0x720: {  	v0 =	vperm.xlane v0, v31;
	_ =	sdelay $0x1  }
0x721: {  	s28 =	simm.s32 $0xAC00;
	v0 =	vadd.s32 v7, v0  }
0x722: {  	[tilespmem:s28], [sflag:$0x1] =	stream.indirect_vreg.gather [hbm4b:s7+s2], $0x80, v6, vm1, $0xb8;
	[tilespmem:$0x1DD80] =	vst v63  }
0x723: {  	s29 =	simm.s32 $0xB400  }
0x724: {  	[tilespmem:s29], [sflag:$0x1] =	stream.indirect_vreg.gather [hbm4b:s20+s2], $0x80, v6, vm0, $0xb8;
	[tilespmem:$0x1DD80] =	vst v63  }
0x725: {  	s30 =	simm.s32 $0xB800  }
0x726: {  	[tilespmem:s30], [sflag:$0x1] =	stream.indirect_vreg.gather [hbm4b:s7+s2], $0x80, v0, vm1, $0xb8;
	[tilespmem:$0x1DD80] =	vst v63  }
0x727: {  	s31 =	simm.s32 $0xC000  }
0x728: {  	[tilespmem:s31], [sflag:$0x1] =	stream.indirect_vreg.gather [hbm4b:s20+s2], $0x80, v0, vm0, $0xb8;
	[tilespmem:$0x1DD80] =	vst v63  }
.LBB2_20:
0x729: {  	s0 =	simm.s32 $0x2  }
0x72a: {  	_ =	swait.ge [sflag:s0], $0x6000  }
0x72b: {  	[sflag:s0] =	ssyncset.done $0x0  }
0x72c: {  	[sflag:s0] =	ssyncadd.s32 $0xFFFFA000  }
0x72d: {  	_ =	swait.ge [sflag:s0], $0x6000  }
0x72e: {  	[sflag:s0] =	ssyncset.done $0x0  }
0x72f: {  	[sflag:s0] =	ssyncadd.s32 $0xFFFFA000  }
0x730: {  	v0 =	vld [tilespmem:$0x300]  }
0x731: {  	v6 =	vld [tilespmem:$0x380]  }
0x732: {  	v8 =	vld [tilespmem:$0x310]  }
0x733: {  	v31 =	vld [tilespmem:$0x390]  }
0x734: {  	v32 =	vld [tilespmem:$0x320]  }
0x735: {  	v33 =	vld [tilespmem:$0x3A0]  }
0x736: {  	v34 =	vld [tilespmem:$0x330]  }
0x737: {  	v35 =	vld [tilespmem:$0x3B0]  }
0x738: {  	v0 =	vshll.u32 v0, $0x4  }
0x739: {  	v0 =	vadd.s32 v6, v0;
	v6 =	vshll.u32 v8, $0x4  }
0x73a: {  	v8 =	vshll.u32 v32, $0x4;
	v6 =	vadd.s32 v31, v6;
	v0 =	vmul.u32 $0x140, v0  }
.Ltmp16:
0x73b: {  	v8 =	vadd.s32 v33, v8;
	v31 =	vshll.u32 v34, $0x4;
	v6 =	vmul.u32 $0x140, v6;
	(pc) =	sbr.rel .LBB2_21-.Ltmp16, $4  }
0x73c: {  	v8 =	vmul.u32 $0x140, v8;
	[tilespmem:$0x1DD00] =	vst v0;
	v0 =	vadd.s32 v35, v31  }
0x73d: {  	[tilespmem:$0x1DD10] =	vst v6;
	v0 =	vmul.u32 $0x140, v0  }
0x73e: {  	[tilespmem:$0x1DD20] =	vst v8  }
0x73f: {  	s15 =	simm.s32 $0x0;
	s16 =	simm.s32 $0x180;
	[tilespmem:$0x1DD30] =	vst v0  }
.LBB2_32:
0x740: {  	v0 =	vld [tilespmem:$0x1DA00];
	_ =	sdelay $0x1  }
0x741: {  	v6 =	vld [tilespmem:$0x1DB80];
	_ =	sdelay $0x2  }
0x742: {  	v0 =	vmul.f32 v0, v36;
	_ =	sdelay $0x1  }
0x743: {  	v0 =	vadd.f32 v6, v0;
	_ =	sdelay $0x1  }
0x744: {  	[tilespmem:s17+$0xC400] =	vst v0  }
0x745: {  	v0 =	vld [tilespmem:$0x1DA10]  }
0x746: {  	v6 =	vsub.f32 v52, v43  }
0x747: {  	v8 =	vld [tilespmem:$0x1DB90]  }
0x748: {  	v6 =	vmul.f32 v51, v6;
	_ =	sdelay $0x1  }
0x749: {  	v0 =	vmul.f32 v0, v6;
	_ =	sdelay $0x1  }
0x74a: {  	v0 =	vadd.f32 v8, v0;
	_ =	sdelay $0x1  }
0x74b: {  	[tilespmem:s6+$0xC400] =	vst v0  }
0x74c: {  	v0 =	vld [tilespmem:$0x1DA20]  }
0x74d: {  	v6 =	vsub.f32 v49, v43  }
0x74e: {  	v8 =	vld [tilespmem:$0x1DBA0]  }
0x74f: {  	v6 =	vmul.f32 v51, v6;
	_ =	sdelay $0x1  }
0x750: {  	v0 =	vmul.f32 v0, v6;
	_ =	sdelay $0x1  }
0x751: {  	v0 =	vadd.f32 v8, v0;
	_ =	sdelay $0x1  }
0x752: {  	[tilespmem:s11+$0xC400] =	vst v0  }
0x753: {  	v0 =	vld [tilespmem:$0x1DA30]  }
0x754: {  	v6 =	vsub.f32 v50, v43  }
0x755: {  	v8 =	vld [tilespmem:$0x1DBB0]  }
0x756: {  	v6 =	vmul.f32 v51, v6;
	_ =	sdelay $0x1  }
0x757: {  	v0 =	vmul.f32 v0, v6;
	_ =	sdelay $0x1  }
0x758: {  	v0 =	vadd.f32 v8, v0;
	_ =	sdelay $0x1  }
0x759: {  	[tilespmem:s1+$0xC400] =	vst v0  }
0x75a: {  	v0 =	vld [tilespmem:$0x1DA40]  }
0x75b: {  	v6 =	vsub.f32 v47, v43  }
0x75c: {  	v8 =	vld [tilespmem:$0x1DBC0]  }
0x75d: {  	v6 =	vmul.f32 v51, v6;
	_ =	sdelay $0x1  }
0x75e: {  	v0 =	vmul.f32 v0, v6;
	_ =	sdelay $0x1  }
0x75f: {  	v0 =	vadd.f32 v8, v0;
	_ =	sdelay $0x1  }
0x760: {  	[tilespmem:s24+$0xC400] =	vst v0  }
0x761: {  	v0 =	vld [tilespmem:$0x1DA50]  }
0x762: {  	v6 =	vsub.f32 v48, v43  }
0x763: {  	v8 =	vld [tilespmem:$0x1DBD0]  }
0x764: {  	v6 =	vmul.f32 v51, v6;
	_ =	sdelay $0x1  }
0x765: {  	v0 =	vmul.f32 v0, v6;
	_ =	sdelay $0x1  }
0x766: {  	v0 =	vadd.f32 v8, v0;
	_ =	sdelay $0x1  }
0x767: {  	[tilespmem:s12+$0xC400] =	vst v0  }
0x768: {  	v0 =	vld [tilespmem:$0x1DA60]  }
0x769: {  	v6 =	vsub.f32 v46, v43  }
0x76a: {  	v8 =	vld [tilespmem:$0x1DBE0]  }
0x76b: {  	v6 =	vmul.f32 v51, v6;
	_ =	sdelay $0x1  }
0x76c: {  	v0 =	vmul.f32 v0, v6;
	_ =	sdelay $0x1  }
0x76d: {  	v0 =	vadd.f32 v8, v0;
	_ =	sdelay $0x1  }
0x76e: {  	[tilespmem:s26+$0xC400] =	vst v0  }
0x76f: {  	v0 =	vld [tilespmem:$0x1DA70]  }
0x770: {  	v6 =	vsub.f32 v45, v43  }
0x771: {  	v8 =	vld [tilespmem:$0x1DBF0]  }
0x772: {  	v6 =	vmul.f32 v51, v6;
	_ =	sdelay $0x1  }
0x773: {  	v0 =	vmul.f32 v0, v6;
	_ =	sdelay $0x1  }
0x774: {  	v0 =	vadd.f32 v8, v0;
	_ =	sdelay $0x1  }
0x775: {  	[tilespmem:s25+$0xC400] =	vst v0  }
0x776: {  	v0 =	vld [tilespmem:$0x1DA80]  }
0x777: {  	v6 =	vsub.f32 v44, v43  }
0x778: {  	v8 =	vld [tilespmem:$0x1DC00]  }
0x779: {  	v6 =	vmul.f32 v51, v6;
	_ =	sdelay $0x1  }
0x77a: {  	v0 =	vmul.f32 v0, v6;
	_ =	sdelay $0x1  }
0x77b: {  	v0 =	vadd.f32 v8, v0;
	_ =	sdelay $0x1  }
0x77c: {  	[tilespmem:s13+$0xC400] =	vst v0  }
0x77d: {  	v0 =	vld [tilespmem:$0x1DA90]  }
0x77e: {  	v6 =	vsub.f32 v39, v43  }
0x77f: {  	v8 =	vld [tilespmem:$0x1DC10]  }
0x780: {  	v6 =	vmul.f32 v51, v6;
	_ =	sdelay $0x1  }
0x781: {  	v0 =	vmul.f32 v0, v6;
	_ =	sdelay $0x1  }
0x782: {  	v0 =	vadd.f32 v8, v0;
	_ =	sdelay $0x1  }
0x783: {  	[tilespmem:s9+$0xC400] =	vst v0  }
0x784: {  	v0 =	vld [tilespmem:$0x1DAA0]  }
0x785: {  	v6 =	vsub.f32 v41, v43  }
0x786: {  	v8 =	vld [tilespmem:$0x1DC20]  }
0x787: {  	v6 =	vmul.f32 v51, v6;
	_ =	sdelay $0x1  }
0x788: {  	v0 =	vmul.f32 v0, v6;
	_ =	sdelay $0x1  }
0x789: {  	v0 =	vadd.f32 v8, v0;
	_ =	sdelay $0x1  }
0x78a: {  	[tilespmem:s22+$0xC400] =	vst v0  }
0x78b: {  	v0 =	vld [tilespmem:$0x1DAB0]  }
0x78c: {  	v6 =	vsub.f32 v42, v43  }
0x78d: {  	v8 =	vld [tilespmem:$0x1DC30]  }
0x78e: {  	v6 =	vmul.f32 v51, v6;
	_ =	sdelay $0x1  }
0x78f: {  	v0 =	vmul.f32 v0, v6;
	_ =	sdelay $0x1  }
0x790: {  	v0 =	vadd.f32 v8, v0;
	_ =	sdelay $0x1  }
0x791: {  	[tilespmem:s14+$0xC400] =	vst v0  }
0x792: {  	v0 =	vld [tilespmem:$0x1DAC0]  }
0x793: {  	v6 =	vsub.f32 v40, v43  }
0x794: {  	v8 =	vld [tilespmem:$0x1DC40]  }
0x795: {  	v6 =	vmul.f32 v51, v6;
	_ =	sdelay $0x1  }
0x796: {  	v0 =	vmul.f32 v0, v6;
	_ =	sdelay $0x1  }
0x797: {  	v0 =	vadd.f32 v8, v0;
	_ =	sdelay $0x1  }
0x798: {  	[tilespmem:s21+$0xC400] =	vst v0  }
0x799: {  	v0 =	vld [tilespmem:$0x1DAD0]  }
0x79a: {  	v6 =	vsub.f32 v37, v43  }
0x79b: {  	v8 =	vld [tilespmem:$0x1DC50]  }
0x79c: {  	v6 =	vmul.f32 v51, v6;
	_ =	sdelay $0x1  }
0x79d: {  	v0 =	vmul.f32 v0, v6;
	_ =	sdelay $0x1  }
0x79e: {  	v0 =	vadd.f32 v8, v0;
	_ =	sdelay $0x1  }
0x79f: {  	[tilespmem:s5+$0xC400] =	vst v0  }
0x7a0: {  	v0 =	vld [tilespmem:$0x1DAE0]  }
0x7a1: {  	v6 =	vsub.f32 v35, v43  }
0x7a2: {  	v8 =	vld [tilespmem:$0x1DC60]  }
0x7a3: {  	v6 =	vmul.f32 v51, v6;
	_ =	sdelay $0x1  }
0x7a4: {  	v0 =	vmul.f32 v0, v6;
	_ =	sdelay $0x1  }
0x7a5: {  	v0 =	vadd.f32 v8, v0;
	_ =	sdelay $0x1  }
0x7a6: {  	[tilespmem:s4+$0xC400] =	vst v0  }
0x7a7: {  	v0 =	vld [tilespmem:$0x1DAF0]  }
0x7a8: {  	v6 =	vsub.f32 v32, v43  }
0x7a9: {  	v8 =	vld [tilespmem:$0x1DC70]  }
0x7aa: {  	v6 =	vmul.f32 v51, v6;
	_ =	sdelay $0x1  }
0x7ab: {  	v0 =	vmul.f32 v0, v6;
	_ =	sdelay $0x1  }
0x7ac: {  	v0 =	vadd.f32 v8, v0;
	_ =	sdelay $0x1  }
0x7ad: {  	[tilespmem:s3+$0xC400] =	vst v0  }
0x7ae: {  	v0 =	vld [tilespmem:$0x1DB00]  }
0x7af: {  	v6 =	vsub.f32 v38, v43  }
0x7b0: {  	v8 =	vld [tilespmem:$0x1DC80]  }
0x7b1: {  	v6 =	vmul.f32 v51, v6;
	_ =	sdelay $0x1  }
0x7b2: {  	v0 =	vmul.f32 v0, v6;
	_ =	sdelay $0x1  }
0x7b3: {  	v0 =	vadd.f32 v8, v0;
	_ =	sdelay $0x1  }
0x7b4: {  	[tilespmem:s0+$0xC400] =	vst v0  }
0x7b5: {  	v0 =	vld [tilespmem:$0x1DB10]  }
0x7b6: {  	v6 =	vsub.f32 v34, v43  }
0x7b7: {  	v8 =	vld [tilespmem:$0x1DC90]  }
0x7b8: {  	v6 =	vmul.f32 v51, v6;
	_ =	sdelay $0x1  }
0x7b9: {  	v0 =	vmul.f32 v0, v6;
	_ =	sdelay $0x1  }
0x7ba: {  	v0 =	vadd.f32 v8, v0;
	_ =	sdelay $0x1  }
0x7bb: {  	[tilespmem:s2+$0xC400] =	vst v0  }
0x7bc: {  	v0 =	vld [tilespmem:$0x1DB20]  }
0x7bd: {  	v6 =	vsub.f32 v33, v43  }
0x7be: {  	v8 =	vld [tilespmem:$0x1DCA0]  }
0x7bf: {  	v6 =	vmul.f32 v51, v6;
	_ =	sdelay $0x1  }
0x7c0: {  	v0 =	vmul.f32 v0, v6;
	_ =	sdelay $0x1  }
0x7c1: {  	v0 =	vadd.f32 v8, v0;
	_ =	sdelay $0x1  }
0x7c2: {  	[tilespmem:s18+$0xC400] =	vst v0  }
0x7c3: {  	v0 =	vld [tilespmem:$0x1DB30]  }
0x7c4: {  	v6 =	vsub.f32 v31, v43  }
0x7c5: {  	v8 =	vld [tilespmem:$0x1DCB0]  }
0x7c6: {  	v6 =	vmul.f32 v51, v6;
	_ =	sdelay $0x1  }
0x7c7: {  	v0 =	vmul.f32 v0, v6;
	_ =	sdelay $0x1  }
0x7c8: {  	v31 =	vadd.f32 v8, v0  }
.LBB2_33:
0x7c9: {  	p1 =	slt.u32 s15, $0x3C  }
.Ltmp17:
0x7ca: {  	_ = 	snop;
	(pc) =	sbr.rel @!p1 .LBB2_34-.Ltmp17, $3  }
0x7cb: {  	_ =	sdelay $0x1  }
0x7cc: {  	s0 =	sor.u32 $0x30, s0  }
0x7cd: {  	s16 =	sadd.s32 $0x200, s16;
	s15 =	sadd.s32 $0x4, s15;
	[tilespmem:s0+$0xC400] =	vst v31  }
.LBB2_21:
0x7ce: {  	s0 =	sshrl.u32 s15, $0x3  }
0x7cf: {  	s31 =	sadd.s32 $0xFFFFFE80, s16;
	s17 =	smul.u32 $0xC00, s0  }
0x7d0: {  	s2 =	sand.u32 $0x200, s31  }
0x7d1: {  	s13 =	sor.u32 s2, s17  }
0x7d2: {  	v6 =	vld [tilespmem:s13+$0xC400]  }
0x7d3: {  	v32 =	vld [tilespmem:s13+$0x12400]  }
0x7d4: {  	v0 =	vmov s15;
	v33 =	vld [tilespmem:s13+$0xC410]  }
0x7d5: {  	v0 =	vand.u32 $0xFFFFFFFC, v0;
	v35 =	vld [tilespmem:s13+$0x12410]  }
0x7d6: {  	v0 =	vbroadcast v0, $0x0;
	v36 =	vld [tilespmem:s13+$0xC420]  }
0x7d7: {  	v38 =	vld [tilespmem:s13+$0x12420]  }
0x7d8: {  	v39 =	vld [tilespmem:s13+$0xC430]  }
0x7d9: {  	v41 =	vld [tilespmem:s13+$0x12430]  }
0x7da: {  	v42 =	vld [tilespmem:s13+$0xC440]  }
0x7db: {  	v44 =	vld [tilespmem:s13+$0x12440]  }
0x7dc: {  	v31 =	vld.idx.msk [tilespmem:v0+s8+$0x0], $0xffff  }
0x7dd: {  	s22 =	sadd.s32 $0x400, s17;
	v45 =	vld [tilespmem:s13+$0xC450]  }
0x7de: {  	v47 =	vld [tilespmem:s13+$0x12450];
	s0 =	sor.u32 s2, s22  }
0x7df: {  	v58 =	vld [tilespmem:s0+$0xC400]  }
0x7e0: {  	v6 =	vadd.f32 v32, v6;
	v32 =	vld [tilespmem:s0+$0x12400]  }
0x7e1: {  	v50 =	vld [tilespmem:s13+$0xC460];
	v0 =	vadd.s32 v4, v31  }
0x7e2: {  	v53 =	vld [tilespmem:s13+$0x12460];
	v8 =	vadd.s32 v9, v31  }
0x7e3: {  	v55 =	vld [tilespmem:s13+$0xC470];
	v34 =	vadd.s32 v10, v31  }
0x7e4: {  	v56 =	vld [tilespmem:s13+$0x12470];
	v37 =	vadd.s32 v11, v31  }
0x7e5: {  	v40 =	vadd.s32 v12, v31;
	v32 =	vadd.f32 v32, v58;
	v58 =	vld [tilespmem:s0+$0x12460]  }
0x7e6: {  	v43 =	vadd.s32 v13, v31;
	v0 =	vld.idx.msk [tilespmem:v0+s23+$0x0], $0xffff  }
0x7e7: {  	v46 =	vadd.s32 v14, v31;
	v8 =	vld.idx.msk [tilespmem:v8+s23+$0x0], $0xffff  }
0x7e8: {  	v48 =	vadd.s32 v15, v31;
	v34 =	vld.idx.msk [tilespmem:v34+s23+$0x0], $0xffff  }
0x7e9: {  	v61 =	vadd.s32 v16, v31;
	v37 =	vld.idx.msk [tilespmem:v37+s23+$0x0], $0xffff  }
0x7ea: {  	v49 =	vadd.s32 v17, v31;
	v40 =	vld.idx.msk [tilespmem:v40+s23+$0x0], $0xffff  }
0x7eb: {  	v59 =	vadd.s32 v19, v31;
	v43 =	vld.idx.msk [tilespmem:v43+s23+$0x0], $0xffff  }
0x7ec: {  	v54 =	vld.idx.msk [tilespmem:v46+s23+$0x0], $0xffff  }
0x7ed: {  	v57 =	vld.idx.msk [tilespmem:v48+s23+$0x0], $0xffff  }
0x7ee: {  	v36 =	vadd.f32 v38, v36;
	v33 =	vadd.f32 v35, v33;
	v38 =	vld.idx.msk [tilespmem:v61+s23+$0x0], $0xffff  }
0x7ef: {  	v39 =	vadd.f32 v41, v39;
	v60 =	vadd.f32 v44, v42;
	v41 =	vld.idx.msk [tilespmem:v49+s23+$0x0], $0xffff  }
0x7f0: {  	v45 =	vadd.f32 v47, v45;
	v59 =	vld.idx.msk [tilespmem:v59+s23+$0x0], $0xffff;
	v52 =	vadd.f32 v0, v6  }
0x7f1: {  	v0 =	vld [tilespmem:s0+$0xC410];
	v48 =	vadd.f32 v34, v36;
	v51 =	vadd.f32 v8, v33  }
0x7f2: {  	v34 =	vld [tilespmem:s0+$0x12410];
	v49 =	vadd.f32 v37, v39;
	v46 =	vadd.f32 v40, v60  }
0x7f3: {  	v6 =	vadd.s32 v18, v31;
	v33 =	vld [tilespmem:s0+$0xC420];
	v47 =	vadd.f32 v43, v45;
	v43 =	vadd.f32 v38, v32  }
0x7f4: {  	v39 =	vld [tilespmem:s0+$0x12420];
	v62 =	vadd.f32 $0.0e+00, v52;
	v63 =	vmul.f32 v52, v52;
	v8 =	vmul.f32 v48, v48  }
0x7f5: {  	v37 =	vld [tilespmem:s0+$0xC430];
	v42 =	vadd.f32 $0.0e+00, v51;
	v44 =	vmul.f32 v51, v51;
	v36 =	vmul.f32 v49, v49  }
0x7f6: {  	v40 =	vadd.s32 v20, v31;
	v60 =	vld [tilespmem:s0+$0x12430];
	v8 =	vadd.f32 v8, v63;
	v35 =	vadd.f32 v48, v62  }
0x7f7: {  	v32 =	vld [tilespmem:s0+$0x12450];
	v61 =	vmul.f32 v46, v46;
	v42 =	vadd.f32 v49, v42;
	v36 =	vadd.f32 v36, v44  }
0x7f8: {  	v62 =	vadd.f32 v53, v50;
	v50 =	vld [tilespmem:s0+$0xC440];
	v53 =	vadd.s32 v21, v31;
	v63 =	vadd.f32 v56, v55  }
0x7f9: {  	v55 =	vld [tilespmem:s0+$0x12440];
	v0 =	vadd.f32 v34, v0;
	v8 =	vadd.f32 v61, v8  }
0x7fa: {  	v6 =	vld.idx.msk [tilespmem:v6+s23+$0x0], $0xffff;
	v61 =	vmul.f32 v47, v47;
	v45 =	vadd.f32 v54, v62;
	v44 =	vadd.f32 v57, v63  }
0x7fb: {  	v34 =	vld [tilespmem:s0+$0xC450];
	v33 =	vadd.f32 v39, v33;
	v38 =	vadd.f32 v41, v0;
	v41 =	vadd.s32 v22, v31  }
0x7fc: {  	v54 =	vld.idx.msk [tilespmem:v40+s23+$0x0], $0xffff;
	v36 =	vadd.f32 v61, v36;
	v62 =	vmul.f32 v45, v45;
	v63 =	vmul.f32 v44, v44  }
0x7fd: {  	v57 =	vadd.s32 v23, v31;
	v35 =	vadd.f32 v46, v35;
	v61 =	vmul.f32 v43, v43;
	v0 =	vld.idx.msk [tilespmem:v53+s23+$0x0], $0xffff  }
0x7fe: {  	v53 =	vld [tilespmem:s0+$0xC460];
	v56 =	vmul.f32 v38, v38;
	v8 =	vadd.f32 v62, v8;
	v36 =	vadd.f32 v63, v36  }
0x7ff: {  	v40 =	vadd.f32 v6, v33;
	v6 =	vld [tilespmem:s0+$0x12470];
	v62 =	vadd.f32 v55, v50  }
0x800: {  	v33 =	vadd.s32 v24, v31;
	v8 =	vadd.f32 v61, v8;
	v61 =	vld [tilespmem:s0+$0xC470];
	v56 =	vadd.f32 v56, v36  }
0x801: {  	s18 =	sadd.s32 $0x800, s17;
	v36 =	vadd.f32 v60, v37;
	v37 =	vadd.f32 v47, v42;
	v42 =	vld.idx.msk [tilespmem:v41+s23+$0x0], $0xffff  }
0x802: {  	s28 =	sor.u32 s2, s18;
	v32 =	vadd.f32 v32, v34;
	v55 =	vadd.s32 v25, v31;
	v50 =	vld.idx.msk [tilespmem:v57+s23+$0x0], $0xffff;
	v60 =	vadd.f32 v45, v35  }
0x803: {  	v34 =	vld [tilespmem:s28+$0xC400];
	v63 =	vmul.f32 v40, v40;
	v39 =	vadd.f32 v54, v62;
	v41 =	vadd.f32 v59, v36  }
0x804: {  	v58 =	vadd.f32 v58, v53;
	v53 =	vld [tilespmem:s28+$0x12400];
	v36 =	vadd.f32 v0, v32  }
0x805: {  	v8 =	vadd.f32 v63, v8;
	v59 =	vmul.f32 v41, v41;
	v0 =	vadd.f32 v6, v61;
	v6 =	vld.idx.msk [tilespmem:v33+s23+$0x0], $0xffff  }
0x806: {  	v62 =	vmul.f32 v39, v39;
	v37 =	vadd.f32 v44, v37;
	v35 =	vadd.f32 v42, v58;
	v42 =	vld [tilespmem:s28+$0xC410]  }
0x807: {  	v63 =	vmul.f32 v36, v36;
	v54 =	vadd.f32 v59, v56;
	v32 =	vadd.f32 v50, v0;
	v0 =	vld [tilespmem:s28+$0x12410]  }
0x808: {  	v8 =	vadd.f32 v62, v8;
	v61 =	vmul.f32 v35, v35;
	v50 =	vld.idx.msk [tilespmem:v55+s23+$0x0], $0xffff;
	v55 =	vadd.s32 v26, v31  }
0x809: {  	v57 =	vld [tilespmem:s28+$0xC420];
	v31 =	vadd.s32 v27, v31;
	v34 =	vadd.f32 v53, v34;
	v54 =	vadd.f32 v63, v54  }
0x80a: {  	v33 =	vld [tilespmem:s28+$0x12420];
	v62 =	vmul.f32 v32, v32;
	v8 =	vadd.f32 v61, v8;
	v61 =	vadd.f32 v38, v37  }
0x80b: {  	v63 =	vadd.f32 v43, v60;
	v60 =	vld [tilespmem:s28+$0xC430];
	v37 =	vadd.f32 v6, v34  }
0x80c: {  	v54 =	vadd.f32 v62, v54;
	v62 =	vld [tilespmem:s28+$0x12430];
	v6 =	vadd.f32 v41, v61  }
0x80d: {  	v63 =	vadd.f32 v40, v63;
	v0 =	vadd.f32 v0, v42;
	v55 =	vld.idx.msk [tilespmem:v55+s23+$0x0], $0xffff  }
0x80e: {  	v31 =	vld.idx.msk [tilespmem:v31+s23+$0x0], $0xffff;
	v6 =	vadd.f32 v36, v6  }
0x80f: {  	v34 =	vadd.f32 v50, v0;
	v0 =	vadd.f32 v39, v63  }
0x810: {  	v33 =	vadd.f32 v33, v57;
	v6 =	vadd.f32 v32, v6  }
0x811: {  	v59 =	vmul.f32 v37, v37;
	v58 =	vadd.f32 v62, v60;
	v0 =	vadd.f32 v35, v0  }
0x812: {  	v60 =	vmul.f32 v34, v34;
	v33 =	vadd.f32 v55, v33;
	v6 =	vadd.f32 v34, v6  }
0x813: {  	v31 =	vadd.f32 v31, v58;
	v0 =	vadd.f32 v37, v0  }
0x814: {  	v8 =	vadd.f32 v59, v8;
	v42 =	vadd.f32 v60, v54;
	v61 =	vmul.f32 v33, v33  }
0x815: {  	v0 =	vadd.f32 v33, v0;
	v6 =	vadd.f32 v31, v6;
	v62 =	vmul.f32 v31, v31  }
0x816: {  	v8 =	vadd.f32 v61, v8  }
0x817: {  	v42 =	vadd.f32 v62, v42;
	v0 =	vadd.f32 v6, v0;
	_ =	sdelay $0x1  }
0x818: {  	v6 =	vperm.xlane v0, v28;
	v8 =	vadd.f32 v42, v8;
	_ =	sdelay $0x1  }
0x819: {  	v0 =	vadd.f32 v0, v6;
	v6 =	vperm.xlane v8, v28;
	_ =	sdelay $0x1  }
0x81a: {  	v63 =	vperm.xlane v0, v29;
	v6 =	vadd.f32 v6, v8;
	_ =	sdelay $0x1  }
0x81b: {  	v0 =	vadd.f32 v0, v63;
	v8 =	vperm.xlane v6, v29;
	_ =	sdelay $0x1  }
0x81c: {  	v42 =	vperm.xlane v0, v30;
	v6 =	vadd.f32 v8, v6;
	_ =	sdelay $0x1  }
0x81d: {  	v0 =	vadd.f32 v0, v42;
	v8 =	vperm.xlane v6, v30;
	_ =	sdelay $0x1  }
0x81e: {  	v42 =	vperm.xlane v0, v5;
	v6 =	vadd.f32 v8, v6;
	_ =	sdelay $0x1  }
0x81f: {  	v0 =	vadd.f32 v0, v42;
	v8 =	vperm.xlane v6, v5;
	_ =	sdelay $0x1  }
0x820: {  	v6 =	vadd.f32 v8, v6;
	v42 =	vmul.f32 $3.205128250e-03, v0;
	_ =	sdelay $0x1  }
0x821: {  	v0 =	vmul.f32 $3.205128250e-03, v6;
	v6 =	vmul.f32 v42, v42;
	_ =	sdelay $0x1  }
0x822: {  	v0 =	vsub.f32 v0, v6;
	_ =	sdelay $0x1  }
0x823: {  	v0 =	vmax.f32 v0, $0.0e+00  }
0x824: {  	v0 =	vadd.f32 $9.999999960e-13, v0;
	_ =	sdelay $0x1  }
0x825: {  	v6 =	vshrl.u32 v0, $0x1;
	v0 =	vmul.f32 $5.000000000e-01, v0  }
0x826: {  	v6 =	vsub.s32 $0x5F3759DF, v6  }
0x827: {  	v8 =	vmul.f32 v6, v0;
	_ =	sdelay $0x1  }
0x828: {  	v8 =	vmul.f32 v6, v8;
	_ =	sdelay $0x1  }
0x829: {  	v8 =	vsub.f32 $1.500000000e+00, v8;
	_ =	sdelay $0x1  }
0x82a: {  	v6 =	vmul.f32 v6, v8;
	_ =	sdelay $0x1  }
0x82b: {  	v8 =	vmul.f32 v6, v0;
	_ =	sdelay $0x1  }
0x82c: {  	v8 =	vmul.f32 v8, v6;
	_ =	sdelay $0x1  }
0x82d: {  	v8 =	vsub.f32 $1.500000000e+00, v8;
	_ =	sdelay $0x1  }
0x82e: {  	v6 =	vmul.f32 v8, v6;
	_ =	sdelay $0x1  }
0x82f: {  	v0 =	vmul.f32 v6, v0;
	_ =	sdelay $0x1  }
0x830: {  	v0 =	vmul.f32 v0, v6  }
0x831: {  	s6 =	sor.u32 $0x10, s13;
	s11 =	sor.u32 $0x20, s13  }
.Ltmp18:
0x832: {  	s1 =	sor.u32 $0x30, s13;
	s24 =	sor.u32 $0x40, s13;
	v0 =	vsub.f32 $1.500000000e+00, v0;
	(pc) =	sbr.rel @p0 .LBB2_23-.Ltmp18, $4  }
0x833: {  	s12 =	sor.u32 $0x50, s13;
	s30 =	sor.u32 $0x60, s13;
	s29 =	sor.u32 $0x70, s13  }
0x834: {  	s9 =	sor.u32 $0x10, s0;
	s26 =	sor.u32 $0x20, s0;
	s14 =	sor.u32 $0x30, s0;
	v50 =	vmul.f32 v0, v6;
	v0 =	vsub.f32 v52, v42  }
0x835: {  	s25 =	sor.u32 $0x40, s0;
	s5 =	sor.u32 $0x50, s0;
	s4 =	sor.u32 $0x60, s0  }
0x836: {  	s3 =	sor.u32 $0x70, s0;
	s2 =	sor.u32 $0x10, s28;
	s21 =	sor.u32 $0x20, s28;
	v52 =	vmul.f32 v50, v0  }
0x837: {  	v0 =	vsub.f32 v51, v42  }
0x838: {  	v6 =	vsub.f32 v48, v42  }
0x839: {  	v8 =	vsub.f32 v49, v42;
	v0 =	vmul.f32 v50, v0  }
0x83a: {  	v46 =	vsub.f32 v46, v42;
	[tilespmem:s13+$0xC400] =	vst v52;
	v6 =	vmul.f32 v50, v6  }
0x83b: {  	[tilespmem:s6+$0xC400] =	vst v0;
	v0 =	vmul.f32 v50, v8;
	v8 =	vsub.f32 v47, v42  }
0x83c: {  	v45 =	vsub.f32 v45, v42;
	[tilespmem:s11+$0xC400] =	vst v6;
	v6 =	vmul.f32 v50, v46  }
0x83d: {  	[tilespmem:s1+$0xC400] =	vst v0;
	v0 =	vmul.f32 v50, v8;
	v8 =	vsub.f32 v44, v42  }
0x83e: {  	v43 =	vsub.f32 v43, v42;
	[tilespmem:s24+$0xC400] =	vst v6;
	v6 =	vmul.f32 v50, v45  }
0x83f: {  	[tilespmem:s12+$0xC400] =	vst v0;
	v0 =	vmul.f32 v50, v8;
	v8 =	vsub.f32 v38, v42  }
0x840: {  	v60 =	vsub.f32 v40, v42;
	[tilespmem:s30+$0xC400] =	vst v6;
	v6 =	vmul.f32 v50, v43  }
0x841: {  	[tilespmem:s29+$0xC400] =	vst v0;
	v0 =	vmul.f32 v50, v8;
	v8 =	vsub.f32 v41, v42  }
0x842: {  	v61 =	vsub.f32 v39, v42;
	[tilespmem:s0+$0xC400] =	vst v6;
	v6 =	vmul.f32 v50, v60  }
0x843: {  	[tilespmem:s9+$0xC400] =	vst v0;
	v0 =	vmul.f32 v50, v8;
	v8 =	vsub.f32 v36, v42  }
0x844: {  	v35 =	vsub.f32 v35, v42;
	[tilespmem:s26+$0xC400] =	vst v6;
	v6 =	vmul.f32 v50, v61  }
0x845: {  	[tilespmem:s14+$0xC400] =	vst v0;
	v0 =	vmul.f32 v50, v8;
	v8 =	vsub.f32 v32, v42  }
0x846: {  	v62 =	vsub.f32 v37, v42;
	[tilespmem:s25+$0xC400] =	vst v6;
	v6 =	vmul.f32 v50, v35  }
0x847: {  	[tilespmem:s5+$0xC400] =	vst v0;
	v0 =	vmul.f32 v50, v8;
	v8 =	vsub.f32 v34, v42  }
.Ltmp19:
0x848: {  	v63 =	vsub.f32 v33, v42;
	[tilespmem:s4+$0xC400] =	vst v6;
	v6 =	vmul.f32 v50, v62;
	(pc) =	sbr.rel .LBB2_24-.Ltmp19, $4  }
0x849: {  	[tilespmem:s3+$0xC400] =	vst v0;
	v0 =	vmul.f32 v50, v8  }
0x84a: {  	v8 =	vsub.f32 v31, v42;
	[tilespmem:s28+$0xC400] =	vst v6;
	v6 =	vmul.f32 v50, v63  }
0x84b: {  	[tilespmem:s2+$0xC400] =	vst v0  }
0x84c: {  	v36 =	vmul.f32 v50, v8;
	[tilespmem:s21+$0xC400] =	vst v6  }
.LBB2_23:
0x84d: {  	v0 =	vld [tilespmem:$0x1DA00];
	_ =	sdelay $0x1  }
0x84e: {  	v6 =	vld [tilespmem:$0x1DB80];
	_ =	sdelay $0x2  }
0x84f: {  	v0 =	vmul.f32 v0, v52;
	_ =	sdelay $0x1  }
0x850: {  	v0 =	vadd.f32 v6, v0;
	_ =	sdelay $0x1  }
0x851: {  	[tilespmem:s13+$0xC400] =	vst v0  }
0x852: {  	v0 =	vld [tilespmem:$0x1DA10]  }
0x853: {  	v6 =	vsub.f32 v51, v42  }
0x854: {  	v8 =	vld [tilespmem:$0x1DB90]  }
0x855: {  	v6 =	vmul.f32 v50, v6;
	_ =	sdelay $0x1  }
0x856: {  	v0 =	vmul.f32 v0, v6;
	_ =	sdelay $0x1  }
0x857: {  	v0 =	vadd.f32 v8, v0;
	_ =	sdelay $0x1  }
0x858: {  	[tilespmem:s6+$0xC400] =	vst v0  }
0x859: {  	v0 =	vld [tilespmem:$0x1DA20]  }
0x85a: {  	v6 =	vsub.f32 v48, v42  }
0x85b: {  	v8 =	vld [tilespmem:$0x1DBA0]  }
0x85c: {  	v6 =	vmul.f32 v50, v6;
	_ =	sdelay $0x1  }
0x85d: {  	v0 =	vmul.f32 v0, v6;
	_ =	sdelay $0x1  }
0x85e: {  	v0 =	vadd.f32 v8, v0;
	_ =	sdelay $0x1  }
0x85f: {  	[tilespmem:s11+$0xC400] =	vst v0  }
0x860: {  	v0 =	vld [tilespmem:$0x1DA30]  }
0x861: {  	v6 =	vsub.f32 v49, v42  }
0x862: {  	v8 =	vld [tilespmem:$0x1DBB0]  }
0x863: {  	v6 =	vmul.f32 v50, v6;
	_ =	sdelay $0x1  }
0x864: {  	v0 =	vmul.f32 v0, v6;
	_ =	sdelay $0x1  }
0x865: {  	v0 =	vadd.f32 v8, v0;
	_ =	sdelay $0x1  }
0x866: {  	[tilespmem:s1+$0xC400] =	vst v0  }
0x867: {  	v0 =	vld [tilespmem:$0x1DA40]  }
0x868: {  	v6 =	vsub.f32 v46, v42  }
0x869: {  	v8 =	vld [tilespmem:$0x1DBC0]  }
0x86a: {  	v6 =	vmul.f32 v50, v6;
	_ =	sdelay $0x1  }
0x86b: {  	v0 =	vmul.f32 v0, v6;
	_ =	sdelay $0x1  }
0x86c: {  	v0 =	vadd.f32 v8, v0;
	_ =	sdelay $0x1  }
0x86d: {  	[tilespmem:s24+$0xC400] =	vst v0  }
0x86e: {  	v0 =	vld [tilespmem:$0x1DA50]  }
0x86f: {  	v6 =	vsub.f32 v47, v42  }
0x870: {  	v8 =	vld [tilespmem:$0x1DBD0]  }
0x871: {  	v6 =	vmul.f32 v50, v6;
	_ =	sdelay $0x1  }
0x872: {  	v0 =	vmul.f32 v0, v6;
	_ =	sdelay $0x1  }
0x873: {  	v0 =	vadd.f32 v8, v0;
	_ =	sdelay $0x1  }
0x874: {  	[tilespmem:s12+$0xC400] =	vst v0  }
0x875: {  	v0 =	vld [tilespmem:$0x1DA60]  }
0x876: {  	v6 =	vsub.f32 v45, v42  }
0x877: {  	v8 =	vld [tilespmem:$0x1DBE0]  }
0x878: {  	v6 =	vmul.f32 v50, v6;
	_ =	sdelay $0x1  }
0x879: {  	v0 =	vmul.f32 v0, v6;
	_ =	sdelay $0x1  }
0x87a: {  	v0 =	vadd.f32 v8, v0;
	_ =	sdelay $0x1  }
0x87b: {  	[tilespmem:s30+$0xC400] =	vst v0  }
0x87c: {  	v0 =	vld [tilespmem:$0x1DA70]  }
0x87d: {  	v6 =	vsub.f32 v44, v42  }
0x87e: {  	v8 =	vld [tilespmem:$0x1DBF0]  }
0x87f: {  	v6 =	vmul.f32 v50, v6;
	_ =	sdelay $0x1  }
0x880: {  	v0 =	vmul.f32 v0, v6;
	_ =	sdelay $0x1  }
0x881: {  	v0 =	vadd.f32 v8, v0;
	_ =	sdelay $0x1  }
0x882: {  	[tilespmem:s29+$0xC400] =	vst v0  }
0x883: {  	v0 =	vld [tilespmem:$0x1DA80]  }
0x884: {  	v6 =	vsub.f32 v43, v42  }
0x885: {  	v8 =	vld [tilespmem:$0x1DC00]  }
0x886: {  	v6 =	vmul.f32 v50, v6;
	_ =	sdelay $0x1  }
0x887: {  	v0 =	vmul.f32 v0, v6;
	_ =	sdelay $0x1  }
0x888: {  	v0 =	vadd.f32 v8, v0;
	_ =	sdelay $0x1  }
0x889: {  	[tilespmem:s0+$0xC400] =	vst v0  }
0x88a: {  	v0 =	vld [tilespmem:$0x1DA90]  }
0x88b: {  	v6 =	vsub.f32 v38, v42  }
0x88c: {  	v8 =	vld [tilespmem:$0x1DC10]  }
0x88d: {  	v6 =	vmul.f32 v50, v6;
	_ =	sdelay $0x1  }
0x88e: {  	v0 =	vmul.f32 v0, v6;
	_ =	sdelay $0x1  }
0x88f: {  	v0 =	vadd.f32 v8, v0;
	_ =	sdelay $0x1  }
0x890: {  	[tilespmem:s9+$0xC400] =	vst v0  }
0x891: {  	v0 =	vld [tilespmem:$0x1DAA0]  }
0x892: {  	v6 =	vsub.f32 v40, v42  }
0x893: {  	v8 =	vld [tilespmem:$0x1DC20]  }
0x894: {  	v6 =	vmul.f32 v50, v6;
	_ =	sdelay $0x1  }
0x895: {  	v0 =	vmul.f32 v0, v6;
	_ =	sdelay $0x1  }
0x896: {  	v0 =	vadd.f32 v8, v0;
	_ =	sdelay $0x1  }
0x897: {  	[tilespmem:s26+$0xC400] =	vst v0  }
0x898: {  	v0 =	vld [tilespmem:$0x1DAB0]  }
0x899: {  	v6 =	vsub.f32 v41, v42  }
0x89a: {  	v8 =	vld [tilespmem:$0x1DC30]  }
0x89b: {  	v6 =	vmul.f32 v50, v6;
	_ =	sdelay $0x1  }
0x89c: {  	v0 =	vmul.f32 v0, v6;
	_ =	sdelay $0x1  }
0x89d: {  	v0 =	vadd.f32 v8, v0;
	_ =	sdelay $0x1  }
0x89e: {  	[tilespmem:s14+$0xC400] =	vst v0  }
0x89f: {  	v0 =	vld [tilespmem:$0x1DAC0]  }
0x8a0: {  	v6 =	vsub.f32 v39, v42  }
0x8a1: {  	v8 =	vld [tilespmem:$0x1DC40]  }
0x8a2: {  	v6 =	vmul.f32 v50, v6;
	_ =	sdelay $0x1  }
0x8a3: {  	v0 =	vmul.f32 v0, v6;
	_ =	sdelay $0x1  }
0x8a4: {  	v0 =	vadd.f32 v8, v0;
	_ =	sdelay $0x1  }
0x8a5: {  	[tilespmem:s25+$0xC400] =	vst v0  }
0x8a6: {  	v0 =	vld [tilespmem:$0x1DAD0]  }
0x8a7: {  	v6 =	vsub.f32 v36, v42  }
0x8a8: {  	v8 =	vld [tilespmem:$0x1DC50]  }
0x8a9: {  	v6 =	vmul.f32 v50, v6;
	_ =	sdelay $0x1  }
0x8aa: {  	v0 =	vmul.f32 v0, v6;
	_ =	sdelay $0x1  }
0x8ab: {  	v0 =	vadd.f32 v8, v0;
	_ =	sdelay $0x1  }
0x8ac: {  	[tilespmem:s5+$0xC400] =	vst v0  }
0x8ad: {  	v0 =	vld [tilespmem:$0x1DAE0]  }
0x8ae: {  	v6 =	vsub.f32 v35, v42  }
0x8af: {  	v8 =	vld [tilespmem:$0x1DC60]  }
0x8b0: {  	v6 =	vmul.f32 v50, v6;
	_ =	sdelay $0x1  }
0x8b1: {  	v0 =	vmul.f32 v0, v6;
	_ =	sdelay $0x1  }
0x8b2: {  	v0 =	vadd.f32 v8, v0;
	_ =	sdelay $0x1  }
0x8b3: {  	[tilespmem:s4+$0xC400] =	vst v0  }
0x8b4: {  	v0 =	vld [tilespmem:$0x1DAF0]  }
0x8b5: {  	v6 =	vsub.f32 v32, v42  }
0x8b6: {  	v8 =	vld [tilespmem:$0x1DC70]  }
0x8b7: {  	v6 =	vmul.f32 v50, v6;
	_ =	sdelay $0x1  }
0x8b8: {  	v0 =	vmul.f32 v0, v6;
	_ =	sdelay $0x1  }
0x8b9: {  	v0 =	vadd.f32 v8, v0;
	_ =	sdelay $0x1  }
0x8ba: {  	[tilespmem:s3+$0xC400] =	vst v0  }
0x8bb: {  	v0 =	vld [tilespmem:$0x1DB00]  }
0x8bc: {  	v6 =	vsub.f32 v37, v42  }
0x8bd: {  	v8 =	vld [tilespmem:$0x1DC80]  }
0x8be: {  	v6 =	vmul.f32 v50, v6;
	_ =	sdelay $0x1  }
0x8bf: {  	v0 =	vmul.f32 v0, v6;
	_ =	sdelay $0x1  }
0x8c0: {  	v0 =	vadd.f32 v8, v0;
	_ =	sdelay $0x1  }
0x8c1: {  	[tilespmem:s28+$0xC400] =	vst v0  }
0x8c2: {  	v0 =	vld [tilespmem:$0x1DB10]  }
0x8c3: {  	v6 =	vsub.f32 v34, v42  }
0x8c4: {  	v8 =	vld [tilespmem:$0x1DC90]  }
0x8c5: {  	v6 =	vmul.f32 v50, v6;
	_ =	sdelay $0x1  }
0x8c6: {  	v0 =	vmul.f32 v0, v6;
	_ =	sdelay $0x1  }
0x8c7: {  	v0 =	vadd.f32 v8, v0;
	_ =	sdelay $0x1  }
0x8c8: {  	[tilespmem:s2+$0xC400] =	vst v0  }
0x8c9: {  	v0 =	vld [tilespmem:$0x1DB20]  }
0x8ca: {  	v6 =	vsub.f32 v33, v42  }
0x8cb: {  	v8 =	vld [tilespmem:$0x1DCA0]  }
0x8cc: {  	v6 =	vmul.f32 v50, v6;
	_ =	sdelay $0x1  }
0x8cd: {  	v0 =	vmul.f32 v0, v6;
	_ =	sdelay $0x1  }
0x8ce: {  	v0 =	vadd.f32 v8, v0;
	_ =	sdelay $0x1  }
0x8cf: {  	[tilespmem:s21+$0xC400] =	vst v0  }
0x8d0: {  	v0 =	vld [tilespmem:$0x1DB30]  }
0x8d1: {  	v6 =	vsub.f32 v31, v42  }
0x8d2: {  	v8 =	vld [tilespmem:$0x1DCB0]  }
0x8d3: {  	v6 =	vmul.f32 v50, v6;
	_ =	sdelay $0x1  }
0x8d4: {  	v0 =	vmul.f32 v0, v6;
	_ =	sdelay $0x1  }
0x8d5: {  	v36 =	vadd.f32 v8, v0  }
.LBB2_24:
0x8d6: {  	s1 =	sadd.s32 $0xFFFFFF00, s16  }
0x8d7: {  	s2 =	sand.u32 $0x280, s1  }
0x8d8: {  	s25 =	sor.u32 s17, s2  }
0x8d9: {  	v6 =	vld [tilespmem:s25+$0xC400]  }
0x8da: {  	v32 =	vld [tilespmem:s25+$0x12400]  }
0x8db: {  	s0 =	sadd.s32 $0x1, s15;
	v33 =	vld [tilespmem:s25+$0xC410]  }
0x8dc: {  	v0 =	vmov s0;
	v35 =	vld [tilespmem:s25+$0x12410]  }
0x8dd: {  	v0 =	vand.u32 $0xFFFFFFFD, v0;
	v37 =	vld [tilespmem:s25+$0xC420]  }
0x8de: {  	v0 =	vbroadcast v0, $0x0;
	v39 =	vld [tilespmem:s25+$0x12420]  }
0x8df: {  	v40 =	vld [tilespmem:s25+$0xC430]  }
0x8e0: {  	v42 =	vld [tilespmem:s25+$0x12430]  }
0x8e1: {  	v43 =	vld [tilespmem:s25+$0xC440]  }
0x8e2: {  	v45 =	vld [tilespmem:s25+$0x12440]  }
0x8e3: {  	v46 =	vld [tilespmem:s25+$0xC450]  }
0x8e4: {  	v31 =	vld.idx.msk [tilespmem:v0+s8+$0x0], $0xffff  }
0x8e5: {  	v56 =	vld [tilespmem:s25+$0xC470]  }
0x8e6: {  	s13 =	sor.u32 s2, s22;
	v57 =	vld [tilespmem:s25+$0x12470]  }
0x8e7: {  	v59 =	vld [tilespmem:s13+$0xC400]  }
0x8e8: {  	v6 =	vadd.f32 v32, v6;
	v32 =	vld [tilespmem:s13+$0x12400]  }
0x8e9: {  	v48 =	vld [tilespmem:s25+$0x12450];
	v0 =	vadd.s32 v4, v31  }
0x8ea: {  	v51 =	vld [tilespmem:s25+$0xC460];
	v8 =	vadd.s32 v9, v31  }
0x8eb: {  	v54 =	vld [tilespmem:s25+$0x12460];
	v34 =	vadd.s32 v10, v31  }
0x8ec: {  	v62 =	vadd.f32 v57, v56;
	v56 =	vld [tilespmem:s13+$0x12440];
	v38 =	vadd.s32 v11, v31  }
0x8ed: {  	v32 =	vadd.f32 v32, v59;
	v59 =	vld [tilespmem:s13+$0x12460];
	v41 =	vadd.s32 v12, v31  }
0x8ee: {  	v44 =	vadd.s32 v13, v31;
	v0 =	vld.idx.msk [tilespmem:v0+s23+$0x0], $0xffff  }
0x8ef: {  	v47 =	vadd.s32 v14, v31;
	v8 =	vld.idx.msk [tilespmem:v8+s23+$0x0], $0xffff  }
0x8f0: {  	v49 =	vadd.s32 v15, v31;
	v34 =	vld.idx.msk [tilespmem:v34+s23+$0x0], $0xffff  }
0x8f1: {  	v60 =	vadd.s32 v16, v31;
	v38 =	vld.idx.msk [tilespmem:v38+s23+$0x0], $0xffff  }
0x8f2: {  	v50 =	vadd.s32 v17, v31;
	v41 =	vld.idx.msk [tilespmem:v41+s23+$0x0], $0xffff  }
0x8f3: {  	v44 =	vld.idx.msk [tilespmem:v44+s23+$0x0], $0xffff  }
0x8f4: {  	v55 =	vld.idx.msk [tilespmem:v47+s23+$0x0], $0xffff  }
0x8f5: {  	v37 =	vadd.f32 v39, v37;
	v58 =	vld.idx.msk [tilespmem:v49+s23+$0x0], $0xffff  }
0x8f6: {  	v33 =	vadd.f32 v35, v33;
	v40 =	vadd.f32 v42, v40;
	v39 =	vld.idx.msk [tilespmem:v60+s23+$0x0], $0xffff  }
0x8f7: {  	v61 =	vadd.f32 v45, v43;
	v46 =	vadd.f32 v48, v46;
	v42 =	vld.idx.msk [tilespmem:v50+s23+$0x0], $0xffff  }
0x8f8: {  	v53 =	vadd.f32 v0, v6;
	v0 =	vld [tilespmem:s13+$0xC410];
	v49 =	vadd.f32 v34, v37  }
0x8f9: {  	v60 =	vadd.s32 v19, v31;
	v34 =	vld [tilespmem:s13+$0x12410];
	v52 =	vadd.f32 v8, v33;
	v50 =	vadd.f32 v38, v40  }
0x8fa: {  	v6 =	vadd.s32 v18, v31;
	v33 =	vld [tilespmem:s13+$0xC420];
	v47 =	vadd.f32 v41, v61;
	v48 =	vadd.f32 v44, v46  }
0x8fb: {  	v40 =	vld [tilespmem:s13+$0x12420];
	v44 =	vadd.f32 v54, v51;
	v37 =	vmul.f32 v53, v53;
	v8 =	vmul.f32 v49, v49  }
0x8fc: {  	v38 =	vld [tilespmem:s13+$0xC430];
	v41 =	vadd.s32 v20, v31;
	v35 =	vadd.f32 $0.0e+00, v53;
	v43 =	vadd.f32 $0.0e+00, v52  }
0x8fd: {  	v61 =	vld [tilespmem:s13+$0x12430];
	v45 =	vmul.f32 v52, v52;
	v8 =	vadd.f32 v8, v37;
	v37 =	vmul.f32 v50, v50  }
0x8fe: {  	v60 =	vld.idx.msk [tilespmem:v60+s23+$0x0], $0xffff;
	v54 =	vadd.s32 v21, v31;
	v46 =	vadd.f32 v55, v44;
	v44 =	vadd.f32 v39, v32  }
0x8ff: {  	v51 =	vld [tilespmem:s13+$0xC440];
	v35 =	vadd.f32 v49, v35;
	v37 =	vadd.f32 v37, v45;
	v45 =	vmul.f32 v47, v47  }
0x900: {  	v32 =	vld [tilespmem:s13+$0x12450];
	v43 =	vadd.f32 v50, v43;
	v0 =	vadd.f32 v34, v0  }
0x901: {  	v63 =	vmul.f32 v48, v48;
	v6 =	vld.idx.msk [tilespmem:v6+s23+$0x0], $0xffff;
	v8 =	vadd.f32 v45, v8;
	v45 =	vadd.f32 v58, v62  }
0x902: {  	v55 =	vld.idx.msk [tilespmem:v41+s23+$0x0], $0xffff;
	v33 =	vadd.f32 v40, v33;
	v39 =	vadd.f32 v42, v0;
	v62 =	vmul.f32 v46, v46  }
0x903: {  	v34 =	vld [tilespmem:s13+$0xC450];
	v42 =	vadd.s32 v22, v31;
	v37 =	vadd.f32 v63, v37;
	v63 =	vmul.f32 v45, v45  }
0x904: {  	v0 =	vld.idx.msk [tilespmem:v54+s23+$0x0], $0xffff;
	v58 =	vadd.s32 v23, v31;
	v8 =	vadd.f32 v62, v8;
	v62 =	vmul.f32 v44, v44  }
0x905: {  	v35 =	vadd.f32 v47, v35;
	v54 =	vld [tilespmem:s13+$0xC460];
	v57 =	vmul.f32 v39, v39;
	v37 =	vadd.f32 v63, v37  }
0x906: {  	v41 =	vadd.f32 v6, v33;
	v6 =	vld [tilespmem:s13+$0x12470];
	v8 =	vadd.f32 v62, v8  }
0x907: {  	v62 =	vld [tilespmem:s13+$0xC470];
	v63 =	vadd.f32 v56, v51;
	v57 =	vadd.f32 v57, v37  }
0x908: {  	v37 =	vadd.f32 v61, v38;
	v38 =	vadd.f32 v48, v43;
	v43 =	vld.idx.msk [tilespmem:v42+s23+$0x0], $0xffff  }
0x909: {  	s21 =	sor.u32 s2, s18;
	v32 =	vadd.f32 v32, v34;
	v51 =	vld.idx.msk [tilespmem:v58+s23+$0x0], $0xffff  }
0x90a: {  	v34 =	vld [tilespmem:s21+$0xC400];
	v56 =	vadd.s32 v25, v31;
	v61 =	vadd.f32 v46, v35;
	v40 =	vadd.f32 v55, v63  }
0x90b: {  	v33 =	vadd.s32 v24, v31;
	v58 =	vld [tilespmem:s21+$0xC420];
	v63 =	vadd.f32 v59, v54;
	v42 =	vadd.f32 v60, v37  }
0x90c: {  	v54 =	vld [tilespmem:s21+$0x12400];
	v60 =	vmul.f32 v41, v41;
	v37 =	vadd.f32 v0, v32;
	v0 =	vadd.f32 v6, v62  }
0x90d: {  	v38 =	vadd.f32 v45, v38;
	v59 =	vmul.f32 v42, v42;
	v35 =	vadd.f32 v43, v63;
	v43 =	vld [tilespmem:s21+$0xC410]  }
0x90e: {  	v8 =	vadd.f32 v60, v8;
	v60 =	vmul.f32 v40, v40;
	v32 =	vadd.f32 v51, v0;
	v0 =	vld [tilespmem:s21+$0x12410]  }
0x90f: {  	v62 =	vmul.f32 v37, v37;
	v51 =	vld.idx.msk [tilespmem:v56+s23+$0x0], $0xffff;
	v56 =	vadd.s32 v26, v31;
	v55 =	vadd.f32 v59, v57  }
0x910: {  	v6 =	vld.idx.msk [tilespmem:v33+s23+$0x0], $0xffff;
	v31 =	vadd.s32 v27, v31;
	v8 =	vadd.f32 v60, v8;
	v63 =	vmul.f32 v35, v35  }
0x911: {  	v33 =	vld [tilespmem:s21+$0x12420];
	v34 =	vadd.f32 v54, v34;
	v60 =	vmul.f32 v32, v32;
	v55 =	vadd.f32 v62, v55  }
0x912: {  	v59 =	vadd.f32 v44, v61;
	v57 =	vld [tilespmem:s21+$0xC430];
	v8 =	vadd.f32 v63, v8  }
0x913: {  	v62 =	vld [tilespmem:s21+$0x12430];
	v55 =	vadd.f32 v60, v55;
	v60 =	vadd.f32 v39, v38  }
0x914: {  	v63 =	vadd.f32 v41, v59;
	v0 =	vadd.f32 v0, v43;
	v56 =	vld.idx.msk [tilespmem:v56+s23+$0x0], $0xffff  }
0x915: {  	v38 =	vadd.f32 v6, v34;
	v31 =	vld.idx.msk [tilespmem:v31+s23+$0x0], $0xffff;
	v6 =	vadd.f32 v42, v60  }
0x916: {  	v34 =	vadd.f32 v51, v0  }
0x917: {  	v0 =	vadd.f32 v40, v63;
	v6 =	vadd.f32 v37, v6  }
0x918: {  	v33 =	vadd.f32 v33, v58;
	v58 =	vadd.f32 v62, v57  }
0x919: {  	v59 =	vmul.f32 v38, v38;
	v0 =	vadd.f32 v35, v0;
	v6 =	vadd.f32 v32, v6  }
0x91a: {  	v60 =	vmul.f32 v34, v34;
	v33 =	vadd.f32 v56, v33;
	v31 =	vadd.f32 v31, v58  }
0x91b: {  	v0 =	vadd.f32 v38, v0;
	v6 =	vadd.f32 v34, v6  }
0x91c: {  	v8 =	vadd.f32 v59, v8;
	v43 =	vadd.f32 v60, v55;
	v61 =	vmul.f32 v33, v33  }
0x91d: {  	v62 =	vmul.f32 v31, v31;
	v0 =	vadd.f32 v33, v0;
	v6 =	vadd.f32 v31, v6  }
0x91e: {  	v8 =	vadd.f32 v61, v8  }
0x91f: {  	v43 =	vadd.f32 v62, v43;
	v0 =	vadd.f32 v6, v0;
	_ =	sdelay $0x1  }
0x920: {  	v8 =	vadd.f32 v43, v8;
	v6 =	vperm.xlane v0, v28;
	_ =	sdelay $0x1  }
0x921: {  	v0 =	vadd.f32 v0, v6;
	v6 =	vperm.xlane v8, v28;
	_ =	sdelay $0x1  }
0x922: {  	v63 =	vperm.xlane v0, v29;
	v6 =	vadd.f32 v6, v8;
	_ =	sdelay $0x1  }
0x923: {  	v0 =	vadd.f32 v0, v63;
	v8 =	vperm.xlane v6, v29;
	_ =	sdelay $0x1  }
0x924: {  	v43 =	vperm.xlane v0, v30;
	v6 =	vadd.f32 v8, v6;
	_ =	sdelay $0x1  }
0x925: {  	v0 =	vadd.f32 v0, v43;
	v8 =	vperm.xlane v6, v30;
	_ =	sdelay $0x1  }
0x926: {  	v43 =	vperm.xlane v0, v5;
	v6 =	vadd.f32 v8, v6;
	_ =	sdelay $0x1  }
0x927: {  	v0 =	vadd.f32 v0, v43;
	v8 =	vperm.xlane v6, v5;
	_ =	sdelay $0x1  }
0x928: {  	v6 =	vadd.f32 v8, v6;
	v43 =	vmul.f32 $3.205128250e-03, v0;
	_ =	sdelay $0x1  }
0x929: {  	v0 =	vmul.f32 $3.205128250e-03, v6;
	v6 =	vmul.f32 v43, v43;
	_ =	sdelay $0x1  }
0x92a: {  	v0 =	vsub.f32 v0, v6;
	_ =	sdelay $0x1  }
0x92b: {  	v0 =	vmax.f32 v0, $0.0e+00  }
0x92c: {  	v0 =	vadd.f32 $9.999999960e-13, v0;
	_ =	sdelay $0x1  }
0x92d: {  	v6 =	vshrl.u32 v0, $0x1;
	v0 =	vmul.f32 $5.000000000e-01, v0  }
0x92e: {  	v6 =	vsub.s32 $0x5F3759DF, v6  }
0x92f: {  	v8 =	vmul.f32 v6, v0;
	_ =	sdelay $0x1  }
0x930: {  	v8 =	vmul.f32 v6, v8;
	_ =	sdelay $0x1  }
0x931: {  	v8 =	vsub.f32 $1.500000000e+00, v8;
	_ =	sdelay $0x1  }
0x932: {  	v6 =	vmul.f32 v6, v8;
	_ =	sdelay $0x1  }
0x933: {  	v8 =	vmul.f32 v6, v0;
	_ =	sdelay $0x1  }
0x934: {  	v8 =	vmul.f32 v8, v6;
	_ =	sdelay $0x1  }
0x935: {  	v8 =	vsub.f32 $1.500000000e+00, v8;
	_ =	sdelay $0x1  }
0x936: {  	v6 =	vmul.f32 v8, v6;
	_ =	sdelay $0x1  }
0x937: {  	v0 =	vmul.f32 v6, v0;
	_ =	sdelay $0x1  }
0x938: {  	v0 =	vmul.f32 v0, v6  }
0x939: {  	s3 =	sor.u32 $0x30, s28;
	s6 =	sor.u32 $0x10, s25;
	s11 =	sor.u32 $0x20, s25  }
.Ltmp20:
0x93a: {  	s1 =	sor.u32 $0x30, s25;
	s24 =	sor.u32 $0x40, s25;
	v0 =	vsub.f32 $1.500000000e+00, v0;
	(pc) =	sbr.rel @p0 .LBB2_26-.Ltmp20, $4  }
0x93b: {  	s12 =	sor.u32 $0x50, s25;
	s31 =	sor.u32 $0x60, s25;
	s30 =	sor.u32 $0x70, s25  }
0x93c: {  	s9 =	sor.u32 $0x10, s13;
	s29 =	sor.u32 $0x20, s13;
	s14 =	sor.u32 $0x30, s13;
	v51 =	vmul.f32 v0, v6;
	v0 =	vsub.f32 v53, v43  }
0x93d: {  	s26 =	sor.u32 $0x40, s13;
	s5 =	sor.u32 $0x50, s13;
	s4 =	sor.u32 $0x60, s13  }
0x93e: {  	[tilespmem:s3+$0xC400] =	vst v36;
	s3 =	sor.u32 $0x70, s13;
	s2 =	sor.u32 $0x10, s21;
	s28 =	sor.u32 $0x20, s21;
	v36 =	vmul.f32 v51, v0  }
0x93f: {  	v0 =	vsub.f32 v52, v43  }
0x940: {  	v6 =	vsub.f32 v49, v43  }
0x941: {  	v8 =	vsub.f32 v50, v43;
	v0 =	vmul.f32 v51, v0  }
0x942: {  	v57 =	vsub.f32 v47, v43;
	[tilespmem:s25+$0xC400] =	vst v36;
	v6 =	vmul.f32 v51, v6  }
0x943: {  	[tilespmem:s6+$0xC400] =	vst v0;
	v0 =	vmul.f32 v51, v8;
	v8 =	vsub.f32 v48, v43  }
0x944: {  	v58 =	vsub.f32 v46, v43;
	[tilespmem:s11+$0xC400] =	vst v6;
	v6 =	vmul.f32 v51, v57  }
0x945: {  	[tilespmem:s1+$0xC400] =	vst v0;
	v0 =	vmul.f32 v51, v8;
	v8 =	vsub.f32 v45, v43  }
0x946: {  	v59 =	vsub.f32 v44, v43;
	[tilespmem:s24+$0xC400] =	vst v6;
	v6 =	vmul.f32 v51, v58  }
0x947: {  	[tilespmem:s12+$0xC400] =	vst v0;
	v0 =	vmul.f32 v51, v8;
	v8 =	vsub.f32 v39, v43  }
0x948: {  	v60 =	vsub.f32 v41, v43;
	[tilespmem:s31+$0xC400] =	vst v6;
	v6 =	vmul.f32 v51, v59  }
0x949: {  	[tilespmem:s30+$0xC400] =	vst v0;
	v0 =	vmul.f32 v51, v8;
	v8 =	vsub.f32 v42, v43  }
0x94a: {  	v61 =	vsub.f32 v40, v43;
	[tilespmem:s13+$0xC400] =	vst v6;
	v6 =	vmul.f32 v51, v60  }
0x94b: {  	[tilespmem:s9+$0xC400] =	vst v0;
	v0 =	vmul.f32 v51, v8;
	v8 =	vsub.f32 v37, v43  }
0x94c: {  	v35 =	vsub.f32 v35, v43;
	[tilespmem:s29+$0xC400] =	vst v6;
	v6 =	vmul.f32 v51, v61  }
0x94d: {  	[tilespmem:s14+$0xC400] =	vst v0;
	v0 =	vmul.f32 v51, v8;
	v8 =	vsub.f32 v32, v43  }
0x94e: {  	v62 =	vsub.f32 v38, v43;
	[tilespmem:s26+$0xC400] =	vst v6;
	v6 =	vmul.f32 v51, v35  }
0x94f: {  	[tilespmem:s5+$0xC400] =	vst v0;
	v0 =	vmul.f32 v51, v8;
	v8 =	vsub.f32 v34, v43  }
.Ltmp21:
0x950: {  	v63 =	vsub.f32 v33, v43;
	[tilespmem:s4+$0xC400] =	vst v6;
	v6 =	vmul.f32 v51, v62;
	(pc) =	sbr.rel .LBB2_27-.Ltmp21, $4  }
0x951: {  	[tilespmem:s3+$0xC400] =	vst v0;
	v0 =	vmul.f32 v51, v8  }
0x952: {  	v8 =	vsub.f32 v31, v43;
	[tilespmem:s21+$0xC400] =	vst v6;
	v6 =	vmul.f32 v51, v63  }
0x953: {  	[tilespmem:s2+$0xC400] =	vst v0  }
0x954: {  	v36 =	vmul.f32 v51, v8;
	[tilespmem:s28+$0xC400] =	vst v6  }
.LBB2_26:
0x955: {  	v0 =	vld [tilespmem:$0x1DA00];
	_ =	sdelay $0x1  }
0x956: {  	v6 =	vld [tilespmem:$0x1DB80];
	_ =	sdelay $0x2  }
0x957: {  	v0 =	vmul.f32 v0, v36;
	_ =	sdelay $0x1  }
0x958: {  	v0 =	vadd.f32 v6, v0;
	_ =	sdelay $0x1  }
0x959: {  	[tilespmem:s25+$0xC400] =	vst v0  }
0x95a: {  	v0 =	vld [tilespmem:$0x1DA10]  }
0x95b: {  	v6 =	vsub.f32 v52, v43  }
0x95c: {  	v8 =	vld [tilespmem:$0x1DB90]  }
0x95d: {  	v6 =	vmul.f32 v51, v6;
	_ =	sdelay $0x1  }
0x95e: {  	v0 =	vmul.f32 v0, v6;
	_ =	sdelay $0x1  }
0x95f: {  	v0 =	vadd.f32 v8, v0;
	_ =	sdelay $0x1  }
0x960: {  	[tilespmem:s6+$0xC400] =	vst v0  }
0x961: {  	v0 =	vld [tilespmem:$0x1DA20]  }
0x962: {  	v6 =	vsub.f32 v49, v43  }
0x963: {  	v8 =	vld [tilespmem:$0x1DBA0]  }
0x964: {  	v6 =	vmul.f32 v51, v6;
	_ =	sdelay $0x1  }
0x965: {  	v0 =	vmul.f32 v0, v6;
	_ =	sdelay $0x1  }
0x966: {  	v0 =	vadd.f32 v8, v0;
	_ =	sdelay $0x1  }
0x967: {  	[tilespmem:s11+$0xC400] =	vst v0  }
0x968: {  	v0 =	vld [tilespmem:$0x1DA30]  }
0x969: {  	v6 =	vsub.f32 v50, v43  }
0x96a: {  	v8 =	vld [tilespmem:$0x1DBB0]  }
0x96b: {  	v6 =	vmul.f32 v51, v6;
	_ =	sdelay $0x1  }
0x96c: {  	v0 =	vmul.f32 v0, v6;
	_ =	sdelay $0x1  }
0x96d: {  	v0 =	vadd.f32 v8, v0;
	_ =	sdelay $0x1  }
0x96e: {  	[tilespmem:s1+$0xC400] =	vst v0  }
0x96f: {  	v0 =	vld [tilespmem:$0x1DA40]  }
0x970: {  	v6 =	vsub.f32 v47, v43  }
0x971: {  	v8 =	vld [tilespmem:$0x1DBC0]  }
0x972: {  	v6 =	vmul.f32 v51, v6;
	_ =	sdelay $0x1  }
0x973: {  	v0 =	vmul.f32 v0, v6;
	_ =	sdelay $0x1  }
0x974: {  	v0 =	vadd.f32 v8, v0;
	_ =	sdelay $0x1  }
0x975: {  	[tilespmem:s24+$0xC400] =	vst v0  }
0x976: {  	v0 =	vld [tilespmem:$0x1DA50]  }
0x977: {  	v6 =	vsub.f32 v48, v43  }
0x978: {  	v8 =	vld [tilespmem:$0x1DBD0]  }
0x979: {  	v6 =	vmul.f32 v51, v6;
	_ =	sdelay $0x1  }
0x97a: {  	v0 =	vmul.f32 v0, v6;
	_ =	sdelay $0x1  }
0x97b: {  	v0 =	vadd.f32 v8, v0;
	_ =	sdelay $0x1  }
0x97c: {  	[tilespmem:s12+$0xC400] =	vst v0  }
0x97d: {  	v0 =	vld [tilespmem:$0x1DA60]  }
0x97e: {  	v6 =	vsub.f32 v46, v43  }
0x97f: {  	v8 =	vld [tilespmem:$0x1DBE0]  }
0x980: {  	v6 =	vmul.f32 v51, v6;
	_ =	sdelay $0x1  }
0x981: {  	v0 =	vmul.f32 v0, v6;
	_ =	sdelay $0x1  }
0x982: {  	v0 =	vadd.f32 v8, v0;
	_ =	sdelay $0x1  }
0x983: {  	[tilespmem:s31+$0xC400] =	vst v0  }
0x984: {  	v0 =	vld [tilespmem:$0x1DA70]  }
0x985: {  	v6 =	vsub.f32 v45, v43  }
0x986: {  	v8 =	vld [tilespmem:$0x1DBF0]  }
0x987: {  	v6 =	vmul.f32 v51, v6;
	_ =	sdelay $0x1  }
0x988: {  	v0 =	vmul.f32 v0, v6;
	_ =	sdelay $0x1  }
0x989: {  	v0 =	vadd.f32 v8, v0;
	_ =	sdelay $0x1  }
0x98a: {  	[tilespmem:s30+$0xC400] =	vst v0  }
0x98b: {  	v0 =	vld [tilespmem:$0x1DA80]  }
0x98c: {  	v6 =	vsub.f32 v44, v43  }
0x98d: {  	v8 =	vld [tilespmem:$0x1DC00]  }
0x98e: {  	v6 =	vmul.f32 v51, v6;
	_ =	sdelay $0x1  }
0x98f: {  	v0 =	vmul.f32 v0, v6;
	_ =	sdelay $0x1  }
0x990: {  	v0 =	vadd.f32 v8, v0;
	_ =	sdelay $0x1  }
0x991: {  	[tilespmem:s13+$0xC400] =	vst v0  }
0x992: {  	v0 =	vld [tilespmem:$0x1DA90]  }
0x993: {  	v6 =	vsub.f32 v39, v43  }
0x994: {  	v8 =	vld [tilespmem:$0x1DC10]  }
0x995: {  	v6 =	vmul.f32 v51, v6;
	_ =	sdelay $0x1  }
0x996: {  	v0 =	vmul.f32 v0, v6;
	_ =	sdelay $0x1  }
0x997: {  	v0 =	vadd.f32 v8, v0;
	_ =	sdelay $0x1  }
0x998: {  	[tilespmem:s9+$0xC400] =	vst v0  }
0x999: {  	v0 =	vld [tilespmem:$0x1DAA0]  }
0x99a: {  	v6 =	vsub.f32 v41, v43  }
0x99b: {  	v8 =	vld [tilespmem:$0x1DC20]  }
0x99c: {  	v6 =	vmul.f32 v51, v6;
	_ =	sdelay $0x1  }
0x99d: {  	v0 =	vmul.f32 v0, v6;
	_ =	sdelay $0x1  }
0x99e: {  	v0 =	vadd.f32 v8, v0;
	_ =	sdelay $0x1  }
0x99f: {  	[tilespmem:s29+$0xC400] =	vst v0  }
0x9a0: {  	v0 =	vld [tilespmem:$0x1DAB0]  }
0x9a1: {  	v6 =	vsub.f32 v42, v43  }
0x9a2: {  	v8 =	vld [tilespmem:$0x1DC30]  }
0x9a3: {  	v6 =	vmul.f32 v51, v6;
	_ =	sdelay $0x1  }
0x9a4: {  	v0 =	vmul.f32 v0, v6;
	_ =	sdelay $0x1  }
0x9a5: {  	v0 =	vadd.f32 v8, v0;
	_ =	sdelay $0x1  }
0x9a6: {  	[tilespmem:s14+$0xC400] =	vst v0  }
0x9a7: {  	v0 =	vld [tilespmem:$0x1DAC0]  }
0x9a8: {  	v6 =	vsub.f32 v40, v43  }
0x9a9: {  	v8 =	vld [tilespmem:$0x1DC40]  }
0x9aa: {  	v6 =	vmul.f32 v51, v6;
	_ =	sdelay $0x1  }
0x9ab: {  	v0 =	vmul.f32 v0, v6;
	_ =	sdelay $0x1  }
0x9ac: {  	v0 =	vadd.f32 v8, v0;
	_ =	sdelay $0x1  }
0x9ad: {  	[tilespmem:s26+$0xC400] =	vst v0  }
0x9ae: {  	v0 =	vld [tilespmem:$0x1DAD0]  }
0x9af: {  	v6 =	vsub.f32 v37, v43  }
0x9b0: {  	v8 =	vld [tilespmem:$0x1DC50]  }
0x9b1: {  	v6 =	vmul.f32 v51, v6;
	_ =	sdelay $0x1  }
0x9b2: {  	v0 =	vmul.f32 v0, v6;
	_ =	sdelay $0x1  }
0x9b3: {  	v0 =	vadd.f32 v8, v0;
	_ =	sdelay $0x1  }
0x9b4: {  	[tilespmem:s5+$0xC400] =	vst v0  }
0x9b5: {  	v0 =	vld [tilespmem:$0x1DAE0]  }
0x9b6: {  	v6 =	vsub.f32 v35, v43  }
0x9b7: {  	v8 =	vld [tilespmem:$0x1DC60]  }
0x9b8: {  	v6 =	vmul.f32 v51, v6;
	_ =	sdelay $0x1  }
0x9b9: {  	v0 =	vmul.f32 v0, v6;
	_ =	sdelay $0x1  }
0x9ba: {  	v0 =	vadd.f32 v8, v0;
	_ =	sdelay $0x1  }
0x9bb: {  	[tilespmem:s4+$0xC400] =	vst v0  }
0x9bc: {  	v0 =	vld [tilespmem:$0x1DAF0]  }
0x9bd: {  	v6 =	vsub.f32 v32, v43  }
0x9be: {  	v8 =	vld [tilespmem:$0x1DC70]  }
0x9bf: {  	v6 =	vmul.f32 v51, v6;
	_ =	sdelay $0x1  }
0x9c0: {  	v0 =	vmul.f32 v0, v6;
	_ =	sdelay $0x1  }
0x9c1: {  	v0 =	vadd.f32 v8, v0;
	_ =	sdelay $0x1  }
0x9c2: {  	[tilespmem:s3+$0xC400] =	vst v0  }
0x9c3: {  	v0 =	vld [tilespmem:$0x1DB00]  }
0x9c4: {  	v6 =	vsub.f32 v38, v43  }
0x9c5: {  	v8 =	vld [tilespmem:$0x1DC80]  }
0x9c6: {  	v6 =	vmul.f32 v51, v6;
	_ =	sdelay $0x1  }
0x9c7: {  	v0 =	vmul.f32 v0, v6;
	_ =	sdelay $0x1  }
0x9c8: {  	v0 =	vadd.f32 v8, v0;
	_ =	sdelay $0x1  }
0x9c9: {  	[tilespmem:s21+$0xC400] =	vst v0  }
0x9ca: {  	v0 =	vld [tilespmem:$0x1DB10]  }
0x9cb: {  	v6 =	vsub.f32 v34, v43  }
0x9cc: {  	v8 =	vld [tilespmem:$0x1DC90]  }
0x9cd: {  	v6 =	vmul.f32 v51, v6;
	_ =	sdelay $0x1  }
0x9ce: {  	v0 =	vmul.f32 v0, v6;
	_ =	sdelay $0x1  }
0x9cf: {  	v0 =	vadd.f32 v8, v0;
	_ =	sdelay $0x1  }
0x9d0: {  	[tilespmem:s2+$0xC400] =	vst v0  }
0x9d1: {  	v0 =	vld [tilespmem:$0x1DB20]  }
0x9d2: {  	v6 =	vsub.f32 v33, v43  }
0x9d3: {  	v8 =	vld [tilespmem:$0x1DCA0]  }
0x9d4: {  	v6 =	vmul.f32 v51, v6;
	_ =	sdelay $0x1  }
0x9d5: {  	v0 =	vmul.f32 v0, v6;
	_ =	sdelay $0x1  }
0x9d6: {  	v0 =	vadd.f32 v8, v0;
	_ =	sdelay $0x1  }
0x9d7: {  	[tilespmem:s28+$0xC400] =	vst v0  }
0x9d8: {  	v0 =	vld [tilespmem:$0x1DB30]  }
0x9d9: {  	v6 =	vsub.f32 v31, v43  }
0x9da: {  	v8 =	vld [tilespmem:$0x1DCB0]  }
0x9db: {  	v6 =	vmul.f32 v51, v6;
	_ =	sdelay $0x1  }
0x9dc: {  	v0 =	vmul.f32 v0, v6;
	_ =	sdelay $0x1  }
0x9dd: {  	v36 =	vadd.f32 v8, v0  }
.LBB2_27:
0x9de: {  	s1 =	sadd.s32 $0xFFFFFF80, s16  }
0x9df: {  	s2 =	sand.u32 $0x300, s1  }
0x9e0: {  	s25 =	sor.u32 s17, s2  }
0x9e1: {  	v6 =	vld [tilespmem:s25+$0xC400]  }
0x9e2: {  	v32 =	vld [tilespmem:s25+$0x12400]  }
0x9e3: {  	s0 =	sadd.s32 $0x1, s0;
	v33 =	vld [tilespmem:s25+$0xC410]  }
0x9e4: {  	v0 =	vmov s0;
	v35 =	vld [tilespmem:s25+$0x12410]  }
0x9e5: {  	v0 =	vand.u32 $0xFFFFFFFE, v0;
	v37 =	vld [tilespmem:s25+$0xC420]  }
0x9e6: {  	v0 =	vbroadcast v0, $0x0;
	v39 =	vld [tilespmem:s25+$0x12420]  }
0x9e7: {  	v40 =	vld [tilespmem:s25+$0xC430]  }
0x9e8: {  	v42 =	vld [tilespmem:s25+$0x12430]  }
0x9e9: {  	v43 =	vld [tilespmem:s25+$0xC440]  }
0x9ea: {  	v45 =	vld [tilespmem:s25+$0x12440]  }
0x9eb: {  	v46 =	vld [tilespmem:s25+$0xC450]  }
0x9ec: {  	v31 =	vld.idx.msk [tilespmem:v0+s8+$0x0], $0xffff  }
0x9ed: {  	v56 =	vld [tilespmem:s25+$0xC470]  }
0x9ee: {  	s13 =	sor.u32 s2, s22;
	v57 =	vld [tilespmem:s25+$0x12470]  }
0x9ef: {  	v59 =	vld [tilespmem:s13+$0xC400]  }
0x9f0: {  	v6 =	vadd.f32 v32, v6;
	v32 =	vld [tilespmem:s13+$0x12400]  }
0x9f1: {  	v48 =	vld [tilespmem:s25+$0x12450];
	v0 =	vadd.s32 v4, v31  }
0x9f2: {  	v51 =	vld [tilespmem:s25+$0xC460];
	v8 =	vadd.s32 v9, v31  }
0x9f3: {  	v54 =	vld [tilespmem:s25+$0x12460];
	v34 =	vadd.s32 v10, v31  }
0x9f4: {  	v62 =	vadd.f32 v57, v56;
	v56 =	vld [tilespmem:s13+$0x12440];
	v38 =	vadd.s32 v11, v31  }
0x9f5: {  	v32 =	vadd.f32 v32, v59;
	v59 =	vld [tilespmem:s13+$0x12460];
	v41 =	vadd.s32 v12, v31  }
0x9f6: {  	v44 =	vadd.s32 v13, v31;
	v0 =	vld.idx.msk [tilespmem:v0+s23+$0x0], $0xffff  }
0x9f7: {  	v47 =	vadd.s32 v14, v31;
	v8 =	vld.idx.msk [tilespmem:v8+s23+$0x0], $0xffff  }
0x9f8: {  	v49 =	vadd.s32 v15, v31;
	v34 =	vld.idx.msk [tilespmem:v34+s23+$0x0], $0xffff  }
0x9f9: {  	v60 =	vadd.s32 v16, v31;
	v38 =	vld.idx.msk [tilespmem:v38+s23+$0x0], $0xffff  }
0x9fa: {  	v50 =	vadd.s32 v17, v31;
	v41 =	vld.idx.msk [tilespmem:v41+s23+$0x0], $0xffff  }
0x9fb: {  	v44 =	vld.idx.msk [tilespmem:v44+s23+$0x0], $0xffff  }
0x9fc: {  	v55 =	vld.idx.msk [tilespmem:v47+s23+$0x0], $0xffff  }
0x9fd: {  	v37 =	vadd.f32 v39, v37;
	v58 =	vld.idx.msk [tilespmem:v49+s23+$0x0], $0xffff  }
0x9fe: {  	v33 =	vadd.f32 v35, v33;
	v40 =	vadd.f32 v42, v40;
	v39 =	vld.idx.msk [tilespmem:v60+s23+$0x0], $0xffff  }
0x9ff: {  	v61 =	vadd.f32 v45, v43;
	v46 =	vadd.f32 v48, v46;
	v42 =	vld.idx.msk [tilespmem:v50+s23+$0x0], $0xffff  }
0xa00: {  	v53 =	vadd.f32 v0, v6;
	v0 =	vld [tilespmem:s13+$0xC410];
	v49 =	vadd.f32 v34, v37  }
0xa01: {  	v60 =	vadd.s32 v19, v31;
	v34 =	vld [tilespmem:s13+$0x12410];
	v52 =	vadd.f32 v8, v33;
	v50 =	vadd.f32 v38, v40  }
0xa02: {  	v6 =	vadd.s32 v18, v31;
	v33 =	vld [tilespmem:s13+$0xC420];
	v47 =	vadd.f32 v41, v61;
	v48 =	vadd.f32 v44, v46  }
0xa03: {  	v40 =	vld [tilespmem:s13+$0x12420];
	v44 =	vadd.f32 v54, v51;
	v37 =	vmul.f32 v53, v53;
	v8 =	vmul.f32 v49, v49  }
0xa04: {  	v38 =	vld [tilespmem:s13+$0xC430];
	v41 =	vadd.s32 v20, v31;
	v35 =	vadd.f32 $0.0e+00, v53;
	v43 =	vadd.f32 $0.0e+00, v52  }
0xa05: {  	v61 =	vld [tilespmem:s13+$0x12430];
	v45 =	vmul.f32 v52, v52;
	v8 =	vadd.f32 v8, v37;
	v37 =	vmul.f32 v50, v50  }
0xa06: {  	v60 =	vld.idx.msk [tilespmem:v60+s23+$0x0], $0xffff;
	v54 =	vadd.s32 v21, v31;
	v46 =	vadd.f32 v55, v44;
	v44 =	vadd.f32 v39, v32  }
0xa07: {  	v51 =	vld [tilespmem:s13+$0xC440];
	v35 =	vadd.f32 v49, v35;
	v37 =	vadd.f32 v37, v45;
	v45 =	vmul.f32 v47, v47  }
0xa08: {  	v32 =	vld [tilespmem:s13+$0x12450];
	v43 =	vadd.f32 v50, v43;
	v0 =	vadd.f32 v34, v0  }
0xa09: {  	v63 =	vmul.f32 v48, v48;
	v6 =	vld.idx.msk [tilespmem:v6+s23+$0x0], $0xffff;
	v8 =	vadd.f32 v45, v8;
	v45 =	vadd.f32 v58, v62  }
0xa0a: {  	v55 =	vld.idx.msk [tilespmem:v41+s23+$0x0], $0xffff;
	v33 =	vadd.f32 v40, v33;
	v39 =	vadd.f32 v42, v0;
	v62 =	vmul.f32 v46, v46  }
0xa0b: {  	v34 =	vld [tilespmem:s13+$0xC450];
	v42 =	vadd.s32 v22, v31;
	v37 =	vadd.f32 v63, v37;
	v63 =	vmul.f32 v45, v45  }
0xa0c: {  	v0 =	vld.idx.msk [tilespmem:v54+s23+$0x0], $0xffff;
	v58 =	vadd.s32 v23, v31;
	v8 =	vadd.f32 v62, v8;
	v62 =	vmul.f32 v44, v44  }
0xa0d: {  	v35 =	vadd.f32 v47, v35;
	v54 =	vld [tilespmem:s13+$0xC460];
	v57 =	vmul.f32 v39, v39;
	v37 =	vadd.f32 v63, v37  }
0xa0e: {  	v41 =	vadd.f32 v6, v33;
	v6 =	vld [tilespmem:s13+$0x12470];
	v8 =	vadd.f32 v62, v8  }
0xa0f: {  	v62 =	vld [tilespmem:s13+$0xC470];
	v63 =	vadd.f32 v56, v51;
	v57 =	vadd.f32 v57, v37  }
0xa10: {  	v37 =	vadd.f32 v61, v38;
	v38 =	vadd.f32 v48, v43;
	v43 =	vld.idx.msk [tilespmem:v42+s23+$0x0], $0xffff  }
0xa11: {  	s28 =	sor.u32 s2, s18;
	v32 =	vadd.f32 v32, v34;
	v51 =	vld.idx.msk [tilespmem:v58+s23+$0x0], $0xffff  }
0xa12: {  	v34 =	vld [tilespmem:s28+$0xC400];
	v56 =	vadd.s32 v25, v31;
	v61 =	vadd.f32 v46, v35;
	v40 =	vadd.f32 v55, v63  }
0xa13: {  	v33 =	vadd.s32 v24, v31;
	v58 =	vld [tilespmem:s28+$0xC420];
	v63 =	vadd.f32 v59, v54;
	v42 =	vadd.f32 v60, v37  }
0xa14: {  	v54 =	vld [tilespmem:s28+$0x12400];
	v60 =	vmul.f32 v41, v41;
	v37 =	vadd.f32 v0, v32;
	v0 =	vadd.f32 v6, v62  }
0xa15: {  	v38 =	vadd.f32 v45, v38;
	v59 =	vmul.f32 v42, v42;
	v35 =	vadd.f32 v43, v63;
	v43 =	vld [tilespmem:s28+$0xC410]  }
0xa16: {  	v8 =	vadd.f32 v60, v8;
	v60 =	vmul.f32 v40, v40;
	v32 =	vadd.f32 v51, v0;
	v0 =	vld [tilespmem:s28+$0x12410]  }
0xa17: {  	v62 =	vmul.f32 v37, v37;
	v51 =	vld.idx.msk [tilespmem:v56+s23+$0x0], $0xffff;
	v56 =	vadd.s32 v26, v31;
	v55 =	vadd.f32 v59, v57  }
0xa18: {  	v6 =	vld.idx.msk [tilespmem:v33+s23+$0x0], $0xffff;
	v31 =	vadd.s32 v27, v31;
	v8 =	vadd.f32 v60, v8;
	v63 =	vmul.f32 v35, v35  }
0xa19: {  	v33 =	vld [tilespmem:s28+$0x12420];
	v34 =	vadd.f32 v54, v34;
	v60 =	vmul.f32 v32, v32;
	v55 =	vadd.f32 v62, v55  }
0xa1a: {  	v59 =	vadd.f32 v44, v61;
	v57 =	vld [tilespmem:s28+$0xC430];
	v8 =	vadd.f32 v63, v8  }
0xa1b: {  	v62 =	vld [tilespmem:s28+$0x12430];
	v55 =	vadd.f32 v60, v55;
	v60 =	vadd.f32 v39, v38  }
0xa1c: {  	v63 =	vadd.f32 v41, v59;
	v0 =	vadd.f32 v0, v43;
	v56 =	vld.idx.msk [tilespmem:v56+s23+$0x0], $0xffff  }
0xa1d: {  	v38 =	vadd.f32 v6, v34;
	v31 =	vld.idx.msk [tilespmem:v31+s23+$0x0], $0xffff;
	v6 =	vadd.f32 v42, v60  }
0xa1e: {  	v34 =	vadd.f32 v51, v0  }
0xa1f: {  	v0 =	vadd.f32 v40, v63;
	v6 =	vadd.f32 v37, v6  }
0xa20: {  	v33 =	vadd.f32 v33, v58;
	v58 =	vadd.f32 v62, v57  }
0xa21: {  	v59 =	vmul.f32 v38, v38;
	v0 =	vadd.f32 v35, v0;
	v6 =	vadd.f32 v32, v6  }
0xa22: {  	v60 =	vmul.f32 v34, v34;
	v33 =	vadd.f32 v56, v33;
	v31 =	vadd.f32 v31, v58  }
0xa23: {  	v0 =	vadd.f32 v38, v0;
	v6 =	vadd.f32 v34, v6  }
0xa24: {  	v8 =	vadd.f32 v59, v8;
	v43 =	vadd.f32 v60, v55;
	v61 =	vmul.f32 v33, v33  }
0xa25: {  	v62 =	vmul.f32 v31, v31;
	v0 =	vadd.f32 v33, v0;
	v6 =	vadd.f32 v31, v6  }
0xa26: {  	v8 =	vadd.f32 v61, v8  }
0xa27: {  	v43 =	vadd.f32 v62, v43;
	v0 =	vadd.f32 v6, v0;
	_ =	sdelay $0x1  }
0xa28: {  	v8 =	vadd.f32 v43, v8;
	v6 =	vperm.xlane v0, v28;
	_ =	sdelay $0x1  }
0xa29: {  	v0 =	vadd.f32 v0, v6;
	v6 =	vperm.xlane v8, v28;
	_ =	sdelay $0x1  }
0xa2a: {  	v63 =	vperm.xlane v0, v29;
	v6 =	vadd.f32 v6, v8;
	_ =	sdelay $0x1  }
0xa2b: {  	v0 =	vadd.f32 v0, v63;
	v8 =	vperm.xlane v6, v29;
	_ =	sdelay $0x1  }
0xa2c: {  	v43 =	vperm.xlane v0, v30;
	v6 =	vadd.f32 v8, v6;
	_ =	sdelay $0x1  }
0xa2d: {  	v0 =	vadd.f32 v0, v43;
	v8 =	vperm.xlane v6, v30;
	_ =	sdelay $0x1  }
0xa2e: {  	v43 =	vperm.xlane v0, v5;
	v6 =	vadd.f32 v8, v6;
	_ =	sdelay $0x1  }
0xa2f: {  	v0 =	vadd.f32 v0, v43;
	v8 =	vperm.xlane v6, v5;
	_ =	sdelay $0x1  }
0xa30: {  	v6 =	vadd.f32 v8, v6;
	v43 =	vmul.f32 $3.205128250e-03, v0;
	_ =	sdelay $0x1  }
0xa31: {  	v0 =	vmul.f32 $3.205128250e-03, v6;
	v6 =	vmul.f32 v43, v43;
	_ =	sdelay $0x1  }
0xa32: {  	v0 =	vsub.f32 v0, v6;
	_ =	sdelay $0x1  }
0xa33: {  	v0 =	vmax.f32 v0, $0.0e+00  }
0xa34: {  	v0 =	vadd.f32 $9.999999960e-13, v0;
	_ =	sdelay $0x1  }
0xa35: {  	v6 =	vshrl.u32 v0, $0x1;
	v0 =	vmul.f32 $5.000000000e-01, v0  }
0xa36: {  	v6 =	vsub.s32 $0x5F3759DF, v6  }
0xa37: {  	v8 =	vmul.f32 v6, v0;
	_ =	sdelay $0x1  }
0xa38: {  	v8 =	vmul.f32 v6, v8;
	_ =	sdelay $0x1  }
0xa39: {  	v8 =	vsub.f32 $1.500000000e+00, v8;
	_ =	sdelay $0x1  }
0xa3a: {  	v6 =	vmul.f32 v6, v8;
	_ =	sdelay $0x1  }
0xa3b: {  	v8 =	vmul.f32 v6, v0;
	_ =	sdelay $0x1  }
0xa3c: {  	v8 =	vmul.f32 v8, v6;
	_ =	sdelay $0x1  }
0xa3d: {  	v8 =	vsub.f32 $1.500000000e+00, v8;
	_ =	sdelay $0x1  }
0xa3e: {  	v6 =	vmul.f32 v8, v6;
	_ =	sdelay $0x1  }
0xa3f: {  	v0 =	vmul.f32 v6, v0;
	_ =	sdelay $0x1  }
0xa40: {  	v0 =	vmul.f32 v0, v6  }
0xa41: {  	s21 =	sor.u32 $0x30, s21;
	s6 =	sor.u32 $0x10, s25;
	s11 =	sor.u32 $0x20, s25  }
.Ltmp22:
0xa42: {  	s1 =	sor.u32 $0x30, s25;
	s24 =	sor.u32 $0x40, s25;
	v0 =	vsub.f32 $1.500000000e+00, v0;
	(pc) =	sbr.rel @p0 .LBB2_29-.Ltmp22, $4  }
0xa43: {  	s12 =	sor.u32 $0x50, s25;
	s31 =	sor.u32 $0x60, s25;
	s30 =	sor.u32 $0x70, s25  }
0xa44: {  	s9 =	sor.u32 $0x10, s13;
	s29 =	sor.u32 $0x20, s13;
	s14 =	sor.u32 $0x30, s13;
	v51 =	vmul.f32 v0, v6;
	v0 =	vsub.f32 v53, v43  }
0xa45: {  	s26 =	sor.u32 $0x40, s13;
	s5 =	sor.u32 $0x50, s13;
	s4 =	sor.u32 $0x60, s13  }
0xa46: {  	[tilespmem:s21+$0xC400] =	vst v36;
	s3 =	sor.u32 $0x70, s13;
	s2 =	sor.u32 $0x10, s28;
	s21 =	sor.u32 $0x20, s28;
	v36 =	vmul.f32 v51, v0  }
0xa47: {  	v0 =	vsub.f32 v52, v43  }
0xa48: {  	v6 =	vsub.f32 v49, v43  }
0xa49: {  	v8 =	vsub.f32 v50, v43;
	v0 =	vmul.f32 v51, v0  }
0xa4a: {  	v57 =	vsub.f32 v47, v43;
	[tilespmem:s25+$0xC400] =	vst v36;
	v6 =	vmul.f32 v51, v6  }
0xa4b: {  	[tilespmem:s6+$0xC400] =	vst v0;
	v0 =	vmul.f32 v51, v8;
	v8 =	vsub.f32 v48, v43  }
0xa4c: {  	v58 =	vsub.f32 v46, v43;
	[tilespmem:s11+$0xC400] =	vst v6;
	v6 =	vmul.f32 v51, v57  }
0xa4d: {  	[tilespmem:s1+$0xC400] =	vst v0;
	v0 =	vmul.f32 v51, v8;
	v8 =	vsub.f32 v45, v43  }
0xa4e: {  	v59 =	vsub.f32 v44, v43;
	[tilespmem:s24+$0xC400] =	vst v6;
	v6 =	vmul.f32 v51, v58  }
0xa4f: {  	[tilespmem:s12+$0xC400] =	vst v0;
	v0 =	vmul.f32 v51, v8;
	v8 =	vsub.f32 v39, v43  }
0xa50: {  	v60 =	vsub.f32 v41, v43;
	[tilespmem:s31+$0xC400] =	vst v6;
	v6 =	vmul.f32 v51, v59  }
0xa51: {  	[tilespmem:s30+$0xC400] =	vst v0;
	v0 =	vmul.f32 v51, v8;
	v8 =	vsub.f32 v42, v43  }
0xa52: {  	v61 =	vsub.f32 v40, v43;
	[tilespmem:s13+$0xC400] =	vst v6;
	v6 =	vmul.f32 v51, v60  }
0xa53: {  	[tilespmem:s9+$0xC400] =	vst v0;
	v0 =	vmul.f32 v51, v8;
	v8 =	vsub.f32 v37, v43  }
0xa54: {  	v35 =	vsub.f32 v35, v43;
	[tilespmem:s29+$0xC400] =	vst v6;
	v6 =	vmul.f32 v51, v61  }
0xa55: {  	[tilespmem:s14+$0xC400] =	vst v0;
	v0 =	vmul.f32 v51, v8;
	v8 =	vsub.f32 v32, v43  }
0xa56: {  	v62 =	vsub.f32 v38, v43;
	[tilespmem:s26+$0xC400] =	vst v6;
	v6 =	vmul.f32 v51, v35  }
0xa57: {  	[tilespmem:s5+$0xC400] =	vst v0;
	v0 =	vmul.f32 v51, v8;
	v8 =	vsub.f32 v34, v43  }
.Ltmp23:
0xa58: {  	v63 =	vsub.f32 v33, v43;
	[tilespmem:s4+$0xC400] =	vst v6;
	v6 =	vmul.f32 v51, v62;
	(pc) =	sbr.rel .LBB2_30-.Ltmp23, $4  }
0xa59: {  	[tilespmem:s3+$0xC400] =	vst v0;
	v0 =	vmul.f32 v51, v8  }
0xa5a: {  	v8 =	vsub.f32 v31, v43;
	[tilespmem:s28+$0xC400] =	vst v6;
	v6 =	vmul.f32 v51, v63  }
0xa5b: {  	[tilespmem:s2+$0xC400] =	vst v0  }
0xa5c: {  	v36 =	vmul.f32 v51, v8;
	[tilespmem:s21+$0xC400] =	vst v6  }
.LBB2_29:
0xa5d: {  	v0 =	vld [tilespmem:$0x1DA00];
	_ =	sdelay $0x1  }
0xa5e: {  	v6 =	vld [tilespmem:$0x1DB80];
	_ =	sdelay $0x2  }
0xa5f: {  	v0 =	vmul.f32 v0, v36;
	_ =	sdelay $0x1  }
0xa60: {  	v0 =	vadd.f32 v6, v0;
	_ =	sdelay $0x1  }
0xa61: {  	[tilespmem:s25+$0xC400] =	vst v0  }
0xa62: {  	v0 =	vld [tilespmem:$0x1DA10]  }
0xa63: {  	v6 =	vsub.f32 v52, v43  }
0xa64: {  	v8 =	vld [tilespmem:$0x1DB90]  }
0xa65: {  	v6 =	vmul.f32 v51, v6;
	_ =	sdelay $0x1  }
0xa66: {  	v0 =	vmul.f32 v0, v6;
	_ =	sdelay $0x1  }
0xa67: {  	v0 =	vadd.f32 v8, v0;
	_ =	sdelay $0x1  }
0xa68: {  	[tilespmem:s6+$0xC400] =	vst v0  }
0xa69: {  	v0 =	vld [tilespmem:$0x1DA20]  }
0xa6a: {  	v6 =	vsub.f32 v49, v43  }
0xa6b: {  	v8 =	vld [tilespmem:$0x1DBA0]  }
0xa6c: {  	v6 =	vmul.f32 v51, v6;
	_ =	sdelay $0x1  }
0xa6d: {  	v0 =	vmul.f32 v0, v6;
	_ =	sdelay $0x1  }
0xa6e: {  	v0 =	vadd.f32 v8, v0;
	_ =	sdelay $0x1  }
0xa6f: {  	[tilespmem:s11+$0xC400] =	vst v0  }
0xa70: {  	v0 =	vld [tilespmem:$0x1DA30]  }
0xa71: {  	v6 =	vsub.f32 v50, v43  }
0xa72: {  	v8 =	vld [tilespmem:$0x1DBB0]  }
0xa73: {  	v6 =	vmul.f32 v51, v6;
	_ =	sdelay $0x1  }
0xa74: {  	v0 =	vmul.f32 v0, v6;
	_ =	sdelay $0x1  }
0xa75: {  	v0 =	vadd.f32 v8, v0;
	_ =	sdelay $0x1  }
0xa76: {  	[tilespmem:s1+$0xC400] =	vst v0  }
0xa77: {  	v0 =	vld [tilespmem:$0x1DA40]  }
0xa78: {  	v6 =	vsub.f32 v47, v43  }
0xa79: {  	v8 =	vld [tilespmem:$0x1DBC0]  }
0xa7a: {  	v6 =	vmul.f32 v51, v6;
	_ =	sdelay $0x1  }
0xa7b: {  	v0 =	vmul.f32 v0, v6;
	_ =	sdelay $0x1  }
0xa7c: {  	v0 =	vadd.f32 v8, v0;
	_ =	sdelay $0x1  }
0xa7d: {  	[tilespmem:s24+$0xC400] =	vst v0  }
0xa7e: {  	v0 =	vld [tilespmem:$0x1DA50]  }
0xa7f: {  	v6 =	vsub.f32 v48, v43  }
0xa80: {  	v8 =	vld [tilespmem:$0x1DBD0]  }
0xa81: {  	v6 =	vmul.f32 v51, v6;
	_ =	sdelay $0x1  }
0xa82: {  	v0 =	vmul.f32 v0, v6;
	_ =	sdelay $0x1  }
0xa83: {  	v0 =	vadd.f32 v8, v0;
	_ =	sdelay $0x1  }
0xa84: {  	[tilespmem:s12+$0xC400] =	vst v0  }
0xa85: {  	v0 =	vld [tilespmem:$0x1DA60]  }
0xa86: {  	v6 =	vsub.f32 v46, v43  }
0xa87: {  	v8 =	vld [tilespmem:$0x1DBE0]  }
0xa88: {  	v6 =	vmul.f32 v51, v6;
	_ =	sdelay $0x1  }
0xa89: {  	v0 =	vmul.f32 v0, v6;
	_ =	sdelay $0x1  }
0xa8a: {  	v0 =	vadd.f32 v8, v0;
	_ =	sdelay $0x1  }
0xa8b: {  	[tilespmem:s31+$0xC400] =	vst v0  }
0xa8c: {  	v0 =	vld [tilespmem:$0x1DA70]  }
0xa8d: {  	v6 =	vsub.f32 v45, v43  }
0xa8e: {  	v8 =	vld [tilespmem:$0x1DBF0]  }
0xa8f: {  	v6 =	vmul.f32 v51, v6;
	_ =	sdelay $0x1  }
0xa90: {  	v0 =	vmul.f32 v0, v6;
	_ =	sdelay $0x1  }
0xa91: {  	v0 =	vadd.f32 v8, v0;
	_ =	sdelay $0x1  }
0xa92: {  	[tilespmem:s30+$0xC400] =	vst v0  }
0xa93: {  	v0 =	vld [tilespmem:$0x1DA80]  }
0xa94: {  	v6 =	vsub.f32 v44, v43  }
0xa95: {  	v8 =	vld [tilespmem:$0x1DC00]  }
0xa96: {  	v6 =	vmul.f32 v51, v6;
	_ =	sdelay $0x1  }
0xa97: {  	v0 =	vmul.f32 v0, v6;
	_ =	sdelay $0x1  }
0xa98: {  	v0 =	vadd.f32 v8, v0;
	_ =	sdelay $0x1  }
0xa99: {  	[tilespmem:s13+$0xC400] =	vst v0  }
0xa9a: {  	v0 =	vld [tilespmem:$0x1DA90]  }
0xa9b: {  	v6 =	vsub.f32 v39, v43  }
0xa9c: {  	v8 =	vld [tilespmem:$0x1DC10]  }
0xa9d: {  	v6 =	vmul.f32 v51, v6;
	_ =	sdelay $0x1  }
0xa9e: {  	v0 =	vmul.f32 v0, v6;
	_ =	sdelay $0x1  }
0xa9f: {  	v0 =	vadd.f32 v8, v0;
	_ =	sdelay $0x1  }
0xaa0: {  	[tilespmem:s9+$0xC400] =	vst v0  }
0xaa1: {  	v0 =	vld [tilespmem:$0x1DAA0]  }
0xaa2: {  	v6 =	vsub.f32 v41, v43  }
0xaa3: {  	v8 =	vld [tilespmem:$0x1DC20]  }
0xaa4: {  	v6 =	vmul.f32 v51, v6;
	_ =	sdelay $0x1  }
0xaa5: {  	v0 =	vmul.f32 v0, v6;
	_ =	sdelay $0x1  }
0xaa6: {  	v0 =	vadd.f32 v8, v0;
	_ =	sdelay $0x1  }
0xaa7: {  	[tilespmem:s29+$0xC400] =	vst v0  }
0xaa8: {  	v0 =	vld [tilespmem:$0x1DAB0]  }
0xaa9: {  	v6 =	vsub.f32 v42, v43  }
0xaaa: {  	v8 =	vld [tilespmem:$0x1DC30]  }
0xaab: {  	v6 =	vmul.f32 v51, v6;
	_ =	sdelay $0x1  }
0xaac: {  	v0 =	vmul.f32 v0, v6;
	_ =	sdelay $0x1  }
0xaad: {  	v0 =	vadd.f32 v8, v0;
	_ =	sdelay $0x1  }
0xaae: {  	[tilespmem:s14+$0xC400] =	vst v0  }
0xaaf: {  	v0 =	vld [tilespmem:$0x1DAC0]  }
0xab0: {  	v6 =	vsub.f32 v40, v43  }
0xab1: {  	v8 =	vld [tilespmem:$0x1DC40]  }
0xab2: {  	v6 =	vmul.f32 v51, v6;
	_ =	sdelay $0x1  }
0xab3: {  	v0 =	vmul.f32 v0, v6;
	_ =	sdelay $0x1  }
0xab4: {  	v0 =	vadd.f32 v8, v0;
	_ =	sdelay $0x1  }
0xab5: {  	[tilespmem:s26+$0xC400] =	vst v0  }
0xab6: {  	v0 =	vld [tilespmem:$0x1DAD0]  }
0xab7: {  	v6 =	vsub.f32 v37, v43  }
0xab8: {  	v8 =	vld [tilespmem:$0x1DC50]  }
0xab9: {  	v6 =	vmul.f32 v51, v6;
	_ =	sdelay $0x1  }
0xaba: {  	v0 =	vmul.f32 v0, v6;
	_ =	sdelay $0x1  }
0xabb: {  	v0 =	vadd.f32 v8, v0;
	_ =	sdelay $0x1  }
0xabc: {  	[tilespmem:s5+$0xC400] =	vst v0  }
0xabd: {  	v0 =	vld [tilespmem:$0x1DAE0]  }
0xabe: {  	v6 =	vsub.f32 v35, v43  }
0xabf: {  	v8 =	vld [tilespmem:$0x1DC60]  }
0xac0: {  	v6 =	vmul.f32 v51, v6;
	_ =	sdelay $0x1  }
0xac1: {  	v0 =	vmul.f32 v0, v6;
	_ =	sdelay $0x1  }
0xac2: {  	v0 =	vadd.f32 v8, v0;
	_ =	sdelay $0x1  }
0xac3: {  	[tilespmem:s4+$0xC400] =	vst v0  }
0xac4: {  	v0 =	vld [tilespmem:$0x1DAF0]  }
0xac5: {  	v6 =	vsub.f32 v32, v43  }
0xac6: {  	v8 =	vld [tilespmem:$0x1DC70]  }
0xac7: {  	v6 =	vmul.f32 v51, v6;
	_ =	sdelay $0x1  }
0xac8: {  	v0 =	vmul.f32 v0, v6;
	_ =	sdelay $0x1  }
0xac9: {  	v0 =	vadd.f32 v8, v0;
	_ =	sdelay $0x1  }
0xaca: {  	[tilespmem:s3+$0xC400] =	vst v0  }
0xacb: {  	v0 =	vld [tilespmem:$0x1DB00]  }
0xacc: {  	v6 =	vsub.f32 v38, v43  }
0xacd: {  	v8 =	vld [tilespmem:$0x1DC80]  }
0xace: {  	v6 =	vmul.f32 v51, v6;
	_ =	sdelay $0x1  }
0xacf: {  	v0 =	vmul.f32 v0, v6;
	_ =	sdelay $0x1  }
0xad0: {  	v0 =	vadd.f32 v8, v0;
	_ =	sdelay $0x1  }
0xad1: {  	[tilespmem:s28+$0xC400] =	vst v0  }
0xad2: {  	v0 =	vld [tilespmem:$0x1DB10]  }
0xad3: {  	v6 =	vsub.f32 v34, v43  }
0xad4: {  	v8 =	vld [tilespmem:$0x1DC90]  }
0xad5: {  	v6 =	vmul.f32 v51, v6;
	_ =	sdelay $0x1  }
0xad6: {  	v0 =	vmul.f32 v0, v6;
	_ =	sdelay $0x1  }
0xad7: {  	v0 =	vadd.f32 v8, v0;
	_ =	sdelay $0x1  }
0xad8: {  	[tilespmem:s2+$0xC400] =	vst v0  }
0xad9: {  	v0 =	vld [tilespmem:$0x1DB20]  }
0xada: {  	v6 =	vsub.f32 v33, v43  }
0xadb: {  	v8 =	vld [tilespmem:$0x1DCA0]  }
0xadc: {  	v6 =	vmul.f32 v51, v6;
	_ =	sdelay $0x1  }
0xadd: {  	v0 =	vmul.f32 v0, v6;
	_ =	sdelay $0x1  }
0xade: {  	v0 =	vadd.f32 v8, v0;
	_ =	sdelay $0x1  }
0xadf: {  	[tilespmem:s21+$0xC400] =	vst v0  }
0xae0: {  	v0 =	vld [tilespmem:$0x1DB30]  }
0xae1: {  	v6 =	vsub.f32 v31, v43  }
0xae2: {  	v8 =	vld [tilespmem:$0x1DCB0]  }
0xae3: {  	v6 =	vmul.f32 v51, v6;
	_ =	sdelay $0x1  }
0xae4: {  	v0 =	vmul.f32 v0, v6;
	_ =	sdelay $0x1  }
0xae5: {  	v36 =	vadd.f32 v8, v0  }
.LBB2_30:
0xae6: {  	s31 =	sand.u32 $0x380, s16  }
0xae7: {  	s17 =	sor.u32 s17, s31  }
0xae8: {  	v6 =	vld [tilespmem:s17+$0xC400]  }
0xae9: {  	v32 =	vld [tilespmem:s17+$0x12400]  }
0xaea: {  	v33 =	vld [tilespmem:s17+$0xC410]  }
0xaeb: {  	v35 =	vld [tilespmem:s17+$0x12410]  }
0xaec: {  	v37 =	vld [tilespmem:s17+$0xC420]  }
0xaed: {  	s0 =	sadd.s32 $0x1, s0;
	v39 =	vld [tilespmem:s17+$0x12420]  }
0xaee: {  	v0 =	vmov s0;
	v40 =	vld [tilespmem:s17+$0xC430]  }
0xaef: {  	v42 =	vld [tilespmem:s17+$0x12430]  }
0xaf0: {  	v43 =	vld [tilespmem:s17+$0xC440]  }
0xaf1: {  	v45 =	vld [tilespmem:s17+$0x12440]  }
0xaf2: {  	v46 =	vld [tilespmem:s17+$0xC450]  }
0xaf3: {  	v31 =	vld.idx.msk [tilespmem:v0+s8+$0x0], $0xffff  }
0xaf4: {  	v56 =	vld [tilespmem:s17+$0xC470]  }
0xaf5: {  	s13 =	sor.u32 s31, s22;
	v57 =	vld [tilespmem:s17+$0x12470]  }
0xaf6: {  	v59 =	vld [tilespmem:s13+$0xC400]  }
0xaf7: {  	v6 =	vadd.f32 v32, v6;
	v32 =	vld [tilespmem:s13+$0x12400]  }
0xaf8: {  	v48 =	vld [tilespmem:s17+$0x12450];
	v0 =	vadd.s32 v4, v31  }
0xaf9: {  	v51 =	vld [tilespmem:s17+$0xC460];
	v8 =	vadd.s32 v9, v31  }
0xafa: {  	v54 =	vld [tilespmem:s17+$0x12460];
	v34 =	vadd.s32 v10, v31  }
0xafb: {  	v62 =	vadd.f32 v57, v56;
	v56 =	vld [tilespmem:s13+$0x12440];
	v38 =	vadd.s32 v11, v31  }
0xafc: {  	v41 =	vadd.s32 v12, v31;
	v32 =	vadd.f32 v32, v59;
	v59 =	vld [tilespmem:s13+$0x12460]  }
0xafd: {  	v44 =	vadd.s32 v13, v31;
	v0 =	vld.idx.msk [tilespmem:v0+s23+$0x0], $0xffff  }
0xafe: {  	v47 =	vadd.s32 v14, v31;
	v8 =	vld.idx.msk [tilespmem:v8+s23+$0x0], $0xffff  }
0xaff: {  	v49 =	vadd.s32 v15, v31;
	v34 =	vld.idx.msk [tilespmem:v34+s23+$0x0], $0xffff  }
0xb00: {  	v60 =	vadd.s32 v16, v31;
	v38 =	vld.idx.msk [tilespmem:v38+s23+$0x0], $0xffff  }
0xb01: {  	v50 =	vadd.s32 v17, v31;
	v41 =	vld.idx.msk [tilespmem:v41+s23+$0x0], $0xffff  }
0xb02: {  	v44 =	vld.idx.msk [tilespmem:v44+s23+$0x0], $0xffff  }
0xb03: {  	v55 =	vld.idx.msk [tilespmem:v47+s23+$0x0], $0xffff  }
0xb04: {  	v37 =	vadd.f32 v39, v37;
	v58 =	vld.idx.msk [tilespmem:v49+s23+$0x0], $0xffff  }
0xb05: {  	v33 =	vadd.f32 v35, v33;
	v40 =	vadd.f32 v42, v40;
	v39 =	vld.idx.msk [tilespmem:v60+s23+$0x0], $0xffff  }
0xb06: {  	v61 =	vadd.f32 v45, v43;
	v46 =	vadd.f32 v48, v46;
	v42 =	vld.idx.msk [tilespmem:v50+s23+$0x0], $0xffff  }
0xb07: {  	v53 =	vadd.f32 v0, v6;
	v0 =	vld [tilespmem:s13+$0xC410];
	v49 =	vadd.f32 v34, v37  }
0xb08: {  	v60 =	vadd.s32 v19, v31;
	v34 =	vld [tilespmem:s13+$0x12410];
	v52 =	vadd.f32 v8, v33;
	v50 =	vadd.f32 v38, v40  }
0xb09: {  	v6 =	vadd.s32 v18, v31;
	v33 =	vld [tilespmem:s13+$0xC420];
	v47 =	vadd.f32 v41, v61;
	v48 =	vadd.f32 v44, v46  }
0xb0a: {  	v40 =	vld [tilespmem:s13+$0x12420];
	v44 =	vadd.f32 v54, v51;
	v37 =	vmul.f32 v53, v53;
	v8 =	vmul.f32 v49, v49  }
0xb0b: {  	v38 =	vld [tilespmem:s13+$0xC430];
	v41 =	vadd.s32 v20, v31;
	v35 =	vadd.f32 $0.0e+00, v53;
	v43 =	vadd.f32 $0.0e+00, v52  }
0xb0c: {  	v61 =	vld [tilespmem:s13+$0x12430];
	v45 =	vmul.f32 v52, v52;
	v8 =	vadd.f32 v8, v37;
	v37 =	vmul.f32 v50, v50  }
0xb0d: {  	v60 =	vld.idx.msk [tilespmem:v60+s23+$0x0], $0xffff;
	v54 =	vadd.s32 v21, v31;
	v46 =	vadd.f32 v55, v44;
	v44 =	vadd.f32 v39, v32  }
0xb0e: {  	v51 =	vld [tilespmem:s13+$0xC440];
	v35 =	vadd.f32 v49, v35;
	v37 =	vadd.f32 v37, v45;
	v45 =	vmul.f32 v47, v47  }
0xb0f: {  	v32 =	vld [tilespmem:s13+$0x12450];
	v43 =	vadd.f32 v50, v43;
	v0 =	vadd.f32 v34, v0  }
0xb10: {  	v63 =	vmul.f32 v48, v48;
	v6 =	vld.idx.msk [tilespmem:v6+s23+$0x0], $0xffff;
	v8 =	vadd.f32 v45, v8;
	v45 =	vadd.f32 v58, v62  }
0xb11: {  	v55 =	vld.idx.msk [tilespmem:v41+s23+$0x0], $0xffff;
	v33 =	vadd.f32 v40, v33;
	v39 =	vadd.f32 v42, v0;
	v62 =	vmul.f32 v46, v46  }
0xb12: {  	v34 =	vld [tilespmem:s13+$0xC450];
	v42 =	vadd.s32 v22, v31;
	v37 =	vadd.f32 v63, v37;
	v63 =	vmul.f32 v45, v45  }
0xb13: {  	v0 =	vld.idx.msk [tilespmem:v54+s23+$0x0], $0xffff;
	v58 =	vadd.s32 v23, v31;
	v8 =	vadd.f32 v62, v8;
	v62 =	vmul.f32 v44, v44  }
0xb14: {  	v35 =	vadd.f32 v47, v35;
	v54 =	vld [tilespmem:s13+$0xC460];
	v57 =	vmul.f32 v39, v39;
	v37 =	vadd.f32 v63, v37  }
0xb15: {  	v41 =	vadd.f32 v6, v33;
	v6 =	vld [tilespmem:s13+$0x12470];
	v8 =	vadd.f32 v62, v8  }
0xb16: {  	v62 =	vld [tilespmem:s13+$0xC470];
	v63 =	vadd.f32 v56, v51;
	v57 =	vadd.f32 v57, v37  }
0xb17: {  	v37 =	vadd.f32 v61, v38;
	v38 =	vadd.f32 v48, v43;
	v43 =	vld.idx.msk [tilespmem:v42+s23+$0x0], $0xffff  }
0xb18: {  	s0 =	sor.u32 s31, s18;
	v32 =	vadd.f32 v32, v34;
	v51 =	vld.idx.msk [tilespmem:v58+s23+$0x0], $0xffff  }
0xb19: {  	v34 =	vld [tilespmem:s0+$0xC400];
	v56 =	vadd.s32 v25, v31;
	v61 =	vadd.f32 v46, v35;
	v40 =	vadd.f32 v55, v63  }
0xb1a: {  	v33 =	vadd.s32 v24, v31;
	v58 =	vld [tilespmem:s0+$0xC420];
	v63 =	vadd.f32 v59, v54;
	v42 =	vadd.f32 v60, v37  }
0xb1b: {  	v54 =	vld [tilespmem:s0+$0x12400];
	v60 =	vmul.f32 v41, v41;
	v37 =	vadd.f32 v0, v32;
	v0 =	vadd.f32 v6, v62  }
0xb1c: {  	v38 =	vadd.f32 v45, v38;
	v59 =	vmul.f32 v42, v42;
	v35 =	vadd.f32 v43, v63;
	v43 =	vld [tilespmem:s0+$0xC410]  }
0xb1d: {  	v8 =	vadd.f32 v60, v8;
	v60 =	vmul.f32 v40, v40;
	v32 =	vadd.f32 v51, v0;
	v0 =	vld [tilespmem:s0+$0x12410]  }
0xb1e: {  	v62 =	vmul.f32 v37, v37;
	v51 =	vld.idx.msk [tilespmem:v56+s23+$0x0], $0xffff;
	v56 =	vadd.s32 v26, v31;
	v55 =	vadd.f32 v59, v57  }
0xb1f: {  	v6 =	vld.idx.msk [tilespmem:v33+s23+$0x0], $0xffff;
	v31 =	vadd.s32 v27, v31;
	v8 =	vadd.f32 v60, v8;
	v63 =	vmul.f32 v35, v35  }
0xb20: {  	v33 =	vld [tilespmem:s0+$0x12420];
	v34 =	vadd.f32 v54, v34;
	v60 =	vmul.f32 v32, v32;
	v55 =	vadd.f32 v62, v55  }
0xb21: {  	v59 =	vadd.f32 v44, v61;
	v57 =	vld [tilespmem:s0+$0xC430];
	v8 =	vadd.f32 v63, v8  }
0xb22: {  	v62 =	vld [tilespmem:s0+$0x12430];
	v55 =	vadd.f32 v60, v55;
	v60 =	vadd.f32 v39, v38  }
0xb23: {  	v63 =	vadd.f32 v41, v59;
	v0 =	vadd.f32 v0, v43;
	v56 =	vld.idx.msk [tilespmem:v56+s23+$0x0], $0xffff  }
0xb24: {  	v38 =	vadd.f32 v6, v34;
	v31 =	vld.idx.msk [tilespmem:v31+s23+$0x0], $0xffff;
	v6 =	vadd.f32 v42, v60  }
0xb25: {  	v34 =	vadd.f32 v51, v0  }
0xb26: {  	v0 =	vadd.f32 v40, v63;
	v6 =	vadd.f32 v37, v6  }
0xb27: {  	v33 =	vadd.f32 v33, v58;
	v58 =	vadd.f32 v62, v57  }
0xb28: {  	v59 =	vmul.f32 v38, v38;
	v0 =	vadd.f32 v35, v0;
	v6 =	vadd.f32 v32, v6  }
0xb29: {  	v60 =	vmul.f32 v34, v34;
	v33 =	vadd.f32 v56, v33;
	v31 =	vadd.f32 v31, v58  }
0xb2a: {  	v0 =	vadd.f32 v38, v0;
	v6 =	vadd.f32 v34, v6  }
0xb2b: {  	v8 =	vadd.f32 v59, v8;
	v43 =	vadd.f32 v60, v55;
	v61 =	vmul.f32 v33, v33  }
0xb2c: {  	v62 =	vmul.f32 v31, v31;
	v0 =	vadd.f32 v33, v0;
	v6 =	vadd.f32 v31, v6  }
0xb2d: {  	v8 =	vadd.f32 v61, v8  }
0xb2e: {  	v43 =	vadd.f32 v62, v43;
	v0 =	vadd.f32 v6, v0;
	_ =	sdelay $0x1  }
0xb2f: {  	v8 =	vadd.f32 v43, v8;
	v6 =	vperm.xlane v0, v28;
	_ =	sdelay $0x1  }
0xb30: {  	v0 =	vadd.f32 v0, v6;
	v6 =	vperm.xlane v8, v28;
	_ =	sdelay $0x1  }
0xb31: {  	v63 =	vperm.xlane v0, v29;
	v6 =	vadd.f32 v6, v8;
	_ =	sdelay $0x1  }
0xb32: {  	v0 =	vadd.f32 v0, v63;
	v8 =	vperm.xlane v6, v29;
	_ =	sdelay $0x1  }
0xb33: {  	v43 =	vperm.xlane v0, v30;
	v6 =	vadd.f32 v8, v6;
	_ =	sdelay $0x1  }
0xb34: {  	v0 =	vadd.f32 v0, v43;
	v8 =	vperm.xlane v6, v30;
	_ =	sdelay $0x1  }
0xb35: {  	v43 =	vperm.xlane v0, v5;
	v6 =	vadd.f32 v8, v6;
	_ =	sdelay $0x1  }
0xb36: {  	v0 =	vadd.f32 v0, v43;
	v8 =	vperm.xlane v6, v5;
	_ =	sdelay $0x1  }
0xb37: {  	v6 =	vadd.f32 v8, v6;
	v43 =	vmul.f32 $3.205128250e-03, v0;
	_ =	sdelay $0x1  }
0xb38: {  	v0 =	vmul.f32 $3.205128250e-03, v6;
	v6 =	vmul.f32 v43, v43;
	_ =	sdelay $0x1  }
0xb39: {  	v0 =	vsub.f32 v0, v6;
	_ =	sdelay $0x1  }
0xb3a: {  	v0 =	vmax.f32 v0, $0.0e+00  }
0xb3b: {  	v0 =	vadd.f32 $9.999999960e-13, v0;
	_ =	sdelay $0x1  }
0xb3c: {  	v6 =	vshrl.u32 v0, $0x1;
	v0 =	vmul.f32 $5.000000000e-01, v0  }
0xb3d: {  	v6 =	vsub.s32 $0x5F3759DF, v6  }
0xb3e: {  	v8 =	vmul.f32 v6, v0;
	_ =	sdelay $0x1  }
0xb3f: {  	v8 =	vmul.f32 v6, v8;
	_ =	sdelay $0x1  }
0xb40: {  	v8 =	vsub.f32 $1.500000000e+00, v8;
	_ =	sdelay $0x1  }
0xb41: {  	v6 =	vmul.f32 v6, v8;
	_ =	sdelay $0x1  }
0xb42: {  	v8 =	vmul.f32 v6, v0;
	_ =	sdelay $0x1  }
0xb43: {  	v8 =	vmul.f32 v8, v6;
	_ =	sdelay $0x1  }
0xb44: {  	v8 =	vsub.f32 $1.500000000e+00, v8;
	_ =	sdelay $0x1  }
0xb45: {  	v6 =	vmul.f32 v8, v6;
	_ =	sdelay $0x1  }
0xb46: {  	v0 =	vmul.f32 v6, v0;
	_ =	sdelay $0x1  }
0xb47: {  	v0 =	vmul.f32 v0, v6  }
0xb48: {  	s2 =	sor.u32 $0x30, s28;
	s6 =	sor.u32 $0x10, s17;
	s11 =	sor.u32 $0x20, s17  }
.Ltmp24:
0xb49: {  	s1 =	sor.u32 $0x30, s17;
	s24 =	sor.u32 $0x40, s17;
	v0 =	vsub.f32 $1.500000000e+00, v0;
	(pc) =	sbr.rel @p0 .LBB2_32-.Ltmp24, $4  }
0xb4a: {  	s12 =	sor.u32 $0x50, s17;
	s26 =	sor.u32 $0x60, s17;
	s25 =	sor.u32 $0x70, s17  }
0xb4b: {  	s9 =	sor.u32 $0x10, s13;
	s22 =	sor.u32 $0x20, s13;
	s14 =	sor.u32 $0x30, s13;
	v51 =	vmul.f32 v0, v6;
	v0 =	vsub.f32 v53, v43  }
0xb4c: {  	s21 =	sor.u32 $0x40, s13;
	s5 =	sor.u32 $0x50, s13;
	s4 =	sor.u32 $0x60, s13  }
0xb4d: {  	[tilespmem:s2+$0xC400] =	vst v36;
	s3 =	sor.u32 $0x70, s13;
	s2 =	sor.u32 $0x10, s0;
	s18 =	sor.u32 $0x20, s0;
	v36 =	vmul.f32 v51, v0  }
0xb4e: {  	v0 =	vsub.f32 v52, v43  }
0xb4f: {  	v6 =	vsub.f32 v49, v43  }
0xb50: {  	v8 =	vsub.f32 v50, v43;
	v0 =	vmul.f32 v51, v0  }
0xb51: {  	v57 =	vsub.f32 v47, v43;
	[tilespmem:s17+$0xC400] =	vst v36;
	v6 =	vmul.f32 v51, v6  }
0xb52: {  	[tilespmem:s6+$0xC400] =	vst v0;
	v0 =	vmul.f32 v51, v8;
	v8 =	vsub.f32 v48, v43  }
0xb53: {  	v58 =	vsub.f32 v46, v43;
	[tilespmem:s11+$0xC400] =	vst v6;
	v6 =	vmul.f32 v51, v57  }
0xb54: {  	[tilespmem:s1+$0xC400] =	vst v0;
	v0 =	vmul.f32 v51, v8;
	v8 =	vsub.f32 v45, v43  }
0xb55: {  	v59 =	vsub.f32 v44, v43;
	[tilespmem:s24+$0xC400] =	vst v6;
	v6 =	vmul.f32 v51, v58  }
0xb56: {  	[tilespmem:s12+$0xC400] =	vst v0;
	v0 =	vmul.f32 v51, v8;
	v8 =	vsub.f32 v39, v43  }
0xb57: {  	v60 =	vsub.f32 v41, v43;
	[tilespmem:s26+$0xC400] =	vst v6;
	v6 =	vmul.f32 v51, v59  }
0xb58: {  	[tilespmem:s25+$0xC400] =	vst v0;
	v0 =	vmul.f32 v51, v8;
	v8 =	vsub.f32 v42, v43  }
0xb59: {  	v61 =	vsub.f32 v40, v43;
	[tilespmem:s13+$0xC400] =	vst v6;
	v6 =	vmul.f32 v51, v60  }
0xb5a: {  	[tilespmem:s9+$0xC400] =	vst v0;
	v0 =	vmul.f32 v51, v8;
	v8 =	vsub.f32 v37, v43  }
0xb5b: {  	v35 =	vsub.f32 v35, v43;
	[tilespmem:s22+$0xC400] =	vst v6;
	v6 =	vmul.f32 v51, v61  }
0xb5c: {  	[tilespmem:s14+$0xC400] =	vst v0;
	v0 =	vmul.f32 v51, v8;
	v8 =	vsub.f32 v32, v43  }
0xb5d: {  	v62 =	vsub.f32 v38, v43;
	[tilespmem:s21+$0xC400] =	vst v6;
	v6 =	vmul.f32 v51, v35  }
0xb5e: {  	[tilespmem:s5+$0xC400] =	vst v0;
	v0 =	vmul.f32 v51, v8;
	v8 =	vsub.f32 v34, v43  }
.Ltmp25:
0xb5f: {  	v63 =	vsub.f32 v33, v43;
	[tilespmem:s4+$0xC400] =	vst v6;
	v6 =	vmul.f32 v51, v62;
	(pc) =	sbr.rel .LBB2_33-.Ltmp25, $4  }
0xb60: {  	[tilespmem:s3+$0xC400] =	vst v0;
	v0 =	vmul.f32 v51, v8  }
0xb61: {  	v8 =	vsub.f32 v31, v43;
	[tilespmem:s0+$0xC400] =	vst v6;
	v6 =	vmul.f32 v51, v63  }
0xb62: {  	[tilespmem:s2+$0xC400] =	vst v0  }
0xb63: {  	v31 =	vmul.f32 v51, v8;
	[tilespmem:s18+$0xC400] =	vst v6  }
.LBB2_36:
0xb64: {  	_ =	sfence.sel $0x180000  }
0xb65: {  	[bflag:$0x0] =	sbarrier.arrive $0xFFFF  }
0xb66: {  	_ =	strace $0x90000047  }
0xb67: {  	s0 =	stileid.u32;
	[bflag:$0x2] =	sbarrier.arrive $0xFFFF  }
0xb68: {  	p0 =	sne.s32 s0, $0x0;
	s0 =	rddreg [dreg:$0x1]  }
0xb69: {  	s0 =	sadd.s32 @!p0 $0x100000, s0  }
0xb6a: {  	[sflag:s0] =	ssyncadd.tile.s32 @!p0 $0x1;
	_ =	shalt  }
.Lfunc_end2:
_tile_overlayer_lowered:
.L_overlay_start_2:
0xb6b: {  	(tag) =	ssettag $0x2  }
0xb6c: {  	s0 =	rddreg [dreg:$0x0];
	s2 =	stileid.u32  }
0xb6d: {  	s1 =	rddreg [dreg:$0x1];
	p0 =	sne.s32 s2, $0x0  }
0xb6e: {  	s3 =	rddreg [dreg:$0x2];
	[bflag:$0x3] =	sbarrier.arrive $0xFFFF;
	s2 =	simm.s32 @!p0 $0x1C05  }
0xb6f: {  	[timem:s3], [sflag:s2] =	dma.local @!p0 [hbm:s0], s1  }
0xb70: {  	s0 =	simm.s32 @!p0 $0x5  }
0xb71: {  	_ =	swait.ge @!p0 [sflag:s0], s1  }
0xb72: {  	s1 =	ssub.s32 @!p0 $0x0, s1;
	[sflag:s0] =	ssyncset.done @!p0 $0x0  }
0xb73: {  	[sflag:s0] =	ssyncadd.s32 @!p0 s1  }
0xb74: {  	[bflag:$0x3] =	sbarrier.arrive $0xFFFF  }
0xb75: {  	_ =	shalt  }

// kernel: sparse-core-data-format-call.cloned.1.call-start
scs
called_computation_lowered:
.L_overlay_start_0:
0x0: {  	s2 =	sld [smem:$0x3FD9]  }
0x1: {  	s3 =	sld [smem:$0x3FFE];
	_ =	sdelay $0x1  }
0x2: {  	s1 =	srdreg.scid  }
0x3: {  	s0 =	sand.u32 $0x1, s1  }
0x4: {  	s18 =	sshll.u32 s0, $0xA;
	s2 =	sadd.s32 s3, s2  }
0x5: {  	s2 =	sadd.s32 s2, s18  }
0x6: {  	[smem:$0x3FBE] =	sst s2  }
0x7: {  	_ = 	snop  }
0x8: {  	s2 =	sld [smem:$0x3FD0];
	(tm) =	ssettm $0x1  }
0x9: {  	s19 =	sld [smem:$0x3FFB];
	_ =	sdelay $0x3  }
0xa: {  	_ =	strace s19  }
0xb: {  	s3 =	sld [smem:$0x3FFC];
	_ =	sdelay $0x3  }
0xc: {  	_ =	strace s3  }
0xd: {  	s3 =	sld [smem:$0x3FFD];
	_ =	sdelay $0x3  }
0xe: {  	_ =	strace s3  }
0xf: {  	_ =	strace $0x8FFFFFFF  }
0x10: {  	s20 =	sld [smem:$0x3FDB];
	_ =	sdelay $0x1  }
0x11: {  	s4 =	simm.s32 $_scs_section_size  }
0x12: {  	s5 =	simm.s32 $_size__tile_overlayer_lowered;
	s6 =	simm.s32 $_tile_overlayer_lowered  }
0x13: {  	s23 =	simm.s32 $0x1BFF;
	s22 =	sshll.u32 s6, $0x1;
	s3 =	sadd.s32 s4, s20  }
0x14: {  	s7 =	simm.s32 $0x0;
	s21 =	sshll.u32 s5, $0x1;
	s5 =	sadd.s32 s22, s3  }
0x15: {  	[timem:s7], [sflag:s23] =	dma.local [hbm:s5], s21  }
0x16: {  	_ =	swait.ge [sflag:s23], s21  }
0x17: {  	s4 =	ssub.s32 $0x0, s21;
	[sflag:s23] =	ssyncset.done $0x0  }
0x18: {  	[sflag:s23] =	ssyncadd.s32 s4;
	_ =	sdelay $0x1  }
0x19: {  	s24 =	simm.s32 $0x1B8B  }
0x1a: {  	_ =	swait.ge [sflag:s24], $0x1  }
0x1b: {  	[sflag:s24] =	ssyncset.done $0x0  }
0x1c: {  	s26 =	simm.s32 $0x1B8E;
	s25 =	sld [smem:$0x3FFE];
	[sflag:s24] =	ssyncadd.s32 $0xFFFFFFFF  }
0x1d: {  	s27 =	simm.s32 $execute0_lowered;
	[smem:$0x3FD2] =	sst s26  }
0x1e: {  	s5 =	sshll.u32 s27, $0x1;
	_ =	strace $0x80000049;
	[dreg:$0x1] =	wrdreg $0xFFFFFFFF  }
0x1f: {  	s28 =	simm.s32 $_size_execute0_lowered;
	s3 =	sadd.s32 s3, s5;
	[dreg:$0x0] =	wrdreg $0x0  }
0x20: {  	s5 =	sshll.u32 s28, $0x1;
	[dreg:$0x2] =	wrdreg s3  }
0x21: {  	[dreg:$0x3] =	wrdreg s5  }
0x22: {  	[dreg:$0x4] =	wrdreg $0xC0  }
0x23: {  	_ =	task [dreg:s7], $0x5FFFF  }
0x24: {  	[dreg:$0x1] =	wrdreg $0xFFFFFFFF  }
0x25: {  	[dreg:$0x0] =	wrdreg $0x60  }
0x26: {  	[dreg:$0x2] =	wrdreg s25  }
0x27: {  	[dreg:$0x3] =	wrdreg s2  }
0x28: {  	[dreg:$0x4] =	wrdreg $0x9  }
0x29: {  	_ =	task.clear_ibuf [dreg:s7], $0x5FFFF;
	_ =	strace $0x90000049  }
0x2a: {  	s29 =	simm.s32 $0x9;
	_ =	strace $0x8000004B  }
0x2b: {  	_ =	swait.ge [sflag:s29], $0x1  }
0x2c: {  	[sflag:s29] =	ssyncadd.s32 $0xFFFFFFFF  }
0x2d: {  	_ =	strace $0x9000004B  }
0x2e: {  	_ =	sfence  }
0x2f: {  	s30 =	sld [smem:$0x0];
	_ =	sdelay $0x2  }
0x30: {  	s31 =	sshll.u32 s1, $0xD;
	s1 =	sshrl.u32 s1, $0x2  }
0x31: {  	s3 =	sand.u32 $0x4000, s31;
	s1 =	sadd.s32 s1, s30  }
0x32: {  	s0 =	sor.u32 s3, s0;
	s1 =	sshll.u32 s1, $0x11  }
0x33: {  	s0 =	sor.u32 s1, s0  }
0x34: {  	s0 =	sadd.s32 $0x8F2B, s0  }
0x35: {  	[sflag:s0] =	ssyncadd.remote.s32 $0x1  }
0x36: {  	_ =	sfence.sel $0xFFFF  }
0x37: {  	[dreg:$0x0] =	wrdreg $0xFFFFFFFF;
	(pc) =	sbr.abs _section_cstart, $3  }
0x38: {  	[dreg:$0x1] =	wrdreg $0xFFFFFFFF  }
0x39: {  	_ =	task.clear_ibuf [dreg:s7], $0x2FFFF;
	_ =	strace $0x9FFFFFFF  }
0x3a: {  	(tm) =	ssettm $0x7FFFFFFF  }
0x3b: {  	_ =	shalt  }
tec
execute0_lowered:
.L_overlay_start_1:
0x0: {  	(tag) =	ssettag $0x1  }
0x1: {  	s1 =	rddreg [dreg:$0x0]  }
0x2: {  	s2 =	rddreg [dreg:$0x1]  }
0x3: {  	s0 =	rddreg [dreg:$0x2]  }
0x4: {  	s4 =	srdreg.scid;
	_ =	strace $0x8000004A;
	s6 =	simm.s32 $0x2  }
0x5: {  	s14 =	simm.s32 $0x0;
	p0 =	por $0x0, $0x0;
	s15 =	simm.s32 $0x0  }
0x6: {  	s16 =	simm.s32 $0x0;
	s7 =	simm.s32 $0x0;
	s9 =	simm.s32 $0x0  }
.Ltmp0:
0x7: {  	s10 =	simm.s32 $0x0;
	s11 =	simm.s32 $0x0;
	(pc) =	sbr.rel .LBB1_1-.Ltmp0, $4  }
0x8: {  	s12 =	simm.s32 $0x0;
	s3 =	sadd.s32 $0x1F5E00, s1;
	s4 =	sshll.u32 s4, $0x4  }
0x9: {  	s1 =	stileid.u32;
	s5 =	sand.u32 $0x10, s4;
	s4 =	simm.s32 $0x1  }
0xa: {  	s8 =	simm.s32 $0x0;
	s5 =	sor.u32 s1, s5;
	[sflag:s4] =	ssyncpa.u1 $0x0  }
0xb: {  	[sflag:s6] =	ssyncpa.u1 $0x0;
	s6 =	simm.s32 $0x4000;
	s13 =	smov.u32 s5  }
.LBB1_5:
0xc: {  	p1 =	slt.u32 s8, $0x2  }
0xd: {  	p2 =	sgt.s32 @!p1 s16, $0x1F  }
0xe: {  	s17 =	smov.u32 s16;
	s18 =	sshra.s32 @!p1 s16, $0x1F;
	p2 =	por !p2, p1  }
0xf: {  	s16 =	sand.u32 @!p1 s18, s16;
	s17 =	simm.s32 @p2 $0x1F  }
0x10: {  	p3 =	sgt.s32 @!p1 s15, $0x780;
	s16 =	ssub.s32 @!p1 s17, s16  }
0x11: {  	p3 =	por !p3, p1;
	s18 =	sshra.s32 @!p1 s15, $0x1F;
	s17 =	sadd.s32 @!p1 $0xFFFFFFE1, s16  }
0x12: {  	s16 =	ssub.s32 @!p1 $0x20, s16;
	p2 =	sgt.s32 @!p1 s17, $0x0;
	s17 =	smov.u32 s15  }
0x13: {  	s15 =	sand.u32 @!p1 s18, s15;
	s17 =	simm.s32 @p3 $0x780;
	p3 =	sgt.s32 @!p1 s14, $0xB8  }
0x14: {  	s18 =	smov.u32 s14;
	p2 =	por !p2, p1;
	p3 =	por !p3, p1  }
0x15: {  	s15 =	ssub.s32 @!p1 s17, s15;
	s17 =	sshra.s32 @!p1 s14, $0x1F;
	s16 =	simm.s32 @!p2 $0x0  }
0x16: {  	s18 =	simm.s32 @p3 $0xB8;
	s14 =	sand.u32 @!p1 s17, s14;
	s17 =	sadd.s32 @!p1 $0xFFFFF880, s15  }
0x17: {  	s15 =	ssub.s32 @!p1 $0x800, s15;
	s14 =	ssub.s32 @!p1 s18, s14;
	p2 =	sgt.s32 @!p1 s17, $0x7F  }
0x18: {  	s18 =	smov.u32 s12;
	s17 =	sadd.s32 @!p1 $0xFFFFFF48, s14;
	p2 =	por !p2, p1  }
0x19: {  	s14 =	ssub.s32 @!p1 $0x138, s14;
	p3 =	sgt.s32 @!p1 s17, $0x7F;
	s15 =	simm.s32 @!p2 $0x0  }
0x1a: {  	s17 =	sadd.s32 $0x80, s11;
	p2 =	por !p3, p1;
	s15 =	smul.u32 @!p1 s16, s15  }
0x1b: {  	s16 =	sadd.s32 $0x80, s12;
	s14 =	simm.s32 @!p2 $0x0;
	p2 =	sgt.s32 s17, $0x137  }
0x1c: {  	s19 =	smov.u32 s13;
	s18 =	smov.u32 @p2 s16  }
0x1d: {  	s14 =	smul.u32 @!p1 s14, s15;
	s15 =	sadd.s32 $0x20, s13;
	p3 =	sgt.s32 s18, $0x7FF  }
0x1e: {  	s8 =	sadd.s32 $0x1, s8;
	p0 =	por !p0, !p0;
	s19 =	smov.u32 @p3 s15  }
0x1f: {  	s20 =	simm.s32 @!p1 $0x2;
	s17 =	simm.s32 @p2 $0x0;
	p2 =	sgt.s32 s19, $0x1F  }
0x20: {  	s16 =	smov.u32 s10;
	s19 =	smov.u32 @p2 s5;
	p2 =	sne.s32 s8, $0x32  }
.Ltmp1:
0x21: {  	s10 =	smov.u32 s13;
	s14 =	sand.u32 @!p1 $0x3FFFFFFF, s14;
	(pc) =	sbr.rel @!p2 .LBB1_6-.Ltmp1, $4  }
0x22: {  	s18 =	simm.s32 @p3 $0x0;
	s15 =	smov.u32 s9;
	s9 =	smov.u32 s12  }
0x23: {  	_ =	swait.ge @!p1 [sflag:s20], s14;
	s21 =	ssub.s32 @!p1 $0x0, s14;
	s14 =	smov.u32 s7  }
0x24: {  	s7 =	smov.u32 s11;
	s11 =	smov.u32 s17;
	[sflag:s20] =	ssyncset.done @!p1 $0x0  }
0x25: {  	s12 =	smov.u32 s18;
	[sflag:s20] =	ssyncadd.s32 @!p1 s21;
	s13 =	smov.u32 s19  }
.LBB1_1:
0x26: {  	p1 =	sgt.u32 s8, $0x2F  }
0x27: {  	s17 =	sshrl.u32 @!p1 s12, $0x3  }
0x28: {  	s18 =	sshll.u32 @!p1 s11, $0x3;
	s17 =	smul.u32 @!p1 $0xC00, s17  }
0x29: {  	s19 =	sshll.u32 @!p1 s12, $0x7;
	s18 =	sand.u32 @!p1 $0xFFFFFC00, s18  }
0x2a: {  	s17 =	sadd.s32 @!p1 s17, s18;
	s18 =	sand.u32 @!p1 $0x380, s19  }
0x2b: {  	s19 =	sand.u32 @!p1 $0x7F, s11;
	s17 =	sor.u32 @!p1 s18, s17  }
0x2c: {  	s18 =	sor.u32 @!p1 s19, s17  }
0x2d: {  	s19 =	smulhi.u32 @!p1 $0xAAAAAAAB, s18  }
0x2e: {  	s17 =	smulhi.u32 @!p1 $0xAAAAAAAB, s17  }
0x2f: {  	s19 =	sshrl.u32 @!p1 s19, $0x8  }
0x30: {  	s17 =	sshrl.u32 @!p1 s17, $0x8;
	s19 =	smul.u32 @!p1 $0x180, s19  }
0x31: {  	s20 =	sxor.u32 @!p1 $0xFFFFFFFF, s8;
	s21 =	smul.u32 @!p1 $0x18000, s13;
	s17 =	sand.u32 @!p1 $0x7FF, s17  }
0x32: {  	s20 =	sshll.u32 @!p1 s20, $0xE;
	s17 =	smul.u32 @!p1 $0x30, s17;
	s18 =	ssub.s32 @!p1 s18, s19  }
0x33: {  	s19 =	sand.u32 @!p1 $0x4000, s20;
	s20 =	sadd.s32 @!p1 s3, s21;
	s21 =	sand.u32 @!p1 $0x7, s18  }
0x34: {  	s18 =	sshrl.u32 @!p1 s18, $0x3;
	s17 =	sadd.s32 @!p1 s17, s20;
	s20 =	sshll.u32 @!p1 s21, $0x12  }
0x35: {  	s17 =	sadd.s32 @!p1 s18, s17;
	s18 =	sor.u32 @!p1 $0x400, s20;
	s20 =	simm.s32 @!p1 $0xC00  }
0x36: {  	[tilespmem:s19], [sflag:$0x1] =	stream.strided.gather @!p1 [hbm4b:s17+s18], $0x4000, s20, s18, $0x38;
	[tilespmem:$0x10100] =	vst v63  }
0x37: {  	p1 =	seq.s32 s8, $0x0  }
0x38: {  	p2 =	seq.s32 @!p1 s8, $0x31  }
0x39: {  	p1 =	por p1, p2  }
.Ltmp2:
0x3a: {  	_ = 	snop;
	(pc) =	sbr.rel @p1 .LBB1_5-.Ltmp2, $1  }
0x3b: {  	_ =	sdelay $0x3  }
0x3c: {  	s17 =	simm.s32 $0x1  }
0x3d: {  	_ =	swait.ge [sflag:s4], $0x4000;
	s17 =	simm.s32 @!p0 $0x0  }
0x3e: {  	[sflag:s4] =	ssyncset.done $0x0;
	s18 =	sshll.u32 s17, $0xE  }
0x3f: {  	[sflag:s4] =	ssyncadd.s32 $0xFFFFC000;
	s18 =	sor.u32 $0x40, s18  }
0x40: {  	s17 =	smul.u32 $0x10200, s17;
	v0 =	vld [tilespmem:s18+$0x30]  }
0x41: {  	v1 =	vld [tilespmem:s18+$0xFFFFFFD0]  }
0x42: {  	s17 =	sshrl.u32 s17, $0x2;
	v5 =	vld [tilespmem:s18+$0xFFFFFFE0]  }
0x43: {  	v6 =	vld [tilespmem:s18+$0xFFFFFFF0];
	s20 =	sor.u32 $0x8000, s17  }
0x44: {  	s31 =	sand.u32 $0x1, s8;
	v4 =	vld [tilespmem:s18+$0x0];
	s19 =	sadd.s32 $0x0, s20  }
0x45: {  	v3 =	vld [tilespmem:s18+$0x10];
	s17 =	smul.u32 $0x10200, s31;
	[tilespmem:s19+$0x3870 ss:$0x81] =	vst.msk $0xffff, v0  }
0x46: {  	v2 =	vld [tilespmem:s18+$0x20];
	[tilespmem:s19+$0x810 ss:$0x81] =	vst.msk $0xffff, v1  }
0x47: {  	s17 =	sshrl.u32 s17, $0x2;
	v1 =	vld [tilespmem:s18+$0xFFFFFFC0];
	[tilespmem:s19+$0x1020 ss:$0x81] =	vst.msk $0xffff, v5;
	s18 =	sadd.s32 $0x80, s18  }
0x48: {  	s21 =	simm.s32 $0x4;
	s22 =	simm.s32 $0x8;
	s17 =	sor.u32 $0x8000, s17;
	[tilespmem:s19+$0x1830 ss:$0x81] =	vst.msk $0xffff, v6;
	v0 =	vld [tilespmem:s18+$0x30]  }
.LBB1_3:
0x49: {  	p1 =	sne.s32 s22, $0x1FC;
	v5 =	vld [tilespmem:s18+$0xFFFFFFD0];
	[tilespmem:s19+$0x2040 ss:$0x81] =	vst.msk $0xffff, v4  }
0x4a: {  	v6 =	vld [tilespmem:s18+$0xFFFFFFE0];
	[tilespmem:s19+$0x2850 ss:$0x81] =	vst.msk $0xffff, v3  }
0x4b: {  	s23 =	sshra.s32 s21, $0x2;
	s21 =	smov.u32 s22;
	v7 =	vld [tilespmem:s18+$0xFFFFFFF0];
	[tilespmem:s19+$0x3060 ss:$0x81] =	vst.msk $0xffff, v2  }
.Ltmp3:
0x4c: {  	v4 =	vld [tilespmem:s18+$0x0];
	[tilespmem:s19+$0x0 ss:$0x81] =	vst.msk $0xffff, v1;
	s19 =	sadd.s32 s23, s20;
	(pc) =	sbr.rel @p1 .LBB1_3-.Ltmp3, $4  }
0x4d: {  	v3 =	vld [tilespmem:s18+$0x10];
	[tilespmem:s19+$0x3870 ss:$0x81] =	vst.msk $0xffff, v0  }
0x4e: {  	[tilespmem:s19+$0x810 ss:$0x81] =	vst.msk $0xffff, v5;
	v2 =	vld [tilespmem:s18+$0x20]  }
0x4f: {  	v1 =	vld [tilespmem:s18+$0xFFFFFFC0];
	[tilespmem:s19+$0x1020 ss:$0x81] =	vst.msk $0xffff, v6;
	s18 =	sadd.s32 $0x80, s18  }
0x50: {  	s22 =	sadd.s32 $0x4, s22;
	v0 =	vld [tilespmem:s18+$0x30];
	[tilespmem:s19+$0x1830 ss:$0x81] =	vst.msk $0xffff, v7  }
0x51: {  	s21 =	sshra.s32 s21, $0x2;
	s28 =	sshll.u32 s7, $0xB;
	p1 =	sgt.s32 s10, $0x1F  }
0x52: {  	s22 =	smov.u32 s10;
	s23 =	sshra.s32 s10, $0x1F;
	s24 =	sshll.u32 s9, $0x3  }
0x53: {  	s26 =	smov.u32 s9;
	s27 =	sshra.s32 s9, $0x1F;
	s30 =	sshra.s32 s7, $0x1F  }
0x54: {  	s20 =	sadd.s32 s21, s20;
	s22 =	simm.s32 @!p1 $0x1F;
	s23 =	sand.u32 s23, s10  }
0x55: {  	s21 =	sand.u32 $0xFFFFC000, s28;
	s25 =	sand.u32 $0xFFFFFC00, s24;
	p1 =	sgt.s32 s7, $0xB8  }
0x56: {  	s29 =	sand.u32 s27, s9;
	s27 =	sshll.u32 s7, $0x7;
	s22 =	ssub.s32 s22, s23  }
0x57: {  	s21 =	sadd.s32 s25, s21;
	s25 =	smov.u32 s7;
	s23 =	sadd.s32 $0xFFFFFFE1, s22  }
0x58: {  	s25 =	simm.s32 @!p1 $0xB8;
	p1 =	sgt.s32 s9, $0x780;
	s21 =	sshrl.u32 s21, $0xB  }
0x59: {  	v5 =	vld [tilespmem:s18+$0xFFFFFFD0];
	[tilespmem:s19+$0x2040 ss:$0x81] =	vst.msk $0xffff, v4;
	s22 =	ssub.s32 $0x20, s22;
	s26 =	simm.s32 @!p1 $0x780;
	p1 =	sgt.s32 s23, $0x0  }
0x5a: {  	v58 =	vld [tilespmem:s18+$0xFFFFFFE0];
	[tilespmem:s19+$0x2850 ss:$0x81] =	vst.msk $0xffff, v3;
	s28 =	smulhi.u32 $0xD20D21, s21;
	s23 =	ssub.s32 s26, s29;
	s26 =	sand.u32 s30, s7  }
0x5b: {  	v59 =	vld [tilespmem:s18+$0xFFFFFFF0];
	[tilespmem:s19+$0x3060 ss:$0x81] =	vst.msk $0xffff, v2;
	s22 =	simm.s32 @p1 $0x0;
	s29 =	sand.u32 $0x78, s9;
	s30 =	sand.u32 $0x380, s27  }
0x5c: {  	v60 =	vld [tilespmem:s18+$0x0];
	[tilespmem:s19+$0x0 ss:$0x81] =	vst.msk $0xffff, v1;
	s25 =	ssub.s32 s25, s26;
	s31 =	sadd.s32 $0xFFFFF880, s23;
	s23 =	ssub.s32 $0x800, s23  }
0x5d: {  	v61 =	vld [tilespmem:s18+$0x10];
	[tilespmem:s20+$0x3870 ss:$0x81] =	vst.msk $0xffff, v0;
	s19 =	smul.u32 $0x138, s28;
	s28 =	sand.u32 $0x7, s9;
	p1 =	sgt.s32 s31, $0x7F  }
0x5e: {  	v62 =	vld [tilespmem:s18+$0x20];
	[tilespmem:s20+$0x810 ss:$0x81] =	vst.msk $0xffff, v5;
	s26 =	sadd.s32 $0xFFFFFF48, s25;
	s31 =	sand.u32 $0x400, s24;
	s24 =	ssub.s32 $0x138, s25  }
0x5f: {  	v63 =	vld [tilespmem:s18+$0xFFFFFFC0];
	[tilespmem:s20+$0x1020 ss:$0x81] =	vst.msk $0xffff, v58;
	s25 =	smul.u32 $0x13800, s10;
	s23 =	simm.s32 @p1 $0x0;
	p1 =	sgt.s32 s26, $0x7F  }
0x60: {  	[tilespmem:s20+$0x1830 ss:$0x81] =	vst.msk $0xffff, v59;
	s18 =	sor.u32 s29, s31;
	s19 =	ssub.s32 s21, s19;
	s22 =	smul.u32 s22, s23  }
.Ltmp4:
0x61: {  	[tilespmem:s20+$0x2040 ss:$0x81] =	vst.msk $0xffff, v60;
	s24 =	simm.s32 @p1 $0x0;
	s18 =	sor.u32 s30, s18;
	(pc) =	sbr.rel .LBB1_5-.Ltmp4, $4  }
0x62: {  	[tilespmem:s20+$0x2850 ss:$0x81] =	vst.msk $0xffff, v61;
	s27 =	sadd.s32 s2, s25;
	s18 =	sshrl.u32 s18, $0x3;
	s26 =	smul.u32 s24, s22  }
0x63: {  	[tilespmem:s20+$0x3060 ss:$0x81] =	vst.msk $0xffff, v62;
	s29 =	sshll.u32 s28, $0x12;
	s19 =	sshll.u32 s19, $0x8;
	s18 =	sadd.s32 s18, s27  }
0x64: {  	[tilespmem:s20+$0x0 ss:$0x81] =	vst.msk $0xffff, v63;
	s31 =	sor.u32 $0x400, s29;
	s18 =	sadd.s32 s19, s18;
	s30 =	sand.u32 $0x3FFFFFFF, s26  }
0x65: {  	[hbm4b:s18+s31] =	stream.strided.scatter [tilespmem:s17], [sflag:$0x2], s30, s6, s31, $0x20;
	[tilespmem:$0x10100] =	vst v63  }
.LBB1_6:
0x66: {  	_ =	sfence.sel $0x180000  }
0x67: {  	s2 =	simm.s32 $0x1;
	[bflag:$0x0] =	sbarrier.arrive $0xFFFF  }
0x68: {  	s31 =	simm.s32 $0x2;
	[sflag:s2] =	ssyncpa.u1 $0x1  }
0x69: {  	[sflag:s31] =	ssyncpa.u1 $0x1  }
0x6a: {  	p0 =	sne.s32 s1, $0x0;
	_ =	strace $0x9000004A  }
0x6b: {  	s0 =	sadd.s32 @!p0 $0x100000, s0;
	[bflag:$0x2] =	sbarrier.arrive $0xFFFF  }
0x6c: {  	[sflag:s0] =	ssyncadd.tile.s32 @!p0 $0x1;
	_ =	shalt  }
.Lfunc_end1:
_tile_overlayer_lowered:
.L_overlay_start_2:
0x6d: {  	(tag) =	ssettag $0x2  }
0x6e: {  	s0 =	rddreg [dreg:$0x0];
	s2 =	stileid.u32  }
0x6f: {  	s1 =	rddreg [dreg:$0x1];
	p0 =	sne.s32 s2, $0x0  }
0x70: {  	s3 =	rddreg [dreg:$0x2];
	[bflag:$0x3] =	sbarrier.arrive $0xFFFF;
	s2 =	simm.s32 @!p0 $0x1C01  }
0x71: {  	[timem:s3], [sflag:s2] =	dma.local @!p0 [hbm:s0], s1  }
0x72: {  	s0 =	simm.s32 @!p0 $0x1  }
0x73: {  	_ =	swait.ge @!p0 [sflag:s0], s1  }
0x74: {  	s1 =	ssub.s32 @!p0 $0x0, s1;
	[sflag:s0] =	ssyncset.done @!p0 $0x0  }
0x75: {  	[sflag:s0] =	ssyncadd.s32 @!p0 s1  }
0x76: {  	[bflag:$0x3] =	sbarrier.arrive $0xFFFF  }
0x77: {  	_ =	shalt  }

</sc_bundles>
